<compile_context>
chip_gen: v7x
topology: tpu7x:2x2x1
jax: 0.10.2.dev20260603
libtpu: 0.0.44.dev20260713+nightly
codegen_flags: <defaults>
</compile_context>

<pallas_src>
import jax
import jax.numpy as jnp
from jax import lax
from jax.experimental import pallas as pl
from jax.experimental.pallas import tpu as pltpu
from jax.experimental.pallas import tpu_sc as plsc

VOCAB = 1000000
EMB = 64
B = 4096
L = 200

NC = 2
NS = 16
NW = NC * NS


NBLK = 248
LASTC0 = 999808
TAIL = VOCAB - 7812 * 128


def _iota16(mult, base):
    return lax.iota(jnp.int32, 16) * mult + base


def _perms():
    iota = lax.iota(jnp.int32, 16)
    return iota, [lax.bitwise_and(iota + k, 15) for k in range(16)]


def _a_transpose(blk, t, nj=128):
    iota, _ = _perms()

    @plsc.parallel_loop(0, (nj // 16) * 16, unroll=4)
    def _(i):
        jq = lax.shift_right_logical(i, 4)
        k = lax.bitwise_and(i, 15)
        j_vec = iota + jq * 16
        pv = lax.bitwise_and(iota + k, 15)
        for eq in range(4):
            e_vec = pv + eq * 16
            v = plsc.load_gather(blk, [e_vec, j_vec])
            plsc.store_scatter(t, [j_vec, e_vec], v)


def _a_body(tT, tail, P, blk0, blk1, blk2, blk3, t0, t1, t2, t3, tl_v,
            rs0, rs1, rs2, rs3, ws0, ws1, ws2, ws3):
    w = lax.axis_index("s") * NC + lax.axis_index("c")
    blks = (blk0, blk1, blk2, blk3)
    ts = (t0, t1, t2, t3)
    rs = (rs0, rs1, rs2, rs3)
    ws = (ws0, ws1, ws2, ws3)

    def c0_of(k):
        return pl.multiple_of(jnp.minimum((k * 32 + w) * 128, LASTC0), 128)

    def fire_read(k, b):
        pltpu.async_copy(tT.at[:, pl.ds(c0_of(k), 128)], blks[b], rs[b])

    def wait_read(k, b):
        pltpu.make_async_copy(
            tT.at[:, pl.ds(c0_of(k), 128)], blks[b], rs[b]
        ).wait()

    def fire_write(k, b):
        pltpu.async_copy(ts[b], P.at[pl.ds(c0_of(k), 128)], ws[b])

    def wait_write(k, b):
        pltpu.make_async_copy(ts[b], P.at[pl.ds(c0_of(k), 128)], ws[b]).wait()

    def outer(o, carry):
        for b in range(4):
            k = 4 * o + b

            @pl.when(k < NBLK)
            def _fire():
                fire_read(k, b)

            kp = k - 3
            bp = (b + 1) % 4

            @pl.when(jnp.logical_and(kp >= 0, kp < NBLK))
            def _retire():
                wait_read(kp, bp)

                @pl.when(kp >= 4)
                def _():
                    wait_write(kp - 4, bp)

                _a_transpose(blks[bp], ts[bp])
                fire_write(kp, bp)

        return carry

    lax.fori_loop(0, NBLK // 4 + 1, outer, 0)
    for q in range(4):
        k = NBLK - 4 + q
        wait_write(k, k % 4)

    @pl.when(w == 0)
    def _tail():
        pltpu.sync_copy(tail, tl_v)
        _a_transpose(tl_v, t0, nj=TAIL)
        pltpu.sync_copy(t0.at[pl.ds(0, TAIL)], P.at[pl.ds(7812 * 128, TAIL)])



PER_W = L


def _b_transpose(g, t):
    iota, _ = _perms()

    @plsc.parallel_loop(0, 128, unroll=2)
    def _(i):
        bq = lax.shift_right_logical(i, 4)
        k = lax.bitwise_and(i, 15)
        b_vec = lax.bitwise_and(iota + k, 15) + bq * 16
        for eq in range(4):
            e_vec = iota + eq * 16
            v = plsc.load_gather(g, [b_vec, e_vec])
            plsc.store_scatter(t, [(e_vec * 128) + b_vec], v)


def _b_body(idx2, P2, out, slab, c0, c1, c2, c3, g0, g1, g2, g3, t0, t1,
            gs0, gs1, gs2, gs3, ss0, ss1):
    w = lax.axis_index("s") * NC + lax.axis_index("c")
    cs = (c0, c1, c2, c3)
    gs = (g0, g1, g2, g3)
    ts = (t0, t1)
    gsem = (gs0, gs1, gs2, gs3)
    ssem = (ss0, ss1)

    pltpu.sync_copy(idx2.at[pl.ds(w * PER_W, PER_W)], slab)
    bases = [_iota16(L, j8 * 16 * L) for j8 in range(8)]

    def assemble(l, b):
        for j8 in range(8):
            pos = bases[j8] + l
            v = plsc.load_gather(
                slab, [lax.shift_right_logical(pos, 7), lax.bitwise_and(pos, 127)]
            )
            cs[b][pl.ds(j8 * 16, 16)] = v

    def fire_gather(b):
        pltpu.async_copy(P2.at[cs[b]], gs[b], gsem[b])

    def wait_gather(b):
        pltpu.make_async_copy(P2.at[cs[b]], gs[b], gsem[b]).wait()

    def fire_stores(l, b):
        for e8 in range(8):
            pltpu.async_copy(
                ts[b].at[pl.ds(e8 * 1024, 1024)], out.at[l, e8, w], ssem[b]
            )

    def wait_stores(l, b):
        for e8 in range(8):
            pltpu.make_async_copy(
                ts[b].at[pl.ds(e8 * 1024, 1024)], out.at[l, e8, w], ssem[b]
            ).wait()

    def outer(o, carry):
        for b in range(4):
            l = 4 * o + b

            @pl.when(l < L)
            def _fire():
                assemble(l, b)
                fire_gather(b)

            lp = l - 3
            bp = (b + 1) % 4
            tp = (b + 1) % 2

            @pl.when(jnp.logical_and(lp >= 0, lp < L))
            def _retire():
                wait_gather(bp)

                @pl.when(lp >= 2)
                def _():
                    wait_stores(lp - 2, tp)

                _b_transpose(gs[bp], ts[tp])
                fire_stores(lp, tp)

        return carry

    lax.fori_loop(0, L // 4 + 1, outer, 0)
    wait_stores(L - 2, (L - 2) % 2)
    wait_stores(L - 1, (L - 1) % 2)




@jax.jit
def kernel(idx, table):
    mesh = plsc.VectorSubcoreMesh(
        core_axis_name="c", subcore_axis_name="s", num_cores=NC, num_subcores=NS
    )
    P = pl.kernel(
        _a_body,
        out_type=jax.ShapeDtypeStruct((VOCAB, 128), jnp.float32),
        mesh=mesh,
        scratch_types=(
            [pltpu.VMEM((64, 128), jnp.float32)] * 4
            + [pltpu.VMEM((128, 128), jnp.float32)] * 4
            + [pltpu.VMEM((64, TAIL), jnp.float32)]
            + [pltpu.SemaphoreType.DMA] * 8
        ),
        compiler_params=pltpu.CompilerParams(
            use_tc_tiling_on_sc=True, needs_layout_passes=False
        ),
    )(table.T, table[7812 * 128 :].T)

    P2 = P.reshape(2 * VOCAB, EMB)
    idx2 = idx.reshape(B * L // 128, 128).astype(jnp.int32) * 2
    outL = pl.kernel(
        _b_body,
        out_type=jax.ShapeDtypeStruct((L, 8, 32, 1024), jnp.float32),
        mesh=mesh,
        scratch_types=(
            [pltpu.VMEM((PER_W, 128), jnp.int32)]
            + [pltpu.VMEM((128,), jnp.int32)] * 4
            + [pltpu.VMEM((128, 64), jnp.float32)] * 4
            + [pltpu.VMEM((8192,), jnp.float32)] * 2
            + [pltpu.SemaphoreType.DMA] * 6
        ),
        compiler_params=pltpu.CompilerParams(
            use_tc_tiling_on_sc=False, needs_layout_passes=False
        ),
    )(idx2, P2)

    outL5 = outL.reshape(L, 8, 32, 8, 128)
    return outL5.transpose(2, 4, 0, 1, 3).reshape(B, L, EMB)

# --- scband reference (transcript-rebuilt; emitter-appended) ---
"""Pipeline reference for scband-word-embedding-77756087926996 (READ-ONLY COPY).

The authoritative reference and input builder live on the scoring server;
editing this copy changes nothing except your own understanding.
"""

import jax, jax.numpy as jnp
import numpy as np

VOCAB = 1000000
EMB = 64
B = 4096
L = 200

def setup_inputs(seed: int = 0) -> dict:
    key = jax.random.key(seed)
    k_idx, k_tab = jax.random.split(key)
    idx = jax.random.randint(k_idx, (B, L), 0, VOCAB, dtype=jnp.int64 if jax.config.jax_enable_x64 else jnp.int32)
    table = jax.random.normal(k_tab, (VOCAB, EMB), dtype=jnp.float32)
    return {"idx": idx, "table": table}

def reference(idx, table):
    # Faithful translation of nn.Embedding forward: row gather from table.
    return jnp.take(table, idx, axis=0)  # [B, L, EMB]

if __name__ == "__main__":
    import jax
    _d = setup_inputs()
    print(jax.jit(kernel)(*tuple(_d.values())))

</pallas_src>

<mosaic_0001>
#map = affine_map<(d0, d1) -> (0, 0)>
module attributes {stable_mosaic.version = 14 : i64} {
  func.func @_a_body(%arg0: i32, %arg1: i32, %arg2: memref<64x1000000xf32, #tpu.memory_space<hbm>>, %arg3: memref<64x64xf32, #tpu.memory_space<hbm>>, %arg4: memref<1000000x128xf32, #tpu.memory_space<hbm>>, %arg5: memref<64x128xf32, #tpu.memory_space<vmem>>, %arg6: memref<64x128xf32, #tpu.memory_space<vmem>>, %arg7: memref<64x128xf32, #tpu.memory_space<vmem>>, %arg8: memref<64x128xf32, #tpu.memory_space<vmem>>, %arg9: memref<128x128xf32, #tpu.memory_space<vmem>>, %arg10: memref<128x128xf32, #tpu.memory_space<vmem>>, %arg11: memref<128x128xf32, #tpu.memory_space<vmem>>, %arg12: memref<128x128xf32, #tpu.memory_space<vmem>>, %arg13: memref<64x64xf32, #tpu.memory_space<vmem>>, %arg14: memref<!tpu.dma_semaphore, #tpu.memory_space<semaphore_mem>>, %arg15: memref<!tpu.dma_semaphore, #tpu.memory_space<semaphore_mem>>, %arg16: memref<!tpu.dma_semaphore, #tpu.memory_space<semaphore_mem>>, %arg17: memref<!tpu.dma_semaphore, #tpu.memory_space<semaphore_mem>>, %arg18: memref<!tpu.dma_semaphore, #tpu.memory_space<semaphore_mem>>, %arg19: memref<!tpu.dma_semaphore, #tpu.memory_space<semaphore_mem>>, %arg20: memref<!tpu.dma_semaphore, #tpu.memory_space<semaphore_mem>>, %arg21: memref<!tpu.dma_semaphore, #tpu.memory_space<semaphore_mem>>) attributes {dimension_semantics = [#tpu.dimension_semantics<core_parallel>, #tpu.dimension_semantics<subcore_parallel>], iteration_bounds = array<i64: 2, 16>, scalar_prefetch = 0 : i64, scratch_operands = 17 : i64, tpu.core_type = #tpu.core_type<sc_vector_subcore>, window_params = [{transform_indices = #map}, {transform_indices = #map}, {transform_indices = #map}]} {
    %mul3A = arith.constant 2 : i32
    %mul3A_0 = arith.muli %arg1, %mul3A : i32
    %add3A = arith.addi %mul3A_0, %arg0 : i32
    %scan3A = arith.constant 0 : i32
    %scan3A_1 = arith.constant 0 : i32
    %scan3A_2 = arith.constant 63 : i32
    %scan3A_3 = arith.addi %scan3A_1, %scan3A_2 : i32
    %scan3A_4 = arith.constant 1 : i32
    scf.for %scan3A_49 = %scan3A_1 to %scan3A_3 step %scan3A_4  : i32 {
      %mul3A_50 = arith.constant 4 : i32
      %mul3A_51 = arith.muli %mul3A_50, %scan3A_49 : i32
      %add3A_52 = arith.constant 0 : i32
      %add3A_53 = arith.addi %mul3A_51, %add3A_52 : i32
      %lt3A = arith.constant 248 : i32
      %lt3A_54 = arith.cmpi slt, %add3A_53, %lt3A : i32
      %convert_element_type3A_55 = arith.extui %lt3A_54 : i1 to i32
      %cond3A_56 = arith.constant 0 : i32
      %cond3A_57 = arith.cmpi ne, %convert_element_type3A_55, %cond3A_56 : i32
      scf.if %cond3A_57 {
        %mul3A_122 = arith.constant 32 : i32
        %mul3A_123 = arith.muli %add3A_53, %mul3A_122 : i32
        %add3A_124 = arith.addi %mul3A_123, %add3A : i32
        %mul3A_125 = arith.constant 128 : i32
        %mul3A_126 = arith.muli %add3A_124, %mul3A_125 : i32
        %min3A_127 = arith.constant 999808 : i32
        %min3A_128 = arith.minsi %mul3A_126, %min3A_127 : i32
        %multiple_of3A_129 = tpu.assume_multiple %min3A_128, 128 : i32
        %dma_start3A = arith.constant 0 : i32
        %dma_start3A_130 = tpu.memref_slice %arg2[%dma_start3A, %multiple_of3A_129] : memref<64x1000000xf32, #tpu.memory_space<hbm>> -> memref<64x128xf32, #tpu.memory_space<hbm>>
        %dma_start3A_131 = arith.constant 0 : i32
        %dma_start3A_132 = tpu.memref_slice %arg2[%dma_start3A_131, %multiple_of3A_129] : memref<64x1000000xf32, #tpu.memory_space<hbm>> -> memref<64x128xf32, #tpu.memory_space<hbm>>
        tpu.enqueue_dma source(%dma_start3A_132 : memref<64x128xf32, #tpu.memory_space<hbm>>) target(%arg5 : memref<64x128xf32, #tpu.memory_space<vmem>>) target_semaphore(%arg14 : memref<!tpu.dma_semaphore, #tpu.memory_space<semaphore_mem>>)
      } else {
      }
      %sub3A = arith.constant 3 : i32
      %sub3A_58 = arith.subi %add3A_53, %sub3A : i32
      %ge3A = arith.constant 0 : i32
      %ge3A_59 = arith.cmpi sge, %sub3A_58, %ge3A : i32
      %lt3A_60 = arith.constant 248 : i32
      %lt3A_61 = arith.cmpi slt, %sub3A_58, %lt3A_60 : i32
      %and3A = arith.andi %ge3A_59, %lt3A_61 : i1
      %convert_element_type3A_62 = arith.extui %and3A : i1 to i32
      %cond3A_63 = arith.constant 0 : i32
      %cond3A_64 = arith.cmpi ne, %convert_element_type3A_62, %cond3A_63 : i32
      scf.if %cond3A_64 {
        %mul3A_122 = arith.constant 32 : i32
        %mul3A_123 = arith.muli %sub3A_58, %mul3A_122 : i32
        %add3A_124 = arith.addi %mul3A_123, %add3A : i32
        %mul3A_125 = arith.constant 128 : i32
        %mul3A_126 = arith.muli %add3A_124, %mul3A_125 : i32
        %min3A_127 = arith.constant 999808 : i32
        %min3A_128 = arith.minsi %mul3A_126, %min3A_127 : i32
        %multiple_of3A_129 = tpu.assume_multiple %min3A_128, 128 : i32
        %dma_wait3A_130 = arith.constant 0 : i32
        %dma_wait3A_131 = tpu.memref_slice %arg2[%dma_wait3A_130, %multiple_of3A_129] : memref<64x1000000xf32, #tpu.memory_space<hbm>> -> memref<64x128xf32, #tpu.memory_space<hbm>>
        %dma_wait3A_132 = arith.constant 0 : i32
        %dma_wait3A_133 = tpu.memref_slice %arg2[%dma_wait3A_132, %multiple_of3A_129] : memref<64x1000000xf32, #tpu.memory_space<hbm>> -> memref<64x128xf32, #tpu.memory_space<hbm>>
        tpu.wait_dma2 semaphore(%arg15 : memref<!tpu.dma_semaphore, #tpu.memory_space<semaphore_mem>>) src(%dma_wait3A_133 : memref<64x128xf32, #tpu.memory_space<hbm>>) dst(%arg6 : memref<64x128xf32, #tpu.memory_space<vmem>>)
        %ge3A_134 = arith.constant 4 : i32
        %ge3A_135 = arith.cmpi sge, %sub3A_58, %ge3A_134 : i32
        %convert_element_type3A_136 = arith.extui %ge3A_135 : i1 to i32
        %cond3A_137 = arith.constant 0 : i32
        %cond3A_138 = arith.cmpi ne, %convert_element_type3A_136, %cond3A_137 : i32
        scf.if %cond3A_138 {
          %sub3A_248 = arith.constant 4 : i32
          %sub3A_249 = arith.subi %sub3A_58, %sub3A_248 : i32
          %mul3A_250 = arith.constant 32 : i32
          %mul3A_251 = arith.muli %sub3A_249, %mul3A_250 : i32
          %add3A_252 = arith.addi %mul3A_251, %add3A : i32
          %mul3A_253 = arith.constant 128 : i32
          %mul3A_254 = arith.muli %add3A_252, %mul3A_253 : i32
          %min3A_255 = arith.constant 999808 : i32
          %min3A_256 = arith.minsi %mul3A_254, %min3A_255 : i32
          %multiple_of3A_257 = tpu.assume_multiple %min3A_256, 128 : i32
          %dma_wait3A_258 = arith.constant 0 : i32
          %dma_wait3A_259 = tpu.memref_slice %arg4[%multiple_of3A_257, %dma_wait3A_258] : memref<1000000x128xf32, #tpu.memory_space<hbm>> -> memref<128x128xf32, #tpu.memory_space<hbm>>
          %dma_wait3A_260 = arith.constant 0 : i32
          %dma_wait3A_261 = tpu.memref_slice %arg4[%multiple_of3A_257, %dma_wait3A_260] : memref<1000000x128xf32, #tpu.memory_space<hbm>> -> memref<128x128xf32, #tpu.memory_space<hbm>>
          tpu.wait_dma2 semaphore(%arg19 : memref<!tpu.dma_semaphore, #tpu.memory_space<semaphore_mem>>) src(%arg10 : memref<128x128xf32, #tpu.memory_space<vmem>>) dst(%dma_wait3A_261 : memref<128x128xf32, #tpu.memory_space<hbm>>)
        } else {
        }
        %iota3A = tpu.iota {dimensions = array<i32: 0>} : vector<16xi32>
        %add3A_139 = arith.constant 0 : i32
        %add3A_140 = vector.broadcast %add3A_139 : i32 to vector<16xi32>
        %add3A_141 = arith.addi %iota3A, %add3A_140 : vector<16xi32>
        %and3A_142 = arith.constant 15 : i32
        %and3A_143 = vector.broadcast %and3A_142 : i32 to vector<16xi32>
        %and3A_144 = arith.andi %add3A_141, %and3A_143 : vector<16xi32>
        %add3A_145 = arith.constant 1 : i32
        %add3A_146 = vector.broadcast %add3A_145 : i32 to vector<16xi32>
        %add3A_147 = arith.addi %iota3A, %add3A_146 : vector<16xi32>
        %and3A_148 = arith.constant 15 : i32
        %and3A_149 = vector.broadcast %and3A_148 : i32 to vector<16xi32>
        %and3A_150 = arith.andi %add3A_147, %and3A_149 : vector<16xi32>
        %add3A_151 = arith.constant 2 : i32
        %add3A_152 = vector.broadcast %add3A_151 : i32 to vector<16xi32>
        %add3A_153 = arith.addi %iota3A, %add3A_152 : vector<16xi32>
        %and3A_154 = arith.constant 15 : i32
        %and3A_155 = vector.broadcast %and3A_154 : i32 to vector<16xi32>
        %and3A_156 = arith.andi %add3A_153, %and3A_155 : vector<16xi32>
        %add3A_157 = arith.constant 3 : i32
        %add3A_158 = vector.broadcast %add3A_157 : i32 to vector<16xi32>
        %add3A_159 = arith.addi %iota3A, %add3A_158 : vector<16xi32>
        %and3A_160 = arith.constant 15 : i32
        %and3A_161 = vector.broadcast %and3A_160 : i32 to vector<16xi32>
        %and3A_162 = arith.andi %add3A_159, %and3A_161 : vector<16xi32>
        %add3A_163 = arith.constant 4 : i32
        %add3A_164 = vector.broadcast %add3A_163 : i32 to vector<16xi32>
        %add3A_165 = arith.addi %iota3A, %add3A_164 : vector<16xi32>
        %and3A_166 = arith.constant 15 : i32
        %and3A_167 = vector.broadcast %and3A_166 : i32 to vector<16xi32>
        %and3A_168 = arith.andi %add3A_165, %and3A_167 : vector<16xi32>
        %add3A_169 = arith.constant 5 : i32
        %add3A_170 = vector.broadcast %add3A_169 : i32 to vector<16xi32>
        %add3A_171 = arith.addi %iota3A, %add3A_170 : vector<16xi32>
        %and3A_172 = arith.constant 15 : i32
        %and3A_173 = vector.broadcast %and3A_172 : i32 to vector<16xi32>
        %and3A_174 = arith.andi %add3A_171, %and3A_173 : vector<16xi32>
        %add3A_175 = arith.constant 6 : i32
        %add3A_176 = vector.broadcast %add3A_175 : i32 to vector<16xi32>
        %add3A_177 = arith.addi %iota3A, %add3A_176 : vector<16xi32>
        %and3A_178 = arith.constant 15 : i32
        %and3A_179 = vector.broadcast %and3A_178 : i32 to vector<16xi32>
        %and3A_180 = arith.andi %add3A_177, %and3A_179 : vector<16xi32>
        %add3A_181 = arith.constant 7 : i32
        %add3A_182 = vector.broadcast %add3A_181 : i32 to vector<16xi32>
        %add3A_183 = arith.addi %iota3A, %add3A_182 : vector<16xi32>
        %and3A_184 = arith.constant 15 : i32
        %and3A_185 = vector.broadcast %and3A_184 : i32 to vector<16xi32>
        %and3A_186 = arith.andi %add3A_183, %and3A_185 : vector<16xi32>
        %add3A_187 = arith.constant 8 : i32
        %add3A_188 = vector.broadcast %add3A_187 : i32 to vector<16xi32>
        %add3A_189 = arith.addi %iota3A, %add3A_188 : vector<16xi32>
        %and3A_190 = arith.constant 15 : i32
        %and3A_191 = vector.broadcast %and3A_190 : i32 to vector<16xi32>
        %and3A_192 = arith.andi %add3A_189, %and3A_191 : vector<16xi32>
        %add3A_193 = arith.constant 9 : i32
        %add3A_194 = vector.broadcast %add3A_193 : i32 to vector<16xi32>
        %add3A_195 = arith.addi %iota3A, %add3A_194 : vector<16xi32>
        %and3A_196 = arith.constant 15 : i32
        %and3A_197 = vector.broadcast %and3A_196 : i32 to vector<16xi32>
        %and3A_198 = arith.andi %add3A_195, %and3A_197 : vector<16xi32>
        %add3A_199 = arith.constant 10 : i32
        %add3A_200 = vector.broadcast %add3A_199 : i32 to vector<16xi32>
        %add3A_201 = arith.addi %iota3A, %add3A_200 : vector<16xi32>
        %and3A_202 = arith.constant 15 : i32
        %and3A_203 = vector.broadcast %and3A_202 : i32 to vector<16xi32>
        %and3A_204 = arith.andi %add3A_201, %and3A_203 : vector<16xi32>
        %add3A_205 = arith.constant 11 : i32
        %add3A_206 = vector.broadcast %add3A_205 : i32 to vector<16xi32>
        %add3A_207 = arith.addi %iota3A, %add3A_206 : vector<16xi32>
        %and3A_208 = arith.constant 15 : i32
        %and3A_209 = vector.broadcast %and3A_208 : i32 to vector<16xi32>
        %and3A_210 = arith.andi %add3A_207, %and3A_209 : vector<16xi32>
        %add3A_211 = arith.constant 12 : i32
        %add3A_212 = vector.broadcast %add3A_211 : i32 to vector<16xi32>
        %add3A_213 = arith.addi %iota3A, %add3A_212 : vector<16xi32>
        %and3A_214 = arith.constant 15 : i32
        %and3A_215 = vector.broadcast %and3A_214 : i32 to vector<16xi32>
        %and3A_216 = arith.andi %add3A_213, %and3A_215 : vector<16xi32>
        %add3A_217 = arith.constant 13 : i32
        %add3A_218 = vector.broadcast %add3A_217 : i32 to vector<16xi32>
        %add3A_219 = arith.addi %iota3A, %add3A_218 : vector<16xi32>
        %and3A_220 = arith.constant 15 : i32
        %and3A_221 = vector.broadcast %and3A_220 : i32 to vector<16xi32>
        %and3A_222 = arith.andi %add3A_219, %and3A_221 : vector<16xi32>
        %add3A_223 = arith.constant 14 : i32
        %add3A_224 = vector.broadcast %add3A_223 : i32 to vector<16xi32>
        %add3A_225 = arith.addi %iota3A, %add3A_224 : vector<16xi32>
        %and3A_226 = arith.constant 15 : i32
        %and3A_227 = vector.broadcast %and3A_226 : i32 to vector<16xi32>
        %and3A_228 = arith.andi %add3A_225, %and3A_227 : vector<16xi32>
        %add3A_229 = arith.constant 15 : i32
        %add3A_230 = vector.broadcast %add3A_229 : i32 to vector<16xi32>
        %add3A_231 = arith.addi %iota3A, %add3A_230 : vector<16xi32>
        %and3A_232 = arith.constant 15 : i32
        %and3A_233 = vector.broadcast %and3A_232 : i32 to vector<16xi32>
        %and3A_234 = arith.andi %add3A_231, %and3A_233 : vector<16xi32>
        %parallel_loop3A = arith.constant 0 : i32
        %parallel_loop3A_235 = arith.constant 128 : i32
        %parallel_loop3A_236 = arith.constant 1 : i32
        scf.for %parallel_loop3A_248 = %parallel_loop3A to %parallel_loop3A_235 step %parallel_loop3A_236  : i32 {
          %parallel_loop3A_249 = arith.constant 4 : i32
          %parallel_loop3A_250 = arith.shrui %parallel_loop3A_248, %parallel_loop3A_249 : i32
          %parallel_loop3A_251 = arith.constant 15 : i32
          %parallel_loop3A_252 = arith.andi %parallel_loop3A_248, %parallel_loop3A_251 : i32
          %parallel_loop3A_253 = arith.constant 16 : i32
          %parallel_loop3A_254 = arith.muli %parallel_loop3A_250, %parallel_loop3A_253 : i32
          %parallel_loop3A_255 = vector.broadcast %parallel_loop3A_254 : i32 to vector<16xi32>
          %parallel_loop3A_256 = arith.addi %iota3A, %parallel_loop3A_255 : vector<16xi32>
          %parallel_loop3A_257 = vector.broadcast %parallel_loop3A_252 : i32 to vector<16xi32>
          %parallel_loop3A_258 = arith.addi %iota3A, %parallel_loop3A_257 : vector<16xi32>
          %parallel_loop3A_259 = arith.constant 15 : i32
          %parallel_loop3A_260 = vector.broadcast %parallel_loop3A_259 : i32 to vector<16xi32>
          %parallel_loop3A_261 = arith.andi %parallel_loop3A_258, %parallel_loop3A_260 : vector<16xi32>
          %parallel_loop3A_262 = arith.constant 0 : i32
          %parallel_loop3A_263 = vector.broadcast %parallel_loop3A_262 : i32 to vector<16xi32>
          %parallel_loop3A_264 = arith.addi %parallel_loop3A_261, %parallel_loop3A_263 : vector<16xi32>
          %parallel_loop3A_265 = tpu.vector_load_idx %arg6[%parallel_loop3A_264, %parallel_loop3A_256] : memref<64x128xf32, #tpu.memory_space<vmem>>[vector<16xi32>, vector<16xi32>], vector<16xf32>,
          tpu.vector_store_idx %arg10[%parallel_loop3A_256, %parallel_loop3A_264], %parallel_loop3A_265 : memref<128x128xf32, #tpu.memory_space<vmem>>[vector<16xi32>, vector<16xi32>], vector<16xf32>,
          %parallel_loop3A_266 = arith.constant 16 : i32
          %parallel_loop3A_267 = vector.broadcast %parallel_loop3A_266 : i32 to vector<16xi32>
          %parallel_loop3A_268 = arith.addi %parallel_loop3A_261, %parallel_loop3A_267 : vector<16xi32>
          %parallel_loop3A_269 = tpu.vector_load_idx %arg6[%parallel_loop3A_268, %parallel_loop3A_256] : memref<64x128xf32, #tpu.memory_space<vmem>>[vector<16xi32>, vector<16xi32>], vector<16xf32>,
          tpu.vector_store_idx %arg10[%parallel_loop3A_256, %parallel_loop3A_268], %parallel_loop3A_269 : memref<128x128xf32, #tpu.memory_space<vmem>>[vector<16xi32>, vector<16xi32>], vector<16xf32>,
          %parallel_loop3A_270 = arith.constant 32 : i32
          %parallel_loop3A_271 = vector.broadcast %parallel_loop3A_270 : i32 to vector<16xi32>
          %parallel_loop3A_272 = arith.addi %parallel_loop3A_261, %parallel_loop3A_271 : vector<16xi32>
          %parallel_loop3A_273 = tpu.vector_load_idx %arg6[%parallel_loop3A_272, %parallel_loop3A_256] : memref<64x128xf32, #tpu.memory_space<vmem>>[vector<16xi32>, vector<16xi32>], vector<16xf32>,
          tpu.vector_store_idx %arg10[%parallel_loop3A_256, %parallel_loop3A_272], %parallel_loop3A_273 : memref<128x128xf32, #tpu.memory_space<vmem>>[vector<16xi32>, vector<16xi32>], vector<16xf32>,
          %parallel_loop3A_274 = arith.constant 48 : i32
          %parallel_loop3A_275 = vector.broadcast %parallel_loop3A_274 : i32 to vector<16xi32>
          %parallel_loop3A_276 = arith.addi %parallel_loop3A_261, %parallel_loop3A_275 : vector<16xi32>
          %parallel_loop3A_277 = tpu.vector_load_idx %arg6[%parallel_loop3A_276, %parallel_loop3A_256] : memref<64x128xf32, #tpu.memory_space<vmem>>[vector<16xi32>, vector<16xi32>], vector<16xf32>,
          tpu.vector_store_idx %arg10[%parallel_loop3A_256, %parallel_loop3A_276], %parallel_loop3A_277 : memref<128x128xf32, #tpu.memory_space<vmem>>[vector<16xi32>, vector<16xi32>], vector<16xf32>,
        } {sc.loop_unroll_factor = 4 : i64, sc.parallel_access}
        %mul3A_237 = arith.constant 32 : i32
        %mul3A_238 = arith.muli %sub3A_58, %mul3A_237 : i32
        %add3A_239 = arith.addi %mul3A_238, %add3A : i32
        %mul3A_240 = arith.constant 128 : i32
        %mul3A_241 = arith.muli %add3A_239, %mul3A_240 : i32
        %min3A_242 = arith.constant 999808 : i32
        %min3A_243 = arith.minsi %mul3A_241, %min3A_242 : i32
        %multiple_of3A_244 = tpu.assume_multiple %min3A_243, 128 : i32
        %dma_start3A = arith.constant 0 : i32
        %dma_start3A_245 = tpu.memref_slice %arg4[%multiple_of3A_244, %dma_start3A] : memref<1000000x128xf32, #tpu.memory_space<hbm>> -> memref<128x128xf32, #tpu.memory_space<hbm>>
        %dma_start3A_246 = arith.constant 0 : i32
        %dma_start3A_247 = tpu.memref_slice %arg4[%multiple_of3A_244, %dma_start3A_246] : memref<1000000x128xf32, #tpu.memory_space<hbm>> -> memref<128x128xf32, #tpu.memory_space<hbm>>
        tpu.enqueue_dma source(%arg10 : memref<128x128xf32, #tpu.memory_space<vmem>>) target(%dma_start3A_247 : memref<128x128xf32, #tpu.memory_space<hbm>>) target_semaphore(%arg19 : memref<!tpu.dma_semaphore, #tpu.memory_space<semaphore_mem>>)
      } else {
      }
      %mul3A_65 = arith.constant 4 : i32
      %mul3A_66 = arith.muli %mul3A_65, %scan3A_49 : i32
      %add3A_67 = arith.constant 1 : i32
      %add3A_68 = arith.addi %mul3A_66, %add3A_67 : i32
      %lt3A_69 = arith.constant 248 : i32
      %lt3A_70 = arith.cmpi slt, %add3A_68, %lt3A_69 : i32
      %convert_element_type3A_71 = arith.extui %lt3A_70 : i1 to i32
      %cond3A_72 = arith.constant 0 : i32
      %cond3A_73 = arith.cmpi ne, %convert_element_type3A_71, %cond3A_72 : i32
      scf.if %cond3A_73 {
        %mul3A_122 = arith.constant 32 : i32
        %mul3A_123 = arith.muli %add3A_68, %mul3A_122 : i32
        %add3A_124 = arith.addi %mul3A_123, %add3A : i32
        %mul3A_125 = arith.constant 128 : i32
        %mul3A_126 = arith.muli %add3A_124, %mul3A_125 : i32
        %min3A_127 = arith.constant 999808 : i32
        %min3A_128 = arith.minsi %mul3A_126, %min3A_127 : i32
        %multiple_of3A_129 = tpu.assume_multiple %min3A_128, 128 : i32
        %dma_start3A = arith.constant 0 : i32
        %dma_start3A_130 = tpu.memref_slice %arg2[%dma_start3A, %multiple_of3A_129] : memref<64x1000000xf32, #tpu.memory_space<hbm>> -> memref<64x128xf32, #tpu.memory_space<hbm>>
        %dma_start3A_131 = arith.constant 0 : i32
        %dma_start3A_132 = tpu.memref_slice %arg2[%dma_start3A_131, %multiple_of3A_129] : memref<64x1000000xf32, #tpu.memory_space<hbm>> -> memref<64x128xf32, #tpu.memory_space<hbm>>
        tpu.enqueue_dma source(%dma_start3A_132 : memref<64x128xf32, #tpu.memory_space<hbm>>) target(%arg6 : memref<64x128xf32, #tpu.memory_space<vmem>>) target_semaphore(%arg15 : memref<!tpu.dma_semaphore, #tpu.memory_space<semaphore_mem>>)
      } else {
      }
      %sub3A_74 = arith.constant 3 : i32
      %sub3A_75 = arith.subi %add3A_68, %sub3A_74 : i32
      %ge3A_76 = arith.constant 0 : i32
      %ge3A_77 = arith.cmpi sge, %sub3A_75, %ge3A_76 : i32
      %lt3A_78 = arith.constant 248 : i32
      %lt3A_79 = arith.cmpi slt, %sub3A_75, %lt3A_78 : i32
      %and3A_80 = arith.andi %ge3A_77, %lt3A_79 : i1
      %convert_element_type3A_81 = arith.extui %and3A_80 : i1 to i32
      %cond3A_82 = arith.constant 0 : i32
      %cond3A_83 = arith.cmpi ne, %convert_element_type3A_81, %cond3A_82 : i32
      scf.if %cond3A_83 {
        %mul3A_122 = arith.constant 32 : i32
        %mul3A_123 = arith.muli %sub3A_75, %mul3A_122 : i32
        %add3A_124 = arith.addi %mul3A_123, %add3A : i32
        %mul3A_125 = arith.constant 128 : i32
        %mul3A_126 = arith.muli %add3A_124, %mul3A_125 : i32
        %min3A_127 = arith.constant 999808 : i32
        %min3A_128 = arith.minsi %mul3A_126, %min3A_127 : i32
        %multiple_of3A_129 = tpu.assume_multiple %min3A_128, 128 : i32
        %dma_wait3A_130 = arith.constant 0 : i32
        %dma_wait3A_131 = tpu.memref_slice %arg2[%dma_wait3A_130, %multiple_of3A_129] : memref<64x1000000xf32, #tpu.memory_space<hbm>> -> memref<64x128xf32, #tpu.memory_space<hbm>>
        %dma_wait3A_132 = arith.constant 0 : i32
        %dma_wait3A_133 = tpu.memref_slice %arg2[%dma_wait3A_132, %multiple_of3A_129] : memref<64x1000000xf32, #tpu.memory_space<hbm>> -> memref<64x128xf32, #tpu.memory_space<hbm>>
        tpu.wait_dma2 semaphore(%arg16 : memref<!tpu.dma_semaphore, #tpu.memory_space<semaphore_mem>>) src(%dma_wait3A_133 : memref<64x128xf32, #tpu.memory_space<hbm>>) dst(%arg7 : memref<64x128xf32, #tpu.memory_space<vmem>>)
        %ge3A_134 = arith.constant 4 : i32
        %ge3A_135 = arith.cmpi sge, %sub3A_75, %ge3A_134 : i32
        %convert_element_type3A_136 = arith.extui %ge3A_135 : i1 to i32
        %cond3A_137 = arith.constant 0 : i32
        %cond3A_138 = arith.cmpi ne, %convert_element_type3A_136, %cond3A_137 : i32
        scf.if %cond3A_138 {
          %sub3A_248 = arith.constant 4 : i32
          %sub3A_249 = arith.subi %sub3A_75, %sub3A_248 : i32
          %mul3A_250 = arith.constant 32 : i32
          %mul3A_251 = arith.muli %sub3A_249, %mul3A_250 : i32
          %add3A_252 = arith.addi %mul3A_251, %add3A : i32
          %mul3A_253 = arith.constant 128 : i32
          %mul3A_254 = arith.muli %add3A_252, %mul3A_253 : i32
          %min3A_255 = arith.constant 999808 : i32
          %min3A_256 = arith.minsi %mul3A_254, %min3A_255 : i32
          %multiple_of3A_257 = tpu.assume_multiple %min3A_256, 128 : i32
          %dma_wait3A_258 = arith.constant 0 : i32
          %dma_wait3A_259 = tpu.memref_slice %arg4[%multiple_of3A_257, %dma_wait3A_258] : memref<1000000x128xf32, #tpu.memory_space<hbm>> -> memref<128x128xf32, #tpu.memory_space<hbm>>
          %dma_wait3A_260 = arith.constant 0 : i32
          %dma_wait3A_261 = tpu.memref_slice %arg4[%multiple_of3A_257, %dma_wait3A_260] : memref<1000000x128xf32, #tpu.memory_space<hbm>> -> memref<128x128xf32, #tpu.memory_space<hbm>>
          tpu.wait_dma2 semaphore(%arg20 : memref<!tpu.dma_semaphore, #tpu.memory_space<semaphore_mem>>) src(%arg11 : memref<128x128xf32, #tpu.memory_space<vmem>>) dst(%dma_wait3A_261 : memref<128x128xf32, #tpu.memory_space<hbm>>)
        } else {
        }
        %iota3A = tpu.iota {dimensions = array<i32: 0>} : vector<16xi32>
        %add3A_139 = arith.constant 0 : i32
        %add3A_140 = vector.broadcast %add3A_139 : i32 to vector<16xi32>
        %add3A_141 = arith.addi %iota3A, %add3A_140 : vector<16xi32>
        %and3A_142 = arith.constant 15 : i32
        %and3A_143 = vector.broadcast %and3A_142 : i32 to vector<16xi32>
        %and3A_144 = arith.andi %add3A_141, %and3A_143 : vector<16xi32>
        %add3A_145 = arith.constant 1 : i32
        %add3A_146 = vector.broadcast %add3A_145 : i32 to vector<16xi32>
        %add3A_147 = arith.addi %iota3A, %add3A_146 : vector<16xi32>
        %and3A_148 = arith.constant 15 : i32
        %and3A_149 = vector.broadcast %and3A_148 : i32 to vector<16xi32>
        %and3A_150 = arith.andi %add3A_147, %and3A_149 : vector<16xi32>
        %add3A_151 = arith.constant 2 : i32
        %add3A_152 = vector.broadcast %add3A_151 : i32 to vector<16xi32>
        %add3A_153 = arith.addi %iota3A, %add3A_152 : vector<16xi32>
        %and3A_154 = arith.constant 15 : i32
        %and3A_155 = vector.broadcast %and3A_154 : i32 to vector<16xi32>
        %and3A_156 = arith.andi %add3A_153, %and3A_155 : vector<16xi32>
        %add3A_157 = arith.constant 3 : i32
        %add3A_158 = vector.broadcast %add3A_157 : i32 to vector<16xi32>
        %add3A_159 = arith.addi %iota3A, %add3A_158 : vector<16xi32>
        %and3A_160 = arith.constant 15 : i32
        %and3A_161 = vector.broadcast %and3A_160 : i32 to vector<16xi32>
        %and3A_162 = arith.andi %add3A_159, %and3A_161 : vector<16xi32>
        %add3A_163 = arith.constant 4 : i32
        %add3A_164 = vector.broadcast %add3A_163 : i32 to vector<16xi32>
        %add3A_165 = arith.addi %iota3A, %add3A_164 : vector<16xi32>
        %and3A_166 = arith.constant 15 : i32
        %and3A_167 = vector.broadcast %and3A_166 : i32 to vector<16xi32>
        %and3A_168 = arith.andi %add3A_165, %and3A_167 : vector<16xi32>
        %add3A_169 = arith.constant 5 : i32
        %add3A_170 = vector.broadcast %add3A_169 : i32 to vector<16xi32>
        %add3A_171 = arith.addi %iota3A, %add3A_170 : vector<16xi32>
        %and3A_172 = arith.constant 15 : i32
        %and3A_173 = vector.broadcast %and3A_172 : i32 to vector<16xi32>
        %and3A_174 = arith.andi %add3A_171, %and3A_173 : vector<16xi32>
        %add3A_175 = arith.constant 6 : i32
        %add3A_176 = vector.broadcast %add3A_175 : i32 to vector<16xi32>
        %add3A_177 = arith.addi %iota3A, %add3A_176 : vector<16xi32>
        %and3A_178 = arith.constant 15 : i32
        %and3A_179 = vector.broadcast %and3A_178 : i32 to vector<16xi32>
        %and3A_180 = arith.andi %add3A_177, %and3A_179 : vector<16xi32>
        %add3A_181 = arith.constant 7 : i32
        %add3A_182 = vector.broadcast %add3A_181 : i32 to vector<16xi32>
        %add3A_183 = arith.addi %iota3A, %add3A_182 : vector<16xi32>
        %and3A_184 = arith.constant 15 : i32
        %and3A_185 = vector.broadcast %and3A_184 : i32 to vector<16xi32>
        %and3A_186 = arith.andi %add3A_183, %and3A_185 : vector<16xi32>
        %add3A_187 = arith.constant 8 : i32
        %add3A_188 = vector.broadcast %add3A_187 : i32 to vector<16xi32>
        %add3A_189 = arith.addi %iota3A, %add3A_188 : vector<16xi32>
        %and3A_190 = arith.constant 15 : i32
        %and3A_191 = vector.broadcast %and3A_190 : i32 to vector<16xi32>
        %and3A_192 = arith.andi %add3A_189, %and3A_191 : vector<16xi32>
        %add3A_193 = arith.constant 9 : i32
        %add3A_194 = vector.broadcast %add3A_193 : i32 to vector<16xi32>
        %add3A_195 = arith.addi %iota3A, %add3A_194 : vector<16xi32>
        %and3A_196 = arith.constant 15 : i32
        %and3A_197 = vector.broadcast %and3A_196 : i32 to vector<16xi32>
        %and3A_198 = arith.andi %add3A_195, %and3A_197 : vector<16xi32>
        %add3A_199 = arith.constant 10 : i32
        %add3A_200 = vector.broadcast %add3A_199 : i32 to vector<16xi32>
        %add3A_201 = arith.addi %iota3A, %add3A_200 : vector<16xi32>
        %and3A_202 = arith.constant 15 : i32
        %and3A_203 = vector.broadcast %and3A_202 : i32 to vector<16xi32>
        %and3A_204 = arith.andi %add3A_201, %and3A_203 : vector<16xi32>
        %add3A_205 = arith.constant 11 : i32
        %add3A_206 = vector.broadcast %add3A_205 : i32 to vector<16xi32>
        %add3A_207 = arith.addi %iota3A, %add3A_206 : vector<16xi32>
        %and3A_208 = arith.constant 15 : i32
        %and3A_209 = vector.broadcast %and3A_208 : i32 to vector<16xi32>
        %and3A_210 = arith.andi %add3A_207, %and3A_209 : vector<16xi32>
        %add3A_211 = arith.constant 12 : i32
        %add3A_212 = vector.broadcast %add3A_211 : i32 to vector<16xi32>
        %add3A_213 = arith.addi %iota3A, %add3A_212 : vector<16xi32>
        %and3A_214 = arith.constant 15 : i32
        %and3A_215 = vector.broadcast %and3A_214 : i32 to vector<16xi32>
        %and3A_216 = arith.andi %add3A_213, %and3A_215 : vector<16xi32>
        %add3A_217 = arith.constant 13 : i32
        %add3A_218 = vector.broadcast %add3A_217 : i32 to vector<16xi32>
        %add3A_219 = arith.addi %iota3A, %add3A_218 : vector<16xi32>
        %and3A_220 = arith.constant 15 : i32
        %and3A_221 = vector.broadcast %and3A_220 : i32 to vector<16xi32>
        %and3A_222 = arith.andi %add3A_219, %and3A_221 : vector<16xi32>
        %add3A_223 = arith.constant 14 : i32
        %add3A_224 = vector.broadcast %add3A_223 : i32 to vector<16xi32>
        %add3A_225 = arith.addi %iota3A, %add3A_224 : vector<16xi32>
        %and3A_226 = arith.constant 15 : i32
        %and3A_227 = vector.broadcast %and3A_226 : i32 to vector<16xi32>
        %and3A_228 = arith.andi %add3A_225, %and3A_227 : vector<16xi32>
        %add3A_229 = arith.constant 15 : i32
        %add3A_230 = vector.broadcast %add3A_229 : i32 to vector<16xi32>
        %add3A_231 = arith.addi %iota3A, %add3A_230 : vector<16xi32>
        %and3A_232 = arith.constant 15 : i32
        %and3A_233 = vector.broadcast %and3A_232 : i32 to vector<16xi32>
        %and3A_234 = arith.andi %add3A_231, %and3A_233 : vector<16xi32>
        %parallel_loop3A = arith.constant 0 : i32
        %parallel_loop3A_235 = arith.constant 128 : i32
        %parallel_loop3A_236 = arith.constant 1 : i32
        scf.for %parallel_loop3A_248 = %parallel_loop3A to %parallel_loop3A_235 step %parallel_loop3A_236  : i32 {
          %parallel_loop3A_249 = arith.constant 4 : i32
          %parallel_loop3A_250 = arith.shrui %parallel_loop3A_248, %parallel_loop3A_249 : i32
          %parallel_loop3A_251 = arith.constant 15 : i32
          %parallel_loop3A_252 = arith.andi %parallel_loop3A_248, %parallel_loop3A_251 : i32
          %parallel_loop3A_253 = arith.constant 16 : i32
          %parallel_loop3A_254 = arith.muli %parallel_loop3A_250, %parallel_loop3A_253 : i32
          %parallel_loop3A_255 = vector.broadcast %parallel_loop3A_254 : i32 to vector<16xi32>
          %parallel_loop3A_256 = arith.addi %iota3A, %parallel_loop3A_255 : vector<16xi32>
          %parallel_loop3A_257 = vector.broadcast %parallel_loop3A_252 : i32 to vector<16xi32>
          %parallel_loop3A_258 = arith.addi %iota3A, %parallel_loop3A_257 : vector<16xi32>
          %parallel_loop3A_259 = arith.constant 15 : i32
          %parallel_loop3A_260 = vector.broadcast %parallel_loop3A_259 : i32 to vector<16xi32>
          %parallel_loop3A_261 = arith.andi %parallel_loop3A_258, %parallel_loop3A_260 : vector<16xi32>
          %parallel_loop3A_262 = arith.constant 0 : i32
          %parallel_loop3A_263 = vector.broadcast %parallel_loop3A_262 : i32 to vector<16xi32>
          %parallel_loop3A_264 = arith.addi %parallel_loop3A_261, %parallel_loop3A_263 : vector<16xi32>
          %parallel_loop3A_265 = tpu.vector_load_idx %arg7[%parallel_loop3A_264, %parallel_loop3A_256] : memref<64x128xf32, #tpu.memory_space<vmem>>[vector<16xi32>, vector<16xi32>], vector<16xf32>,
          tpu.vector_store_idx %arg11[%parallel_loop3A_256, %parallel_loop3A_264], %parallel_loop3A_265 : memref<128x128xf32, #tpu.memory_space<vmem>>[vector<16xi32>, vector<16xi32>], vector<16xf32>,
          %parallel_loop3A_266 = arith.constant 16 : i32
          %parallel_loop3A_267 = vector.broadcast %parallel_loop3A_266 : i32 to vector<16xi32>
          %parallel_loop3A_268 = arith.addi %parallel_loop3A_261, %parallel_loop3A_267 : vector<16xi32>
          %parallel_loop3A_269 = tpu.vector_load_idx %arg7[%parallel_loop3A_268, %parallel_loop3A_256] : memref<64x128xf32, #tpu.memory_space<vmem>>[vector<16xi32>, vector<16xi32>], vector<16xf32>,
          tpu.vector_store_idx %arg11[%parallel_loop3A_256, %parallel_loop3A_268], %parallel_loop3A_269 : memref<128x128xf32, #tpu.memory_space<vmem>>[vector<16xi32>, vector<16xi32>], vector<16xf32>,
          %parallel_loop3A_270 = arith.constant 32 : i32
          %parallel_loop3A_271 = vector.broadcast %parallel_loop3A_270 : i32 to vector<16xi32>
          %parallel_loop3A_272 = arith.addi %parallel_loop3A_261, %parallel_loop3A_271 : vector<16xi32>
          %parallel_loop3A_273 = tpu.vector_load_idx %arg7[%parallel_loop3A_272, %parallel_loop3A_256] : memref<64x128xf32, #tpu.memory_space<vmem>>[vector<16xi32>, vector<16xi32>], vector<16xf32>,
          tpu.vector_store_idx %arg11[%parallel_loop3A_256, %parallel_loop3A_272], %parallel_loop3A_273 : memref<128x128xf32, #tpu.memory_space<vmem>>[vector<16xi32>, vector<16xi32>], vector<16xf32>,
          %parallel_loop3A_274 = arith.constant 48 : i32
          %parallel_loop3A_275 = vector.broadcast %parallel_loop3A_274 : i32 to vector<16xi32>
          %parallel_loop3A_276 = arith.addi %parallel_loop3A_261, %parallel_loop3A_275 : vector<16xi32>
          %parallel_loop3A_277 = tpu.vector_load_idx %arg7[%parallel_loop3A_276, %parallel_loop3A_256] : memref<64x128xf32, #tpu.memory_space<vmem>>[vector<16xi32>, vector<16xi32>], vector<16xf32>,
          tpu.vector_store_idx %arg11[%parallel_loop3A_256, %parallel_loop3A_276], %parallel_loop3A_277 : memref<128x128xf32, #tpu.memory_space<vmem>>[vector<16xi32>, vector<16xi32>], vector<16xf32>,
        } {sc.loop_unroll_factor = 4 : i64, sc.parallel_access}
        %mul3A_237 = arith.constant 32 : i32
        %mul3A_238 = arith.muli %sub3A_75, %mul3A_237 : i32
        %add3A_239 = arith.addi %mul3A_238, %add3A : i32
        %mul3A_240 = arith.constant 128 : i32
        %mul3A_241 = arith.muli %add3A_239, %mul3A_240 : i32
        %min3A_242 = arith.constant 999808 : i32
        %min3A_243 = arith.minsi %mul3A_241, %min3A_242 : i32
        %multiple_of3A_244 = tpu.assume_multiple %min3A_243, 128 : i32
        %dma_start3A = arith.constant 0 : i32
        %dma_start3A_245 = tpu.memref_slice %arg4[%multiple_of3A_244, %dma_start3A] : memref<1000000x128xf32, #tpu.memory_space<hbm>> -> memref<128x128xf32, #tpu.memory_space<hbm>>
        %dma_start3A_246 = arith.constant 0 : i32
        %dma_start3A_247 = tpu.memref_slice %arg4[%multiple_of3A_244, %dma_start3A_246] : memref<1000000x128xf32, #tpu.memory_space<hbm>> -> memref<128x128xf32, #tpu.memory_space<hbm>>
        tpu.enqueue_dma source(%arg11 : memref<128x128xf32, #tpu.memory_space<vmem>>) target(%dma_start3A_247 : memref<128x128xf32, #tpu.memory_space<hbm>>) target_semaphore(%arg20 : memref<!tpu.dma_semaphore, #tpu.memory_space<semaphore_mem>>)
      } else {
      }
      %mul3A_84 = arith.constant 4 : i32
      %mul3A_85 = arith.muli %mul3A_84, %scan3A_49 : i32
      %add3A_86 = arith.constant 2 : i32
      %add3A_87 = arith.addi %mul3A_85, %add3A_86 : i32
      %lt3A_88 = arith.constant 248 : i32
      %lt3A_89 = arith.cmpi slt, %add3A_87, %lt3A_88 : i32
      %convert_element_type3A_90 = arith.extui %lt3A_89 : i1 to i32
      %cond3A_91 = arith.constant 0 : i32
      %cond3A_92 = arith.cmpi ne, %convert_element_type3A_90, %cond3A_91 : i32
      scf.if %cond3A_92 {
        %mul3A_122 = arith.constant 32 : i32
        %mul3A_123 = arith.muli %add3A_87, %mul3A_122 : i32
        %add3A_124 = arith.addi %mul3A_123, %add3A : i32
        %mul3A_125 = arith.constant 128 : i32
        %mul3A_126 = arith.muli %add3A_124, %mul3A_125 : i32
        %min3A_127 = arith.constant 999808 : i32
        %min3A_128 = arith.minsi %mul3A_126, %min3A_127 : i32
        %multiple_of3A_129 = tpu.assume_multiple %min3A_128, 128 : i32
        %dma_start3A = arith.constant 0 : i32
        %dma_start3A_130 = tpu.memref_slice %arg2[%dma_start3A, %multiple_of3A_129] : memref<64x1000000xf32, #tpu.memory_space<hbm>> -> memref<64x128xf32, #tpu.memory_space<hbm>>
        %dma_start3A_131 = arith.constant 0 : i32
        %dma_start3A_132 = tpu.memref_slice %arg2[%dma_start3A_131, %multiple_of3A_129] : memref<64x1000000xf32, #tpu.memory_space<hbm>> -> memref<64x128xf32, #tpu.memory_space<hbm>>
        tpu.enqueue_dma source(%dma_start3A_132 : memref<64x128xf32, #tpu.memory_space<hbm>>) target(%arg7 : memref<64x128xf32, #tpu.memory_space<vmem>>) target_semaphore(%arg16 : memref<!tpu.dma_semaphore, #tpu.memory_space<semaphore_mem>>)
      } else {
      }
      %sub3A_93 = arith.constant 3 : i32
      %sub3A_94 = arith.subi %add3A_87, %sub3A_93 : i32
      %ge3A_95 = arith.constant 0 : i32
      %ge3A_96 = arith.cmpi sge, %sub3A_94, %ge3A_95 : i32
      %lt3A_97 = arith.constant 248 : i32
      %lt3A_98 = arith.cmpi slt, %sub3A_94, %lt3A_97 : i32
      %and3A_99 = arith.andi %ge3A_96, %lt3A_98 : i1
      %convert_element_type3A_100 = arith.extui %and3A_99 : i1 to i32
      %cond3A_101 = arith.constant 0 : i32
      %cond3A_102 = arith.cmpi ne, %convert_element_type3A_100, %cond3A_101 : i32
      scf.if %cond3A_102 {
        %mul3A_122 = arith.constant 32 : i32
        %mul3A_123 = arith.muli %sub3A_94, %mul3A_122 : i32
        %add3A_124 = arith.addi %mul3A_123, %add3A : i32
        %mul3A_125 = arith.constant 128 : i32
        %mul3A_126 = arith.muli %add3A_124, %mul3A_125 : i32
        %min3A_127 = arith.constant 999808 : i32
        %min3A_128 = arith.minsi %mul3A_126, %min3A_127 : i32
        %multiple_of3A_129 = tpu.assume_multiple %min3A_128, 128 : i32
        %dma_wait3A_130 = arith.constant 0 : i32
        %dma_wait3A_131 = tpu.memref_slice %arg2[%dma_wait3A_130, %multiple_of3A_129] : memref<64x1000000xf32, #tpu.memory_space<hbm>> -> memref<64x128xf32, #tpu.memory_space<hbm>>
        %dma_wait3A_132 = arith.constant 0 : i32
        %dma_wait3A_133 = tpu.memref_slice %arg2[%dma_wait3A_132, %multiple_of3A_129] : memref<64x1000000xf32, #tpu.memory_space<hbm>> -> memref<64x128xf32, #tpu.memory_space<hbm>>
        tpu.wait_dma2 semaphore(%arg17 : memref<!tpu.dma_semaphore, #tpu.memory_space<semaphore_mem>>) src(%dma_wait3A_133 : memref<64x128xf32, #tpu.memory_space<hbm>>) dst(%arg8 : memref<64x128xf32, #tpu.memory_space<vmem>>)
        %ge3A_134 = arith.constant 4 : i32
        %ge3A_135 = arith.cmpi sge, %sub3A_94, %ge3A_134 : i32
        %convert_element_type3A_136 = arith.extui %ge3A_135 : i1 to i32
        %cond3A_137 = arith.constant 0 : i32
        %cond3A_138 = arith.cmpi ne, %convert_element_type3A_136, %cond3A_137 : i32
        scf.if %cond3A_138 {
          %sub3A_248 = arith.constant 4 : i32
          %sub3A_249 = arith.subi %sub3A_94, %sub3A_248 : i32
          %mul3A_250 = arith.constant 32 : i32
          %mul3A_251 = arith.muli %sub3A_249, %mul3A_250 : i32
          %add3A_252 = arith.addi %mul3A_251, %add3A : i32
          %mul3A_253 = arith.constant 128 : i32
          %mul3A_254 = arith.muli %add3A_252, %mul3A_253 : i32
          %min3A_255 = arith.constant 999808 : i32
          %min3A_256 = arith.minsi %mul3A_254, %min3A_255 : i32
          %multiple_of3A_257 = tpu.assume_multiple %min3A_256, 128 : i32
          %dma_wait3A_258 = arith.constant 0 : i32
          %dma_wait3A_259 = tpu.memref_slice %arg4[%multiple_of3A_257, %dma_wait3A_258] : memref<1000000x128xf32, #tpu.memory_space<hbm>> -> memref<128x128xf32, #tpu.memory_space<hbm>>
          %dma_wait3A_260 = arith.constant 0 : i32
          %dma_wait3A_261 = tpu.memref_slice %arg4[%multiple_of3A_257, %dma_wait3A_260] : memref<1000000x128xf32, #tpu.memory_space<hbm>> -> memref<128x128xf32, #tpu.memory_space<hbm>>
          tpu.wait_dma2 semaphore(%arg21 : memref<!tpu.dma_semaphore, #tpu.memory_space<semaphore_mem>>) src(%arg12 : memref<128x128xf32, #tpu.memory_space<vmem>>) dst(%dma_wait3A_261 : memref<128x128xf32, #tpu.memory_space<hbm>>)
        } else {
        }
        %iota3A = tpu.iota {dimensions = array<i32: 0>} : vector<16xi32>
        %add3A_139 = arith.constant 0 : i32
        %add3A_140 = vector.broadcast %add3A_139 : i32 to vector<16xi32>
        %add3A_141 = arith.addi %iota3A, %add3A_140 : vector<16xi32>
        %and3A_142 = arith.constant 15 : i32
        %and3A_143 = vector.broadcast %and3A_142 : i32 to vector<16xi32>
        %and3A_144 = arith.andi %add3A_141, %and3A_143 : vector<16xi32>
        %add3A_145 = arith.constant 1 : i32
        %add3A_146 = vector.broadcast %add3A_145 : i32 to vector<16xi32>
        %add3A_147 = arith.addi %iota3A, %add3A_146 : vector<16xi32>
        %and3A_148 = arith.constant 15 : i32
        %and3A_149 = vector.broadcast %and3A_148 : i32 to vector<16xi32>
        %and3A_150 = arith.andi %add3A_147, %and3A_149 : vector<16xi32>
        %add3A_151 = arith.constant 2 : i32
        %add3A_152 = vector.broadcast %add3A_151 : i32 to vector<16xi32>
        %add3A_153 = arith.addi %iota3A, %add3A_152 : vector<16xi32>
        %and3A_154 = arith.constant 15 : i32
        %and3A_155 = vector.broadcast %and3A_154 : i32 to vector<16xi32>
        %and3A_156 = arith.andi %add3A_153, %and3A_155 : vector<16xi32>
        %add3A_157 = arith.constant 3 : i32
        %add3A_158 = vector.broadcast %add3A_157 : i32 to vector<16xi32>
        %add3A_159 = arith.addi %iota3A, %add3A_158 : vector<16xi32>
        %and3A_160 = arith.constant 15 : i32
        %and3A_161 = vector.broadcast %and3A_160 : i32 to vector<16xi32>
        %and3A_162 = arith.andi %add3A_159, %and3A_161 : vector<16xi32>
        %add3A_163 = arith.constant 4 : i32
        %add3A_164 = vector.broadcast %add3A_163 : i32 to vector<16xi32>
        %add3A_165 = arith.addi %iota3A, %add3A_164 : vector<16xi32>
        %and3A_166 = arith.constant 15 : i32
        %and3A_167 = vector.broadcast %and3A_166 : i32 to vector<16xi32>
        %and3A_168 = arith.andi %add3A_165, %and3A_167 : vector<16xi32>
        %add3A_169 = arith.constant 5 : i32
        %add3A_170 = vector.broadcast %add3A_169 : i32 to vector<16xi32>
        %add3A_171 = arith.addi %iota3A, %add3A_170 : vector<16xi32>
        %and3A_172 = arith.constant 15 : i32
        %and3A_173 = vector.broadcast %and3A_172 : i32 to vector<16xi32>
        %and3A_174 = arith.andi %add3A_171, %and3A_173 : vector<16xi32>
        %add3A_175 = arith.constant 6 : i32
        %add3A_176 = vector.broadcast %add3A_175 : i32 to vector<16xi32>
        %add3A_177 = arith.addi %iota3A, %add3A_176 : vector<16xi32>
        %and3A_178 = arith.constant 15 : i32
        %and3A_179 = vector.broadcast %and3A_178 : i32 to vector<16xi32>
        %and3A_180 = arith.andi %add3A_177, %and3A_179 : vector<16xi32>
        %add3A_181 = arith.constant 7 : i32
        %add3A_182 = vector.broadcast %add3A_181 : i32 to vector<16xi32>
        %add3A_183 = arith.addi %iota3A, %add3A_182 : vector<16xi32>
        %and3A_184 = arith.constant 15 : i32
        %and3A_185 = vector.broadcast %and3A_184 : i32 to vector<16xi32>
        %and3A_186 = arith.andi %add3A_183, %and3A_185 : vector<16xi32>
        %add3A_187 = arith.constant 8 : i32
        %add3A_188 = vector.broadcast %add3A_187 : i32 to vector<16xi32>
        %add3A_189 = arith.addi %iota3A, %add3A_188 : vector<16xi32>
        %and3A_190 = arith.constant 15 : i32
        %and3A_191 = vector.broadcast %and3A_190 : i32 to vector<16xi32>
        %and3A_192 = arith.andi %add3A_189, %and3A_191 : vector<16xi32>
        %add3A_193 = arith.constant 9 : i32
        %add3A_194 = vector.broadcast %add3A_193 : i32 to vector<16xi32>
        %add3A_195 = arith.addi %iota3A, %add3A_194 : vector<16xi32>
        %and3A_196 = arith.constant 15 : i32
        %and3A_197 = vector.broadcast %and3A_196 : i32 to vector<16xi32>
        %and3A_198 = arith.andi %add3A_195, %and3A_197 : vector<16xi32>
        %add3A_199 = arith.constant 10 : i32
        %add3A_200 = vector.broadcast %add3A_199 : i32 to vector<16xi32>
        %add3A_201 = arith.addi %iota3A, %add3A_200 : vector<16xi32>
        %and3A_202 = arith.constant 15 : i32
        %and3A_203 = vector.broadcast %and3A_202 : i32 to vector<16xi32>
        %and3A_204 = arith.andi %add3A_201, %and3A_203 : vector<16xi32>
        %add3A_205 = arith.constant 11 : i32
        %add3A_206 = vector.broadcast %add3A_205 : i32 to vector<16xi32>
        %add3A_207 = arith.addi %iota3A, %add3A_206 : vector<16xi32>
        %and3A_208 = arith.constant 15 : i32
        %and3A_209 = vector.broadcast %and3A_208 : i32 to vector<16xi32>
        %and3A_210 = arith.andi %add3A_207, %and3A_209 : vector<16xi32>
        %add3A_211 = arith.constant 12 : i32
        %add3A_212 = vector.broadcast %add3A_211 : i32 to vector<16xi32>
        %add3A_213 = arith.addi %iota3A, %add3A_212 : vector<16xi32>
        %and3A_214 = arith.constant 15 : i32
        %and3A_215 = vector.broadcast %and3A_214 : i32 to vector<16xi32>
        %and3A_216 = arith.andi %add3A_213, %and3A_215 : vector<16xi32>
        %add3A_217 = arith.constant 13 : i32
        %add3A_218 = vector.broadcast %add3A_217 : i32 to vector<16xi32>
        %add3A_219 = arith.addi %iota3A, %add3A_218 : vector<16xi32>
        %and3A_220 = arith.constant 15 : i32
        %and3A_221 = vector.broadcast %and3A_220 : i32 to vector<16xi32>
        %and3A_222 = arith.andi %add3A_219, %and3A_221 : vector<16xi32>
        %add3A_223 = arith.constant 14 : i32
        %add3A_224 = vector.broadcast %add3A_223 : i32 to vector<16xi32>
        %add3A_225 = arith.addi %iota3A, %add3A_224 : vector<16xi32>
        %and3A_226 = arith.constant 15 : i32
        %and3A_227 = vector.broadcast %and3A_226 : i32 to vector<16xi32>
        %and3A_228 = arith.andi %add3A_225, %and3A_227 : vector<16xi32>
        %add3A_229 = arith.constant 15 : i32
        %add3A_230 = vector.broadcast %add3A_229 : i32 to vector<16xi32>
        %add3A_231 = arith.addi %iota3A, %add3A_230 : vector<16xi32>
        %and3A_232 = arith.constant 15 : i32
        %and3A_233 = vector.broadcast %and3A_232 : i32 to vector<16xi32>
        %and3A_234 = arith.andi %add3A_231, %and3A_233 : vector<16xi32>
        %parallel_loop3A = arith.constant 0 : i32
        %parallel_loop3A_235 = arith.constant 128 : i32
        %parallel_loop3A_236 = arith.constant 1 : i32
        scf.for %parallel_loop3A_248 = %parallel_loop3A to %parallel_loop3A_235 step %parallel_loop3A_236  : i32 {
          %parallel_loop3A_249 = arith.constant 4 : i32
          %parallel_loop3A_250 = arith.shrui %parallel_loop3A_248, %parallel_loop3A_249 : i32
          %parallel_loop3A_251 = arith.constant 15 : i32
          %parallel_loop3A_252 = arith.andi %parallel_loop3A_248, %parallel_loop3A_251 : i32
          %parallel_loop3A_253 = arith.constant 16 : i32
          %parallel_loop3A_254 = arith.muli %parallel_loop3A_250, %parallel_loop3A_253 : i32
          %parallel_loop3A_255 = vector.broadcast %parallel_loop3A_254 : i32 to vector<16xi32>
          %parallel_loop3A_256 = arith.addi %iota3A, %parallel_loop3A_255 : vector<16xi32>
          %parallel_loop3A_257 = vector.broadcast %parallel_loop3A_252 : i32 to vector<16xi32>
          %parallel_loop3A_258 = arith.addi %iota3A, %parallel_loop3A_257 : vector<16xi32>
          %parallel_loop3A_259 = arith.constant 15 : i32
          %parallel_loop3A_260 = vector.broadcast %parallel_loop3A_259 : i32 to vector<16xi32>
          %parallel_loop3A_261 = arith.andi %parallel_loop3A_258, %parallel_loop3A_260 : vector<16xi32>
          %parallel_loop3A_262 = arith.constant 0 : i32
          %parallel_loop3A_263 = vector.broadcast %parallel_loop3A_262 : i32 to vector<16xi32>
          %parallel_loop3A_264 = arith.addi %parallel_loop3A_261, %parallel_loop3A_263 : vector<16xi32>
          %parallel_loop3A_265 = tpu.vector_load_idx %arg8[%parallel_loop3A_264, %parallel_loop3A_256] : memref<64x128xf32, #tpu.memory_space<vmem>>[vector<16xi32>, vector<16xi32>], vector<16xf32>,
          tpu.vector_store_idx %arg12[%parallel_loop3A_256, %parallel_loop3A_264], %parallel_loop3A_265 : memref<128x128xf32, #tpu.memory_space<vmem>>[vector<16xi32>, vector<16xi32>], vector<16xf32>,
          %parallel_loop3A_266 = arith.constant 16 : i32
          %parallel_loop3A_267 = vector.broadcast %parallel_loop3A_266 : i32 to vector<16xi32>
          %parallel_loop3A_268 = arith.addi %parallel_loop3A_261, %parallel_loop3A_267 : vector<16xi32>
          %parallel_loop3A_269 = tpu.vector_load_idx %arg8[%parallel_loop3A_268, %parallel_loop3A_256] : memref<64x128xf32, #tpu.memory_space<vmem>>[vector<16xi32>, vector<16xi32>], vector<16xf32>,
          tpu.vector_store_idx %arg12[%parallel_loop3A_256, %parallel_loop3A_268], %parallel_loop3A_269 : memref<128x128xf32, #tpu.memory_space<vmem>>[vector<16xi32>, vector<16xi32>], vector<16xf32>,
          %parallel_loop3A_270 = arith.constant 32 : i32
          %parallel_loop3A_271 = vector.broadcast %parallel_loop3A_270 : i32 to vector<16xi32>
          %parallel_loop3A_272 = arith.addi %parallel_loop3A_261, %parallel_loop3A_271 : vector<16xi32>
          %parallel_loop3A_273 = tpu.vector_load_idx %arg8[%parallel_loop3A_272, %parallel_loop3A_256] : memref<64x128xf32, #tpu.memory_space<vmem>>[vector<16xi32>, vector<16xi32>], vector<16xf32>,
          tpu.vector_store_idx %arg12[%parallel_loop3A_256, %parallel_loop3A_272], %parallel_loop3A_273 : memref<128x128xf32, #tpu.memory_space<vmem>>[vector<16xi32>, vector<16xi32>], vector<16xf32>,
          %parallel_loop3A_274 = arith.constant 48 : i32
          %parallel_loop3A_275 = vector.broadcast %parallel_loop3A_274 : i32 to vector<16xi32>
          %parallel_loop3A_276 = arith.addi %parallel_loop3A_261, %parallel_loop3A_275 : vector<16xi32>
          %parallel_loop3A_277 = tpu.vector_load_idx %arg8[%parallel_loop3A_276, %parallel_loop3A_256] : memref<64x128xf32, #tpu.memory_space<vmem>>[vector<16xi32>, vector<16xi32>], vector<16xf32>,
          tpu.vector_store_idx %arg12[%parallel_loop3A_256, %parallel_loop3A_276], %parallel_loop3A_277 : memref<128x128xf32, #tpu.memory_space<vmem>>[vector<16xi32>, vector<16xi32>], vector<16xf32>,
        } {sc.loop_unroll_factor = 4 : i64, sc.parallel_access}
        %mul3A_237 = arith.constant 32 : i32
        %mul3A_238 = arith.muli %sub3A_94, %mul3A_237 : i32
        %add3A_239 = arith.addi %mul3A_238, %add3A : i32
        %mul3A_240 = arith.constant 128 : i32
        %mul3A_241 = arith.muli %add3A_239, %mul3A_240 : i32
        %min3A_242 = arith.constant 999808 : i32
        %min3A_243 = arith.minsi %mul3A_241, %min3A_242 : i32
        %multiple_of3A_244 = tpu.assume_multiple %min3A_243, 128 : i32
        %dma_start3A = arith.constant 0 : i32
        %dma_start3A_245 = tpu.memref_slice %arg4[%multiple_of3A_244, %dma_start3A] : memref<1000000x128xf32, #tpu.memory_space<hbm>> -> memref<128x128xf32, #tpu.memory_space<hbm>>
        %dma_start3A_246 = arith.constant 0 : i32
        %dma_start3A_247 = tpu.memref_slice %arg4[%multiple_of3A_244, %dma_start3A_246] : memref<1000000x128xf32, #tpu.memory_space<hbm>> -> memref<128x128xf32, #tpu.memory_space<hbm>>
        tpu.enqueue_dma source(%arg12 : memref<128x128xf32, #tpu.memory_space<vmem>>) target(%dma_start3A_247 : memref<128x128xf32, #tpu.memory_space<hbm>>) target_semaphore(%arg21 : memref<!tpu.dma_semaphore, #tpu.memory_space<semaphore_mem>>)
      } else {
      }
      %mul3A_103 = arith.constant 4 : i32
      %mul3A_104 = arith.muli %mul3A_103, %scan3A_49 : i32
      %add3A_105 = arith.constant 3 : i32
      %add3A_106 = arith.addi %mul3A_104, %add3A_105 : i32
      %lt3A_107 = arith.constant 248 : i32
      %lt3A_108 = arith.cmpi slt, %add3A_106, %lt3A_107 : i32
      %convert_element_type3A_109 = arith.extui %lt3A_108 : i1 to i32
      %cond3A_110 = arith.constant 0 : i32
      %cond3A_111 = arith.cmpi ne, %convert_element_type3A_109, %cond3A_110 : i32
      scf.if %cond3A_111 {
        %mul3A_122 = arith.constant 32 : i32
        %mul3A_123 = arith.muli %add3A_106, %mul3A_122 : i32
        %add3A_124 = arith.addi %mul3A_123, %add3A : i32
        %mul3A_125 = arith.constant 128 : i32
        %mul3A_126 = arith.muli %add3A_124, %mul3A_125 : i32
        %min3A_127 = arith.constant 999808 : i32
        %min3A_128 = arith.minsi %mul3A_126, %min3A_127 : i32
        %multiple_of3A_129 = tpu.assume_multiple %min3A_128, 128 : i32
        %dma_start3A = arith.constant 0 : i32
        %dma_start3A_130 = tpu.memref_slice %arg2[%dma_start3A, %multiple_of3A_129] : memref<64x1000000xf32, #tpu.memory_space<hbm>> -> memref<64x128xf32, #tpu.memory_space<hbm>>
        %dma_start3A_131 = arith.constant 0 : i32
        %dma_start3A_132 = tpu.memref_slice %arg2[%dma_start3A_131, %multiple_of3A_129] : memref<64x1000000xf32, #tpu.memory_space<hbm>> -> memref<64x128xf32, #tpu.memory_space<hbm>>
        tpu.enqueue_dma source(%dma_start3A_132 : memref<64x128xf32, #tpu.memory_space<hbm>>) target(%arg8 : memref<64x128xf32, #tpu.memory_space<vmem>>) target_semaphore(%arg17 : memref<!tpu.dma_semaphore, #tpu.memory_space<semaphore_mem>>)
      } else {
      }
      %sub3A_112 = arith.constant 3 : i32
      %sub3A_113 = arith.subi %add3A_106, %sub3A_112 : i32
      %ge3A_114 = arith.constant 0 : i32
      %ge3A_115 = arith.cmpi sge, %sub3A_113, %ge3A_114 : i32
      %lt3A_116 = arith.constant 248 : i32
      %lt3A_117 = arith.cmpi slt, %sub3A_113, %lt3A_116 : i32
      %and3A_118 = arith.andi %ge3A_115, %lt3A_117 : i1
      %convert_element_type3A_119 = arith.extui %and3A_118 : i1 to i32
      %cond3A_120 = arith.constant 0 : i32
      %cond3A_121 = arith.cmpi ne, %convert_element_type3A_119, %cond3A_120 : i32
      scf.if %cond3A_121 {
        %mul3A_122 = arith.constant 32 : i32
        %mul3A_123 = arith.muli %sub3A_113, %mul3A_122 : i32
        %add3A_124 = arith.addi %mul3A_123, %add3A : i32
        %mul3A_125 = arith.constant 128 : i32
        %mul3A_126 = arith.muli %add3A_124, %mul3A_125 : i32
        %min3A_127 = arith.constant 999808 : i32
        %min3A_128 = arith.minsi %mul3A_126, %min3A_127 : i32
        %multiple_of3A_129 = tpu.assume_multiple %min3A_128, 128 : i32
        %dma_wait3A_130 = arith.constant 0 : i32
        %dma_wait3A_131 = tpu.memref_slice %arg2[%dma_wait3A_130, %multiple_of3A_129] : memref<64x1000000xf32, #tpu.memory_space<hbm>> -> memref<64x128xf32, #tpu.memory_space<hbm>>
        %dma_wait3A_132 = arith.constant 0 : i32
        %dma_wait3A_133 = tpu.memref_slice %arg2[%dma_wait3A_132, %multiple_of3A_129] : memref<64x1000000xf32, #tpu.memory_space<hbm>> -> memref<64x128xf32, #tpu.memory_space<hbm>>
        tpu.wait_dma2 semaphore(%arg14 : memref<!tpu.dma_semaphore, #tpu.memory_space<semaphore_mem>>) src(%dma_wait3A_133 : memref<64x128xf32, #tpu.memory_space<hbm>>) dst(%arg5 : memref<64x128xf32, #tpu.memory_space<vmem>>)
        %ge3A_134 = arith.constant 4 : i32
        %ge3A_135 = arith.cmpi sge, %sub3A_113, %ge3A_134 : i32
        %convert_element_type3A_136 = arith.extui %ge3A_135 : i1 to i32
        %cond3A_137 = arith.constant 0 : i32
        %cond3A_138 = arith.cmpi ne, %convert_element_type3A_136, %cond3A_137 : i32
        scf.if %cond3A_138 {
          %sub3A_248 = arith.constant 4 : i32
          %sub3A_249 = arith.subi %sub3A_113, %sub3A_248 : i32
          %mul3A_250 = arith.constant 32 : i32
          %mul3A_251 = arith.muli %sub3A_249, %mul3A_250 : i32
          %add3A_252 = arith.addi %mul3A_251, %add3A : i32
          %mul3A_253 = arith.constant 128 : i32
          %mul3A_254 = arith.muli %add3A_252, %mul3A_253 : i32
          %min3A_255 = arith.constant 999808 : i32
          %min3A_256 = arith.minsi %mul3A_254, %min3A_255 : i32
          %multiple_of3A_257 = tpu.assume_multiple %min3A_256, 128 : i32
          %dma_wait3A_258 = arith.constant 0 : i32
          %dma_wait3A_259 = tpu.memref_slice %arg4[%multiple_of3A_257, %dma_wait3A_258] : memref<1000000x128xf32, #tpu.memory_space<hbm>> -> memref<128x128xf32, #tpu.memory_space<hbm>>
          %dma_wait3A_260 = arith.constant 0 : i32
          %dma_wait3A_261 = tpu.memref_slice %arg4[%multiple_of3A_257, %dma_wait3A_260] : memref<1000000x128xf32, #tpu.memory_space<hbm>> -> memref<128x128xf32, #tpu.memory_space<hbm>>
          tpu.wait_dma2 semaphore(%arg18 : memref<!tpu.dma_semaphore, #tpu.memory_space<semaphore_mem>>) src(%arg9 : memref<128x128xf32, #tpu.memory_space<vmem>>) dst(%dma_wait3A_261 : memref<128x128xf32, #tpu.memory_space<hbm>>)
        } else {
        }
        %iota3A = tpu.iota {dimensions = array<i32: 0>} : vector<16xi32>
        %add3A_139 = arith.constant 0 : i32
        %add3A_140 = vector.broadcast %add3A_139 : i32 to vector<16xi32>
        %add3A_141 = arith.addi %iota3A, %add3A_140 : vector<16xi32>
        %and3A_142 = arith.constant 15 : i32
        %and3A_143 = vector.broadcast %and3A_142 : i32 to vector<16xi32>
        %and3A_144 = arith.andi %add3A_141, %and3A_143 : vector<16xi32>
        %add3A_145 = arith.constant 1 : i32
        %add3A_146 = vector.broadcast %add3A_145 : i32 to vector<16xi32>
        %add3A_147 = arith.addi %iota3A, %add3A_146 : vector<16xi32>
        %and3A_148 = arith.constant 15 : i32
        %and3A_149 = vector.broadcast %and3A_148 : i32 to vector<16xi32>
        %and3A_150 = arith.andi %add3A_147, %and3A_149 : vector<16xi32>
        %add3A_151 = arith.constant 2 : i32
        %add3A_152 = vector.broadcast %add3A_151 : i32 to vector<16xi32>
        %add3A_153 = arith.addi %iota3A, %add3A_152 : vector<16xi32>
        %and3A_154 = arith.constant 15 : i32
        %and3A_155 = vector.broadcast %and3A_154 : i32 to vector<16xi32>
        %and3A_156 = arith.andi %add3A_153, %and3A_155 : vector<16xi32>
        %add3A_157 = arith.constant 3 : i32
        %add3A_158 = vector.broadcast %add3A_157 : i32 to vector<16xi32>
        %add3A_159 = arith.addi %iota3A, %add3A_158 : vector<16xi32>
        %and3A_160 = arith.constant 15 : i32
        %and3A_161 = vector.broadcast %and3A_160 : i32 to vector<16xi32>
        %and3A_162 = arith.andi %add3A_159, %and3A_161 : vector<16xi32>
        %add3A_163 = arith.constant 4 : i32
        %add3A_164 = vector.broadcast %add3A_163 : i32 to vector<16xi32>
        %add3A_165 = arith.addi %iota3A, %add3A_164 : vector<16xi32>
        %and3A_166 = arith.constant 15 : i32
        %and3A_167 = vector.broadcast %and3A_166 : i32 to vector<16xi32>
        %and3A_168 = arith.andi %add3A_165, %and3A_167 : vector<16xi32>
        %add3A_169 = arith.constant 5 : i32
        %add3A_170 = vector.broadcast %add3A_169 : i32 to vector<16xi32>
        %add3A_171 = arith.addi %iota3A, %add3A_170 : vector<16xi32>
        %and3A_172 = arith.constant 15 : i32
        %and3A_173 = vector.broadcast %and3A_172 : i32 to vector<16xi32>
        %and3A_174 = arith.andi %add3A_171, %and3A_173 : vector<16xi32>
        %add3A_175 = arith.constant 6 : i32
        %add3A_176 = vector.broadcast %add3A_175 : i32 to vector<16xi32>
        %add3A_177 = arith.addi %iota3A, %add3A_176 : vector<16xi32>
        %and3A_178 = arith.constant 15 : i32
        %and3A_179 = vector.broadcast %and3A_178 : i32 to vector<16xi32>
        %and3A_180 = arith.andi %add3A_177, %and3A_179 : vector<16xi32>
        %add3A_181 = arith.constant 7 : i32
        %add3A_182 = vector.broadcast %add3A_181 : i32 to vector<16xi32>
        %add3A_183 = arith.addi %iota3A, %add3A_182 : vector<16xi32>
        %and3A_184 = arith.constant 15 : i32
        %and3A_185 = vector.broadcast %and3A_184 : i32 to vector<16xi32>
        %and3A_186 = arith.andi %add3A_183, %and3A_185 : vector<16xi32>
        %add3A_187 = arith.constant 8 : i32
        %add3A_188 = vector.broadcast %add3A_187 : i32 to vector<16xi32>
        %add3A_189 = arith.addi %iota3A, %add3A_188 : vector<16xi32>
        %and3A_190 = arith.constant 15 : i32
        %and3A_191 = vector.broadcast %and3A_190 : i32 to vector<16xi32>
        %and3A_192 = arith.andi %add3A_189, %and3A_191 : vector<16xi32>
        %add3A_193 = arith.constant 9 : i32
        %add3A_194 = vector.broadcast %add3A_193 : i32 to vector<16xi32>
        %add3A_195 = arith.addi %iota3A, %add3A_194 : vector<16xi32>
        %and3A_196 = arith.constant 15 : i32
        %and3A_197 = vector.broadcast %and3A_196 : i32 to vector<16xi32>
        %and3A_198 = arith.andi %add3A_195, %and3A_197 : vector<16xi32>
        %add3A_199 = arith.constant 10 : i32
        %add3A_200 = vector.broadcast %add3A_199 : i32 to vector<16xi32>
        %add3A_201 = arith.addi %iota3A, %add3A_200 : vector<16xi32>
        %and3A_202 = arith.constant 15 : i32
        %and3A_203 = vector.broadcast %and3A_202 : i32 to vector<16xi32>
        %and3A_204 = arith.andi %add3A_201, %and3A_203 : vector<16xi32>
        %add3A_205 = arith.constant 11 : i32
        %add3A_206 = vector.broadcast %add3A_205 : i32 to vector<16xi32>
        %add3A_207 = arith.addi %iota3A, %add3A_206 : vector<16xi32>
        %and3A_208 = arith.constant 15 : i32
        %and3A_209 = vector.broadcast %and3A_208 : i32 to vector<16xi32>
        %and3A_210 = arith.andi %add3A_207, %and3A_209 : vector<16xi32>
        %add3A_211 = arith.constant 12 : i32
        %add3A_212 = vector.broadcast %add3A_211 : i32 to vector<16xi32>
        %add3A_213 = arith.addi %iota3A, %add3A_212 : vector<16xi32>
        %and3A_214 = arith.constant 15 : i32
        %and3A_215 = vector.broadcast %and3A_214 : i32 to vector<16xi32>
        %and3A_216 = arith.andi %add3A_213, %and3A_215 : vector<16xi32>
        %add3A_217 = arith.constant 13 : i32
        %add3A_218 = vector.broadcast %add3A_217 : i32 to vector<16xi32>
        %add3A_219 = arith.addi %iota3A, %add3A_218 : vector<16xi32>
        %and3A_220 = arith.constant 15 : i32
        %and3A_221 = vector.broadcast %and3A_220 : i32 to vector<16xi32>
        %and3A_222 = arith.andi %add3A_219, %and3A_221 : vector<16xi32>
        %add3A_223 = arith.constant 14 : i32
        %add3A_224 = vector.broadcast %add3A_223 : i32 to vector<16xi32>
        %add3A_225 = arith.addi %iota3A, %add3A_224 : vector<16xi32>
        %and3A_226 = arith.constant 15 : i32
        %and3A_227 = vector.broadcast %and3A_226 : i32 to vector<16xi32>
        %and3A_228 = arith.andi %add3A_225, %and3A_227 : vector<16xi32>
        %add3A_229 = arith.constant 15 : i32
        %add3A_230 = vector.broadcast %add3A_229 : i32 to vector<16xi32>
        %add3A_231 = arith.addi %iota3A, %add3A_230 : vector<16xi32>
        %and3A_232 = arith.constant 15 : i32
        %and3A_233 = vector.broadcast %and3A_232 : i32 to vector<16xi32>
        %and3A_234 = arith.andi %add3A_231, %and3A_233 : vector<16xi32>
        %parallel_loop3A = arith.constant 0 : i32
        %parallel_loop3A_235 = arith.constant 128 : i32
        %parallel_loop3A_236 = arith.constant 1 : i32
        scf.for %parallel_loop3A_248 = %parallel_loop3A to %parallel_loop3A_235 step %parallel_loop3A_236  : i32 {
          %parallel_loop3A_249 = arith.constant 4 : i32
          %parallel_loop3A_250 = arith.shrui %parallel_loop3A_248, %parallel_loop3A_249 : i32
          %parallel_loop3A_251 = arith.constant 15 : i32
          %parallel_loop3A_252 = arith.andi %parallel_loop3A_248, %parallel_loop3A_251 : i32
          %parallel_loop3A_253 = arith.constant 16 : i32
          %parallel_loop3A_254 = arith.muli %parallel_loop3A_250, %parallel_loop3A_253 : i32
          %parallel_loop3A_255 = vector.broadcast %parallel_loop3A_254 : i32 to vector<16xi32>
          %parallel_loop3A_256 = arith.addi %iota3A, %parallel_loop3A_255 : vector<16xi32>
          %parallel_loop3A_257 = vector.broadcast %parallel_loop3A_252 : i32 to vector<16xi32>
          %parallel_loop3A_258 = arith.addi %iota3A, %parallel_loop3A_257 : vector<16xi32>
          %parallel_loop3A_259 = arith.constant 15 : i32
          %parallel_loop3A_260 = vector.broadcast %parallel_loop3A_259 : i32 to vector<16xi32>
          %parallel_loop3A_261 = arith.andi %parallel_loop3A_258, %parallel_loop3A_260 : vector<16xi32>
          %parallel_loop3A_262 = arith.constant 0 : i32
          %parallel_loop3A_263 = vector.broadcast %parallel_loop3A_262 : i32 to vector<16xi32>
          %parallel_loop3A_264 = arith.addi %parallel_loop3A_261, %parallel_loop3A_263 : vector<16xi32>
          %parallel_loop3A_265 = tpu.vector_load_idx %arg5[%parallel_loop3A_264, %parallel_loop3A_256] : memref<64x128xf32, #tpu.memory_space<vmem>>[vector<16xi32>, vector<16xi32>], vector<16xf32>,
          tpu.vector_store_idx %arg9[%parallel_loop3A_256, %parallel_loop3A_264], %parallel_loop3A_265 : memref<128x128xf32, #tpu.memory_space<vmem>>[vector<16xi32>, vector<16xi32>], vector<16xf32>,
          %parallel_loop3A_266 = arith.constant 16 : i32
          %parallel_loop3A_267 = vector.broadcast %parallel_loop3A_266 : i32 to vector<16xi32>
          %parallel_loop3A_268 = arith.addi %parallel_loop3A_261, %parallel_loop3A_267 : vector<16xi32>
          %parallel_loop3A_269 = tpu.vector_load_idx %arg5[%parallel_loop3A_268, %parallel_loop3A_256] : memref<64x128xf32, #tpu.memory_space<vmem>>[vector<16xi32>, vector<16xi32>], vector<16xf32>,
          tpu.vector_store_idx %arg9[%parallel_loop3A_256, %parallel_loop3A_268], %parallel_loop3A_269 : memref<128x128xf32, #tpu.memory_space<vmem>>[vector<16xi32>, vector<16xi32>], vector<16xf32>,
          %parallel_loop3A_270 = arith.constant 32 : i32
          %parallel_loop3A_271 = vector.broadcast %parallel_loop3A_270 : i32 to vector<16xi32>
          %parallel_loop3A_272 = arith.addi %parallel_loop3A_261, %parallel_loop3A_271 : vector<16xi32>
          %parallel_loop3A_273 = tpu.vector_load_idx %arg5[%parallel_loop3A_272, %parallel_loop3A_256] : memref<64x128xf32, #tpu.memory_space<vmem>>[vector<16xi32>, vector<16xi32>], vector<16xf32>,
          tpu.vector_store_idx %arg9[%parallel_loop3A_256, %parallel_loop3A_272], %parallel_loop3A_273 : memref<128x128xf32, #tpu.memory_space<vmem>>[vector<16xi32>, vector<16xi32>], vector<16xf32>,
          %parallel_loop3A_274 = arith.constant 48 : i32
          %parallel_loop3A_275 = vector.broadcast %parallel_loop3A_274 : i32 to vector<16xi32>
          %parallel_loop3A_276 = arith.addi %parallel_loop3A_261, %parallel_loop3A_275 : vector<16xi32>
          %parallel_loop3A_277 = tpu.vector_load_idx %arg5[%parallel_loop3A_276, %parallel_loop3A_256] : memref<64x128xf32, #tpu.memory_space<vmem>>[vector<16xi32>, vector<16xi32>], vector<16xf32>,
          tpu.vector_store_idx %arg9[%parallel_loop3A_256, %parallel_loop3A_276], %parallel_loop3A_277 : memref<128x128xf32, #tpu.memory_space<vmem>>[vector<16xi32>, vector<16xi32>], vector<16xf32>,
        } {sc.loop_unroll_factor = 4 : i64, sc.parallel_access}
        %mul3A_237 = arith.constant 32 : i32
        %mul3A_238 = arith.muli %sub3A_113, %mul3A_237 : i32
        %add3A_239 = arith.addi %mul3A_238, %add3A : i32
        %mul3A_240 = arith.constant 128 : i32
        %mul3A_241 = arith.muli %add3A_239, %mul3A_240 : i32
        %min3A_242 = arith.constant 999808 : i32
        %min3A_243 = arith.minsi %mul3A_241, %min3A_242 : i32
        %multiple_of3A_244 = tpu.assume_multiple %min3A_243, 128 : i32
        %dma_start3A = arith.constant 0 : i32
        %dma_start3A_245 = tpu.memref_slice %arg4[%multiple_of3A_244, %dma_start3A] : memref<1000000x128xf32, #tpu.memory_space<hbm>> -> memref<128x128xf32, #tpu.memory_space<hbm>>
        %dma_start3A_246 = arith.constant 0 : i32
        %dma_start3A_247 = tpu.memref_slice %arg4[%multiple_of3A_244, %dma_start3A_246] : memref<1000000x128xf32, #tpu.memory_space<hbm>> -> memref<128x128xf32, #tpu.memory_space<hbm>>
        tpu.enqueue_dma source(%arg9 : memref<128x128xf32, #tpu.memory_space<vmem>>) target(%dma_start3A_247 : memref<128x128xf32, #tpu.memory_space<hbm>>) target_semaphore(%arg18 : memref<!tpu.dma_semaphore, #tpu.memory_space<semaphore_mem>>)
      } else {
      }
    }
    %scan3A_5 = arith.constant 63 : i32
    %add3A_6 = arith.constant 7808 : i32
    %add3A_7 = arith.addi %add3A_6, %add3A : i32
    %mul3A_8 = arith.constant 128 : i32
    %mul3A_9 = arith.muli %add3A_7, %mul3A_8 : i32
    %min3A = arith.constant 999808 : i32
    %min3A_10 = arith.minsi %mul3A_9, %min3A : i32
    %multiple_of3A = tpu.assume_multiple %min3A_10, 128 : i32
    %dma_wait3A = arith.constant 0 : i32
    %dma_wait3A_11 = tpu.memref_slice %arg4[%multiple_of3A, %dma_wait3A] : memref<1000000x128xf32, #tpu.memory_space<hbm>> -> memref<128x128xf32, #tpu.memory_space<hbm>>
    %dma_wait3A_12 = arith.constant 0 : i32
    %dma_wait3A_13 = tpu.memref_slice %arg4[%multiple_of3A, %dma_wait3A_12] : memref<1000000x128xf32, #tpu.memory_space<hbm>> -> memref<128x128xf32, #tpu.memory_space<hbm>>
    tpu.wait_dma2 semaphore(%arg18 : memref<!tpu.dma_semaphore, #tpu.memory_space<semaphore_mem>>) src(%arg9 : memref<128x128xf32, #tpu.memory_space<vmem>>) dst(%dma_wait3A_13 : memref<128x128xf32, #tpu.memory_space<hbm>>)
    %add3A_14 = arith.constant 7840 : i32
    %add3A_15 = arith.addi %add3A_14, %add3A : i32
    %mul3A_16 = arith.constant 128 : i32
    %mul3A_17 = arith.muli %add3A_15, %mul3A_16 : i32
    %min3A_18 = arith.constant 999808 : i32
    %min3A_19 = arith.minsi %mul3A_17, %min3A_18 : i32
    %multiple_of3A_20 = tpu.assume_multiple %min3A_19, 128 : i32
    %dma_wait3A_21 = arith.constant 0 : i32
    %dma_wait3A_22 = tpu.memref_slice %arg4[%multiple_of3A_20, %dma_wait3A_21] : memref<1000000x128xf32, #tpu.memory_space<hbm>> -> memref<128x128xf32, #tpu.memory_space<hbm>>
    %dma_wait3A_23 = arith.constant 0 : i32
    %dma_wait3A_24 = tpu.memref_slice %arg4[%multiple_of3A_20, %dma_wait3A_23] : memref<1000000x128xf32, #tpu.memory_space<hbm>> -> memref<128x128xf32, #tpu.memory_space<hbm>>
    tpu.wait_dma2 semaphore(%arg19 : memref<!tpu.dma_semaphore, #tpu.memory_space<semaphore_mem>>) src(%arg10 : memref<128x128xf32, #tpu.memory_space<vmem>>) dst(%dma_wait3A_24 : memref<128x128xf32, #tpu.memory_space<hbm>>)
    %add3A_25 = arith.constant 7872 : i32
    %add3A_26 = arith.addi %add3A_25, %add3A : i32
    %mul3A_27 = arith.constant 128 : i32
    %mul3A_28 = arith.muli %add3A_26, %mul3A_27 : i32
    %min3A_29 = arith.constant 999808 : i32
    %min3A_30 = arith.minsi %mul3A_28, %min3A_29 : i32
    %multiple_of3A_31 = tpu.assume_multiple %min3A_30, 128 : i32
    %dma_wait3A_32 = arith.constant 0 : i32
    %dma_wait3A_33 = tpu.memref_slice %arg4[%multiple_of3A_31, %dma_wait3A_32] : memref<1000000x128xf32, #tpu.memory_space<hbm>> -> memref<128x128xf32, #tpu.memory_space<hbm>>
    %dma_wait3A_34 = arith.constant 0 : i32
    %dma_wait3A_35 = tpu.memref_slice %arg4[%multiple_of3A_31, %dma_wait3A_34] : memref<1000000x128xf32, #tpu.memory_space<hbm>> -> memref<128x128xf32, #tpu.memory_space<hbm>>
    tpu.wait_dma2 semaphore(%arg20 : memref<!tpu.dma_semaphore, #tpu.memory_space<semaphore_mem>>) src(%arg11 : memref<128x128xf32, #tpu.memory_space<vmem>>) dst(%dma_wait3A_35 : memref<128x128xf32, #tpu.memory_space<hbm>>)
    %add3A_36 = arith.constant 7904 : i32
    %add3A_37 = arith.addi %add3A_36, %add3A : i32
    %mul3A_38 = arith.constant 128 : i32
    %mul3A_39 = arith.muli %add3A_37, %mul3A_38 : i32
    %min3A_40 = arith.constant 999808 : i32
    %min3A_41 = arith.minsi %mul3A_39, %min3A_40 : i32
    %multiple_of3A_42 = tpu.assume_multiple %min3A_41, 128 : i32
    %dma_wait3A_43 = arith.constant 0 : i32
    %dma_wait3A_44 = tpu.memref_slice %arg4[%multiple_of3A_42, %dma_wait3A_43] : memref<1000000x128xf32, #tpu.memory_space<hbm>> -> memref<128x128xf32, #tpu.memory_space<hbm>>
    %dma_wait3A_45 = arith.constant 0 : i32
    %dma_wait3A_46 = tpu.memref_slice %arg4[%multiple_of3A_42, %dma_wait3A_45] : memref<1000000x128xf32, #tpu.memory_space<hbm>> -> memref<128x128xf32, #tpu.memory_space<hbm>>
    tpu.wait_dma2 semaphore(%arg21 : memref<!tpu.dma_semaphore, #tpu.memory_space<semaphore_mem>>) src(%arg12 : memref<128x128xf32, #tpu.memory_space<vmem>>) dst(%dma_wait3A_46 : memref<128x128xf32, #tpu.memory_space<hbm>>)
    %eq3A = arith.constant 0 : i32
    %eq3A_47 = arith.cmpi eq, %add3A, %eq3A : i32
    %convert_element_type3A = arith.extui %eq3A_47 : i1 to i32
    %cond3A = arith.constant 0 : i32
    %cond3A_48 = arith.cmpi ne, %convert_element_type3A, %cond3A : i32
    scf.if %cond3A_48 {
      "tpu.region"() ({
        %run_scoped3A = tpu.sem_alloc : memref<!tpu.dma_semaphore, #tpu.memory_space<semaphore_mem>>
        tpu.enqueue_dma source(%arg3 : memref<64x64xf32, #tpu.memory_space<hbm>>) target(%arg13 : memref<64x64xf32, #tpu.memory_space<vmem>>) target_semaphore(%run_scoped3A : memref<!tpu.dma_semaphore, #tpu.memory_space<semaphore_mem>>)
        tpu.wait_dma2 semaphore(%run_scoped3A : memref<!tpu.dma_semaphore, #tpu.memory_space<semaphore_mem>>) src(%arg3 : memref<64x64xf32, #tpu.memory_space<hbm>>) dst(%arg13 : memref<64x64xf32, #tpu.memory_space<vmem>>)
        tpu.yield
      }) : () -> ()
      %iota3A = tpu.iota {dimensions = array<i32: 0>} : vector<16xi32>
      %add3A_49 = arith.constant 0 : i32
      %add3A_50 = vector.broadcast %add3A_49 : i32 to vector<16xi32>
      %add3A_51 = arith.addi %iota3A, %add3A_50 : vector<16xi32>
      %and3A = arith.constant 15 : i32
      %and3A_52 = vector.broadcast %and3A : i32 to vector<16xi32>
      %and3A_53 = arith.andi %add3A_51, %and3A_52 : vector<16xi32>
      %add3A_54 = arith.constant 1 : i32
      %add3A_55 = vector.broadcast %add3A_54 : i32 to vector<16xi32>
      %add3A_56 = arith.addi %iota3A, %add3A_55 : vector<16xi32>
      %and3A_57 = arith.constant 15 : i32
      %and3A_58 = vector.broadcast %and3A_57 : i32 to vector<16xi32>
      %and3A_59 = arith.andi %add3A_56, %and3A_58 : vector<16xi32>
      %add3A_60 = arith.constant 2 : i32
      %add3A_61 = vector.broadcast %add3A_60 : i32 to vector<16xi32>
      %add3A_62 = arith.addi %iota3A, %add3A_61 : vector<16xi32>
      %and3A_63 = arith.constant 15 : i32
      %and3A_64 = vector.broadcast %and3A_63 : i32 to vector<16xi32>
      %and3A_65 = arith.andi %add3A_62, %and3A_64 : vector<16xi32>
      %add3A_66 = arith.constant 3 : i32
      %add3A_67 = vector.broadcast %add3A_66 : i32 to vector<16xi32>
      %add3A_68 = arith.addi %iota3A, %add3A_67 : vector<16xi32>
      %and3A_69 = arith.constant 15 : i32
      %and3A_70 = vector.broadcast %and3A_69 : i32 to vector<16xi32>
      %and3A_71 = arith.andi %add3A_68, %and3A_70 : vector<16xi32>
      %add3A_72 = arith.constant 4 : i32
      %add3A_73 = vector.broadcast %add3A_72 : i32 to vector<16xi32>
      %add3A_74 = arith.addi %iota3A, %add3A_73 : vector<16xi32>
      %and3A_75 = arith.constant 15 : i32
      %and3A_76 = vector.broadcast %and3A_75 : i32 to vector<16xi32>
      %and3A_77 = arith.andi %add3A_74, %and3A_76 : vector<16xi32>
      %add3A_78 = arith.constant 5 : i32
      %add3A_79 = vector.broadcast %add3A_78 : i32 to vector<16xi32>
      %add3A_80 = arith.addi %iota3A, %add3A_79 : vector<16xi32>
      %and3A_81 = arith.constant 15 : i32
      %and3A_82 = vector.broadcast %and3A_81 : i32 to vector<16xi32>
      %and3A_83 = arith.andi %add3A_80, %and3A_82 : vector<16xi32>
      %add3A_84 = arith.constant 6 : i32
      %add3A_85 = vector.broadcast %add3A_84 : i32 to vector<16xi32>
      %add3A_86 = arith.addi %iota3A, %add3A_85 : vector<16xi32>
      %and3A_87 = arith.constant 15 : i32
      %and3A_88 = vector.broadcast %and3A_87 : i32 to vector<16xi32>
      %and3A_89 = arith.andi %add3A_86, %and3A_88 : vector<16xi32>
      %add3A_90 = arith.constant 7 : i32
      %add3A_91 = vector.broadcast %add3A_90 : i32 to vector<16xi32>
      %add3A_92 = arith.addi %iota3A, %add3A_91 : vector<16xi32>
      %and3A_93 = arith.constant 15 : i32
      %and3A_94 = vector.broadcast %and3A_93 : i32 to vector<16xi32>
      %and3A_95 = arith.andi %add3A_92, %and3A_94 : vector<16xi32>
      %add3A_96 = arith.constant 8 : i32
      %add3A_97 = vector.broadcast %add3A_96 : i32 to vector<16xi32>
      %add3A_98 = arith.addi %iota3A, %add3A_97 : vector<16xi32>
      %and3A_99 = arith.constant 15 : i32
      %and3A_100 = vector.broadcast %and3A_99 : i32 to vector<16xi32>
      %and3A_101 = arith.andi %add3A_98, %and3A_100 : vector<16xi32>
      %add3A_102 = arith.constant 9 : i32
      %add3A_103 = vector.broadcast %add3A_102 : i32 to vector<16xi32>
      %add3A_104 = arith.addi %iota3A, %add3A_103 : vector<16xi32>
      %and3A_105 = arith.constant 15 : i32
      %and3A_106 = vector.broadcast %and3A_105 : i32 to vector<16xi32>
      %and3A_107 = arith.andi %add3A_104, %and3A_106 : vector<16xi32>
      %add3A_108 = arith.constant 10 : i32
      %add3A_109 = vector.broadcast %add3A_108 : i32 to vector<16xi32>
      %add3A_110 = arith.addi %iota3A, %add3A_109 : vector<16xi32>
      %and3A_111 = arith.constant 15 : i32
      %and3A_112 = vector.broadcast %and3A_111 : i32 to vector<16xi32>
      %and3A_113 = arith.andi %add3A_110, %and3A_112 : vector<16xi32>
      %add3A_114 = arith.constant 11 : i32
      %add3A_115 = vector.broadcast %add3A_114 : i32 to vector<16xi32>
      %add3A_116 = arith.addi %iota3A, %add3A_115 : vector<16xi32>
      %and3A_117 = arith.constant 15 : i32
      %and3A_118 = vector.broadcast %and3A_117 : i32 to vector<16xi32>
      %and3A_119 = arith.andi %add3A_116, %and3A_118 : vector<16xi32>
      %add3A_120 = arith.constant 12 : i32
      %add3A_121 = vector.broadcast %add3A_120 : i32 to vector<16xi32>
      %add3A_122 = arith.addi %iota3A, %add3A_121 : vector<16xi32>
      %and3A_123 = arith.constant 15 : i32
      %and3A_124 = vector.broadcast %and3A_123 : i32 to vector<16xi32>
      %and3A_125 = arith.andi %add3A_122, %and3A_124 : vector<16xi32>
      %add3A_126 = arith.constant 13 : i32
      %add3A_127 = vector.broadcast %add3A_126 : i32 to vector<16xi32>
      %add3A_128 = arith.addi %iota3A, %add3A_127 : vector<16xi32>
      %and3A_129 = arith.constant 15 : i32
      %and3A_130 = vector.broadcast %and3A_129 : i32 to vector<16xi32>
      %and3A_131 = arith.andi %add3A_128, %and3A_130 : vector<16xi32>
      %add3A_132 = arith.constant 14 : i32
      %add3A_133 = vector.broadcast %add3A_132 : i32 to vector<16xi32>
      %add3A_134 = arith.addi %iota3A, %add3A_133 : vector<16xi32>
      %and3A_135 = arith.constant 15 : i32
      %and3A_136 = vector.broadcast %and3A_135 : i32 to vector<16xi32>
      %and3A_137 = arith.andi %add3A_134, %and3A_136 : vector<16xi32>
      %add3A_138 = arith.constant 15 : i32
      %add3A_139 = vector.broadcast %add3A_138 : i32 to vector<16xi32>
      %add3A_140 = arith.addi %iota3A, %add3A_139 : vector<16xi32>
      %and3A_141 = arith.constant 15 : i32
      %and3A_142 = vector.broadcast %and3A_141 : i32 to vector<16xi32>
      %and3A_143 = arith.andi %add3A_140, %and3A_142 : vector<16xi32>
      %parallel_loop3A = arith.constant 0 : i32
      %parallel_loop3A_144 = arith.constant 64 : i32
      %parallel_loop3A_145 = arith.constant 1 : i32
      scf.for %parallel_loop3A_146 = %parallel_loop3A to %parallel_loop3A_144 step %parallel_loop3A_145  : i32 {
        %parallel_loop3A_147 = arith.constant 4 : i32
        %parallel_loop3A_148 = arith.shrui %parallel_loop3A_146, %parallel_loop3A_147 : i32
        %parallel_loop3A_149 = arith.constant 15 : i32
        %parallel_loop3A_150 = arith.andi %parallel_loop3A_146, %parallel_loop3A_149 : i32
        %parallel_loop3A_151 = arith.constant 16 : i32
        %parallel_loop3A_152 = arith.muli %parallel_loop3A_148, %parallel_loop3A_151 : i32
        %parallel_loop3A_153 = vector.broadcast %parallel_loop3A_152 : i32 to vector<16xi32>
        %parallel_loop3A_154 = arith.addi %iota3A, %parallel_loop3A_153 : vector<16xi32>
        %parallel_loop3A_155 = vector.broadcast %parallel_loop3A_150 : i32 to vector<16xi32>
        %parallel_loop3A_156 = arith.addi %iota3A, %parallel_loop3A_155 : vector<16xi32>
        %parallel_loop3A_157 = arith.constant 15 : i32
        %parallel_loop3A_158 = vector.broadcast %parallel_loop3A_157 : i32 to vector<16xi32>
        %parallel_loop3A_159 = arith.andi %parallel_loop3A_156, %parallel_loop3A_158 : vector<16xi32>
        %parallel_loop3A_160 = arith.constant 0 : i32
        %parallel_loop3A_161 = vector.broadcast %parallel_loop3A_160 : i32 to vector<16xi32>
        %parallel_loop3A_162 = arith.addi %parallel_loop3A_159, %parallel_loop3A_161 : vector<16xi32>
        %parallel_loop3A_163 = tpu.vector_load_idx %arg13[%parallel_loop3A_162, %parallel_loop3A_154] : memref<64x64xf32, #tpu.memory_space<vmem>>[vector<16xi32>, vector<16xi32>], vector<16xf32>,
        tpu.vector_store_idx %arg9[%parallel_loop3A_154, %parallel_loop3A_162], %parallel_loop3A_163 : memref<128x128xf32, #tpu.memory_space<vmem>>[vector<16xi32>, vector<16xi32>], vector<16xf32>,
        %parallel_loop3A_164 = arith.constant 16 : i32
        %parallel_loop3A_165 = vector.broadcast %parallel_loop3A_164 : i32 to vector<16xi32>
        %parallel_loop3A_166 = arith.addi %parallel_loop3A_159, %parallel_loop3A_165 : vector<16xi32>
        %parallel_loop3A_167 = tpu.vector_load_idx %arg13[%parallel_loop3A_166, %parallel_loop3A_154] : memref<64x64xf32, #tpu.memory_space<vmem>>[vector<16xi32>, vector<16xi32>], vector<16xf32>,
        tpu.vector_store_idx %arg9[%parallel_loop3A_154, %parallel_loop3A_166], %parallel_loop3A_167 : memref<128x128xf32, #tpu.memory_space<vmem>>[vector<16xi32>, vector<16xi32>], vector<16xf32>,
        %parallel_loop3A_168 = arith.constant 32 : i32
        %parallel_loop3A_169 = vector.broadcast %parallel_loop3A_168 : i32 to vector<16xi32>
        %parallel_loop3A_170 = arith.addi %parallel_loop3A_159, %parallel_loop3A_169 : vector<16xi32>
        %parallel_loop3A_171 = tpu.vector_load_idx %arg13[%parallel_loop3A_170, %parallel_loop3A_154] : memref<64x64xf32, #tpu.memory_space<vmem>>[vector<16xi32>, vector<16xi32>], vector<16xf32>,
        tpu.vector_store_idx %arg9[%parallel_loop3A_154, %parallel_loop3A_170], %parallel_loop3A_171 : memref<128x128xf32, #tpu.memory_space<vmem>>[vector<16xi32>, vector<16xi32>], vector<16xf32>,
        %parallel_loop3A_172 = arith.constant 48 : i32
        %parallel_loop3A_173 = vector.broadcast %parallel_loop3A_172 : i32 to vector<16xi32>
        %parallel_loop3A_174 = arith.addi %parallel_loop3A_159, %parallel_loop3A_173 : vector<16xi32>
        %parallel_loop3A_175 = tpu.vector_load_idx %arg13[%parallel_loop3A_174, %parallel_loop3A_154] : memref<64x64xf32, #tpu.memory_space<vmem>>[vector<16xi32>, vector<16xi32>], vector<16xf32>,
        tpu.vector_store_idx %arg9[%parallel_loop3A_154, %parallel_loop3A_174], %parallel_loop3A_175 : memref<128x128xf32, #tpu.memory_space<vmem>>[vector<16xi32>, vector<16xi32>], vector<16xf32>,
      } {sc.loop_unroll_factor = 4 : i64, sc.parallel_access}
      "tpu.region"() ({
        %run_scoped3A = tpu.sem_alloc : memref<!tpu.dma_semaphore, #tpu.memory_space<semaphore_mem>>
        %dma_start3A = arith.constant 0 : i32
        %dma_start3A_146 = arith.constant 0 : i32
        %dma_start3A_147 = tpu.memref_slice %arg9[%dma_start3A, %dma_start3A_146] : memref<128x128xf32, #tpu.memory_space<vmem>> -> memref<64x128xf32, #tpu.memory_space<vmem>>
        %dma_start3A_148 = arith.constant 999936 : i32
        %dma_start3A_149 = arith.constant 0 : i32
        %dma_start3A_150 = tpu.memref_slice %arg4[%dma_start3A_148, %dma_start3A_149] : memref<1000000x128xf32, #tpu.memory_space<hbm>> -> memref<64x128xf32, #tpu.memory_space<hbm>>
        %dma_start3A_151 = arith.constant 999936 : i32
        %dma_start3A_152 = arith.constant 0 : i32
        %dma_start3A_153 = tpu.memref_slice %arg4[%dma_start3A_151, %dma_start3A_152] : memref<1000000x128xf32, #tpu.memory_space<hbm>> -> memref<64x128xf32, #tpu.memory_space<hbm>>
        %dma_start3A_154 = arith.constant 0 : i32
        %dma_start3A_155 = arith.constant 0 : i32
        %dma_start3A_156 = tpu.memref_slice %arg9[%dma_start3A_154, %dma_start3A_155] : memref<128x128xf32, #tpu.memory_space<vmem>> -> memref<64x128xf32, #tpu.memory_space<vmem>>
        tpu.enqueue_dma source(%dma_start3A_156 : memref<64x128xf32, #tpu.memory_space<vmem>>) target(%dma_start3A_153 : memref<64x128xf32, #tpu.memory_space<hbm>>) target_semaphore(%run_scoped3A : memref<!tpu.dma_semaphore, #tpu.memory_space<semaphore_mem>>)
        %dma_wait3A_157 = arith.constant 0 : i32
        %dma_wait3A_158 = arith.constant 0 : i32
        %dma_wait3A_159 = tpu.memref_slice %arg9[%dma_wait3A_157, %dma_wait3A_158] : memref<128x128xf32, #tpu.memory_space<vmem>> -> memref<64x128xf32, #tpu.memory_space<vmem>>
        %dma_wait3A_160 = arith.constant 999936 : i32
        %dma_wait3A_161 = arith.constant 0 : i32
        %dma_wait3A_162 = tpu.memref_slice %arg4[%dma_wait3A_160, %dma_wait3A_161] : memref<1000000x128xf32, #tpu.memory_space<hbm>> -> memref<64x128xf32, #tpu.memory_space<hbm>>
        %dma_wait3A_163 = arith.constant 999936 : i32
        %dma_wait3A_164 = arith.constant 0 : i32
        %dma_wait3A_165 = tpu.memref_slice %arg4[%dma_wait3A_163, %dma_wait3A_164] : memref<1000000x128xf32, #tpu.memory_space<hbm>> -> memref<64x128xf32, #tpu.memory_space<hbm>>
        %dma_wait3A_166 = arith.constant 0 : i32
        %dma_wait3A_167 = arith.constant 0 : i32
        %dma_wait3A_168 = tpu.memref_slice %arg9[%dma_wait3A_166, %dma_wait3A_167] : memref<128x128xf32, #tpu.memory_space<vmem>> -> memref<64x128xf32, #tpu.memory_space<vmem>>
        tpu.wait_dma2 semaphore(%run_scoped3A : memref<!tpu.dma_semaphore, #tpu.memory_space<semaphore_mem>>) src(%dma_wait3A_168 : memref<64x128xf32, #tpu.memory_space<vmem>>) dst(%dma_wait3A_165 : memref<64x128xf32, #tpu.memory_space<hbm>>)
        tpu.yield
      }) : () -> ()
    } else {
    }
    return
  }
}

#map = affine_map<(d0, d1) -> (0, 0)>
#map1 = affine_map<(d0, d1) -> (0, 0, 0, 0)>
module attributes {stable_mosaic.version = 14 : i64} {
  func.func @_b_body(%arg0: i32, %arg1: i32, %arg2: memref<6400x128xi32, #tpu.memory_space<hbm>>, %arg3: memref<2000000x64xf32, #tpu.memory_space<hbm>>, %arg4: memref<200x8x32x1024xf32, #tpu.memory_space<hbm>>, %arg5: memref<200x128xi32, #tpu.memory_space<vmem>>, %arg6: memref<128xi32, #tpu.memory_space<vmem>>, %arg7: memref<128xi32, #tpu.memory_space<vmem>>, %arg8: memref<128xi32, #tpu.memory_space<vmem>>, %arg9: memref<128xi32, #tpu.memory_space<vmem>>, %arg10: memref<128x64xf32, #tpu.memory_space<vmem>>, %arg11: memref<128x64xf32, #tpu.memory_space<vmem>>, %arg12: memref<128x64xf32, #tpu.memory_space<vmem>>, %arg13: memref<128x64xf32, #tpu.memory_space<vmem>>, %arg14: memref<8192xf32, #tpu.memory_space<vmem>>, %arg15: memref<8192xf32, #tpu.memory_space<vmem>>, %arg16: memref<!tpu.dma_semaphore, #tpu.memory_space<semaphore_mem>>, %arg17: memref<!tpu.dma_semaphore, #tpu.memory_space<semaphore_mem>>, %arg18: memref<!tpu.dma_semaphore, #tpu.memory_space<semaphore_mem>>, %arg19: memref<!tpu.dma_semaphore, #tpu.memory_space<semaphore_mem>>, %arg20: memref<!tpu.dma_semaphore, #tpu.memory_space<semaphore_mem>>, %arg21: memref<!tpu.dma_semaphore, #tpu.memory_space<semaphore_mem>>) attributes {dimension_semantics = [#tpu.dimension_semantics<core_parallel>, #tpu.dimension_semantics<subcore_parallel>], iteration_bounds = array<i64: 2, 16>, scalar_prefetch = 0 : i64, scratch_operands = 17 : i64, tpu.core_type = #tpu.core_type<sc_vector_subcore>, window_params = [{transform_indices = #map}, {transform_indices = #map}, {transform_indices = #map1}]} {
    %mul3A = arith.constant 2 : i32
    %mul3A_0 = arith.muli %arg1, %mul3A : i32
    %add3A = arith.addi %mul3A_0, %arg0 : i32
    %mul3A_1 = arith.constant 200 : i32
    %mul3A_2 = arith.muli %add3A, %mul3A_1 : i32
    "tpu.region"() ({
      %run_scoped3A = tpu.sem_alloc : memref<!tpu.dma_semaphore, #tpu.memory_space<semaphore_mem>>
      %dma_start3A = arith.constant 0 : i32
      %dma_start3A_254 = tpu.memref_slice %arg2[%mul3A_2, %dma_start3A] : memref<6400x128xi32, #tpu.memory_space<hbm>> -> memref<200x128xi32, #tpu.memory_space<hbm>>
      %dma_start3A_255 = arith.constant 0 : i32
      %dma_start3A_256 = tpu.memref_slice %arg2[%mul3A_2, %dma_start3A_255] : memref<6400x128xi32, #tpu.memory_space<hbm>> -> memref<200x128xi32, #tpu.memory_space<hbm>>
      tpu.enqueue_dma source(%dma_start3A_256 : memref<200x128xi32, #tpu.memory_space<hbm>>) target(%arg5 : memref<200x128xi32, #tpu.memory_space<vmem>>) target_semaphore(%run_scoped3A : memref<!tpu.dma_semaphore, #tpu.memory_space<semaphore_mem>>)
      %dma_wait3A_257 = arith.constant 0 : i32
      %dma_wait3A_258 = tpu.memref_slice %arg2[%mul3A_2, %dma_wait3A_257] : memref<6400x128xi32, #tpu.memory_space<hbm>> -> memref<200x128xi32, #tpu.memory_space<hbm>>
      %dma_wait3A_259 = arith.constant 0 : i32
      %dma_wait3A_260 = tpu.memref_slice %arg2[%mul3A_2, %dma_wait3A_259] : memref<6400x128xi32, #tpu.memory_space<hbm>> -> memref<200x128xi32, #tpu.memory_space<hbm>>
      tpu.wait_dma2 semaphore(%run_scoped3A : memref<!tpu.dma_semaphore, #tpu.memory_space<semaphore_mem>>) src(%dma_wait3A_260 : memref<200x128xi32, #tpu.memory_space<hbm>>) dst(%arg5 : memref<200x128xi32, #tpu.memory_space<vmem>>)
      tpu.yield
    }) : () -> ()
    %iota3A = tpu.iota {dimensions = array<i32: 0>} : vector<16xi32>
    %mul3A_3 = arith.constant 200 : i32
    %mul3A_4 = vector.broadcast %mul3A_3 : i32 to vector<16xi32>
    %mul3A_5 = arith.muli %iota3A, %mul3A_4 : vector<16xi32>
    %add3A_6 = arith.constant 0 : i32
    %add3A_7 = vector.broadcast %add3A_6 : i32 to vector<16xi32>
    %add3A_8 = arith.addi %mul3A_5, %add3A_7 : vector<16xi32>
    %iota3A_9 = tpu.iota {dimensions = array<i32: 0>} : vector<16xi32>
    %mul3A_10 = arith.constant 200 : i32
    %mul3A_11 = vector.broadcast %mul3A_10 : i32 to vector<16xi32>
    %mul3A_12 = arith.muli %iota3A_9, %mul3A_11 : vector<16xi32>
    %add3A_13 = arith.constant 3200 : i32
    %add3A_14 = vector.broadcast %add3A_13 : i32 to vector<16xi32>
    %add3A_15 = arith.addi %mul3A_12, %add3A_14 : vector<16xi32>
    %iota3A_16 = tpu.iota {dimensions = array<i32: 0>} : vector<16xi32>
    %mul3A_17 = arith.constant 200 : i32
    %mul3A_18 = vector.broadcast %mul3A_17 : i32 to vector<16xi32>
    %mul3A_19 = arith.muli %iota3A_16, %mul3A_18 : vector<16xi32>
    %add3A_20 = arith.constant 6400 : i32
    %add3A_21 = vector.broadcast %add3A_20 : i32 to vector<16xi32>
    %add3A_22 = arith.addi %mul3A_19, %add3A_21 : vector<16xi32>
    %iota3A_23 = tpu.iota {dimensions = array<i32: 0>} : vector<16xi32>
    %mul3A_24 = arith.constant 200 : i32
    %mul3A_25 = vector.broadcast %mul3A_24 : i32 to vector<16xi32>
    %mul3A_26 = arith.muli %iota3A_23, %mul3A_25 : vector<16xi32>
    %add3A_27 = arith.constant 9600 : i32
    %add3A_28 = vector.broadcast %add3A_27 : i32 to vector<16xi32>
    %add3A_29 = arith.addi %mul3A_26, %add3A_28 : vector<16xi32>
    %iota3A_30 = tpu.iota {dimensions = array<i32: 0>} : vector<16xi32>
    %mul3A_31 = arith.constant 200 : i32
    %mul3A_32 = vector.broadcast %mul3A_31 : i32 to vector<16xi32>
    %mul3A_33 = arith.muli %iota3A_30, %mul3A_32 : vector<16xi32>
    %add3A_34 = arith.constant 12800 : i32
    %add3A_35 = vector.broadcast %add3A_34 : i32 to vector<16xi32>
    %add3A_36 = arith.addi %mul3A_33, %add3A_35 : vector<16xi32>
    %iota3A_37 = tpu.iota {dimensions = array<i32: 0>} : vector<16xi32>
    %mul3A_38 = arith.constant 200 : i32
    %mul3A_39 = vector.broadcast %mul3A_38 : i32 to vector<16xi32>
    %mul3A_40 = arith.muli %iota3A_37, %mul3A_39 : vector<16xi32>
    %add3A_41 = arith.constant 16000 : i32
    %add3A_42 = vector.broadcast %add3A_41 : i32 to vector<16xi32>
    %add3A_43 = arith.addi %mul3A_40, %add3A_42 : vector<16xi32>
    %iota3A_44 = tpu.iota {dimensions = array<i32: 0>} : vector<16xi32>
    %mul3A_45 = arith.constant 200 : i32
    %mul3A_46 = vector.broadcast %mul3A_45 : i32 to vector<16xi32>
    %mul3A_47 = arith.muli %iota3A_44, %mul3A_46 : vector<16xi32>
    %add3A_48 = arith.constant 19200 : i32
    %add3A_49 = vector.broadcast %add3A_48 : i32 to vector<16xi32>
    %add3A_50 = arith.addi %mul3A_47, %add3A_49 : vector<16xi32>
    %iota3A_51 = tpu.iota {dimensions = array<i32: 0>} : vector<16xi32>
    %mul3A_52 = arith.constant 200 : i32
    %mul3A_53 = vector.broadcast %mul3A_52 : i32 to vector<16xi32>
    %mul3A_54 = arith.muli %iota3A_51, %mul3A_53 : vector<16xi32>
    %add3A_55 = arith.constant 22400 : i32
    %add3A_56 = vector.broadcast %add3A_55 : i32 to vector<16xi32>
    %add3A_57 = arith.addi %mul3A_54, %add3A_56 : vector<16xi32>
    %scan3A = arith.constant 0 : i32
    %scan3A_58 = arith.constant 0 : i32
    %scan3A_59 = arith.constant 51 : i32
    %scan3A_60 = arith.addi %scan3A_58, %scan3A_59 : i32
    %scan3A_61 = arith.constant 1 : i32
    scf.for %scan3A_254 = %scan3A_58 to %scan3A_60 step %scan3A_61  : i32 {
      %mul3A_255 = arith.constant 4 : i32
      %mul3A_256 = arith.muli %mul3A_255, %scan3A_254 : i32
      %add3A_257 = arith.constant 0 : i32
      %add3A_258 = arith.addi %mul3A_256, %add3A_257 : i32
      %lt3A = arith.constant 200 : i32
      %lt3A_259 = arith.cmpi slt, %add3A_258, %lt3A : i32
      %convert_element_type3A = arith.extui %lt3A_259 : i1 to i32
      %cond3A = arith.constant 0 : i32
      %cond3A_260 = arith.cmpi ne, %convert_element_type3A, %cond3A : i32
      scf.if %cond3A_260 {
        %add3A_325 = vector.broadcast %add3A_258 : i32 to vector<16xi32>
        %add3A_326 = arith.addi %add3A_8, %add3A_325 : vector<16xi32>
        %shift_right_logical3A = arith.constant 7 : i32
        %shift_right_logical3A_327 = vector.broadcast %shift_right_logical3A : i32 to vector<16xi32>
        %shift_right_logical3A_328 = arith.shrui %add3A_326, %shift_right_logical3A_327 : vector<16xi32>
        %and3A_329 = arith.constant 127 : i32
        %and3A_330 = vector.broadcast %and3A_329 : i32 to vector<16xi32>
        %and3A_331 = arith.andi %add3A_326, %and3A_330 : vector<16xi32>
        %gather3A = tpu.vector_load_idx %arg5[%shift_right_logical3A_328, %and3A_331] : memref<200x128xi32, #tpu.memory_space<vmem>>[vector<16xi32>, vector<16xi32>], vector<16xi32>,
        %swap3A = arith.constant 0 : index
        %swap3A_332 = tpu.vector_load %arg6[%swap3A] {strides = array<i32>} : memref<128xi32, #tpu.memory_space<vmem>>, vector<16xi32>,
        tpu.vector_store %arg6[%swap3A], %gather3A {strides = array<i32>} : memref<128xi32, #tpu.memory_space<vmem>>, vector<16xi32>,
        %add3A_333 = vector.broadcast %add3A_258 : i32 to vector<16xi32>
        %add3A_334 = arith.addi %add3A_15, %add3A_333 : vector<16xi32>
        %shift_right_logical3A_335 = arith.constant 7 : i32
        %shift_right_logical3A_336 = vector.broadcast %shift_right_logical3A_335 : i32 to vector<16xi32>
        %shift_right_logical3A_337 = arith.shrui %add3A_334, %shift_right_logical3A_336 : vector<16xi32>
        %and3A_338 = arith.constant 127 : i32
        %and3A_339 = vector.broadcast %and3A_338 : i32 to vector<16xi32>
        %and3A_340 = arith.andi %add3A_334, %and3A_339 : vector<16xi32>
        %gather3A_341 = tpu.vector_load_idx %arg5[%shift_right_logical3A_337, %and3A_340] : memref<200x128xi32, #tpu.memory_space<vmem>>[vector<16xi32>, vector<16xi32>], vector<16xi32>,
        %swap3A_342 = arith.constant 16 : index
        %swap3A_343 = tpu.vector_load %arg6[%swap3A_342] {strides = array<i32>} : memref<128xi32, #tpu.memory_space<vmem>>, vector<16xi32>,
        tpu.vector_store %arg6[%swap3A_342], %gather3A_341 {strides = array<i32>} : memref<128xi32, #tpu.memory_space<vmem>>, vector<16xi32>,
        %add3A_344 = vector.broadcast %add3A_258 : i32 to vector<16xi32>
        %add3A_345 = arith.addi %add3A_22, %add3A_344 : vector<16xi32>
        %shift_right_logical3A_346 = arith.constant 7 : i32
        %shift_right_logical3A_347 = vector.broadcast %shift_right_logical3A_346 : i32 to vector<16xi32>
        %shift_right_logical3A_348 = arith.shrui %add3A_345, %shift_right_logical3A_347 : vector<16xi32>
        %and3A_349 = arith.constant 127 : i32
        %and3A_350 = vector.broadcast %and3A_349 : i32 to vector<16xi32>
        %and3A_351 = arith.andi %add3A_345, %and3A_350 : vector<16xi32>
        %gather3A_352 = tpu.vector_load_idx %arg5[%shift_right_logical3A_348, %and3A_351] : memref<200x128xi32, #tpu.memory_space<vmem>>[vector<16xi32>, vector<16xi32>], vector<16xi32>,
        %swap3A_353 = arith.constant 32 : index
        %swap3A_354 = tpu.vector_load %arg6[%swap3A_353] {strides = array<i32>} : memref<128xi32, #tpu.memory_space<vmem>>, vector<16xi32>,
        tpu.vector_store %arg6[%swap3A_353], %gather3A_352 {strides = array<i32>} : memref<128xi32, #tpu.memory_space<vmem>>, vector<16xi32>,
        %add3A_355 = vector.broadcast %add3A_258 : i32 to vector<16xi32>
        %add3A_356 = arith.addi %add3A_29, %add3A_355 : vector<16xi32>
        %shift_right_logical3A_357 = arith.constant 7 : i32
        %shift_right_logical3A_358 = vector.broadcast %shift_right_logical3A_357 : i32 to vector<16xi32>
        %shift_right_logical3A_359 = arith.shrui %add3A_356, %shift_right_logical3A_358 : vector<16xi32>
        %and3A_360 = arith.constant 127 : i32
        %and3A_361 = vector.broadcast %and3A_360 : i32 to vector<16xi32>
        %and3A_362 = arith.andi %add3A_356, %and3A_361 : vector<16xi32>
        %gather3A_363 = tpu.vector_load_idx %arg5[%shift_right_logical3A_359, %and3A_362] : memref<200x128xi32, #tpu.memory_space<vmem>>[vector<16xi32>, vector<16xi32>], vector<16xi32>,
        %swap3A_364 = arith.constant 48 : index
        %swap3A_365 = tpu.vector_load %arg6[%swap3A_364] {strides = array<i32>} : memref<128xi32, #tpu.memory_space<vmem>>, vector<16xi32>,
        tpu.vector_store %arg6[%swap3A_364], %gather3A_363 {strides = array<i32>} : memref<128xi32, #tpu.memory_space<vmem>>, vector<16xi32>,
        %add3A_366 = vector.broadcast %add3A_258 : i32 to vector<16xi32>
        %add3A_367 = arith.addi %add3A_36, %add3A_366 : vector<16xi32>
        %shift_right_logical3A_368 = arith.constant 7 : i32
        %shift_right_logical3A_369 = vector.broadcast %shift_right_logical3A_368 : i32 to vector<16xi32>
        %shift_right_logical3A_370 = arith.shrui %add3A_367, %shift_right_logical3A_369 : vector<16xi32>
        %and3A_371 = arith.constant 127 : i32
        %and3A_372 = vector.broadcast %and3A_371 : i32 to vector<16xi32>
        %and3A_373 = arith.andi %add3A_367, %and3A_372 : vector<16xi32>
        %gather3A_374 = tpu.vector_load_idx %arg5[%shift_right_logical3A_370, %and3A_373] : memref<200x128xi32, #tpu.memory_space<vmem>>[vector<16xi32>, vector<16xi32>], vector<16xi32>,
        %swap3A_375 = arith.constant 64 : index
        %swap3A_376 = tpu.vector_load %arg6[%swap3A_375] {strides = array<i32>} : memref<128xi32, #tpu.memory_space<vmem>>, vector<16xi32>,
        tpu.vector_store %arg6[%swap3A_375], %gather3A_374 {strides = array<i32>} : memref<128xi32, #tpu.memory_space<vmem>>, vector<16xi32>,
        %add3A_377 = vector.broadcast %add3A_258 : i32 to vector<16xi32>
        %add3A_378 = arith.addi %add3A_43, %add3A_377 : vector<16xi32>
        %shift_right_logical3A_379 = arith.constant 7 : i32
        %shift_right_logical3A_380 = vector.broadcast %shift_right_logical3A_379 : i32 to vector<16xi32>
        %shift_right_logical3A_381 = arith.shrui %add3A_378, %shift_right_logical3A_380 : vector<16xi32>
        %and3A_382 = arith.constant 127 : i32
        %and3A_383 = vector.broadcast %and3A_382 : i32 to vector<16xi32>
        %and3A_384 = arith.andi %add3A_378, %and3A_383 : vector<16xi32>
        %gather3A_385 = tpu.vector_load_idx %arg5[%shift_right_logical3A_381, %and3A_384] : memref<200x128xi32, #tpu.memory_space<vmem>>[vector<16xi32>, vector<16xi32>], vector<16xi32>,
        %swap3A_386 = arith.constant 80 : index
        %swap3A_387 = tpu.vector_load %arg6[%swap3A_386] {strides = array<i32>} : memref<128xi32, #tpu.memory_space<vmem>>, vector<16xi32>,
        tpu.vector_store %arg6[%swap3A_386], %gather3A_385 {strides = array<i32>} : memref<128xi32, #tpu.memory_space<vmem>>, vector<16xi32>,
        %add3A_388 = vector.broadcast %add3A_258 : i32 to vector<16xi32>
        %add3A_389 = arith.addi %add3A_50, %add3A_388 : vector<16xi32>
        %shift_right_logical3A_390 = arith.constant 7 : i32
        %shift_right_logical3A_391 = vector.broadcast %shift_right_logical3A_390 : i32 to vector<16xi32>
        %shift_right_logical3A_392 = arith.shrui %add3A_389, %shift_right_logical3A_391 : vector<16xi32>
        %and3A_393 = arith.constant 127 : i32
        %and3A_394 = vector.broadcast %and3A_393 : i32 to vector<16xi32>
        %and3A_395 = arith.andi %add3A_389, %and3A_394 : vector<16xi32>
        %gather3A_396 = tpu.vector_load_idx %arg5[%shift_right_logical3A_392, %and3A_395] : memref<200x128xi32, #tpu.memory_space<vmem>>[vector<16xi32>, vector<16xi32>], vector<16xi32>,
        %swap3A_397 = arith.constant 96 : index
        %swap3A_398 = tpu.vector_load %arg6[%swap3A_397] {strides = array<i32>} : memref<128xi32, #tpu.memory_space<vmem>>, vector<16xi32>,
        tpu.vector_store %arg6[%swap3A_397], %gather3A_396 {strides = array<i32>} : memref<128xi32, #tpu.memory_space<vmem>>, vector<16xi32>,
        %add3A_399 = vector.broadcast %add3A_258 : i32 to vector<16xi32>
        %add3A_400 = arith.addi %add3A_57, %add3A_399 : vector<16xi32>
        %shift_right_logical3A_401 = arith.constant 7 : i32
        %shift_right_logical3A_402 = vector.broadcast %shift_right_logical3A_401 : i32 to vector<16xi32>
        %shift_right_logical3A_403 = arith.shrui %add3A_400, %shift_right_logical3A_402 : vector<16xi32>
        %and3A_404 = arith.constant 127 : i32
        %and3A_405 = vector.broadcast %and3A_404 : i32 to vector<16xi32>
        %and3A_406 = arith.andi %add3A_400, %and3A_405 : vector<16xi32>
        %gather3A_407 = tpu.vector_load_idx %arg5[%shift_right_logical3A_403, %and3A_406] : memref<200x128xi32, #tpu.memory_space<vmem>>[vector<16xi32>, vector<16xi32>], vector<16xi32>,
        %swap3A_408 = arith.constant 112 : index
        %swap3A_409 = tpu.vector_load %arg6[%swap3A_408] {strides = array<i32>} : memref<128xi32, #tpu.memory_space<vmem>>, vector<16xi32>,
        tpu.vector_store %arg6[%swap3A_408], %gather3A_407 {strides = array<i32>} : memref<128xi32, #tpu.memory_space<vmem>>, vector<16xi32>,
        %dma_start3A = arith.constant 0 : i32
        %dma_start3A_410 = arith.constant 0 : i32
        %dma_start3A_411 = tpu.memref_slice %arg3[%dma_start3A, %dma_start3A_410] : memref<2000000x64xf32, #tpu.memory_space<hbm>> -> memref<2000000x64xf32, #tpu.memory_space<hbm>>
        tpu.enqueue_indirect_dma source(%dma_start3A_411 : memref<2000000x64xf32, #tpu.memory_space<hbm>>) target(%arg10 : memref<128x64xf32, #tpu.memory_space<vmem>>) offsets(%arg6 : memref<128xi32, #tpu.memory_space<vmem>>) semaphore(%arg16 : memref<!tpu.dma_semaphore, #tpu.memory_space<semaphore_mem>>)
      } else {
      }
      %sub3A = arith.constant 3 : i32
      %sub3A_261 = arith.subi %add3A_258, %sub3A : i32
      %ge3A = arith.constant 0 : i32
      %ge3A_262 = arith.cmpi sge, %sub3A_261, %ge3A : i32
      %lt3A_263 = arith.constant 200 : i32
      %lt3A_264 = arith.cmpi slt, %sub3A_261, %lt3A_263 : i32
      %and3A = arith.andi %ge3A_262, %lt3A_264 : i1
      %convert_element_type3A_265 = arith.extui %and3A : i1 to i32
      %cond3A_266 = arith.constant 0 : i32
      %cond3A_267 = arith.cmpi ne, %convert_element_type3A_265, %cond3A_266 : i32
      scf.if %cond3A_267 {
        %dma_wait3A_325 = arith.constant 0 : i32
        %dma_wait3A_326 = arith.constant 0 : i32
        %dma_wait3A_327 = tpu.memref_slice %arg3[%dma_wait3A_325, %dma_wait3A_326] : memref<2000000x64xf32, #tpu.memory_space<hbm>> -> memref<2000000x64xf32, #tpu.memory_space<hbm>>
        tpu.wait_indirect_dma semaphore(%arg17 : memref<!tpu.dma_semaphore, #tpu.memory_space<semaphore_mem>>) src(%dma_wait3A_327 : memref<2000000x64xf32, #tpu.memory_space<hbm>>) dst(%arg11 : memref<128x64xf32, #tpu.memory_space<vmem>>)
        %ge3A_328 = arith.constant 2 : i32
        %ge3A_329 = arith.cmpi sge, %sub3A_261, %ge3A_328 : i32
        %convert_element_type3A_330 = arith.extui %ge3A_329 : i1 to i32
        %cond3A_331 = arith.constant 0 : i32
        %cond3A_332 = arith.cmpi ne, %convert_element_type3A_330, %cond3A_331 : i32
        scf.if %cond3A_332 {
          %sub3A_519 = arith.constant 2 : i32
          %sub3A_520 = arith.subi %sub3A_261, %sub3A_519 : i32
          %dma_wait3A_521 = arith.constant 0 : i32
          %dma_wait3A_522 = arith.constant 0 : i32
          %dma_wait3A_523 = tpu.memref_slice %arg15[%dma_wait3A_522] : memref<8192xf32, #tpu.memory_space<vmem>> -> memref<1024xf32, #tpu.memory_space<vmem>>
          %dma_wait3A_524 = arith.constant 0 : i32
          %dma_wait3A_525 = tpu.memref_slice %arg4[%sub3A_520, %dma_wait3A_521, %add3A, %dma_wait3A_524] : memref<200x8x32x1024xf32, #tpu.memory_space<hbm>> -> memref<1x1x1x1024xf32, #tpu.memory_space<hbm>>
          %dma_wait3A_526 = tpu.memref_squeeze %dma_wait3A_525 : memref<1x1x1x1024xf32, #tpu.memory_space<hbm>> -> memref<1024xf32, #tpu.memory_space<hbm>>
          %dma_wait3A_527 = arith.constant 0 : i32
          %dma_wait3A_528 = tpu.memref_slice %arg4[%sub3A_520, %dma_wait3A_521, %add3A, %dma_wait3A_527] : memref<200x8x32x1024xf32, #tpu.memory_space<hbm>> -> memref<1x1x1x1024xf32, #tpu.memory_space<hbm>>
          %dma_wait3A_529 = tpu.memref_squeeze %dma_wait3A_528 : memref<1x1x1x1024xf32, #tpu.memory_space<hbm>> -> memref<1024xf32, #tpu.memory_space<hbm>>
          %dma_wait3A_530 = arith.constant 0 : i32
          %dma_wait3A_531 = tpu.memref_slice %arg15[%dma_wait3A_530] : memref<8192xf32, #tpu.memory_space<vmem>> -> memref<1024xf32, #tpu.memory_space<vmem>>
          tpu.wait_dma2 semaphore(%arg21 : memref<!tpu.dma_semaphore, #tpu.memory_space<semaphore_mem>>) src(%dma_wait3A_531 : memref<1024xf32, #tpu.memory_space<vmem>>) dst(%dma_wait3A_529 : memref<1024xf32, #tpu.memory_space<hbm>>)
          %dma_wait3A_532 = arith.constant 1 : i32
          %dma_wait3A_533 = arith.constant 1024 : i32
          %dma_wait3A_534 = tpu.memref_slice %arg15[%dma_wait3A_533] : memref<8192xf32, #tpu.memory_space<vmem>> -> memref<1024xf32, #tpu.memory_space<vmem>>
          %dma_wait3A_535 = arith.constant 0 : i32
          %dma_wait3A_536 = tpu.memref_slice %arg4[%sub3A_520, %dma_wait3A_532, %add3A, %dma_wait3A_535] : memref<200x8x32x1024xf32, #tpu.memory_space<hbm>> -> memref<1x1x1x1024xf32, #tpu.memory_space<hbm>>
          %dma_wait3A_537 = tpu.memref_squeeze %dma_wait3A_536 : memref<1x1x1x1024xf32, #tpu.memory_space<hbm>> -> memref<1024xf32, #tpu.memory_space<hbm>>
          %dma_wait3A_538 = arith.constant 0 : i32
          %dma_wait3A_539 = tpu.memref_slice %arg4[%sub3A_520, %dma_wait3A_532, %add3A, %dma_wait3A_538] : memref<200x8x32x1024xf32, #tpu.memory_space<hbm>> -> memref<1x1x1x1024xf32, #tpu.memory_space<hbm>>
          %dma_wait3A_540 = tpu.memref_squeeze %dma_wait3A_539 : memref<1x1x1x1024xf32, #tpu.memory_space<hbm>> -> memref<1024xf32, #tpu.memory_space<hbm>>
          %dma_wait3A_541 = arith.constant 1024 : i32
          %dma_wait3A_542 = tpu.memref_slice %arg15[%dma_wait3A_541] : memref<8192xf32, #tpu.memory_space<vmem>> -> memref<1024xf32, #tpu.memory_space<vmem>>
          tpu.wait_dma2 semaphore(%arg21 : memref<!tpu.dma_semaphore, #tpu.memory_space<semaphore_mem>>) src(%dma_wait3A_542 : memref<1024xf32, #tpu.memory_space<vmem>>) dst(%dma_wait3A_540 : memref<1024xf32, #tpu.memory_space<hbm>>)
          %dma_wait3A_543 = arith.constant 2 : i32
          %dma_wait3A_544 = arith.constant 2048 : i32
          %dma_wait3A_545 = tpu.memref_slice %arg15[%dma_wait3A_544] : memref<8192xf32, #tpu.memory_space<vmem>> -> memref<1024xf32, #tpu.memory_space<vmem>>
          %dma_wait3A_546 = arith.constant 0 : i32
          %dma_wait3A_547 = tpu.memref_slice %arg4[%sub3A_520, %dma_wait3A_543, %add3A, %dma_wait3A_546] : memref<200x8x32x1024xf32, #tpu.memory_space<hbm>> -> memref<1x1x1x1024xf32, #tpu.memory_space<hbm>>
          %dma_wait3A_548 = tpu.memref_squeeze %dma_wait3A_547 : memref<1x1x1x1024xf32, #tpu.memory_space<hbm>> -> memref<1024xf32, #tpu.memory_space<hbm>>
          %dma_wait3A_549 = arith.constant 0 : i32
          %dma_wait3A_550 = tpu.memref_slice %arg4[%sub3A_520, %dma_wait3A_543, %add3A, %dma_wait3A_549] : memref<200x8x32x1024xf32, #tpu.memory_space<hbm>> -> memref<1x1x1x1024xf32, #tpu.memory_space<hbm>>
          %dma_wait3A_551 = tpu.memref_squeeze %dma_wait3A_550 : memref<1x1x1x1024xf32, #tpu.memory_space<hbm>> -> memref<1024xf32, #tpu.memory_space<hbm>>
          %dma_wait3A_552 = arith.constant 2048 : i32
          %dma_wait3A_553 = tpu.memref_slice %arg15[%dma_wait3A_552] : memref<8192xf32, #tpu.memory_space<vmem>> -> memref<1024xf32, #tpu.memory_space<vmem>>
          tpu.wait_dma2 semaphore(%arg21 : memref<!tpu.dma_semaphore, #tpu.memory_space<semaphore_mem>>) src(%dma_wait3A_553 : memref<1024xf32, #tpu.memory_space<vmem>>) dst(%dma_wait3A_551 : memref<1024xf32, #tpu.memory_space<hbm>>)
          %dma_wait3A_554 = arith.constant 3 : i32
          %dma_wait3A_555 = arith.constant 3072 : i32
          %dma_wait3A_556 = tpu.memref_slice %arg15[%dma_wait3A_555] : memref<8192xf32, #tpu.memory_space<vmem>> -> memref<1024xf32, #tpu.memory_space<vmem>>
          %dma_wait3A_557 = arith.constant 0 : i32
          %dma_wait3A_558 = tpu.memref_slice %arg4[%sub3A_520, %dma_wait3A_554, %add3A, %dma_wait3A_557] : memref<200x8x32x1024xf32, #tpu.memory_space<hbm>> -> memref<1x1x1x1024xf32, #tpu.memory_space<hbm>>
          %dma_wait3A_559 = tpu.memref_squeeze %dma_wait3A_558 : memref<1x1x1x1024xf32, #tpu.memory_space<hbm>> -> memref<1024xf32, #tpu.memory_space<hbm>>
          %dma_wait3A_560 = arith.constant 0 : i32
          %dma_wait3A_561 = tpu.memref_slice %arg4[%sub3A_520, %dma_wait3A_554, %add3A, %dma_wait3A_560] : memref<200x8x32x1024xf32, #tpu.memory_space<hbm>> -> memref<1x1x1x1024xf32, #tpu.memory_space<hbm>>
          %dma_wait3A_562 = tpu.memref_squeeze %dma_wait3A_561 : memref<1x1x1x1024xf32, #tpu.memory_space<hbm>> -> memref<1024xf32, #tpu.memory_space<hbm>>
          %dma_wait3A_563 = arith.constant 3072 : i32
          %dma_wait3A_564 = tpu.memref_slice %arg15[%dma_wait3A_563] : memref<8192xf32, #tpu.memory_space<vmem>> -> memref<1024xf32, #tpu.memory_space<vmem>>
          tpu.wait_dma2 semaphore(%arg21 : memref<!tpu.dma_semaphore, #tpu.memory_space<semaphore_mem>>) src(%dma_wait3A_564 : memref<1024xf32, #tpu.memory_space<vmem>>) dst(%dma_wait3A_562 : memref<1024xf32, #tpu.memory_space<hbm>>)
          %dma_wait3A_565 = arith.constant 4 : i32
          %dma_wait3A_566 = arith.constant 4096 : i32
          %dma_wait3A_567 = tpu.memref_slice %arg15[%dma_wait3A_566] : memref<8192xf32, #tpu.memory_space<vmem>> -> memref<1024xf32, #tpu.memory_space<vmem>>
          %dma_wait3A_568 = arith.constant 0 : i32
          %dma_wait3A_569 = tpu.memref_slice %arg4[%sub3A_520, %dma_wait3A_565, %add3A, %dma_wait3A_568] : memref<200x8x32x1024xf32, #tpu.memory_space<hbm>> -> memref<1x1x1x1024xf32, #tpu.memory_space<hbm>>
          %dma_wait3A_570 = tpu.memref_squeeze %dma_wait3A_569 : memref<1x1x1x1024xf32, #tpu.memory_space<hbm>> -> memref<1024xf32, #tpu.memory_space<hbm>>
          %dma_wait3A_571 = arith.constant 0 : i32
          %dma_wait3A_572 = tpu.memref_slice %arg4[%sub3A_520, %dma_wait3A_565, %add3A, %dma_wait3A_571] : memref<200x8x32x1024xf32, #tpu.memory_space<hbm>> -> memref<1x1x1x1024xf32, #tpu.memory_space<hbm>>
          %dma_wait3A_573 = tpu.memref_squeeze %dma_wait3A_572 : memref<1x1x1x1024xf32, #tpu.memory_space<hbm>> -> memref<1024xf32, #tpu.memory_space<hbm>>
          %dma_wait3A_574 = arith.constant 4096 : i32
          %dma_wait3A_575 = tpu.memref_slice %arg15[%dma_wait3A_574] : memref<8192xf32, #tpu.memory_space<vmem>> -> memref<1024xf32, #tpu.memory_space<vmem>>
          tpu.wait_dma2 semaphore(%arg21 : memref<!tpu.dma_semaphore, #tpu.memory_space<semaphore_mem>>) src(%dma_wait3A_575 : memref<1024xf32, #tpu.memory_space<vmem>>) dst(%dma_wait3A_573 : memref<1024xf32, #tpu.memory_space<hbm>>)
          %dma_wait3A_576 = arith.constant 5 : i32
          %dma_wait3A_577 = arith.constant 5120 : i32
          %dma_wait3A_578 = tpu.memref_slice %arg15[%dma_wait3A_577] : memref<8192xf32, #tpu.memory_space<vmem>> -> memref<1024xf32, #tpu.memory_space<vmem>>
          %dma_wait3A_579 = arith.constant 0 : i32
          %dma_wait3A_580 = tpu.memref_slice %arg4[%sub3A_520, %dma_wait3A_576, %add3A, %dma_wait3A_579] : memref<200x8x32x1024xf32, #tpu.memory_space<hbm>> -> memref<1x1x1x1024xf32, #tpu.memory_space<hbm>>
          %dma_wait3A_581 = tpu.memref_squeeze %dma_wait3A_580 : memref<1x1x1x1024xf32, #tpu.memory_space<hbm>> -> memref<1024xf32, #tpu.memory_space<hbm>>
          %dma_wait3A_582 = arith.constant 0 : i32
          %dma_wait3A_583 = tpu.memref_slice %arg4[%sub3A_520, %dma_wait3A_576, %add3A, %dma_wait3A_582] : memref<200x8x32x1024xf32, #tpu.memory_space<hbm>> -> memref<1x1x1x1024xf32, #tpu.memory_space<hbm>>
          %dma_wait3A_584 = tpu.memref_squeeze %dma_wait3A_583 : memref<1x1x1x1024xf32, #tpu.memory_space<hbm>> -> memref<1024xf32, #tpu.memory_space<hbm>>
          %dma_wait3A_585 = arith.constant 5120 : i32
          %dma_wait3A_586 = tpu.memref_slice %arg15[%dma_wait3A_585] : memref<8192xf32, #tpu.memory_space<vmem>> -> memref<1024xf32, #tpu.memory_space<vmem>>
          tpu.wait_dma2 semaphore(%arg21 : memref<!tpu.dma_semaphore, #tpu.memory_space<semaphore_mem>>) src(%dma_wait3A_586 : memref<1024xf32, #tpu.memory_space<vmem>>) dst(%dma_wait3A_584 : memref<1024xf32, #tpu.memory_space<hbm>>)
          %dma_wait3A_587 = arith.constant 6 : i32
          %dma_wait3A_588 = arith.constant 6144 : i32
          %dma_wait3A_589 = tpu.memref_slice %arg15[%dma_wait3A_588] : memref<8192xf32, #tpu.memory_space<vmem>> -> memref<1024xf32, #tpu.memory_space<vmem>>
          %dma_wait3A_590 = arith.constant 0 : i32
          %dma_wait3A_591 = tpu.memref_slice %arg4[%sub3A_520, %dma_wait3A_587, %add3A, %dma_wait3A_590] : memref<200x8x32x1024xf32, #tpu.memory_space<hbm>> -> memref<1x1x1x1024xf32, #tpu.memory_space<hbm>>
          %dma_wait3A_592 = tpu.memref_squeeze %dma_wait3A_591 : memref<1x1x1x1024xf32, #tpu.memory_space<hbm>> -> memref<1024xf32, #tpu.memory_space<hbm>>
          %dma_wait3A_593 = arith.constant 0 : i32
          %dma_wait3A_594 = tpu.memref_slice %arg4[%sub3A_520, %dma_wait3A_587, %add3A, %dma_wait3A_593] : memref<200x8x32x1024xf32, #tpu.memory_space<hbm>> -> memref<1x1x1x1024xf32, #tpu.memory_space<hbm>>
          %dma_wait3A_595 = tpu.memref_squeeze %dma_wait3A_594 : memref<1x1x1x1024xf32, #tpu.memory_space<hbm>> -> memref<1024xf32, #tpu.memory_space<hbm>>
          %dma_wait3A_596 = arith.constant 6144 : i32
          %dma_wait3A_597 = tpu.memref_slice %arg15[%dma_wait3A_596] : memref<8192xf32, #tpu.memory_space<vmem>> -> memref<1024xf32, #tpu.memory_space<vmem>>
          tpu.wait_dma2 semaphore(%arg21 : memref<!tpu.dma_semaphore, #tpu.memory_space<semaphore_mem>>) src(%dma_wait3A_597 : memref<1024xf32, #tpu.memory_space<vmem>>) dst(%dma_wait3A_595 : memref<1024xf32, #tpu.memory_space<hbm>>)
          %dma_wait3A_598 = arith.constant 7 : i32
          %dma_wait3A_599 = arith.constant 7168 : i32
          %dma_wait3A_600 = tpu.memref_slice %arg15[%dma_wait3A_599] : memref<8192xf32, #tpu.memory_space<vmem>> -> memref<1024xf32, #tpu.memory_space<vmem>>
          %dma_wait3A_601 = arith.constant 0 : i32
          %dma_wait3A_602 = tpu.memref_slice %arg4[%sub3A_520, %dma_wait3A_598, %add3A, %dma_wait3A_601] : memref<200x8x32x1024xf32, #tpu.memory_space<hbm>> -> memref<1x1x1x1024xf32, #tpu.memory_space<hbm>>
          %dma_wait3A_603 = tpu.memref_squeeze %dma_wait3A_602 : memref<1x1x1x1024xf32, #tpu.memory_space<hbm>> -> memref<1024xf32, #tpu.memory_space<hbm>>
          %dma_wait3A_604 = arith.constant 0 : i32
          %dma_wait3A_605 = tpu.memref_slice %arg4[%sub3A_520, %dma_wait3A_598, %add3A, %dma_wait3A_604] : memref<200x8x32x1024xf32, #tpu.memory_space<hbm>> -> memref<1x1x1x1024xf32, #tpu.memory_space<hbm>>
          %dma_wait3A_606 = tpu.memref_squeeze %dma_wait3A_605 : memref<1x1x1x1024xf32, #tpu.memory_space<hbm>> -> memref<1024xf32, #tpu.memory_space<hbm>>
          %dma_wait3A_607 = arith.constant 7168 : i32
          %dma_wait3A_608 = tpu.memref_slice %arg15[%dma_wait3A_607] : memref<8192xf32, #tpu.memory_space<vmem>> -> memref<1024xf32, #tpu.memory_space<vmem>>
          tpu.wait_dma2 semaphore(%arg21 : memref<!tpu.dma_semaphore, #tpu.memory_space<semaphore_mem>>) src(%dma_wait3A_608 : memref<1024xf32, #tpu.memory_space<vmem>>) dst(%dma_wait3A_606 : memref<1024xf32, #tpu.memory_space<hbm>>)
        } else {
        }
        %iota3A_333 = tpu.iota {dimensions = array<i32: 0>} : vector<16xi32>
        %add3A_334 = arith.constant 0 : i32
        %add3A_335 = vector.broadcast %add3A_334 : i32 to vector<16xi32>
        %add3A_336 = arith.addi %iota3A_333, %add3A_335 : vector<16xi32>
        %and3A_337 = arith.constant 15 : i32
        %and3A_338 = vector.broadcast %and3A_337 : i32 to vector<16xi32>
        %and3A_339 = arith.andi %add3A_336, %and3A_338 : vector<16xi32>
        %add3A_340 = arith.constant 1 : i32
        %add3A_341 = vector.broadcast %add3A_340 : i32 to vector<16xi32>
        %add3A_342 = arith.addi %iota3A_333, %add3A_341 : vector<16xi32>
        %and3A_343 = arith.constant 15 : i32
        %and3A_344 = vector.broadcast %and3A_343 : i32 to vector<16xi32>
        %and3A_345 = arith.andi %add3A_342, %and3A_344 : vector<16xi32>
        %add3A_346 = arith.constant 2 : i32
        %add3A_347 = vector.broadcast %add3A_346 : i32 to vector<16xi32>
        %add3A_348 = arith.addi %iota3A_333, %add3A_347 : vector<16xi32>
        %and3A_349 = arith.constant 15 : i32
        %and3A_350 = vector.broadcast %and3A_349 : i32 to vector<16xi32>
        %and3A_351 = arith.andi %add3A_348, %and3A_350 : vector<16xi32>
        %add3A_352 = arith.constant 3 : i32
        %add3A_353 = vector.broadcast %add3A_352 : i32 to vector<16xi32>
        %add3A_354 = arith.addi %iota3A_333, %add3A_353 : vector<16xi32>
        %and3A_355 = arith.constant 15 : i32
        %and3A_356 = vector.broadcast %and3A_355 : i32 to vector<16xi32>
        %and3A_357 = arith.andi %add3A_354, %and3A_356 : vector<16xi32>
        %add3A_358 = arith.constant 4 : i32
        %add3A_359 = vector.broadcast %add3A_358 : i32 to vector<16xi32>
        %add3A_360 = arith.addi %iota3A_333, %add3A_359 : vector<16xi32>
        %and3A_361 = arith.constant 15 : i32
        %and3A_362 = vector.broadcast %and3A_361 : i32 to vector<16xi32>
        %and3A_363 = arith.andi %add3A_360, %and3A_362 : vector<16xi32>
        %add3A_364 = arith.constant 5 : i32
        %add3A_365 = vector.broadcast %add3A_364 : i32 to vector<16xi32>
        %add3A_366 = arith.addi %iota3A_333, %add3A_365 : vector<16xi32>
        %and3A_367 = arith.constant 15 : i32
        %and3A_368 = vector.broadcast %and3A_367 : i32 to vector<16xi32>
        %and3A_369 = arith.andi %add3A_366, %and3A_368 : vector<16xi32>
        %add3A_370 = arith.constant 6 : i32
        %add3A_371 = vector.broadcast %add3A_370 : i32 to vector<16xi32>
        %add3A_372 = arith.addi %iota3A_333, %add3A_371 : vector<16xi32>
        %and3A_373 = arith.constant 15 : i32
        %and3A_374 = vector.broadcast %and3A_373 : i32 to vector<16xi32>
        %and3A_375 = arith.andi %add3A_372, %and3A_374 : vector<16xi32>
        %add3A_376 = arith.constant 7 : i32
        %add3A_377 = vector.broadcast %add3A_376 : i32 to vector<16xi32>
        %add3A_378 = arith.addi %iota3A_333, %add3A_377 : vector<16xi32>
        %and3A_379 = arith.constant 15 : i32
        %and3A_380 = vector.broadcast %and3A_379 : i32 to vector<16xi32>
        %and3A_381 = arith.andi %add3A_378, %and3A_380 : vector<16xi32>
        %add3A_382 = arith.constant 8 : i32
        %add3A_383 = vector.broadcast %add3A_382 : i32 to vector<16xi32>
        %add3A_384 = arith.addi %iota3A_333, %add3A_383 : vector<16xi32>
        %and3A_385 = arith.constant 15 : i32
        %and3A_386 = vector.broadcast %and3A_385 : i32 to vector<16xi32>
        %and3A_387 = arith.andi %add3A_384, %and3A_386 : vector<16xi32>
        %add3A_388 = arith.constant 9 : i32
        %add3A_389 = vector.broadcast %add3A_388 : i32 to vector<16xi32>
        %add3A_390 = arith.addi %iota3A_333, %add3A_389 : vector<16xi32>
        %and3A_391 = arith.constant 15 : i32
        %and3A_392 = vector.broadcast %and3A_391 : i32 to vector<16xi32>
        %and3A_393 = arith.andi %add3A_390, %and3A_392 : vector<16xi32>
        %add3A_394 = arith.constant 10 : i32
        %add3A_395 = vector.broadcast %add3A_394 : i32 to vector<16xi32>
        %add3A_396 = arith.addi %iota3A_333, %add3A_395 : vector<16xi32>
        %and3A_397 = arith.constant 15 : i32
        %and3A_398 = vector.broadcast %and3A_397 : i32 to vector<16xi32>
        %and3A_399 = arith.andi %add3A_396, %and3A_398 : vector<16xi32>
        %add3A_400 = arith.constant 11 : i32
        %add3A_401 = vector.broadcast %add3A_400 : i32 to vector<16xi32>
        %add3A_402 = arith.addi %iota3A_333, %add3A_401 : vector<16xi32>
        %and3A_403 = arith.constant 15 : i32
        %and3A_404 = vector.broadcast %and3A_403 : i32 to vector<16xi32>
        %and3A_405 = arith.andi %add3A_402, %and3A_404 : vector<16xi32>
        %add3A_406 = arith.constant 12 : i32
        %add3A_407 = vector.broadcast %add3A_406 : i32 to vector<16xi32>
        %add3A_408 = arith.addi %iota3A_333, %add3A_407 : vector<16xi32>
        %and3A_409 = arith.constant 15 : i32
        %and3A_410 = vector.broadcast %and3A_409 : i32 to vector<16xi32>
        %and3A_411 = arith.andi %add3A_408, %and3A_410 : vector<16xi32>
        %add3A_412 = arith.constant 13 : i32
        %add3A_413 = vector.broadcast %add3A_412 : i32 to vector<16xi32>
        %add3A_414 = arith.addi %iota3A_333, %add3A_413 : vector<16xi32>
        %and3A_415 = arith.constant 15 : i32
        %and3A_416 = vector.broadcast %and3A_415 : i32 to vector<16xi32>
        %and3A_417 = arith.andi %add3A_414, %and3A_416 : vector<16xi32>
        %add3A_418 = arith.constant 14 : i32
        %add3A_419 = vector.broadcast %add3A_418 : i32 to vector<16xi32>
        %add3A_420 = arith.addi %iota3A_333, %add3A_419 : vector<16xi32>
        %and3A_421 = arith.constant 15 : i32
        %and3A_422 = vector.broadcast %and3A_421 : i32 to vector<16xi32>
        %and3A_423 = arith.andi %add3A_420, %and3A_422 : vector<16xi32>
        %add3A_424 = arith.constant 15 : i32
        %add3A_425 = vector.broadcast %add3A_424 : i32 to vector<16xi32>
        %add3A_426 = arith.addi %iota3A_333, %add3A_425 : vector<16xi32>
        %and3A_427 = arith.constant 15 : i32
        %and3A_428 = vector.broadcast %and3A_427 : i32 to vector<16xi32>
        %and3A_429 = arith.andi %add3A_426, %and3A_428 : vector<16xi32>
        %parallel_loop3A = arith.constant 0 : i32
        %parallel_loop3A_430 = arith.constant 128 : i32
        %parallel_loop3A_431 = arith.constant 1 : i32
        scf.for %parallel_loop3A_519 = %parallel_loop3A to %parallel_loop3A_430 step %parallel_loop3A_431  : i32 {
          %parallel_loop3A_520 = arith.constant 4 : i32
          %parallel_loop3A_521 = arith.shrui %parallel_loop3A_519, %parallel_loop3A_520 : i32
          %parallel_loop3A_522 = arith.constant 15 : i32
          %parallel_loop3A_523 = arith.andi %parallel_loop3A_519, %parallel_loop3A_522 : i32
          %parallel_loop3A_524 = vector.broadcast %parallel_loop3A_523 : i32 to vector<16xi32>
          %parallel_loop3A_525 = arith.addi %iota3A_333, %parallel_loop3A_524 : vector<16xi32>
          %parallel_loop3A_526 = arith.constant 15 : i32
          %parallel_loop3A_527 = vector.broadcast %parallel_loop3A_526 : i32 to vector<16xi32>
          %parallel_loop3A_528 = arith.andi %parallel_loop3A_525, %parallel_loop3A_527 : vector<16xi32>
          %parallel_loop3A_529 = arith.constant 16 : i32
          %parallel_loop3A_530 = arith.muli %parallel_loop3A_521, %parallel_loop3A_529 : i32
          %parallel_loop3A_531 = vector.broadcast %parallel_loop3A_530 : i32 to vector<16xi32>
          %parallel_loop3A_532 = arith.addi %parallel_loop3A_528, %parallel_loop3A_531 : vector<16xi32>
          %parallel_loop3A_533 = arith.constant 0 : i32
          %parallel_loop3A_534 = vector.broadcast %parallel_loop3A_533 : i32 to vector<16xi32>
          %parallel_loop3A_535 = arith.addi %iota3A_333, %parallel_loop3A_534 : vector<16xi32>
          %parallel_loop3A_536 = tpu.vector_load_idx %arg11[%parallel_loop3A_532, %parallel_loop3A_535] : memref<128x64xf32, #tpu.memory_space<vmem>>[vector<16xi32>, vector<16xi32>], vector<16xf32>,
          %parallel_loop3A_537 = arith.constant 128 : i32
          %parallel_loop3A_538 = vector.broadcast %parallel_loop3A_537 : i32 to vector<16xi32>
          %parallel_loop3A_539 = arith.muli %parallel_loop3A_535, %parallel_loop3A_538 : vector<16xi32>
          %parallel_loop3A_540 = arith.addi %parallel_loop3A_539, %parallel_loop3A_532 : vector<16xi32>
          tpu.vector_store_idx %arg15[%parallel_loop3A_540], %parallel_loop3A_536 : memref<8192xf32, #tpu.memory_space<vmem>>[vector<16xi32>], vector<16xf32>,
          %parallel_loop3A_541 = arith.constant 16 : i32
          %parallel_loop3A_542 = vector.broadcast %parallel_loop3A_541 : i32 to vector<16xi32>
          %parallel_loop3A_543 = arith.addi %iota3A_333, %parallel_loop3A_542 : vector<16xi32>
          %parallel_loop3A_544 = tpu.vector_load_idx %arg11[%parallel_loop3A_532, %parallel_loop3A_543] : memref<128x64xf32, #tpu.memory_space<vmem>>[vector<16xi32>, vector<16xi32>], vector<16xf32>,
          %parallel_loop3A_545 = arith.constant 128 : i32
          %parallel_loop3A_546 = vector.broadcast %parallel_loop3A_545 : i32 to vector<16xi32>
          %parallel_loop3A_547 = arith.muli %parallel_loop3A_543, %parallel_loop3A_546 : vector<16xi32>
          %parallel_loop3A_548 = arith.addi %parallel_loop3A_547, %parallel_loop3A_532 : vector<16xi32>
          tpu.vector_store_idx %arg15[%parallel_loop3A_548], %parallel_loop3A_544 : memref<8192xf32, #tpu.memory_space<vmem>>[vector<16xi32>], vector<16xf32>,
          %parallel_loop3A_549 = arith.constant 32 : i32
          %parallel_loop3A_550 = vector.broadcast %parallel_loop3A_549 : i32 to vector<16xi32>
          %parallel_loop3A_551 = arith.addi %iota3A_333, %parallel_loop3A_550 : vector<16xi32>
          %parallel_loop3A_552 = tpu.vector_load_idx %arg11[%parallel_loop3A_532, %parallel_loop3A_551] : memref<128x64xf32, #tpu.memory_space<vmem>>[vector<16xi32>, vector<16xi32>], vector<16xf32>,
          %parallel_loop3A_553 = arith.constant 128 : i32
          %parallel_loop3A_554 = vector.broadcast %parallel_loop3A_553 : i32 to vector<16xi32>
          %parallel_loop3A_555 = arith.muli %parallel_loop3A_551, %parallel_loop3A_554 : vector<16xi32>
          %parallel_loop3A_556 = arith.addi %parallel_loop3A_555, %parallel_loop3A_532 : vector<16xi32>
          tpu.vector_store_idx %arg15[%parallel_loop3A_556], %parallel_loop3A_552 : memref<8192xf32, #tpu.memory_space<vmem>>[vector<16xi32>], vector<16xf32>,
          %parallel_loop3A_557 = arith.constant 48 : i32
          %parallel_loop3A_558 = vector.broadcast %parallel_loop3A_557 : i32 to vector<16xi32>
          %parallel_loop3A_559 = arith.addi %iota3A_333, %parallel_loop3A_558 : vector<16xi32>
          %parallel_loop3A_560 = tpu.vector_load_idx %arg11[%parallel_loop3A_532, %parallel_loop3A_559] : memref<128x64xf32, #tpu.memory_space<vmem>>[vector<16xi32>, vector<16xi32>], vector<16xf32>,
          %parallel_loop3A_561 = arith.constant 128 : i32
          %parallel_loop3A_562 = vector.broadcast %parallel_loop3A_561 : i32 to vector<16xi32>
          %parallel_loop3A_563 = arith.muli %parallel_loop3A_559, %parallel_loop3A_562 : vector<16xi32>
          %parallel_loop3A_564 = arith.addi %parallel_loop3A_563, %parallel_loop3A_532 : vector<16xi32>
          tpu.vector_store_idx %arg15[%parallel_loop3A_564], %parallel_loop3A_560 : memref<8192xf32, #tpu.memory_space<vmem>>[vector<16xi32>], vector<16xf32>,
        } {sc.loop_unroll_factor = 2 : i64, sc.parallel_access}
        %dma_start3A = arith.constant 0 : i32
        %dma_start3A_432 = arith.constant 0 : i32
        %dma_start3A_433 = tpu.memref_slice %arg15[%dma_start3A_432] : memref<8192xf32, #tpu.memory_space<vmem>> -> memref<1024xf32, #tpu.memory_space<vmem>>
        %dma_start3A_434 = arith.constant 0 : i32
        %dma_start3A_435 = tpu.memref_slice %arg4[%sub3A_261, %dma_start3A, %add3A, %dma_start3A_434] : memref<200x8x32x1024xf32, #tpu.memory_space<hbm>> -> memref<1x1x1x1024xf32, #tpu.memory_space<hbm>>
        %dma_start3A_436 = tpu.memref_squeeze %dma_start3A_435 : memref<1x1x1x1024xf32, #tpu.memory_space<hbm>> -> memref<1024xf32, #tpu.memory_space<hbm>>
        %dma_start3A_437 = arith.constant 0 : i32
        %dma_start3A_438 = tpu.memref_slice %arg4[%sub3A_261, %dma_start3A, %add3A, %dma_start3A_437] : memref<200x8x32x1024xf32, #tpu.memory_space<hbm>> -> memref<1x1x1x1024xf32, #tpu.memory_space<hbm>>
        %dma_start3A_439 = tpu.memref_squeeze %dma_start3A_438 : memref<1x1x1x1024xf32, #tpu.memory_space<hbm>> -> memref<1024xf32, #tpu.memory_space<hbm>>
        %dma_start3A_440 = arith.constant 0 : i32
        %dma_start3A_441 = tpu.memref_slice %arg15[%dma_start3A_440] : memref<8192xf32, #tpu.memory_space<vmem>> -> memref<1024xf32, #tpu.memory_space<vmem>>
        tpu.enqueue_dma source(%dma_start3A_441 : memref<1024xf32, #tpu.memory_space<vmem>>) target(%dma_start3A_439 : memref<1024xf32, #tpu.memory_space<hbm>>) target_semaphore(%arg21 : memref<!tpu.dma_semaphore, #tpu.memory_space<semaphore_mem>>)
        %dma_start3A_442 = arith.constant 1 : i32
        %dma_start3A_443 = arith.constant 1024 : i32
        %dma_start3A_444 = tpu.memref_slice %arg15[%dma_start3A_443] : memref<8192xf32, #tpu.memory_space<vmem>> -> memref<1024xf32, #tpu.memory_space<vmem>>
        %dma_start3A_445 = arith.constant 0 : i32
        %dma_start3A_446 = tpu.memref_slice %arg4[%sub3A_261, %dma_start3A_442, %add3A, %dma_start3A_445] : memref<200x8x32x1024xf32, #tpu.memory_space<hbm>> -> memref<1x1x1x1024xf32, #tpu.memory_space<hbm>>
        %dma_start3A_447 = tpu.memref_squeeze %dma_start3A_446 : memref<1x1x1x1024xf32, #tpu.memory_space<hbm>> -> memref<1024xf32, #tpu.memory_space<hbm>>
        %dma_start3A_448 = arith.constant 0 : i32
        %dma_start3A_449 = tpu.memref_slice %arg4[%sub3A_261, %dma_start3A_442, %add3A, %dma_start3A_448] : memref<200x8x32x1024xf32, #tpu.memory_space<hbm>> -> memref<1x1x1x1024xf32, #tpu.memory_space<hbm>>
        %dma_start3A_450 = tpu.memref_squeeze %dma_start3A_449 : memref<1x1x1x1024xf32, #tpu.memory_space<hbm>> -> memref<1024xf32, #tpu.memory_space<hbm>>
        %dma_start3A_451 = arith.constant 1024 : i32
        %dma_start3A_452 = tpu.memref_slice %arg15[%dma_start3A_451] : memref<8192xf32, #tpu.memory_space<vmem>> -> memref<1024xf32, #tpu.memory_space<vmem>>
        tpu.enqueue_dma source(%dma_start3A_452 : memref<1024xf32, #tpu.memory_space<vmem>>) target(%dma_start3A_450 : memref<1024xf32, #tpu.memory_space<hbm>>) target_semaphore(%arg21 : memref<!tpu.dma_semaphore, #tpu.memory_space<semaphore_mem>>)
        %dma_start3A_453 = arith.constant 2 : i32
        %dma_start3A_454 = arith.constant 2048 : i32
        %dma_start3A_455 = tpu.memref_slice %arg15[%dma_start3A_454] : memref<8192xf32, #tpu.memory_space<vmem>> -> memref<1024xf32, #tpu.memory_space<vmem>>
        %dma_start3A_456 = arith.constant 0 : i32
        %dma_start3A_457 = tpu.memref_slice %arg4[%sub3A_261, %dma_start3A_453, %add3A, %dma_start3A_456] : memref<200x8x32x1024xf32, #tpu.memory_space<hbm>> -> memref<1x1x1x1024xf32, #tpu.memory_space<hbm>>
        %dma_start3A_458 = tpu.memref_squeeze %dma_start3A_457 : memref<1x1x1x1024xf32, #tpu.memory_space<hbm>> -> memref<1024xf32, #tpu.memory_space<hbm>>
        %dma_start3A_459 = arith.constant 0 : i32
        %dma_start3A_460 = tpu.memref_slice %arg4[%sub3A_261, %dma_start3A_453, %add3A, %dma_start3A_459] : memref<200x8x32x1024xf32, #tpu.memory_space<hbm>> -> memref<1x1x1x1024xf32, #tpu.memory_space<hbm>>
        %dma_start3A_461 = tpu.memref_squeeze %dma_start3A_460 : memref<1x1x1x1024xf32, #tpu.memory_space<hbm>> -> memref<1024xf32, #tpu.memory_space<hbm>>
        %dma_start3A_462 = arith.constant 2048 : i32
        %dma_start3A_463 = tpu.memref_slice %arg15[%dma_start3A_462] : memref<8192xf32, #tpu.memory_space<vmem>> -> memref<1024xf32, #tpu.memory_space<vmem>>
        tpu.enqueue_dma source(%dma_start3A_463 : memref<1024xf32, #tpu.memory_space<vmem>>) target(%dma_start3A_461 : memref<1024xf32, #tpu.memory_space<hbm>>) target_semaphore(%arg21 : memref<!tpu.dma_semaphore, #tpu.memory_space<semaphore_mem>>)
        %dma_start3A_464 = arith.constant 3 : i32
        %dma_start3A_465 = arith.constant 3072 : i32
        %dma_start3A_466 = tpu.memref_slice %arg15[%dma_start3A_465] : memref<8192xf32, #tpu.memory_space<vmem>> -> memref<1024xf32, #tpu.memory_space<vmem>>
        %dma_start3A_467 = arith.constant 0 : i32
        %dma_start3A_468 = tpu.memref_slice %arg4[%sub3A_261, %dma_start3A_464, %add3A, %dma_start3A_467] : memref<200x8x32x1024xf32, #tpu.memory_space<hbm>> -> memref<1x1x1x1024xf32, #tpu.memory_space<hbm>>
        %dma_start3A_469 = tpu.memref_squeeze %dma_start3A_468 : memref<1x1x1x1024xf32, #tpu.memory_space<hbm>> -> memref<1024xf32, #tpu.memory_space<hbm>>
        %dma_start3A_470 = arith.constant 0 : i32
        %dma_start3A_471 = tpu.memref_slice %arg4[%sub3A_261, %dma_start3A_464, %add3A, %dma_start3A_470] : memref<200x8x32x1024xf32, #tpu.memory_space<hbm>> -> memref<1x1x1x1024xf32, #tpu.memory_space<hbm>>
        %dma_start3A_472 = tpu.memref_squeeze %dma_start3A_471 : memref<1x1x1x1024xf32, #tpu.memory_space<hbm>> -> memref<1024xf32, #tpu.memory_space<hbm>>
        %dma_start3A_473 = arith.constant 3072 : i32
        %dma_start3A_474 = tpu.memref_slice %arg15[%dma_start3A_473] : memref<8192xf32, #tpu.memory_space<vmem>> -> memref<1024xf32, #tpu.memory_space<vmem>>
        tpu.enqueue_dma source(%dma_start3A_474 : memref<1024xf32, #tpu.memory_space<vmem>>) target(%dma_start3A_472 : memref<1024xf32, #tpu.memory_space<hbm>>) target_semaphore(%arg21 : memref<!tpu.dma_semaphore, #tpu.memory_space<semaphore_mem>>)
        %dma_start3A_475 = arith.constant 4 : i32
        %dma_start3A_476 = arith.constant 4096 : i32
        %dma_start3A_477 = tpu.memref_slice %arg15[%dma_start3A_476] : memref<8192xf32, #tpu.memory_space<vmem>> -> memref<1024xf32, #tpu.memory_space<vmem>>
        %dma_start3A_478 = arith.constant 0 : i32
        %dma_start3A_479 = tpu.memref_slice %arg4[%sub3A_261, %dma_start3A_475, %add3A, %dma_start3A_478] : memref<200x8x32x1024xf32, #tpu.memory_space<hbm>> -> memref<1x1x1x1024xf32, #tpu.memory_space<hbm>>
        %dma_start3A_480 = tpu.memref_squeeze %dma_start3A_479 : memref<1x1x1x1024xf32, #tpu.memory_space<hbm>> -> memref<1024xf32, #tpu.memory_space<hbm>>
        %dma_start3A_481 = arith.constant 0 : i32
        %dma_start3A_482 = tpu.memref_slice %arg4[%sub3A_261, %dma_start3A_475, %add3A, %dma_start3A_481] : memref<200x8x32x1024xf32, #tpu.memory_space<hbm>> -> memref<1x1x1x1024xf32, #tpu.memory_space<hbm>>
        %dma_start3A_483 = tpu.memref_squeeze %dma_start3A_482 : memref<1x1x1x1024xf32, #tpu.memory_space<hbm>> -> memref<1024xf32, #tpu.memory_space<hbm>>
        %dma_start3A_484 = arith.constant 4096 : i32
        %dma_start3A_485 = tpu.memref_slice %arg15[%dma_start3A_484] : memref<8192xf32, #tpu.memory_space<vmem>> -> memref<1024xf32, #tpu.memory_space<vmem>>
        tpu.enqueue_dma source(%dma_start3A_485 : memref<1024xf32, #tpu.memory_space<vmem>>) target(%dma_start3A_483 : memref<1024xf32, #tpu.memory_space<hbm>>) target_semaphore(%arg21 : memref<!tpu.dma_semaphore, #tpu.memory_space<semaphore_mem>>)
        %dma_start3A_486 = arith.constant 5 : i32
        %dma_start3A_487 = arith.constant 5120 : i32
        %dma_start3A_488 = tpu.memref_slice %arg15[%dma_start3A_487] : memref<8192xf32, #tpu.memory_space<vmem>> -> memref<1024xf32, #tpu.memory_space<vmem>>
        %dma_start3A_489 = arith.constant 0 : i32
        %dma_start3A_490 = tpu.memref_slice %arg4[%sub3A_261, %dma_start3A_486, %add3A, %dma_start3A_489] : memref<200x8x32x1024xf32, #tpu.memory_space<hbm>> -> memref<1x1x1x1024xf32, #tpu.memory_space<hbm>>
        %dma_start3A_491 = tpu.memref_squeeze %dma_start3A_490 : memref<1x1x1x1024xf32, #tpu.memory_space<hbm>> -> memref<1024xf32, #tpu.memory_space<hbm>>
        %dma_start3A_492 = arith.constant 0 : i32
        %dma_start3A_493 = tpu.memref_slice %arg4[%sub3A_261, %dma_start3A_486, %add3A, %dma_start3A_492] : memref<200x8x32x1024xf32, #tpu.memory_space<hbm>> -> memref<1x1x1x1024xf32, #tpu.memory_space<hbm>>
        %dma_start3A_494 = tpu.memref_squeeze %dma_start3A_493 : memref<1x1x1x1024xf32, #tpu.memory_space<hbm>> -> memref<1024xf32, #tpu.memory_space<hbm>>
        %dma_start3A_495 = arith.constant 5120 : i32
        %dma_start3A_496 = tpu.memref_slice %arg15[%dma_start3A_495] : memref<8192xf32, #tpu.memory_space<vmem>> -> memref<1024xf32, #tpu.memory_space<vmem>>
        tpu.enqueue_dma source(%dma_start3A_496 : memref<1024xf32, #tpu.memory_space<vmem>>) target(%dma_start3A_494 : memref<1024xf32, #tpu.memory_space<hbm>>) target_semaphore(%arg21 : memref<!tpu.dma_semaphore, #tpu.memory_space<semaphore_mem>>)
        %dma_start3A_497 = arith.constant 6 : i32
        %dma_start3A_498 = arith.constant 6144 : i32
        %dma_start3A_499 = tpu.memref_slice %arg15[%dma_start3A_498] : memref<8192xf32, #tpu.memory_space<vmem>> -> memref<1024xf32, #tpu.memory_space<vmem>>
        %dma_start3A_500 = arith.constant 0 : i32
        %dma_start3A_501 = tpu.memref_slice %arg4[%sub3A_261, %dma_start3A_497, %add3A, %dma_start3A_500] : memref<200x8x32x1024xf32, #tpu.memory_space<hbm>> -> memref<1x1x1x1024xf32, #tpu.memory_space<hbm>>
        %dma_start3A_502 = tpu.memref_squeeze %dma_start3A_501 : memref<1x1x1x1024xf32, #tpu.memory_space<hbm>> -> memref<1024xf32, #tpu.memory_space<hbm>>
        %dma_start3A_503 = arith.constant 0 : i32
        %dma_start3A_504 = tpu.memref_slice %arg4[%sub3A_261, %dma_start3A_497, %add3A, %dma_start3A_503] : memref<200x8x32x1024xf32, #tpu.memory_space<hbm>> -> memref<1x1x1x1024xf32, #tpu.memory_space<hbm>>
        %dma_start3A_505 = tpu.memref_squeeze %dma_start3A_504 : memref<1x1x1x1024xf32, #tpu.memory_space<hbm>> -> memref<1024xf32, #tpu.memory_space<hbm>>
        %dma_start3A_506 = arith.constant 6144 : i32
        %dma_start3A_507 = tpu.memref_slice %arg15[%dma_start3A_506] : memref<8192xf32, #tpu.memory_space<vmem>> -> memref<1024xf32, #tpu.memory_space<vmem>>
        tpu.enqueue_dma source(%dma_start3A_507 : memref<1024xf32, #tpu.memory_space<vmem>>) target(%dma_start3A_505 : memref<1024xf32, #tpu.memory_space<hbm>>) target_semaphore(%arg21 : memref<!tpu.dma_semaphore, #tpu.memory_space<semaphore_mem>>)
        %dma_start3A_508 = arith.constant 7 : i32
        %dma_start3A_509 = arith.constant 7168 : i32
        %dma_start3A_510 = tpu.memref_slice %arg15[%dma_start3A_509] : memref<8192xf32, #tpu.memory_space<vmem>> -> memref<1024xf32, #tpu.memory_space<vmem>>
        %dma_start3A_511 = arith.constant 0 : i32
        %dma_start3A_512 = tpu.memref_slice %arg4[%sub3A_261, %dma_start3A_508, %add3A, %dma_start3A_511] : memref<200x8x32x1024xf32, #tpu.memory_space<hbm>> -> memref<1x1x1x1024xf32, #tpu.memory_space<hbm>>
        %dma_start3A_513 = tpu.memref_squeeze %dma_start3A_512 : memref<1x1x1x1024xf32, #tpu.memory_space<hbm>> -> memref<1024xf32, #tpu.memory_space<hbm>>
        %dma_start3A_514 = arith.constant 0 : i32
        %dma_start3A_515 = tpu.memref_slice %arg4[%sub3A_261, %dma_start3A_508, %add3A, %dma_start3A_514] : memref<200x8x32x1024xf32, #tpu.memory_space<hbm>> -> memref<1x1x1x1024xf32, #tpu.memory_space<hbm>>
        %dma_start3A_516 = tpu.memref_squeeze %dma_start3A_515 : memref<1x1x1x1024xf32, #tpu.memory_space<hbm>> -> memref<1024xf32, #tpu.memory_space<hbm>>
        %dma_start3A_517 = arith.constant 7168 : i32
        %dma_start3A_518 = tpu.memref_slice %arg15[%dma_start3A_517] : memref<8192xf32, #tpu.memory_space<vmem>> -> memref<1024xf32, #tpu.memory_space<vmem>>
        tpu.enqueue_dma source(%dma_start3A_518 : memref<1024xf32, #tpu.memory_space<vmem>>) target(%dma_start3A_516 : memref<1024xf32, #tpu.memory_space<hbm>>) target_semaphore(%arg21 : memref<!tpu.dma_semaphore, #tpu.memory_space<semaphore_mem>>)
      } else {
      }
      %mul3A_268 = arith.constant 4 : i32
      %mul3A_269 = arith.muli %mul3A_268, %scan3A_254 : i32
      %add3A_270 = arith.constant 1 : i32
      %add3A_271 = arith.addi %mul3A_269, %add3A_270 : i32
      %lt3A_272 = arith.constant 200 : i32
      %lt3A_273 = arith.cmpi slt, %add3A_271, %lt3A_272 : i32
      %convert_element_type3A_274 = arith.extui %lt3A_273 : i1 to i32
      %cond3A_275 = arith.constant 0 : i32
      %cond3A_276 = arith.cmpi ne, %convert_element_type3A_274, %cond3A_275 : i32
      scf.if %cond3A_276 {
        %add3A_325 = vector.broadcast %add3A_271 : i32 to vector<16xi32>
        %add3A_326 = arith.addi %add3A_8, %add3A_325 : vector<16xi32>
        %shift_right_logical3A = arith.constant 7 : i32
        %shift_right_logical3A_327 = vector.broadcast %shift_right_logical3A : i32 to vector<16xi32>
        %shift_right_logical3A_328 = arith.shrui %add3A_326, %shift_right_logical3A_327 : vector<16xi32>
        %and3A_329 = arith.constant 127 : i32
        %and3A_330 = vector.broadcast %and3A_329 : i32 to vector<16xi32>
        %and3A_331 = arith.andi %add3A_326, %and3A_330 : vector<16xi32>
        %gather3A = tpu.vector_load_idx %arg5[%shift_right_logical3A_328, %and3A_331] : memref<200x128xi32, #tpu.memory_space<vmem>>[vector<16xi32>, vector<16xi32>], vector<16xi32>,
        %swap3A = arith.constant 0 : index
        %swap3A_332 = tpu.vector_load %arg7[%swap3A] {strides = array<i32>} : memref<128xi32, #tpu.memory_space<vmem>>, vector<16xi32>,
        tpu.vector_store %arg7[%swap3A], %gather3A {strides = array<i32>} : memref<128xi32, #tpu.memory_space<vmem>>, vector<16xi32>,
        %add3A_333 = vector.broadcast %add3A_271 : i32 to vector<16xi32>
        %add3A_334 = arith.addi %add3A_15, %add3A_333 : vector<16xi32>
        %shift_right_logical3A_335 = arith.constant 7 : i32
        %shift_right_logical3A_336 = vector.broadcast %shift_right_logical3A_335 : i32 to vector<16xi32>
        %shift_right_logical3A_337 = arith.shrui %add3A_334, %shift_right_logical3A_336 : vector<16xi32>
        %and3A_338 = arith.constant 127 : i32
        %and3A_339 = vector.broadcast %and3A_338 : i32 to vector<16xi32>
        %and3A_340 = arith.andi %add3A_334, %and3A_339 : vector<16xi32>
        %gather3A_341 = tpu.vector_load_idx %arg5[%shift_right_logical3A_337, %and3A_340] : memref<200x128xi32, #tpu.memory_space<vmem>>[vector<16xi32>, vector<16xi32>], vector<16xi32>,
        %swap3A_342 = arith.constant 16 : index
        %swap3A_343 = tpu.vector_load %arg7[%swap3A_342] {strides = array<i32>} : memref<128xi32, #tpu.memory_space<vmem>>, vector<16xi32>,
        tpu.vector_store %arg7[%swap3A_342], %gather3A_341 {strides = array<i32>} : memref<128xi32, #tpu.memory_space<vmem>>, vector<16xi32>,
        %add3A_344 = vector.broadcast %add3A_271 : i32 to vector<16xi32>
        %add3A_345 = arith.addi %add3A_22, %add3A_344 : vector<16xi32>
        %shift_right_logical3A_346 = arith.constant 7 : i32
        %shift_right_logical3A_347 = vector.broadcast %shift_right_logical3A_346 : i32 to vector<16xi32>
        %shift_right_logical3A_348 = arith.shrui %add3A_345, %shift_right_logical3A_347 : vector<16xi32>
        %and3A_349 = arith.constant 127 : i32
        %and3A_350 = vector.broadcast %and3A_349 : i32 to vector<16xi32>
        %and3A_351 = arith.andi %add3A_345, %and3A_350 : vector<16xi32>
        %gather3A_352 = tpu.vector_load_idx %arg5[%shift_right_logical3A_348, %and3A_351] : memref<200x128xi32, #tpu.memory_space<vmem>>[vector<16xi32>, vector<16xi32>], vector<16xi32>,
        %swap3A_353 = arith.constant 32 : index
        %swap3A_354 = tpu.vector_load %arg7[%swap3A_353] {strides = array<i32>} : memref<128xi32, #tpu.memory_space<vmem>>, vector<16xi32>,
        tpu.vector_store %arg7[%swap3A_353], %gather3A_352 {strides = array<i32>} : memref<128xi32, #tpu.memory_space<vmem>>, vector<16xi32>,
        %add3A_355 = vector.broadcast %add3A_271 : i32 to vector<16xi32>
        %add3A_356 = arith.addi %add3A_29, %add3A_355 : vector<16xi32>
        %shift_right_logical3A_357 = arith.constant 7 : i32
        %shift_right_logical3A_358 = vector.broadcast %shift_right_logical3A_357 : i32 to vector<16xi32>
        %shift_right_logical3A_359 = arith.shrui %add3A_356, %shift_right_logical3A_358 : vector<16xi32>
        %and3A_360 = arith.constant 127 : i32
        %and3A_361 = vector.broadcast %and3A_360 : i32 to vector<16xi32>
        %and3A_362 = arith.andi %add3A_356, %and3A_361 : vector<16xi32>
        %gather3A_363 = tpu.vector_load_idx %arg5[%shift_right_logical3A_359, %and3A_362] : memref<200x128xi32, #tpu.memory_space<vmem>>[vector<16xi32>, vector<16xi32>], vector<16xi32>,
        %swap3A_364 = arith.constant 48 : index
        %swap3A_365 = tpu.vector_load %arg7[%swap3A_364] {strides = array<i32>} : memref<128xi32, #tpu.memory_space<vmem>>, vector<16xi32>,
        tpu.vector_store %arg7[%swap3A_364], %gather3A_363 {strides = array<i32>} : memref<128xi32, #tpu.memory_space<vmem>>, vector<16xi32>,
        %add3A_366 = vector.broadcast %add3A_271 : i32 to vector<16xi32>
        %add3A_367 = arith.addi %add3A_36, %add3A_366 : vector<16xi32>
        %shift_right_logical3A_368 = arith.constant 7 : i32
        %shift_right_logical3A_369 = vector.broadcast %shift_right_logical3A_368 : i32 to vector<16xi32>
        %shift_right_logical3A_370 = arith.shrui %add3A_367, %shift_right_logical3A_369 : vector<16xi32>
        %and3A_371 = arith.constant 127 : i32
        %and3A_372 = vector.broadcast %and3A_371 : i32 to vector<16xi32>
        %and3A_373 = arith.andi %add3A_367, %and3A_372 : vector<16xi32>
        %gather3A_374 = tpu.vector_load_idx %arg5[%shift_right_logical3A_370, %and3A_373] : memref<200x128xi32, #tpu.memory_space<vmem>>[vector<16xi32>, vector<16xi32>], vector<16xi32>,
        %swap3A_375 = arith.constant 64 : index
        %swap3A_376 = tpu.vector_load %arg7[%swap3A_375] {strides = array<i32>} : memref<128xi32, #tpu.memory_space<vmem>>, vector<16xi32>,
        tpu.vector_store %arg7[%swap3A_375], %gather3A_374 {strides = array<i32>} : memref<128xi32, #tpu.memory_space<vmem>>, vector<16xi32>,
        %add3A_377 = vector.broadcast %add3A_271 : i32 to vector<16xi32>
        %add3A_378 = arith.addi %add3A_43, %add3A_377 : vector<16xi32>
        %shift_right_logical3A_379 = arith.constant 7 : i32
        %shift_right_logical3A_380 = vector.broadcast %shift_right_logical3A_379 : i32 to vector<16xi32>
        %shift_right_logical3A_381 = arith.shrui %add3A_378, %shift_right_logical3A_380 : vector<16xi32>
        %and3A_382 = arith.constant 127 : i32
        %and3A_383 = vector.broadcast %and3A_382 : i32 to vector<16xi32>
        %and3A_384 = arith.andi %add3A_378, %and3A_383 : vector<16xi32>
        %gather3A_385 = tpu.vector_load_idx %arg5[%shift_right_logical3A_381, %and3A_384] : memref<200x128xi32, #tpu.memory_space<vmem>>[vector<16xi32>, vector<16xi32>], vector<16xi32>,
        %swap3A_386 = arith.constant 80 : index
        %swap3A_387 = tpu.vector_load %arg7[%swap3A_386] {strides = array<i32>} : memref<128xi32, #tpu.memory_space<vmem>>, vector<16xi32>,
        tpu.vector_store %arg7[%swap3A_386], %gather3A_385 {strides = array<i32>} : memref<128xi32, #tpu.memory_space<vmem>>, vector<16xi32>,
        %add3A_388 = vector.broadcast %add3A_271 : i32 to vector<16xi32>
        %add3A_389 = arith.addi %add3A_50, %add3A_388 : vector<16xi32>
        %shift_right_logical3A_390 = arith.constant 7 : i32
        %shift_right_logical3A_391 = vector.broadcast %shift_right_logical3A_390 : i32 to vector<16xi32>
        %shift_right_logical3A_392 = arith.shrui %add3A_389, %shift_right_logical3A_391 : vector<16xi32>
        %and3A_393 = arith.constant 127 : i32
        %and3A_394 = vector.broadcast %and3A_393 : i32 to vector<16xi32>
        %and3A_395 = arith.andi %add3A_389, %and3A_394 : vector<16xi32>
        %gather3A_396 = tpu.vector_load_idx %arg5[%shift_right_logical3A_392, %and3A_395] : memref<200x128xi32, #tpu.memory_space<vmem>>[vector<16xi32>, vector<16xi32>], vector<16xi32>,
        %swap3A_397 = arith.constant 96 : index
        %swap3A_398 = tpu.vector_load %arg7[%swap3A_397] {strides = array<i32>} : memref<128xi32, #tpu.memory_space<vmem>>, vector<16xi32>,
        tpu.vector_store %arg7[%swap3A_397], %gather3A_396 {strides = array<i32>} : memref<128xi32, #tpu.memory_space<vmem>>, vector<16xi32>,
        %add3A_399 = vector.broadcast %add3A_271 : i32 to vector<16xi32>
        %add3A_400 = arith.addi %add3A_57, %add3A_399 : vector<16xi32>
        %shift_right_logical3A_401 = arith.constant 7 : i32
        %shift_right_logical3A_402 = vector.broadcast %shift_right_logical3A_401 : i32 to vector<16xi32>
        %shift_right_logical3A_403 = arith.shrui %add3A_400, %shift_right_logical3A_402 : vector<16xi32>
        %and3A_404 = arith.constant 127 : i32
        %and3A_405 = vector.broadcast %and3A_404 : i32 to vector<16xi32>
        %and3A_406 = arith.andi %add3A_400, %and3A_405 : vector<16xi32>
        %gather3A_407 = tpu.vector_load_idx %arg5[%shift_right_logical3A_403, %and3A_406] : memref<200x128xi32, #tpu.memory_space<vmem>>[vector<16xi32>, vector<16xi32>], vector<16xi32>,
        %swap3A_408 = arith.constant 112 : index
        %swap3A_409 = tpu.vector_load %arg7[%swap3A_408] {strides = array<i32>} : memref<128xi32, #tpu.memory_space<vmem>>, vector<16xi32>,
        tpu.vector_store %arg7[%swap3A_408], %gather3A_407 {strides = array<i32>} : memref<128xi32, #tpu.memory_space<vmem>>, vector<16xi32>,
        %dma_start3A = arith.constant 0 : i32
        %dma_start3A_410 = arith.constant 0 : i32
        %dma_start3A_411 = tpu.memref_slice %arg3[%dma_start3A, %dma_start3A_410] : memref<2000000x64xf32, #tpu.memory_space<hbm>> -> memref<2000000x64xf32, #tpu.memory_space<hbm>>
        tpu.enqueue_indirect_dma source(%dma_start3A_411 : memref<2000000x64xf32, #tpu.memory_space<hbm>>) target(%arg11 : memref<128x64xf32, #tpu.memory_space<vmem>>) offsets(%arg7 : memref<128xi32, #tpu.memory_space<vmem>>) semaphore(%arg17 : memref<!tpu.dma_semaphore, #tpu.memory_space<semaphore_mem>>)
      } else {
      }
      %sub3A_277 = arith.constant 3 : i32
      %sub3A_278 = arith.subi %add3A_271, %sub3A_277 : i32
      %ge3A_279 = arith.constant 0 : i32
      %ge3A_280 = arith.cmpi sge, %sub3A_278, %ge3A_279 : i32
      %lt3A_281 = arith.constant 200 : i32
      %lt3A_282 = arith.cmpi slt, %sub3A_278, %lt3A_281 : i32
      %and3A_283 = arith.andi %ge3A_280, %lt3A_282 : i1
      %convert_element_type3A_284 = arith.extui %and3A_283 : i1 to i32
      %cond3A_285 = arith.constant 0 : i32
      %cond3A_286 = arith.cmpi ne, %convert_element_type3A_284, %cond3A_285 : i32
      scf.if %cond3A_286 {
        %dma_wait3A_325 = arith.constant 0 : i32
        %dma_wait3A_326 = arith.constant 0 : i32
        %dma_wait3A_327 = tpu.memref_slice %arg3[%dma_wait3A_325, %dma_wait3A_326] : memref<2000000x64xf32, #tpu.memory_space<hbm>> -> memref<2000000x64xf32, #tpu.memory_space<hbm>>
        tpu.wait_indirect_dma semaphore(%arg18 : memref<!tpu.dma_semaphore, #tpu.memory_space<semaphore_mem>>) src(%dma_wait3A_327 : memref<2000000x64xf32, #tpu.memory_space<hbm>>) dst(%arg12 : memref<128x64xf32, #tpu.memory_space<vmem>>)
        %ge3A_328 = arith.constant 2 : i32
        %ge3A_329 = arith.cmpi sge, %sub3A_278, %ge3A_328 : i32
        %convert_element_type3A_330 = arith.extui %ge3A_329 : i1 to i32
        %cond3A_331 = arith.constant 0 : i32
        %cond3A_332 = arith.cmpi ne, %convert_element_type3A_330, %cond3A_331 : i32
        scf.if %cond3A_332 {
          %sub3A_519 = arith.constant 2 : i32
          %sub3A_520 = arith.subi %sub3A_278, %sub3A_519 : i32
          %dma_wait3A_521 = arith.constant 0 : i32
          %dma_wait3A_522 = arith.constant 0 : i32
          %dma_wait3A_523 = tpu.memref_slice %arg14[%dma_wait3A_522] : memref<8192xf32, #tpu.memory_space<vmem>> -> memref<1024xf32, #tpu.memory_space<vmem>>
          %dma_wait3A_524 = arith.constant 0 : i32
          %dma_wait3A_525 = tpu.memref_slice %arg4[%sub3A_520, %dma_wait3A_521, %add3A, %dma_wait3A_524] : memref<200x8x32x1024xf32, #tpu.memory_space<hbm>> -> memref<1x1x1x1024xf32, #tpu.memory_space<hbm>>
          %dma_wait3A_526 = tpu.memref_squeeze %dma_wait3A_525 : memref<1x1x1x1024xf32, #tpu.memory_space<hbm>> -> memref<1024xf32, #tpu.memory_space<hbm>>
          %dma_wait3A_527 = arith.constant 0 : i32
          %dma_wait3A_528 = tpu.memref_slice %arg4[%sub3A_520, %dma_wait3A_521, %add3A, %dma_wait3A_527] : memref<200x8x32x1024xf32, #tpu.memory_space<hbm>> -> memref<1x1x1x1024xf32, #tpu.memory_space<hbm>>
          %dma_wait3A_529 = tpu.memref_squeeze %dma_wait3A_528 : memref<1x1x1x1024xf32, #tpu.memory_space<hbm>> -> memref<1024xf32, #tpu.memory_space<hbm>>
          %dma_wait3A_530 = arith.constant 0 : i32
          %dma_wait3A_531 = tpu.memref_slice %arg14[%dma_wait3A_530] : memref<8192xf32, #tpu.memory_space<vmem>> -> memref<1024xf32, #tpu.memory_space<vmem>>
          tpu.wait_dma2 semaphore(%arg20 : memref<!tpu.dma_semaphore, #tpu.memory_space<semaphore_mem>>) src(%dma_wait3A_531 : memref<1024xf32, #tpu.memory_space<vmem>>) dst(%dma_wait3A_529 : memref<1024xf32, #tpu.memory_space<hbm>>)
          %dma_wait3A_532 = arith.constant 1 : i32
          %dma_wait3A_533 = arith.constant 1024 : i32
          %dma_wait3A_534 = tpu.memref_slice %arg14[%dma_wait3A_533] : memref<8192xf32, #tpu.memory_space<vmem>> -> memref<1024xf32, #tpu.memory_space<vmem>>
          %dma_wait3A_535 = arith.constant 0 : i32
          %dma_wait3A_536 = tpu.memref_slice %arg4[%sub3A_520, %dma_wait3A_532, %add3A, %dma_wait3A_535] : memref<200x8x32x1024xf32, #tpu.memory_space<hbm>> -> memref<1x1x1x1024xf32, #tpu.memory_space<hbm>>
          %dma_wait3A_537 = tpu.memref_squeeze %dma_wait3A_536 : memref<1x1x1x1024xf32, #tpu.memory_space<hbm>> -> memref<1024xf32, #tpu.memory_space<hbm>>
          %dma_wait3A_538 = arith.constant 0 : i32
          %dma_wait3A_539 = tpu.memref_slice %arg4[%sub3A_520, %dma_wait3A_532, %add3A, %dma_wait3A_538] : memref<200x8x32x1024xf32, #tpu.memory_space<hbm>> -> memref<1x1x1x1024xf32, #tpu.memory_space<hbm>>
          %dma_wait3A_540 = tpu.memref_squeeze %dma_wait3A_539 : memref<1x1x1x1024xf32, #tpu.memory_space<hbm>> -> memref<1024xf32, #tpu.memory_space<hbm>>
          %dma_wait3A_541 = arith.constant 1024 : i32
          %dma_wait3A_542 = tpu.memref_slice %arg14[%dma_wait3A_541] : memref<8192xf32, #tpu.memory_space<vmem>> -> memref<1024xf32, #tpu.memory_space<vmem>>
          tpu.wait_dma2 semaphore(%arg20 : memref<!tpu.dma_semaphore, #tpu.memory_space<semaphore_mem>>) src(%dma_wait3A_542 : memref<1024xf32, #tpu.memory_space<vmem>>) dst(%dma_wait3A_540 : memref<1024xf32, #tpu.memory_space<hbm>>)
          %dma_wait3A_543 = arith.constant 2 : i32
          %dma_wait3A_544 = arith.constant 2048 : i32
          %dma_wait3A_545 = tpu.memref_slice %arg14[%dma_wait3A_544] : memref<8192xf32, #tpu.memory_space<vmem>> -> memref<1024xf32, #tpu.memory_space<vmem>>
          %dma_wait3A_546 = arith.constant 0 : i32
          %dma_wait3A_547 = tpu.memref_slice %arg4[%sub3A_520, %dma_wait3A_543, %add3A, %dma_wait3A_546] : memref<200x8x32x1024xf32, #tpu.memory_space<hbm>> -> memref<1x1x1x1024xf32, #tpu.memory_space<hbm>>
          %dma_wait3A_548 = tpu.memref_squeeze %dma_wait3A_547 : memref<1x1x1x1024xf32, #tpu.memory_space<hbm>> -> memref<1024xf32, #tpu.memory_space<hbm>>
          %dma_wait3A_549 = arith.constant 0 : i32
          %dma_wait3A_550 = tpu.memref_slice %arg4[%sub3A_520, %dma_wait3A_543, %add3A, %dma_wait3A_549] : memref<200x8x32x1024xf32, #tpu.memory_space<hbm>> -> memref<1x1x1x1024xf32, #tpu.memory_space<hbm>>
          %dma_wait3A_551 = tpu.memref_squeeze %dma_wait3A_550 : memref<1x1x1x1024xf32, #tpu.memory_space<hbm>> -> memref<1024xf32, #tpu.memory_space<hbm>>
          %dma_wait3A_552 = arith.constant 2048 : i32
          %dma_wait3A_553 = tpu.memref_slice %arg14[%dma_wait3A_552] : memref<8192xf32, #tpu.memory_space<vmem>> -> memref<1024xf32, #tpu.memory_space<vmem>>
          tpu.wait_dma2 semaphore(%arg20 : memref<!tpu.dma_semaphore, #tpu.memory_space<semaphore_mem>>) src(%dma_wait3A_553 : memref<1024xf32, #tpu.memory_space<vmem>>) dst(%dma_wait3A_551 : memref<1024xf32, #tpu.memory_space<hbm>>)
          %dma_wait3A_554 = arith.constant 3 : i32
          %dma_wait3A_555 = arith.constant 3072 : i32
          %dma_wait3A_556 = tpu.memref_slice %arg14[%dma_wait3A_555] : memref<8192xf32, #tpu.memory_space<vmem>> -> memref<1024xf32, #tpu.memory_space<vmem>>
          %dma_wait3A_557 = arith.constant 0 : i32
          %dma_wait3A_558 = tpu.memref_slice %arg4[%sub3A_520, %dma_wait3A_554, %add3A, %dma_wait3A_557] : memref<200x8x32x1024xf32, #tpu.memory_space<hbm>> -> memref<1x1x1x1024xf32, #tpu.memory_space<hbm>>
          %dma_wait3A_559 = tpu.memref_squeeze %dma_wait3A_558 : memref<1x1x1x1024xf32, #tpu.memory_space<hbm>> -> memref<1024xf32, #tpu.memory_space<hbm>>
          %dma_wait3A_560 = arith.constant 0 : i32
          %dma_wait3A_561 = tpu.memref_slice %arg4[%sub3A_520, %dma_wait3A_554, %add3A, %dma_wait3A_560] : memref<200x8x32x1024xf32, #tpu.memory_space<hbm>> -> memref<1x1x1x1024xf32, #tpu.memory_space<hbm>>
          %dma_wait3A_562 = tpu.memref_squeeze %dma_wait3A_561 : memref<1x1x1x1024xf32, #tpu.memory_space<hbm>> -> memref<1024xf32, #tpu.memory_space<hbm>>
          %dma_wait3A_563 = arith.constant 3072 : i32
          %dma_wait3A_564 = tpu.memref_slice %arg14[%dma_wait3A_563] : memref<8192xf32, #tpu.memory_space<vmem>> -> memref<1024xf32, #tpu.memory_space<vmem>>
          tpu.wait_dma2 semaphore(%arg20 : memref<!tpu.dma_semaphore, #tpu.memory_space<semaphore_mem>>) src(%dma_wait3A_564 : memref<1024xf32, #tpu.memory_space<vmem>>) dst(%dma_wait3A_562 : memref<1024xf32, #tpu.memory_space<hbm>>)
          %dma_wait3A_565 = arith.constant 4 : i32
          %dma_wait3A_566 = arith.constant 4096 : i32
          %dma_wait3A_567 = tpu.memref_slice %arg14[%dma_wait3A_566] : memref<8192xf32, #tpu.memory_space<vmem>> -> memref<1024xf32, #tpu.memory_space<vmem>>
          %dma_wait3A_568 = arith.constant 0 : i32
          %dma_wait3A_569 = tpu.memref_slice %arg4[%sub3A_520, %dma_wait3A_565, %add3A, %dma_wait3A_568] : memref<200x8x32x1024xf32, #tpu.memory_space<hbm>> -> memref<1x1x1x1024xf32, #tpu.memory_space<hbm>>
          %dma_wait3A_570 = tpu.memref_squeeze %dma_wait3A_569 : memref<1x1x1x1024xf32, #tpu.memory_space<hbm>> -> memref<1024xf32, #tpu.memory_space<hbm>>
          %dma_wait3A_571 = arith.constant 0 : i32
          %dma_wait3A_572 = tpu.memref_slice %arg4[%sub3A_520, %dma_wait3A_565, %add3A, %dma_wait3A_571] : memref<200x8x32x1024xf32, #tpu.memory_space<hbm>> -> memref<1x1x1x1024xf32, #tpu.memory_space<hbm>>
          %dma_wait3A_573 = tpu.memref_squeeze %dma_wait3A_572 : memref<1x1x1x1024xf32, #tpu.memory_space<hbm>> -> memref<1024xf32, #tpu.memory_space<hbm>>
          %dma_wait3A_574 = arith.constant 4096 : i32
          %dma_wait3A_575 = tpu.memref_slice %arg14[%dma_wait3A_574] : memref<8192xf32, #tpu.memory_space<vmem>> -> memref<1024xf32, #tpu.memory_space<vmem>>
          tpu.wait_dma2 semaphore(%arg20 : memref<!tpu.dma_semaphore, #tpu.memory_space<semaphore_mem>>) src(%dma_wait3A_575 : memref<1024xf32, #tpu.memory_space<vmem>>) dst(%dma_wait3A_573 : memref<1024xf32, #tpu.memory_space<hbm>>)
          %dma_wait3A_576 = arith.constant 5 : i32
          %dma_wait3A_577 = arith.constant 5120 : i32
          %dma_wait3A_578 = tpu.memref_slice %arg14[%dma_wait3A_577] : memref<8192xf32, #tpu.memory_space<vmem>> -> memref<1024xf32, #tpu.memory_space<vmem>>
          %dma_wait3A_579 = arith.constant 0 : i32
          %dma_wait3A_580 = tpu.memref_slice %arg4[%sub3A_520, %dma_wait3A_576, %add3A, %dma_wait3A_579] : memref<200x8x32x1024xf32, #tpu.memory_space<hbm>> -> memref<1x1x1x1024xf32, #tpu.memory_space<hbm>>
          %dma_wait3A_581 = tpu.memref_squeeze %dma_wait3A_580 : memref<1x1x1x1024xf32, #tpu.memory_space<hbm>> -> memref<1024xf32, #tpu.memory_space<hbm>>
          %dma_wait3A_582 = arith.constant 0 : i32
          %dma_wait3A_583 = tpu.memref_slice %arg4[%sub3A_520, %dma_wait3A_576, %add3A, %dma_wait3A_582] : memref<200x8x32x1024xf32, #tpu.memory_space<hbm>> -> memref<1x1x1x1024xf32, #tpu.memory_space<hbm>>
          %dma_wait3A_584 = tpu.memref_squeeze %dma_wait3A_583 : memref<1x1x1x1024xf32, #tpu.memory_space<hbm>> -> memref<1024xf32, #tpu.memory_space<hbm>>
          %dma_wait3A_585 = arith.constant 5120 : i32
          %dma_wait3A_586 = tpu.memref_slice %arg14[%dma_wait3A_585] : memref<8192xf32, #tpu.memory_space<vmem>> -> memref<1024xf32, #tpu.memory_space<vmem>>
          tpu.wait_dma2 semaphore(%arg20 : memref<!tpu.dma_semaphore, #tpu.memory_space<semaphore_mem>>) src(%dma_wait3A_586 : memref<1024xf32, #tpu.memory_space<vmem>>) dst(%dma_wait3A_584 : memref<1024xf32, #tpu.memory_space<hbm>>)
          %dma_wait3A_587 = arith.constant 6 : i32
          %dma_wait3A_588 = arith.constant 6144 : i32
          %dma_wait3A_589 = tpu.memref_slice %arg14[%dma_wait3A_588] : memref<8192xf32, #tpu.memory_space<vmem>> -> memref<1024xf32, #tpu.memory_space<vmem>>
          %dma_wait3A_590 = arith.constant 0 : i32
          %dma_wait3A_591 = tpu.memref_slice %arg4[%sub3A_520, %dma_wait3A_587, %add3A, %dma_wait3A_590] : memref<200x8x32x1024xf32, #tpu.memory_space<hbm>> -> memref<1x1x1x1024xf32, #tpu.memory_space<hbm>>
          %dma_wait3A_592 = tpu.memref_squeeze %dma_wait3A_591 : memref<1x1x1x1024xf32, #tpu.memory_space<hbm>> -> memref<1024xf32, #tpu.memory_space<hbm>>
          %dma_wait3A_593 = arith.constant 0 : i32
          %dma_wait3A_594 = tpu.memref_slice %arg4[%sub3A_520, %dma_wait3A_587, %add3A, %dma_wait3A_593] : memref<200x8x32x1024xf32, #tpu.memory_space<hbm>> -> memref<1x1x1x1024xf32, #tpu.memory_space<hbm>>
          %dma_wait3A_595 = tpu.memref_squeeze %dma_wait3A_594 : memref<1x1x1x1024xf32, #tpu.memory_space<hbm>> -> memref<1024xf32, #tpu.memory_space<hbm>>
          %dma_wait3A_596 = arith.constant 6144 : i32
          %dma_wait3A_597 = tpu.memref_slice %arg14[%dma_wait3A_596] : memref<8192xf32, #tpu.memory_space<vmem>> -> memref<1024xf32, #tpu.memory_space<vmem>>
          tpu.wait_dma2 semaphore(%arg20 : memref<!tpu.dma_semaphore, #tpu.memory_space<semaphore_mem>>) src(%dma_wait3A_597 : memref<1024xf32, #tpu.memory_space<vmem>>) dst(%dma_wait3A_595 : memref<1024xf32, #tpu.memory_space<hbm>>)
          %dma_wait3A_598 = arith.constant 7 : i32
          %dma_wait3A_599 = arith.constant 7168 : i32
          %dma_wait3A_600 = tpu.memref_slice %arg14[%dma_wait3A_599] : memref<8192xf32, #tpu.memory_space<vmem>> -> memref<1024xf32, #tpu.memory_space<vmem>>
          %dma_wait3A_601 = arith.constant 0 : i32
          %dma_wait3A_602 = tpu.memref_slice %arg4[%sub3A_520, %dma_wait3A_598, %add3A, %dma_wait3A_601] : memref<200x8x32x1024xf32, #tpu.memory_space<hbm>> -> memref<1x1x1x1024xf32, #tpu.memory_space<hbm>>
          %dma_wait3A_603 = tpu.memref_squeeze %dma_wait3A_602 : memref<1x1x1x1024xf32, #tpu.memory_space<hbm>> -> memref<1024xf32, #tpu.memory_space<hbm>>
          %dma_wait3A_604 = arith.constant 0 : i32
          %dma_wait3A_605 = tpu.memref_slice %arg4[%sub3A_520, %dma_wait3A_598, %add3A, %dma_wait3A_604] : memref<200x8x32x1024xf32, #tpu.memory_space<hbm>> -> memref<1x1x1x1024xf32, #tpu.memory_space<hbm>>
          %dma_wait3A_606 = tpu.memref_squeeze %dma_wait3A_605 : memref<1x1x1x1024xf32, #tpu.memory_space<hbm>> -> memref<1024xf32, #tpu.memory_space<hbm>>
          %dma_wait3A_607 = arith.constant 7168 : i32
          %dma_wait3A_608 = tpu.memref_slice %arg14[%dma_wait3A_607] : memref<8192xf32, #tpu.memory_space<vmem>> -> memref<1024xf32, #tpu.memory_space<vmem>>
          tpu.wait_dma2 semaphore(%arg20 : memref<!tpu.dma_semaphore, #tpu.memory_space<semaphore_mem>>) src(%dma_wait3A_608 : memref<1024xf32, #tpu.memory_space<vmem>>) dst(%dma_wait3A_606 : memref<1024xf32, #tpu.memory_space<hbm>>)
        } else {
        }
        %iota3A_333 = tpu.iota {dimensions = array<i32: 0>} : vector<16xi32>
        %add3A_334 = arith.constant 0 : i32
        %add3A_335 = vector.broadcast %add3A_334 : i32 to vector<16xi32>
        %add3A_336 = arith.addi %iota3A_333, %add3A_335 : vector<16xi32>
        %and3A_337 = arith.constant 15 : i32
        %and3A_338 = vector.broadcast %and3A_337 : i32 to vector<16xi32>
        %and3A_339 = arith.andi %add3A_336, %and3A_338 : vector<16xi32>
        %add3A_340 = arith.constant 1 : i32
        %add3A_341 = vector.broadcast %add3A_340 : i32 to vector<16xi32>
        %add3A_342 = arith.addi %iota3A_333, %add3A_341 : vector<16xi32>
        %and3A_343 = arith.constant 15 : i32
        %and3A_344 = vector.broadcast %and3A_343 : i32 to vector<16xi32>
        %and3A_345 = arith.andi %add3A_342, %and3A_344 : vector<16xi32>
        %add3A_346 = arith.constant 2 : i32
        %add3A_347 = vector.broadcast %add3A_346 : i32 to vector<16xi32>
        %add3A_348 = arith.addi %iota3A_333, %add3A_347 : vector<16xi32>
        %and3A_349 = arith.constant 15 : i32
        %and3A_350 = vector.broadcast %and3A_349 : i32 to vector<16xi32>
        %and3A_351 = arith.andi %add3A_348, %and3A_350 : vector<16xi32>
        %add3A_352 = arith.constant 3 : i32
        %add3A_353 = vector.broadcast %add3A_352 : i32 to vector<16xi32>
        %add3A_354 = arith.addi %iota3A_333, %add3A_353 : vector<16xi32>
        %and3A_355 = arith.constant 15 : i32
        %and3A_356 = vector.broadcast %and3A_355 : i32 to vector<16xi32>
        %and3A_357 = arith.andi %add3A_354, %and3A_356 : vector<16xi32>
        %add3A_358 = arith.constant 4 : i32
        %add3A_359 = vector.broadcast %add3A_358 : i32 to vector<16xi32>
        %add3A_360 = arith.addi %iota3A_333, %add3A_359 : vector<16xi32>
        %and3A_361 = arith.constant 15 : i32
        %and3A_362 = vector.broadcast %and3A_361 : i32 to vector<16xi32>
        %and3A_363 = arith.andi %add3A_360, %and3A_362 : vector<16xi32>
        %add3A_364 = arith.constant 5 : i32
        %add3A_365 = vector.broadcast %add3A_364 : i32 to vector<16xi32>
        %add3A_366 = arith.addi %iota3A_333, %add3A_365 : vector<16xi32>
        %and3A_367 = arith.constant 15 : i32
        %and3A_368 = vector.broadcast %and3A_367 : i32 to vector<16xi32>
        %and3A_369 = arith.andi %add3A_366, %and3A_368 : vector<16xi32>
        %add3A_370 = arith.constant 6 : i32
        %add3A_371 = vector.broadcast %add3A_370 : i32 to vector<16xi32>
        %add3A_372 = arith.addi %iota3A_333, %add3A_371 : vector<16xi32>
        %and3A_373 = arith.constant 15 : i32
        %and3A_374 = vector.broadcast %and3A_373 : i32 to vector<16xi32>
        %and3A_375 = arith.andi %add3A_372, %and3A_374 : vector<16xi32>
        %add3A_376 = arith.constant 7 : i32
        %add3A_377 = vector.broadcast %add3A_376 : i32 to vector<16xi32>
        %add3A_378 = arith.addi %iota3A_333, %add3A_377 : vector<16xi32>
        %and3A_379 = arith.constant 15 : i32
        %and3A_380 = vector.broadcast %and3A_379 : i32 to vector<16xi32>
        %and3A_381 = arith.andi %add3A_378, %and3A_380 : vector<16xi32>
        %add3A_382 = arith.constant 8 : i32
        %add3A_383 = vector.broadcast %add3A_382 : i32 to vector<16xi32>
        %add3A_384 = arith.addi %iota3A_333, %add3A_383 : vector<16xi32>
        %and3A_385 = arith.constant 15 : i32
        %and3A_386 = vector.broadcast %and3A_385 : i32 to vector<16xi32>
        %and3A_387 = arith.andi %add3A_384, %and3A_386 : vector<16xi32>
        %add3A_388 = arith.constant 9 : i32
        %add3A_389 = vector.broadcast %add3A_388 : i32 to vector<16xi32>
        %add3A_390 = arith.addi %iota3A_333, %add3A_389 : vector<16xi32>
        %and3A_391 = arith.constant 15 : i32
        %and3A_392 = vector.broadcast %and3A_391 : i32 to vector<16xi32>
        %and3A_393 = arith.andi %add3A_390, %and3A_392 : vector<16xi32>
        %add3A_394 = arith.constant 10 : i32
        %add3A_395 = vector.broadcast %add3A_394 : i32 to vector<16xi32>
        %add3A_396 = arith.addi %iota3A_333, %add3A_395 : vector<16xi32>
        %and3A_397 = arith.constant 15 : i32
        %and3A_398 = vector.broadcast %and3A_397 : i32 to vector<16xi32>
        %and3A_399 = arith.andi %add3A_396, %and3A_398 : vector<16xi32>
        %add3A_400 = arith.constant 11 : i32
        %add3A_401 = vector.broadcast %add3A_400 : i32 to vector<16xi32>
        %add3A_402 = arith.addi %iota3A_333, %add3A_401 : vector<16xi32>
        %and3A_403 = arith.constant 15 : i32
        %and3A_404 = vector.broadcast %and3A_403 : i32 to vector<16xi32>
        %and3A_405 = arith.andi %add3A_402, %and3A_404 : vector<16xi32>
        %add3A_406 = arith.constant 12 : i32
        %add3A_407 = vector.broadcast %add3A_406 : i32 to vector<16xi32>
        %add3A_408 = arith.addi %iota3A_333, %add3A_407 : vector<16xi32>
        %and3A_409 = arith.constant 15 : i32
        %and3A_410 = vector.broadcast %and3A_409 : i32 to vector<16xi32>
        %and3A_411 = arith.andi %add3A_408, %and3A_410 : vector<16xi32>
        %add3A_412 = arith.constant 13 : i32
        %add3A_413 = vector.broadcast %add3A_412 : i32 to vector<16xi32>
        %add3A_414 = arith.addi %iota3A_333, %add3A_413 : vector<16xi32>
        %and3A_415 = arith.constant 15 : i32
        %and3A_416 = vector.broadcast %and3A_415 : i32 to vector<16xi32>
        %and3A_417 = arith.andi %add3A_414, %and3A_416 : vector<16xi32>
        %add3A_418 = arith.constant 14 : i32
        %add3A_419 = vector.broadcast %add3A_418 : i32 to vector<16xi32>
        %add3A_420 = arith.addi %iota3A_333, %add3A_419 : vector<16xi32>
        %and3A_421 = arith.constant 15 : i32
        %and3A_422 = vector.broadcast %and3A_421 : i32 to vector<16xi32>
        %and3A_423 = arith.andi %add3A_420, %and3A_422 : vector<16xi32>
        %add3A_424 = arith.constant 15 : i32
        %add3A_425 = vector.broadcast %add3A_424 : i32 to vector<16xi32>
        %add3A_426 = arith.addi %iota3A_333, %add3A_425 : vector<16xi32>
        %and3A_427 = arith.constant 15 : i32
        %and3A_428 = vector.broadcast %and3A_427 : i32 to vector<16xi32>
        %and3A_429 = arith.andi %add3A_426, %and3A_428 : vector<16xi32>
        %parallel_loop3A = arith.constant 0 : i32
        %parallel_loop3A_430 = arith.constant 128 : i32
        %parallel_loop3A_431 = arith.constant 1 : i32
        scf.for %parallel_loop3A_519 = %parallel_loop3A to %parallel_loop3A_430 step %parallel_loop3A_431  : i32 {
          %parallel_loop3A_520 = arith.constant 4 : i32
          %parallel_loop3A_521 = arith.shrui %parallel_loop3A_519, %parallel_loop3A_520 : i32
          %parallel_loop3A_522 = arith.constant 15 : i32
          %parallel_loop3A_523 = arith.andi %parallel_loop3A_519, %parallel_loop3A_522 : i32
          %parallel_loop3A_524 = vector.broadcast %parallel_loop3A_523 : i32 to vector<16xi32>
          %parallel_loop3A_525 = arith.addi %iota3A_333, %parallel_loop3A_524 : vector<16xi32>
          %parallel_loop3A_526 = arith.constant 15 : i32
          %parallel_loop3A_527 = vector.broadcast %parallel_loop3A_526 : i32 to vector<16xi32>
          %parallel_loop3A_528 = arith.andi %parallel_loop3A_525, %parallel_loop3A_527 : vector<16xi32>
          %parallel_loop3A_529 = arith.constant 16 : i32
          %parallel_loop3A_530 = arith.muli %parallel_loop3A_521, %parallel_loop3A_529 : i32
          %parallel_loop3A_531 = vector.broadcast %parallel_loop3A_530 : i32 to vector<16xi32>
          %parallel_loop3A_532 = arith.addi %parallel_loop3A_528, %parallel_loop3A_531 : vector<16xi32>
          %parallel_loop3A_533 = arith.constant 0 : i32
          %parallel_loop3A_534 = vector.broadcast %parallel_loop3A_533 : i32 to vector<16xi32>
          %parallel_loop3A_535 = arith.addi %iota3A_333, %parallel_loop3A_534 : vector<16xi32>
          %parallel_loop3A_536 = tpu.vector_load_idx %arg12[%parallel_loop3A_532, %parallel_loop3A_535] : memref<128x64xf32, #tpu.memory_space<vmem>>[vector<16xi32>, vector<16xi32>], vector<16xf32>,
          %parallel_loop3A_537 = arith.constant 128 : i32
          %parallel_loop3A_538 = vector.broadcast %parallel_loop3A_537 : i32 to vector<16xi32>
          %parallel_loop3A_539 = arith.muli %parallel_loop3A_535, %parallel_loop3A_538 : vector<16xi32>
          %parallel_loop3A_540 = arith.addi %parallel_loop3A_539, %parallel_loop3A_532 : vector<16xi32>
          tpu.vector_store_idx %arg14[%parallel_loop3A_540], %parallel_loop3A_536 : memref<8192xf32, #tpu.memory_space<vmem>>[vector<16xi32>], vector<16xf32>,
          %parallel_loop3A_541 = arith.constant 16 : i32
          %parallel_loop3A_542 = vector.broadcast %parallel_loop3A_541 : i32 to vector<16xi32>
          %parallel_loop3A_543 = arith.addi %iota3A_333, %parallel_loop3A_542 : vector<16xi32>
          %parallel_loop3A_544 = tpu.vector_load_idx %arg12[%parallel_loop3A_532, %parallel_loop3A_543] : memref<128x64xf32, #tpu.memory_space<vmem>>[vector<16xi32>, vector<16xi32>], vector<16xf32>,
          %parallel_loop3A_545 = arith.constant 128 : i32
          %parallel_loop3A_546 = vector.broadcast %parallel_loop3A_545 : i32 to vector<16xi32>
          %parallel_loop3A_547 = arith.muli %parallel_loop3A_543, %parallel_loop3A_546 : vector<16xi32>
          %parallel_loop3A_548 = arith.addi %parallel_loop3A_547, %parallel_loop3A_532 : vector<16xi32>
          tpu.vector_store_idx %arg14[%parallel_loop3A_548], %parallel_loop3A_544 : memref<8192xf32, #tpu.memory_space<vmem>>[vector<16xi32>], vector<16xf32>,
          %parallel_loop3A_549 = arith.constant 32 : i32
          %parallel_loop3A_550 = vector.broadcast %parallel_loop3A_549 : i32 to vector<16xi32>
          %parallel_loop3A_551 = arith.addi %iota3A_333, %parallel_loop3A_550 : vector<16xi32>
          %parallel_loop3A_552 = tpu.vector_load_idx %arg12[%parallel_loop3A_532, %parallel_loop3A_551] : memref<128x64xf32, #tpu.memory_space<vmem>>[vector<16xi32>, vector<16xi32>], vector<16xf32>,
          %parallel_loop3A_553 = arith.constant 128 : i32
          %parallel_loop3A_554 = vector.broadcast %parallel_loop3A_553 : i32 to vector<16xi32>
          %parallel_loop3A_555 = arith.muli %parallel_loop3A_551, %parallel_loop3A_554 : vector<16xi32>
          %parallel_loop3A_556 = arith.addi %parallel_loop3A_555, %parallel_loop3A_532 : vector<16xi32>
          tpu.vector_store_idx %arg14[%parallel_loop3A_556], %parallel_loop3A_552 : memref<8192xf32, #tpu.memory_space<vmem>>[vector<16xi32>], vector<16xf32>,
          %parallel_loop3A_557 = arith.constant 48 : i32
          %parallel_loop3A_558 = vector.broadcast %parallel_loop3A_557 : i32 to vector<16xi32>
          %parallel_loop3A_559 = arith.addi %iota3A_333, %parallel_loop3A_558 : vector<16xi32>
          %parallel_loop3A_560 = tpu.vector_load_idx %arg12[%parallel_loop3A_532, %parallel_loop3A_559] : memref<128x64xf32, #tpu.memory_space<vmem>>[vector<16xi32>, vector<16xi32>], vector<16xf32>,
          %parallel_loop3A_561 = arith.constant 128 : i32
          %parallel_loop3A_562 = vector.broadcast %parallel_loop3A_561 : i32 to vector<16xi32>
          %parallel_loop3A_563 = arith.muli %parallel_loop3A_559, %parallel_loop3A_562 : vector<16xi32>
          %parallel_loop3A_564 = arith.addi %parallel_loop3A_563, %parallel_loop3A_532 : vector<16xi32>
          tpu.vector_store_idx %arg14[%parallel_loop3A_564], %parallel_loop3A_560 : memref<8192xf32, #tpu.memory_space<vmem>>[vector<16xi32>], vector<16xf32>,
        } {sc.loop_unroll_factor = 2 : i64, sc.parallel_access}
        %dma_start3A = arith.constant 0 : i32
        %dma_start3A_432 = arith.constant 0 : i32
        %dma_start3A_433 = tpu.memref_slice %arg14[%dma_start3A_432] : memref<8192xf32, #tpu.memory_space<vmem>> -> memref<1024xf32, #tpu.memory_space<vmem>>
        %dma_start3A_434 = arith.constant 0 : i32
        %dma_start3A_435 = tpu.memref_slice %arg4[%sub3A_278, %dma_start3A, %add3A, %dma_start3A_434] : memref<200x8x32x1024xf32, #tpu.memory_space<hbm>> -> memref<1x1x1x1024xf32, #tpu.memory_space<hbm>>
        %dma_start3A_436 = tpu.memref_squeeze %dma_start3A_435 : memref<1x1x1x1024xf32, #tpu.memory_space<hbm>> -> memref<1024xf32, #tpu.memory_space<hbm>>
        %dma_start3A_437 = arith.constant 0 : i32
        %dma_start3A_438 = tpu.memref_slice %arg4[%sub3A_278, %dma_start3A, %add3A, %dma_start3A_437] : memref<200x8x32x1024xf32, #tpu.memory_space<hbm>> -> memref<1x1x1x1024xf32, #tpu.memory_space<hbm>>
        %dma_start3A_439 = tpu.memref_squeeze %dma_start3A_438 : memref<1x1x1x1024xf32, #tpu.memory_space<hbm>> -> memref<1024xf32, #tpu.memory_space<hbm>>
        %dma_start3A_440 = arith.constant 0 : i32
        %dma_start3A_441 = tpu.memref_slice %arg14[%dma_start3A_440] : memref<8192xf32, #tpu.memory_space<vmem>> -> memref<1024xf32, #tpu.memory_space<vmem>>
        tpu.enqueue_dma source(%dma_start3A_441 : memref<1024xf32, #tpu.memory_space<vmem>>) target(%dma_start3A_439 : memref<1024xf32, #tpu.memory_space<hbm>>) target_semaphore(%arg20 : memref<!tpu.dma_semaphore, #tpu.memory_space<semaphore_mem>>)
        %dma_start3A_442 = arith.constant 1 : i32
        %dma_start3A_443 = arith.constant 1024 : i32
        %dma_start3A_444 = tpu.memref_slice %arg14[%dma_start3A_443] : memref<8192xf32, #tpu.memory_space<vmem>> -> memref<1024xf32, #tpu.memory_space<vmem>>
        %dma_start3A_445 = arith.constant 0 : i32
        %dma_start3A_446 = tpu.memref_slice %arg4[%sub3A_278, %dma_start3A_442, %add3A, %dma_start3A_445] : memref<200x8x32x1024xf32, #tpu.memory_space<hbm>> -> memref<1x1x1x1024xf32, #tpu.memory_space<hbm>>
        %dma_start3A_447 = tpu.memref_squeeze %dma_start3A_446 : memref<1x1x1x1024xf32, #tpu.memory_space<hbm>> -> memref<1024xf32, #tpu.memory_space<hbm>>
        %dma_start3A_448 = arith.constant 0 : i32
        %dma_start3A_449 = tpu.memref_slice %arg4[%sub3A_278, %dma_start3A_442, %add3A, %dma_start3A_448] : memref<200x8x32x1024xf32, #tpu.memory_space<hbm>> -> memref<1x1x1x1024xf32, #tpu.memory_space<hbm>>
        %dma_start3A_450 = tpu.memref_squeeze %dma_start3A_449 : memref<1x1x1x1024xf32, #tpu.memory_space<hbm>> -> memref<1024xf32, #tpu.memory_space<hbm>>
        %dma_start3A_451 = arith.constant 1024 : i32
        %dma_start3A_452 = tpu.memref_slice %arg14[%dma_start3A_451] : memref<8192xf32, #tpu.memory_space<vmem>> -> memref<1024xf32, #tpu.memory_space<vmem>>
        tpu.enqueue_dma source(%dma_start3A_452 : memref<1024xf32, #tpu.memory_space<vmem>>) target(%dma_start3A_450 : memref<1024xf32, #tpu.memory_space<hbm>>) target_semaphore(%arg20 : memref<!tpu.dma_semaphore, #tpu.memory_space<semaphore_mem>>)
        %dma_start3A_453 = arith.constant 2 : i32
        %dma_start3A_454 = arith.constant 2048 : i32
        %dma_start3A_455 = tpu.memref_slice %arg14[%dma_start3A_454] : memref<8192xf32, #tpu.memory_space<vmem>> -> memref<1024xf32, #tpu.memory_space<vmem>>
        %dma_start3A_456 = arith.constant 0 : i32
        %dma_start3A_457 = tpu.memref_slice %arg4[%sub3A_278, %dma_start3A_453, %add3A, %dma_start3A_456] : memref<200x8x32x1024xf32, #tpu.memory_space<hbm>> -> memref<1x1x1x1024xf32, #tpu.memory_space<hbm>>
        %dma_start3A_458 = tpu.memref_squeeze %dma_start3A_457 : memref<1x1x1x1024xf32, #tpu.memory_space<hbm>> -> memref<1024xf32, #tpu.memory_space<hbm>>
        %dma_start3A_459 = arith.constant 0 : i32
        %dma_start3A_460 = tpu.memref_slice %arg4[%sub3A_278, %dma_start3A_453, %add3A, %dma_start3A_459] : memref<200x8x32x1024xf32, #tpu.memory_space<hbm>> -> memref<1x1x1x1024xf32, #tpu.memory_space<hbm>>
        %dma_start3A_461 = tpu.memref_squeeze %dma_start3A_460 : memref<1x1x1x1024xf32, #tpu.memory_space<hbm>> -> memref<1024xf32, #tpu.memory_space<hbm>>
        %dma_start3A_462 = arith.constant 2048 : i32
        %dma_start3A_463 = tpu.memref_slice %arg14[%dma_start3A_462] : memref<8192xf32, #tpu.memory_space<vmem>> -> memref<1024xf32, #tpu.memory_space<vmem>>
        tpu.enqueue_dma source(%dma_start3A_463 : memref<1024xf32, #tpu.memory_space<vmem>>) target(%dma_start3A_461 : memref<1024xf32, #tpu.memory_space<hbm>>) target_semaphore(%arg20 : memref<!tpu.dma_semaphore, #tpu.memory_space<semaphore_mem>>)
        %dma_start3A_464 = arith.constant 3 : i32
        %dma_start3A_465 = arith.constant 3072 : i32
        %dma_start3A_466 = tpu.memref_slice %arg14[%dma_start3A_465] : memref<8192xf32, #tpu.memory_space<vmem>> -> memref<1024xf32, #tpu.memory_space<vmem>>
        %dma_start3A_467 = arith.constant 0 : i32
        %dma_start3A_468 = tpu.memref_slice %arg4[%sub3A_278, %dma_start3A_464, %add3A, %dma_start3A_467] : memref<200x8x32x1024xf32, #tpu.memory_space<hbm>> -> memref<1x1x1x1024xf32, #tpu.memory_space<hbm>>
        %dma_start3A_469 = tpu.memref_squeeze %dma_start3A_468 : memref<1x1x1x1024xf32, #tpu.memory_space<hbm>> -> memref<1024xf32, #tpu.memory_space<hbm>>
        %dma_start3A_470 = arith.constant 0 : i32
        %dma_start3A_471 = tpu.memref_slice %arg4[%sub3A_278, %dma_start3A_464, %add3A, %dma_start3A_470] : memref<200x8x32x1024xf32, #tpu.memory_space<hbm>> -> memref<1x1x1x1024xf32, #tpu.memory_space<hbm>>
        %dma_start3A_472 = tpu.memref_squeeze %dma_start3A_471 : memref<1x1x1x1024xf32, #tpu.memory_space<hbm>> -> memref<1024xf32, #tpu.memory_space<hbm>>
        %dma_start3A_473 = arith.constant 3072 : i32
        %dma_start3A_474 = tpu.memref_slice %arg14[%dma_start3A_473] : memref<8192xf32, #tpu.memory_space<vmem>> -> memref<1024xf32, #tpu.memory_space<vmem>>
        tpu.enqueue_dma source(%dma_start3A_474 : memref<1024xf32, #tpu.memory_space<vmem>>) target(%dma_start3A_472 : memref<1024xf32, #tpu.memory_space<hbm>>) target_semaphore(%arg20 : memref<!tpu.dma_semaphore, #tpu.memory_space<semaphore_mem>>)
        %dma_start3A_475 = arith.constant 4 : i32
        %dma_start3A_476 = arith.constant 4096 : i32
        %dma_start3A_477 = tpu.memref_slice %arg14[%dma_start3A_476] : memref<8192xf32, #tpu.memory_space<vmem>> -> memref<1024xf32, #tpu.memory_space<vmem>>
        %dma_start3A_478 = arith.constant 0 : i32
        %dma_start3A_479 = tpu.memref_slice %arg4[%sub3A_278, %dma_start3A_475, %add3A, %dma_start3A_478] : memref<200x8x32x1024xf32, #tpu.memory_space<hbm>> -> memref<1x1x1x1024xf32, #tpu.memory_space<hbm>>
        %dma_start3A_480 = tpu.memref_squeeze %dma_start3A_479 : memref<1x1x1x1024xf32, #tpu.memory_space<hbm>> -> memref<1024xf32, #tpu.memory_space<hbm>>
        %dma_start3A_481 = arith.constant 0 : i32
        %dma_start3A_482 = tpu.memref_slice %arg4[%sub3A_278, %dma_start3A_475, %add3A, %dma_start3A_481] : memref<200x8x32x1024xf32, #tpu.memory_space<hbm>> -> memref<1x1x1x1024xf32, #tpu.memory_space<hbm>>
        %dma_start3A_483 = tpu.memref_squeeze %dma_start3A_482 : memref<1x1x1x1024xf32, #tpu.memory_space<hbm>> -> memref<1024xf32, #tpu.memory_space<hbm>>
        %dma_start3A_484 = arith.constant 4096 : i32
        %dma_start3A_485 = tpu.memref_slice %arg14[%dma_start3A_484] : memref<8192xf32, #tpu.memory_space<vmem>> -> memref<1024xf32, #tpu.memory_space<vmem>>
        tpu.enqueue_dma source(%dma_start3A_485 : memref<1024xf32, #tpu.memory_space<vmem>>) target(%dma_start3A_483 : memref<1024xf32, #tpu.memory_space<hbm>>) target_semaphore(%arg20 : memref<!tpu.dma_semaphore, #tpu.memory_space<semaphore_mem>>)
        %dma_start3A_486 = arith.constant 5 : i32
        %dma_start3A_487 = arith.constant 5120 : i32
        %dma_start3A_488 = tpu.memref_slice %arg14[%dma_start3A_487] : memref<8192xf32, #tpu.memory_space<vmem>> -> memref<1024xf32, #tpu.memory_space<vmem>>
        %dma_start3A_489 = arith.constant 0 : i32
        %dma_start3A_490 = tpu.memref_slice %arg4[%sub3A_278, %dma_start3A_486, %add3A, %dma_start3A_489] : memref<200x8x32x1024xf32, #tpu.memory_space<hbm>> -> memref<1x1x1x1024xf32, #tpu.memory_space<hbm>>
        %dma_start3A_491 = tpu.memref_squeeze %dma_start3A_490 : memref<1x1x1x1024xf32, #tpu.memory_space<hbm>> -> memref<1024xf32, #tpu.memory_space<hbm>>
        %dma_start3A_492 = arith.constant 0 : i32
        %dma_start3A_493 = tpu.memref_slice %arg4[%sub3A_278, %dma_start3A_486, %add3A, %dma_start3A_492] : memref<200x8x32x1024xf32, #tpu.memory_space<hbm>> -> memref<1x1x1x1024xf32, #tpu.memory_space<hbm>>
        %dma_start3A_494 = tpu.memref_squeeze %dma_start3A_493 : memref<1x1x1x1024xf32, #tpu.memory_space<hbm>> -> memref<1024xf32, #tpu.memory_space<hbm>>
        %dma_start3A_495 = arith.constant 5120 : i32
        %dma_start3A_496 = tpu.memref_slice %arg14[%dma_start3A_495] : memref<8192xf32, #tpu.memory_space<vmem>> -> memref<1024xf32, #tpu.memory_space<vmem>>
        tpu.enqueue_dma source(%dma_start3A_496 : memref<1024xf32, #tpu.memory_space<vmem>>) target(%dma_start3A_494 : memref<1024xf32, #tpu.memory_space<hbm>>) target_semaphore(%arg20 : memref<!tpu.dma_semaphore, #tpu.memory_space<semaphore_mem>>)
        %dma_start3A_497 = arith.constant 6 : i32
        %dma_start3A_498 = arith.constant 6144 : i32
        %dma_start3A_499 = tpu.memref_slice %arg14[%dma_start3A_498] : memref<8192xf32, #tpu.memory_space<vmem>> -> memref<1024xf32, #tpu.memory_space<vmem>>
        %dma_start3A_500 = arith.constant 0 : i32
        %dma_start3A_501 = tpu.memref_slice %arg4[%sub3A_278, %dma_start3A_497, %add3A, %dma_start3A_500] : memref<200x8x32x1024xf32, #tpu.memory_space<hbm>> -> memref<1x1x1x1024xf32, #tpu.memory_space<hbm>>
        %dma_start3A_502 = tpu.memref_squeeze %dma_start3A_501 : memref<1x1x1x1024xf32, #tpu.memory_space<hbm>> -> memref<1024xf32, #tpu.memory_space<hbm>>
        %dma_start3A_503 = arith.constant 0 : i32
        %dma_start3A_504 = tpu.memref_slice %arg4[%sub3A_278, %dma_start3A_497, %add3A, %dma_start3A_503] : memref<200x8x32x1024xf32, #tpu.memory_space<hbm>> -> memref<1x1x1x1024xf32, #tpu.memory_space<hbm>>
        %dma_start3A_505 = tpu.memref_squeeze %dma_start3A_504 : memref<1x1x1x1024xf32, #tpu.memory_space<hbm>> -> memref<1024xf32, #tpu.memory_space<hbm>>
        %dma_start3A_506 = arith.constant 6144 : i32
        %dma_start3A_507 = tpu.memref_slice %arg14[%dma_start3A_506] : memref<8192xf32, #tpu.memory_space<vmem>> -> memref<1024xf32, #tpu.memory_space<vmem>>
        tpu.enqueue_dma source(%dma_start3A_507 : memref<1024xf32, #tpu.memory_space<vmem>>) target(%dma_start3A_505 : memref<1024xf32, #tpu.memory_space<hbm>>) target_semaphore(%arg20 : memref<!tpu.dma_semaphore, #tpu.memory_space<semaphore_mem>>)
        %dma_start3A_508 = arith.constant 7 : i32
        %dma_start3A_509 = arith.constant 7168 : i32
        %dma_start3A_510 = tpu.memref_slice %arg14[%dma_start3A_509] : memref<8192xf32, #tpu.memory_space<vmem>> -> memref<1024xf32, #tpu.memory_space<vmem>>
        %dma_start3A_511 = arith.constant 0 : i32
        %dma_start3A_512 = tpu.memref_slice %arg4[%sub3A_278, %dma_start3A_508, %add3A, %dma_start3A_511] : memref<200x8x32x1024xf32, #tpu.memory_space<hbm>> -> memref<1x1x1x1024xf32, #tpu.memory_space<hbm>>
        %dma_start3A_513 = tpu.memref_squeeze %dma_start3A_512 : memref<1x1x1x1024xf32, #tpu.memory_space<hbm>> -> memref<1024xf32, #tpu.memory_space<hbm>>
        %dma_start3A_514 = arith.constant 0 : i32
        %dma_start3A_515 = tpu.memref_slice %arg4[%sub3A_278, %dma_start3A_508, %add3A, %dma_start3A_514] : memref<200x8x32x1024xf32, #tpu.memory_space<hbm>> -> memref<1x1x1x1024xf32, #tpu.memory_space<hbm>>
        %dma_start3A_516 = tpu.memref_squeeze %dma_start3A_515 : memref<1x1x1x1024xf32, #tpu.memory_space<hbm>> -> memref<1024xf32, #tpu.memory_space<hbm>>
        %dma_start3A_517 = arith.constant 7168 : i32
        %dma_start3A_518 = tpu.memref_slice %arg14[%dma_start3A_517] : memref<8192xf32, #tpu.memory_space<vmem>> -> memref<1024xf32, #tpu.memory_space<vmem>>
        tpu.enqueue_dma source(%dma_start3A_518 : memref<1024xf32, #tpu.memory_space<vmem>>) target(%dma_start3A_516 : memref<1024xf32, #tpu.memory_space<hbm>>) target_semaphore(%arg20 : memref<!tpu.dma_semaphore, #tpu.memory_space<semaphore_mem>>)
      } else {
      }
      %mul3A_287 = arith.constant 4 : i32
      %mul3A_288 = arith.muli %mul3A_287, %scan3A_254 : i32
      %add3A_289 = arith.constant 2 : i32
      %add3A_290 = arith.addi %mul3A_288, %add3A_289 : i32
      %lt3A_291 = arith.constant 200 : i32
      %lt3A_292 = arith.cmpi slt, %add3A_290, %lt3A_291 : i32
      %convert_element_type3A_293 = arith.extui %lt3A_292 : i1 to i32
      %cond3A_294 = arith.constant 0 : i32
      %cond3A_295 = arith.cmpi ne, %convert_element_type3A_293, %cond3A_294 : i32
      scf.if %cond3A_295 {
        %add3A_325 = vector.broadcast %add3A_290 : i32 to vector<16xi32>
        %add3A_326 = arith.addi %add3A_8, %add3A_325 : vector<16xi32>
        %shift_right_logical3A = arith.constant 7 : i32
        %shift_right_logical3A_327 = vector.broadcast %shift_right_logical3A : i32 to vector<16xi32>
        %shift_right_logical3A_328 = arith.shrui %add3A_326, %shift_right_logical3A_327 : vector<16xi32>
        %and3A_329 = arith.constant 127 : i32
        %and3A_330 = vector.broadcast %and3A_329 : i32 to vector<16xi32>
        %and3A_331 = arith.andi %add3A_326, %and3A_330 : vector<16xi32>
        %gather3A = tpu.vector_load_idx %arg5[%shift_right_logical3A_328, %and3A_331] : memref<200x128xi32, #tpu.memory_space<vmem>>[vector<16xi32>, vector<16xi32>], vector<16xi32>,
        %swap3A = arith.constant 0 : index
        %swap3A_332 = tpu.vector_load %arg8[%swap3A] {strides = array<i32>} : memref<128xi32, #tpu.memory_space<vmem>>, vector<16xi32>,
        tpu.vector_store %arg8[%swap3A], %gather3A {strides = array<i32>} : memref<128xi32, #tpu.memory_space<vmem>>, vector<16xi32>,
        %add3A_333 = vector.broadcast %add3A_290 : i32 to vector<16xi32>
        %add3A_334 = arith.addi %add3A_15, %add3A_333 : vector<16xi32>
        %shift_right_logical3A_335 = arith.constant 7 : i32
        %shift_right_logical3A_336 = vector.broadcast %shift_right_logical3A_335 : i32 to vector<16xi32>
        %shift_right_logical3A_337 = arith.shrui %add3A_334, %shift_right_logical3A_336 : vector<16xi32>
        %and3A_338 = arith.constant 127 : i32
        %and3A_339 = vector.broadcast %and3A_338 : i32 to vector<16xi32>
        %and3A_340 = arith.andi %add3A_334, %and3A_339 : vector<16xi32>
        %gather3A_341 = tpu.vector_load_idx %arg5[%shift_right_logical3A_337, %and3A_340] : memref<200x128xi32, #tpu.memory_space<vmem>>[vector<16xi32>, vector<16xi32>], vector<16xi32>,
        %swap3A_342 = arith.constant 16 : index
        %swap3A_343 = tpu.vector_load %arg8[%swap3A_342] {strides = array<i32>} : memref<128xi32, #tpu.memory_space<vmem>>, vector<16xi32>,
        tpu.vector_store %arg8[%swap3A_342], %gather3A_341 {strides = array<i32>} : memref<128xi32, #tpu.memory_space<vmem>>, vector<16xi32>,
        %add3A_344 = vector.broadcast %add3A_290 : i32 to vector<16xi32>
        %add3A_345 = arith.addi %add3A_22, %add3A_344 : vector<16xi32>
        %shift_right_logical3A_346 = arith.constant 7 : i32
        %shift_right_logical3A_347 = vector.broadcast %shift_right_logical3A_346 : i32 to vector<16xi32>
        %shift_right_logical3A_348 = arith.shrui %add3A_345, %shift_right_logical3A_347 : vector<16xi32>
        %and3A_349 = arith.constant 127 : i32
        %and3A_350 = vector.broadcast %and3A_349 : i32 to vector<16xi32>
        %and3A_351 = arith.andi %add3A_345, %and3A_350 : vector<16xi32>
        %gather3A_352 = tpu.vector_load_idx %arg5[%shift_right_logical3A_348, %and3A_351] : memref<200x128xi32, #tpu.memory_space<vmem>>[vector<16xi32>, vector<16xi32>], vector<16xi32>,
        %swap3A_353 = arith.constant 32 : index
        %swap3A_354 = tpu.vector_load %arg8[%swap3A_353] {strides = array<i32>} : memref<128xi32, #tpu.memory_space<vmem>>, vector<16xi32>,
        tpu.vector_store %arg8[%swap3A_353], %gather3A_352 {strides = array<i32>} : memref<128xi32, #tpu.memory_space<vmem>>, vector<16xi32>,
        %add3A_355 = vector.broadcast %add3A_290 : i32 to vector<16xi32>
        %add3A_356 = arith.addi %add3A_29, %add3A_355 : vector<16xi32>
        %shift_right_logical3A_357 = arith.constant 7 : i32
        %shift_right_logical3A_358 = vector.broadcast %shift_right_logical3A_357 : i32 to vector<16xi32>
        %shift_right_logical3A_359 = arith.shrui %add3A_356, %shift_right_logical3A_358 : vector<16xi32>
        %and3A_360 = arith.constant 127 : i32
        %and3A_361 = vector.broadcast %and3A_360 : i32 to vector<16xi32>
        %and3A_362 = arith.andi %add3A_356, %and3A_361 : vector<16xi32>
        %gather3A_363 = tpu.vector_load_idx %arg5[%shift_right_logical3A_359, %and3A_362] : memref<200x128xi32, #tpu.memory_space<vmem>>[vector<16xi32>, vector<16xi32>], vector<16xi32>,
        %swap3A_364 = arith.constant 48 : index
        %swap3A_365 = tpu.vector_load %arg8[%swap3A_364] {strides = array<i32>} : memref<128xi32, #tpu.memory_space<vmem>>, vector<16xi32>,
        tpu.vector_store %arg8[%swap3A_364], %gather3A_363 {strides = array<i32>} : memref<128xi32, #tpu.memory_space<vmem>>, vector<16xi32>,
        %add3A_366 = vector.broadcast %add3A_290 : i32 to vector<16xi32>
        %add3A_367 = arith.addi %add3A_36, %add3A_366 : vector<16xi32>
        %shift_right_logical3A_368 = arith.constant 7 : i32
        %shift_right_logical3A_369 = vector.broadcast %shift_right_logical3A_368 : i32 to vector<16xi32>
        %shift_right_logical3A_370 = arith.shrui %add3A_367, %shift_right_logical3A_369 : vector<16xi32>
        %and3A_371 = arith.constant 127 : i32
        %and3A_372 = vector.broadcast %and3A_371 : i32 to vector<16xi32>
        %and3A_373 = arith.andi %add3A_367, %and3A_372 : vector<16xi32>
        %gather3A_374 = tpu.vector_load_idx %arg5[%shift_right_logical3A_370, %and3A_373] : memref<200x128xi32, #tpu.memory_space<vmem>>[vector<16xi32>, vector<16xi32>], vector<16xi32>,
        %swap3A_375 = arith.constant 64 : index
        %swap3A_376 = tpu.vector_load %arg8[%swap3A_375] {strides = array<i32>} : memref<128xi32, #tpu.memory_space<vmem>>, vector<16xi32>,
        tpu.vector_store %arg8[%swap3A_375], %gather3A_374 {strides = array<i32>} : memref<128xi32, #tpu.memory_space<vmem>>, vector<16xi32>,
        %add3A_377 = vector.broadcast %add3A_290 : i32 to vector<16xi32>
        %add3A_378 = arith.addi %add3A_43, %add3A_377 : vector<16xi32>
        %shift_right_logical3A_379 = arith.constant 7 : i32
        %shift_right_logical3A_380 = vector.broadcast %shift_right_logical3A_379 : i32 to vector<16xi32>
        %shift_right_logical3A_381 = arith.shrui %add3A_378, %shift_right_logical3A_380 : vector<16xi32>
        %and3A_382 = arith.constant 127 : i32
        %and3A_383 = vector.broadcast %and3A_382 : i32 to vector<16xi32>
        %and3A_384 = arith.andi %add3A_378, %and3A_383 : vector<16xi32>
        %gather3A_385 = tpu.vector_load_idx %arg5[%shift_right_logical3A_381, %and3A_384] : memref<200x128xi32, #tpu.memory_space<vmem>>[vector<16xi32>, vector<16xi32>], vector<16xi32>,
        %swap3A_386 = arith.constant 80 : index
        %swap3A_387 = tpu.vector_load %arg8[%swap3A_386] {strides = array<i32>} : memref<128xi32, #tpu.memory_space<vmem>>, vector<16xi32>,
        tpu.vector_store %arg8[%swap3A_386], %gather3A_385 {strides = array<i32>} : memref<128xi32, #tpu.memory_space<vmem>>, vector<16xi32>,
        %add3A_388 = vector.broadcast %add3A_290 : i32 to vector<16xi32>
        %add3A_389 = arith.addi %add3A_50, %add3A_388 : vector<16xi32>
        %shift_right_logical3A_390 = arith.constant 7 : i32
        %shift_right_logical3A_391 = vector.broadcast %shift_right_logical3A_390 : i32 to vector<16xi32>
        %shift_right_logical3A_392 = arith.shrui %add3A_389, %shift_right_logical3A_391 : vector<16xi32>
        %and3A_393 = arith.constant 127 : i32
        %and3A_394 = vector.broadcast %and3A_393 : i32 to vector<16xi32>
        %and3A_395 = arith.andi %add3A_389, %and3A_394 : vector<16xi32>
        %gather3A_396 = tpu.vector_load_idx %arg5[%shift_right_logical3A_392, %and3A_395] : memref<200x128xi32, #tpu.memory_space<vmem>>[vector<16xi32>, vector<16xi32>], vector<16xi32>,
        %swap3A_397 = arith.constant 96 : index
        %swap3A_398 = tpu.vector_load %arg8[%swap3A_397] {strides = array<i32>} : memref<128xi32, #tpu.memory_space<vmem>>, vector<16xi32>,
        tpu.vector_store %arg8[%swap3A_397], %gather3A_396 {strides = array<i32>} : memref<128xi32, #tpu.memory_space<vmem>>, vector<16xi32>,
        %add3A_399 = vector.broadcast %add3A_290 : i32 to vector<16xi32>
        %add3A_400 = arith.addi %add3A_57, %add3A_399 : vector<16xi32>
        %shift_right_logical3A_401 = arith.constant 7 : i32
        %shift_right_logical3A_402 = vector.broadcast %shift_right_logical3A_401 : i32 to vector<16xi32>
        %shift_right_logical3A_403 = arith.shrui %add3A_400, %shift_right_logical3A_402 : vector<16xi32>
        %and3A_404 = arith.constant 127 : i32
        %and3A_405 = vector.broadcast %and3A_404 : i32 to vector<16xi32>
        %and3A_406 = arith.andi %add3A_400, %and3A_405 : vector<16xi32>
        %gather3A_407 = tpu.vector_load_idx %arg5[%shift_right_logical3A_403, %and3A_406] : memref<200x128xi32, #tpu.memory_space<vmem>>[vector<16xi32>, vector<16xi32>], vector<16xi32>,
        %swap3A_408 = arith.constant 112 : index
        %swap3A_409 = tpu.vector_load %arg8[%swap3A_408] {strides = array<i32>} : memref<128xi32, #tpu.memory_space<vmem>>, vector<16xi32>,
        tpu.vector_store %arg8[%swap3A_408], %gather3A_407 {strides = array<i32>} : memref<128xi32, #tpu.memory_space<vmem>>, vector<16xi32>,
        %dma_start3A = arith.constant 0 : i32
        %dma_start3A_410 = arith.constant 0 : i32
        %dma_start3A_411 = tpu.memref_slice %arg3[%dma_start3A, %dma_start3A_410] : memref<2000000x64xf32, #tpu.memory_space<hbm>> -> memref<2000000x64xf32, #tpu.memory_space<hbm>>
        tpu.enqueue_indirect_dma source(%dma_start3A_411 : memref<2000000x64xf32, #tpu.memory_space<hbm>>) target(%arg12 : memref<128x64xf32, #tpu.memory_space<vmem>>) offsets(%arg8 : memref<128xi32, #tpu.memory_space<vmem>>) semaphore(%arg18 : memref<!tpu.dma_semaphore, #tpu.memory_space<semaphore_mem>>)
      } else {
      }
      %sub3A_296 = arith.constant 3 : i32
      %sub3A_297 = arith.subi %add3A_290, %sub3A_296 : i32
      %ge3A_298 = arith.constant 0 : i32
      %ge3A_299 = arith.cmpi sge, %sub3A_297, %ge3A_298 : i32
      %lt3A_300 = arith.constant 200 : i32
      %lt3A_301 = arith.cmpi slt, %sub3A_297, %lt3A_300 : i32
      %and3A_302 = arith.andi %ge3A_299, %lt3A_301 : i1
      %convert_element_type3A_303 = arith.extui %and3A_302 : i1 to i32
      %cond3A_304 = arith.constant 0 : i32
      %cond3A_305 = arith.cmpi ne, %convert_element_type3A_303, %cond3A_304 : i32
      scf.if %cond3A_305 {
        %dma_wait3A_325 = arith.constant 0 : i32
        %dma_wait3A_326 = arith.constant 0 : i32
        %dma_wait3A_327 = tpu.memref_slice %arg3[%dma_wait3A_325, %dma_wait3A_326] : memref<2000000x64xf32, #tpu.memory_space<hbm>> -> memref<2000000x64xf32, #tpu.memory_space<hbm>>
        tpu.wait_indirect_dma semaphore(%arg19 : memref<!tpu.dma_semaphore, #tpu.memory_space<semaphore_mem>>) src(%dma_wait3A_327 : memref<2000000x64xf32, #tpu.memory_space<hbm>>) dst(%arg13 : memref<128x64xf32, #tpu.memory_space<vmem>>)
        %ge3A_328 = arith.constant 2 : i32
        %ge3A_329 = arith.cmpi sge, %sub3A_297, %ge3A_328 : i32
        %convert_element_type3A_330 = arith.extui %ge3A_329 : i1 to i32
        %cond3A_331 = arith.constant 0 : i32
        %cond3A_332 = arith.cmpi ne, %convert_element_type3A_330, %cond3A_331 : i32
        scf.if %cond3A_332 {
          %sub3A_519 = arith.constant 2 : i32
          %sub3A_520 = arith.subi %sub3A_297, %sub3A_519 : i32
          %dma_wait3A_521 = arith.constant 0 : i32
          %dma_wait3A_522 = arith.constant 0 : i32
          %dma_wait3A_523 = tpu.memref_slice %arg15[%dma_wait3A_522] : memref<8192xf32, #tpu.memory_space<vmem>> -> memref<1024xf32, #tpu.memory_space<vmem>>
          %dma_wait3A_524 = arith.constant 0 : i32
          %dma_wait3A_525 = tpu.memref_slice %arg4[%sub3A_520, %dma_wait3A_521, %add3A, %dma_wait3A_524] : memref<200x8x32x1024xf32, #tpu.memory_space<hbm>> -> memref<1x1x1x1024xf32, #tpu.memory_space<hbm>>
          %dma_wait3A_526 = tpu.memref_squeeze %dma_wait3A_525 : memref<1x1x1x1024xf32, #tpu.memory_space<hbm>> -> memref<1024xf32, #tpu.memory_space<hbm>>
          %dma_wait3A_527 = arith.constant 0 : i32
          %dma_wait3A_528 = tpu.memref_slice %arg4[%sub3A_520, %dma_wait3A_521, %add3A, %dma_wait3A_527] : memref<200x8x32x1024xf32, #tpu.memory_space<hbm>> -> memref<1x1x1x1024xf32, #tpu.memory_space<hbm>>
          %dma_wait3A_529 = tpu.memref_squeeze %dma_wait3A_528 : memref<1x1x1x1024xf32, #tpu.memory_space<hbm>> -> memref<1024xf32, #tpu.memory_space<hbm>>
          %dma_wait3A_530 = arith.constant 0 : i32
          %dma_wait3A_531 = tpu.memref_slice %arg15[%dma_wait3A_530] : memref<8192xf32, #tpu.memory_space<vmem>> -> memref<1024xf32, #tpu.memory_space<vmem>>
          tpu.wait_dma2 semaphore(%arg21 : memref<!tpu.dma_semaphore, #tpu.memory_space<semaphore_mem>>) src(%dma_wait3A_531 : memref<1024xf32, #tpu.memory_space<vmem>>) dst(%dma_wait3A_529 : memref<1024xf32, #tpu.memory_space<hbm>>)
          %dma_wait3A_532 = arith.constant 1 : i32
          %dma_wait3A_533 = arith.constant 1024 : i32
          %dma_wait3A_534 = tpu.memref_slice %arg15[%dma_wait3A_533] : memref<8192xf32, #tpu.memory_space<vmem>> -> memref<1024xf32, #tpu.memory_space<vmem>>
          %dma_wait3A_535 = arith.constant 0 : i32
          %dma_wait3A_536 = tpu.memref_slice %arg4[%sub3A_520, %dma_wait3A_532, %add3A, %dma_wait3A_535] : memref<200x8x32x1024xf32, #tpu.memory_space<hbm>> -> memref<1x1x1x1024xf32, #tpu.memory_space<hbm>>
          %dma_wait3A_537 = tpu.memref_squeeze %dma_wait3A_536 : memref<1x1x1x1024xf32, #tpu.memory_space<hbm>> -> memref<1024xf32, #tpu.memory_space<hbm>>
          %dma_wait3A_538 = arith.constant 0 : i32
          %dma_wait3A_539 = tpu.memref_slice %arg4[%sub3A_520, %dma_wait3A_532, %add3A, %dma_wait3A_538] : memref<200x8x32x1024xf32, #tpu.memory_space<hbm>> -> memref<1x1x1x1024xf32, #tpu.memory_space<hbm>>
          %dma_wait3A_540 = tpu.memref_squeeze %dma_wait3A_539 : memref<1x1x1x1024xf32, #tpu.memory_space<hbm>> -> memref<1024xf32, #tpu.memory_space<hbm>>
          %dma_wait3A_541 = arith.constant 1024 : i32
          %dma_wait3A_542 = tpu.memref_slice %arg15[%dma_wait3A_541] : memref<8192xf32, #tpu.memory_space<vmem>> -> memref<1024xf32, #tpu.memory_space<vmem>>
          tpu.wait_dma2 semaphore(%arg21 : memref<!tpu.dma_semaphore, #tpu.memory_space<semaphore_mem>>) src(%dma_wait3A_542 : memref<1024xf32, #tpu.memory_space<vmem>>) dst(%dma_wait3A_540 : memref<1024xf32, #tpu.memory_space<hbm>>)
          %dma_wait3A_543 = arith.constant 2 : i32
          %dma_wait3A_544 = arith.constant 2048 : i32
          %dma_wait3A_545 = tpu.memref_slice %arg15[%dma_wait3A_544] : memref<8192xf32, #tpu.memory_space<vmem>> -> memref<1024xf32, #tpu.memory_space<vmem>>
          %dma_wait3A_546 = arith.constant 0 : i32
          %dma_wait3A_547 = tpu.memref_slice %arg4[%sub3A_520, %dma_wait3A_543, %add3A, %dma_wait3A_546] : memref<200x8x32x1024xf32, #tpu.memory_space<hbm>> -> memref<1x1x1x1024xf32, #tpu.memory_space<hbm>>
          %dma_wait3A_548 = tpu.memref_squeeze %dma_wait3A_547 : memref<1x1x1x1024xf32, #tpu.memory_space<hbm>> -> memref<1024xf32, #tpu.memory_space<hbm>>
          %dma_wait3A_549 = arith.constant 0 : i32
          %dma_wait3A_550 = tpu.memref_slice %arg4[%sub3A_520, %dma_wait3A_543, %add3A, %dma_wait3A_549] : memref<200x8x32x1024xf32, #tpu.memory_space<hbm>> -> memref<1x1x1x1024xf32, #tpu.memory_space<hbm>>
          %dma_wait3A_551 = tpu.memref_squeeze %dma_wait3A_550 : memref<1x1x1x1024xf32, #tpu.memory_space<hbm>> -> memref<1024xf32, #tpu.memory_space<hbm>>
          %dma_wait3A_552 = arith.constant 2048 : i32
          %dma_wait3A_553 = tpu.memref_slice %arg15[%dma_wait3A_552] : memref<8192xf32, #tpu.memory_space<vmem>> -> memref<1024xf32, #tpu.memory_space<vmem>>
          tpu.wait_dma2 semaphore(%arg21 : memref<!tpu.dma_semaphore, #tpu.memory_space<semaphore_mem>>) src(%dma_wait3A_553 : memref<1024xf32, #tpu.memory_space<vmem>>) dst(%dma_wait3A_551 : memref<1024xf32, #tpu.memory_space<hbm>>)
          %dma_wait3A_554 = arith.constant 3 : i32
          %dma_wait3A_555 = arith.constant 3072 : i32
          %dma_wait3A_556 = tpu.memref_slice %arg15[%dma_wait3A_555] : memref<8192xf32, #tpu.memory_space<vmem>> -> memref<1024xf32, #tpu.memory_space<vmem>>
          %dma_wait3A_557 = arith.constant 0 : i32
          %dma_wait3A_558 = tpu.memref_slice %arg4[%sub3A_520, %dma_wait3A_554, %add3A, %dma_wait3A_557] : memref<200x8x32x1024xf32, #tpu.memory_space<hbm>> -> memref<1x1x1x1024xf32, #tpu.memory_space<hbm>>
          %dma_wait3A_559 = tpu.memref_squeeze %dma_wait3A_558 : memref<1x1x1x1024xf32, #tpu.memory_space<hbm>> -> memref<1024xf32, #tpu.memory_space<hbm>>
          %dma_wait3A_560 = arith.constant 0 : i32
          %dma_wait3A_561 = tpu.memref_slice %arg4[%sub3A_520, %dma_wait3A_554, %add3A, %dma_wait3A_560] : memref<200x8x32x1024xf32, #tpu.memory_space<hbm>> -> memref<1x1x1x1024xf32, #tpu.memory_space<hbm>>
          %dma_wait3A_562 = tpu.memref_squeeze %dma_wait3A_561 : memref<1x1x1x1024xf32, #tpu.memory_space<hbm>> -> memref<1024xf32, #tpu.memory_space<hbm>>
          %dma_wait3A_563 = arith.constant 3072 : i32
          %dma_wait3A_564 = tpu.memref_slice %arg15[%dma_wait3A_563] : memref<8192xf32, #tpu.memory_space<vmem>> -> memref<1024xf32, #tpu.memory_space<vmem>>
          tpu.wait_dma2 semaphore(%arg21 : memref<!tpu.dma_semaphore, #tpu.memory_space<semaphore_mem>>) src(%dma_wait3A_564 : memref<1024xf32, #tpu.memory_space<vmem>>) dst(%dma_wait3A_562 : memref<1024xf32, #tpu.memory_space<hbm>>)
          %dma_wait3A_565 = arith.constant 4 : i32
          %dma_wait3A_566 = arith.constant 4096 : i32
          %dma_wait3A_567 = tpu.memref_slice %arg15[%dma_wait3A_566] : memref<8192xf32, #tpu.memory_space<vmem>> -> memref<1024xf32, #tpu.memory_space<vmem>>
          %dma_wait3A_568 = arith.constant 0 : i32
          %dma_wait3A_569 = tpu.memref_slice %arg4[%sub3A_520, %dma_wait3A_565, %add3A, %dma_wait3A_568] : memref<200x8x32x1024xf32, #tpu.memory_space<hbm>> -> memref<1x1x1x1024xf32, #tpu.memory_space<hbm>>
          %dma_wait3A_570 = tpu.memref_squeeze %dma_wait3A_569 : memref<1x1x1x1024xf32, #tpu.memory_space<hbm>> -> memref<1024xf32, #tpu.memory_space<hbm>>
          %dma_wait3A_571 = arith.constant 0 : i32
          %dma_wait3A_572 = tpu.memref_slice %arg4[%sub3A_520, %dma_wait3A_565, %add3A, %dma_wait3A_571] : memref<200x8x32x1024xf32, #tpu.memory_space<hbm>> -> memref<1x1x1x1024xf32, #tpu.memory_space<hbm>>
          %dma_wait3A_573 = tpu.memref_squeeze %dma_wait3A_572 : memref<1x1x1x1024xf32, #tpu.memory_space<hbm>> -> memref<1024xf32, #tpu.memory_space<hbm>>
          %dma_wait3A_574 = arith.constant 4096 : i32
          %dma_wait3A_575 = tpu.memref_slice %arg15[%dma_wait3A_574] : memref<8192xf32, #tpu.memory_space<vmem>> -> memref<1024xf32, #tpu.memory_space<vmem>>
          tpu.wait_dma2 semaphore(%arg21 : memref<!tpu.dma_semaphore, #tpu.memory_space<semaphore_mem>>) src(%dma_wait3A_575 : memref<1024xf32, #tpu.memory_space<vmem>>) dst(%dma_wait3A_573 : memref<1024xf32, #tpu.memory_space<hbm>>)
          %dma_wait3A_576 = arith.constant 5 : i32
          %dma_wait3A_577 = arith.constant 5120 : i32
          %dma_wait3A_578 = tpu.memref_slice %arg15[%dma_wait3A_577] : memref<8192xf32, #tpu.memory_space<vmem>> -> memref<1024xf32, #tpu.memory_space<vmem>>
          %dma_wait3A_579 = arith.constant 0 : i32
          %dma_wait3A_580 = tpu.memref_slice %arg4[%sub3A_520, %dma_wait3A_576, %add3A, %dma_wait3A_579] : memref<200x8x32x1024xf32, #tpu.memory_space<hbm>> -> memref<1x1x1x1024xf32, #tpu.memory_space<hbm>>
          %dma_wait3A_581 = tpu.memref_squeeze %dma_wait3A_580 : memref<1x1x1x1024xf32, #tpu.memory_space<hbm>> -> memref<1024xf32, #tpu.memory_space<hbm>>
          %dma_wait3A_582 = arith.constant 0 : i32
          %dma_wait3A_583 = tpu.memref_slice %arg4[%sub3A_520, %dma_wait3A_576, %add3A, %dma_wait3A_582] : memref<200x8x32x1024xf32, #tpu.memory_space<hbm>> -> memref<1x1x1x1024xf32, #tpu.memory_space<hbm>>
          %dma_wait3A_584 = tpu.memref_squeeze %dma_wait3A_583 : memref<1x1x1x1024xf32, #tpu.memory_space<hbm>> -> memref<1024xf32, #tpu.memory_space<hbm>>
          %dma_wait3A_585 = arith.constant 5120 : i32
          %dma_wait3A_586 = tpu.memref_slice %arg15[%dma_wait3A_585] : memref<8192xf32, #tpu.memory_space<vmem>> -> memref<1024xf32, #tpu.memory_space<vmem>>
          tpu.wait_dma2 semaphore(%arg21 : memref<!tpu.dma_semaphore, #tpu.memory_space<semaphore_mem>>) src(%dma_wait3A_586 : memref<1024xf32, #tpu.memory_space<vmem>>) dst(%dma_wait3A_584 : memref<1024xf32, #tpu.memory_space<hbm>>)
          %dma_wait3A_587 = arith.constant 6 : i32
          %dma_wait3A_588 = arith.constant 6144 : i32
          %dma_wait3A_589 = tpu.memref_slice %arg15[%dma_wait3A_588] : memref<8192xf32, #tpu.memory_space<vmem>> -> memref<1024xf32, #tpu.memory_space<vmem>>
          %dma_wait3A_590 = arith.constant 0 : i32
          %dma_wait3A_591 = tpu.memref_slice %arg4[%sub3A_520, %dma_wait3A_587, %add3A, %dma_wait3A_590] : memref<200x8x32x1024xf32, #tpu.memory_space<hbm>> -> memref<1x1x1x1024xf32, #tpu.memory_space<hbm>>
          %dma_wait3A_592 = tpu.memref_squeeze %dma_wait3A_591 : memref<1x1x1x1024xf32, #tpu.memory_space<hbm>> -> memref<1024xf32, #tpu.memory_space<hbm>>
          %dma_wait3A_593 = arith.constant 0 : i32
          %dma_wait3A_594 = tpu.memref_slice %arg4[%sub3A_520, %dma_wait3A_587, %add3A, %dma_wait3A_593] : memref<200x8x32x1024xf32, #tpu.memory_space<hbm>> -> memref<1x1x1x1024xf32, #tpu.memory_space<hbm>>
          %dma_wait3A_595 = tpu.memref_squeeze %dma_wait3A_594 : memref<1x1x1x1024xf32, #tpu.memory_space<hbm>> -> memref<1024xf32, #tpu.memory_space<hbm>>
          %dma_wait3A_596 = arith.constant 6144 : i32
          %dma_wait3A_597 = tpu.memref_slice %arg15[%dma_wait3A_596] : memref<8192xf32, #tpu.memory_space<vmem>> -> memref<1024xf32, #tpu.memory_space<vmem>>
          tpu.wait_dma2 semaphore(%arg21 : memref<!tpu.dma_semaphore, #tpu.memory_space<semaphore_mem>>) src(%dma_wait3A_597 : memref<1024xf32, #tpu.memory_space<vmem>>) dst(%dma_wait3A_595 : memref<1024xf32, #tpu.memory_space<hbm>>)
          %dma_wait3A_598 = arith.constant 7 : i32
          %dma_wait3A_599 = arith.constant 7168 : i32
          %dma_wait3A_600 = tpu.memref_slice %arg15[%dma_wait3A_599] : memref<8192xf32, #tpu.memory_space<vmem>> -> memref<1024xf32, #tpu.memory_space<vmem>>
          %dma_wait3A_601 = arith.constant 0 : i32
          %dma_wait3A_602 = tpu.memref_slice %arg4[%sub3A_520, %dma_wait3A_598, %add3A, %dma_wait3A_601] : memref<200x8x32x1024xf32, #tpu.memory_space<hbm>> -> memref<1x1x1x1024xf32, #tpu.memory_space<hbm>>
          %dma_wait3A_603 = tpu.memref_squeeze %dma_wait3A_602 : memref<1x1x1x1024xf32, #tpu.memory_space<hbm>> -> memref<1024xf32, #tpu.memory_space<hbm>>
          %dma_wait3A_604 = arith.constant 0 : i32
          %dma_wait3A_605 = tpu.memref_slice %arg4[%sub3A_520, %dma_wait3A_598, %add3A, %dma_wait3A_604] : memref<200x8x32x1024xf32, #tpu.memory_space<hbm>> -> memref<1x1x1x1024xf32, #tpu.memory_space<hbm>>
          %dma_wait3A_606 = tpu.memref_squeeze %dma_wait3A_605 : memref<1x1x1x1024xf32, #tpu.memory_space<hbm>> -> memref<1024xf32, #tpu.memory_space<hbm>>
          %dma_wait3A_607 = arith.constant 7168 : i32
          %dma_wait3A_608 = tpu.memref_slice %arg15[%dma_wait3A_607] : memref<8192xf32, #tpu.memory_space<vmem>> -> memref<1024xf32, #tpu.memory_space<vmem>>
          tpu.wait_dma2 semaphore(%arg21 : memref<!tpu.dma_semaphore, #tpu.memory_space<semaphore_mem>>) src(%dma_wait3A_608 : memref<1024xf32, #tpu.memory_space<vmem>>) dst(%dma_wait3A_606 : memref<1024xf32, #tpu.memory_space<hbm>>)
        } else {
        }
        %iota3A_333 = tpu.iota {dimensions = array<i32: 0>} : vector<16xi32>
        %add3A_334 = arith.constant 0 : i32
        %add3A_335 = vector.broadcast %add3A_334 : i32 to vector<16xi32>
        %add3A_336 = arith.addi %iota3A_333, %add3A_335 : vector<16xi32>
        %and3A_337 = arith.constant 15 : i32
        %and3A_338 = vector.broadcast %and3A_337 : i32 to vector<16xi32>
        %and3A_339 = arith.andi %add3A_336, %and3A_338 : vector<16xi32>
        %add3A_340 = arith.constant 1 : i32
        %add3A_341 = vector.broadcast %add3A_340 : i32 to vector<16xi32>
        %add3A_342 = arith.addi %iota3A_333, %add3A_341 : vector<16xi32>
        %and3A_343 = arith.constant 15 : i32
        %and3A_344 = vector.broadcast %and3A_343 : i32 to vector<16xi32>
        %and3A_345 = arith.andi %add3A_342, %and3A_344 : vector<16xi32>
        %add3A_346 = arith.constant 2 : i32
        %add3A_347 = vector.broadcast %add3A_346 : i32 to vector<16xi32>
        %add3A_348 = arith.addi %iota3A_333, %add3A_347 : vector<16xi32>
        %and3A_349 = arith.constant 15 : i32
        %and3A_350 = vector.broadcast %and3A_349 : i32 to vector<16xi32>
        %and3A_351 = arith.andi %add3A_348, %and3A_350 : vector<16xi32>
        %add3A_352 = arith.constant 3 : i32
        %add3A_353 = vector.broadcast %add3A_352 : i32 to vector<16xi32>
        %add3A_354 = arith.addi %iota3A_333, %add3A_353 : vector<16xi32>
        %and3A_355 = arith.constant 15 : i32
        %and3A_356 = vector.broadcast %and3A_355 : i32 to vector<16xi32>
        %and3A_357 = arith.andi %add3A_354, %and3A_356 : vector<16xi32>
        %add3A_358 = arith.constant 4 : i32
        %add3A_359 = vector.broadcast %add3A_358 : i32 to vector<16xi32>
        %add3A_360 = arith.addi %iota3A_333, %add3A_359 : vector<16xi32>
        %and3A_361 = arith.constant 15 : i32
        %and3A_362 = vector.broadcast %and3A_361 : i32 to vector<16xi32>
        %and3A_363 = arith.andi %add3A_360, %and3A_362 : vector<16xi32>
        %add3A_364 = arith.constant 5 : i32
        %add3A_365 = vector.broadcast %add3A_364 : i32 to vector<16xi32>
        %add3A_366 = arith.addi %iota3A_333, %add3A_365 : vector<16xi32>
        %and3A_367 = arith.constant 15 : i32
        %and3A_368 = vector.broadcast %and3A_367 : i32 to vector<16xi32>
        %and3A_369 = arith.andi %add3A_366, %and3A_368 : vector<16xi32>
        %add3A_370 = arith.constant 6 : i32
        %add3A_371 = vector.broadcast %add3A_370 : i32 to vector<16xi32>
        %add3A_372 = arith.addi %iota3A_333, %add3A_371 : vector<16xi32>
        %and3A_373 = arith.constant 15 : i32
        %and3A_374 = vector.broadcast %and3A_373 : i32 to vector<16xi32>
        %and3A_375 = arith.andi %add3A_372, %and3A_374 : vector<16xi32>
        %add3A_376 = arith.constant 7 : i32
        %add3A_377 = vector.broadcast %add3A_376 : i32 to vector<16xi32>
        %add3A_378 = arith.addi %iota3A_333, %add3A_377 : vector<16xi32>
        %and3A_379 = arith.constant 15 : i32
        %and3A_380 = vector.broadcast %and3A_379 : i32 to vector<16xi32>
        %and3A_381 = arith.andi %add3A_378, %and3A_380 : vector<16xi32>
        %add3A_382 = arith.constant 8 : i32
        %add3A_383 = vector.broadcast %add3A_382 : i32 to vector<16xi32>
        %add3A_384 = arith.addi %iota3A_333, %add3A_383 : vector<16xi32>
        %and3A_385 = arith.constant 15 : i32
        %and3A_386 = vector.broadcast %and3A_385 : i32 to vector<16xi32>
        %and3A_387 = arith.andi %add3A_384, %and3A_386 : vector<16xi32>
        %add3A_388 = arith.constant 9 : i32
        %add3A_389 = vector.broadcast %add3A_388 : i32 to vector<16xi32>
        %add3A_390 = arith.addi %iota3A_333, %add3A_389 : vector<16xi32>
        %and3A_391 = arith.constant 15 : i32
        %and3A_392 = vector.broadcast %and3A_391 : i32 to vector<16xi32>
        %and3A_393 = arith.andi %add3A_390, %and3A_392 : vector<16xi32>
        %add3A_394 = arith.constant 10 : i32
        %add3A_395 = vector.broadcast %add3A_394 : i32 to vector<16xi32>
        %add3A_396 = arith.addi %iota3A_333, %add3A_395 : vector<16xi32>
        %and3A_397 = arith.constant 15 : i32
        %and3A_398 = vector.broadcast %and3A_397 : i32 to vector<16xi32>
        %and3A_399 = arith.andi %add3A_396, %and3A_398 : vector<16xi32>
        %add3A_400 = arith.constant 11 : i32
        %add3A_401 = vector.broadcast %add3A_400 : i32 to vector<16xi32>
        %add3A_402 = arith.addi %iota3A_333, %add3A_401 : vector<16xi32>
        %and3A_403 = arith.constant 15 : i32
        %and3A_404 = vector.broadcast %and3A_403 : i32 to vector<16xi32>
        %and3A_405 = arith.andi %add3A_402, %and3A_404 : vector<16xi32>
        %add3A_406 = arith.constant 12 : i32
        %add3A_407 = vector.broadcast %add3A_406 : i32 to vector<16xi32>
        %add3A_408 = arith.addi %iota3A_333, %add3A_407 : vector<16xi32>
        %and3A_409 = arith.constant 15 : i32
        %and3A_410 = vector.broadcast %and3A_409 : i32 to vector<16xi32>
        %and3A_411 = arith.andi %add3A_408, %and3A_410 : vector<16xi32>
        %add3A_412 = arith.constant 13 : i32
        %add3A_413 = vector.broadcast %add3A_412 : i32 to vector<16xi32>
        %add3A_414 = arith.addi %iota3A_333, %add3A_413 : vector<16xi32>
        %and3A_415 = arith.constant 15 : i32
        %and3A_416 = vector.broadcast %and3A_415 : i32 to vector<16xi32>
        %and3A_417 = arith.andi %add3A_414, %and3A_416 : vector<16xi32>
        %add3A_418 = arith.constant 14 : i32
        %add3A_419 = vector.broadcast %add3A_418 : i32 to vector<16xi32>
        %add3A_420 = arith.addi %iota3A_333, %add3A_419 : vector<16xi32>
        %and3A_421 = arith.constant 15 : i32
        %and3A_422 = vector.broadcast %and3A_421 : i32 to vector<16xi32>
        %and3A_423 = arith.andi %add3A_420, %and3A_422 : vector<16xi32>
        %add3A_424 = arith.constant 15 : i32
        %add3A_425 = vector.broadcast %add3A_424 : i32 to vector<16xi32>
        %add3A_426 = arith.addi %iota3A_333, %add3A_425 : vector<16xi32>
        %and3A_427 = arith.constant 15 : i32
        %and3A_428 = vector.broadcast %and3A_427 : i32 to vector<16xi32>
        %and3A_429 = arith.andi %add3A_426, %and3A_428 : vector<16xi32>
        %parallel_loop3A = arith.constant 0 : i32
        %parallel_loop3A_430 = arith.constant 128 : i32
        %parallel_loop3A_431 = arith.constant 1 : i32
        scf.for %parallel_loop3A_519 = %parallel_loop3A to %parallel_loop3A_430 step %parallel_loop3A_431  : i32 {
          %parallel_loop3A_520 = arith.constant 4 : i32
          %parallel_loop3A_521 = arith.shrui %parallel_loop3A_519, %parallel_loop3A_520 : i32
          %parallel_loop3A_522 = arith.constant 15 : i32
          %parallel_loop3A_523 = arith.andi %parallel_loop3A_519, %parallel_loop3A_522 : i32
          %parallel_loop3A_524 = vector.broadcast %parallel_loop3A_523 : i32 to vector<16xi32>
          %parallel_loop3A_525 = arith.addi %iota3A_333, %parallel_loop3A_524 : vector<16xi32>
          %parallel_loop3A_526 = arith.constant 15 : i32
          %parallel_loop3A_527 = vector.broadcast %parallel_loop3A_526 : i32 to vector<16xi32>
          %parallel_loop3A_528 = arith.andi %parallel_loop3A_525, %parallel_loop3A_527 : vector<16xi32>
          %parallel_loop3A_529 = arith.constant 16 : i32
          %parallel_loop3A_530 = arith.muli %parallel_loop3A_521, %parallel_loop3A_529 : i32
          %parallel_loop3A_531 = vector.broadcast %parallel_loop3A_530 : i32 to vector<16xi32>
          %parallel_loop3A_532 = arith.addi %parallel_loop3A_528, %parallel_loop3A_531 : vector<16xi32>
          %parallel_loop3A_533 = arith.constant 0 : i32
          %parallel_loop3A_534 = vector.broadcast %parallel_loop3A_533 : i32 to vector<16xi32>
          %parallel_loop3A_535 = arith.addi %iota3A_333, %parallel_loop3A_534 : vector<16xi32>
          %parallel_loop3A_536 = tpu.vector_load_idx %arg13[%parallel_loop3A_532, %parallel_loop3A_535] : memref<128x64xf32, #tpu.memory_space<vmem>>[vector<16xi32>, vector<16xi32>], vector<16xf32>,
          %parallel_loop3A_537 = arith.constant 128 : i32
          %parallel_loop3A_538 = vector.broadcast %parallel_loop3A_537 : i32 to vector<16xi32>
          %parallel_loop3A_539 = arith.muli %parallel_loop3A_535, %parallel_loop3A_538 : vector<16xi32>
          %parallel_loop3A_540 = arith.addi %parallel_loop3A_539, %parallel_loop3A_532 : vector<16xi32>
          tpu.vector_store_idx %arg15[%parallel_loop3A_540], %parallel_loop3A_536 : memref<8192xf32, #tpu.memory_space<vmem>>[vector<16xi32>], vector<16xf32>,
          %parallel_loop3A_541 = arith.constant 16 : i32
          %parallel_loop3A_542 = vector.broadcast %parallel_loop3A_541 : i32 to vector<16xi32>
          %parallel_loop3A_543 = arith.addi %iota3A_333, %parallel_loop3A_542 : vector<16xi32>
          %parallel_loop3A_544 = tpu.vector_load_idx %arg13[%parallel_loop3A_532, %parallel_loop3A_543] : memref<128x64xf32, #tpu.memory_space<vmem>>[vector<16xi32>, vector<16xi32>], vector<16xf32>,
          %parallel_loop3A_545 = arith.constant 128 : i32
          %parallel_loop3A_546 = vector.broadcast %parallel_loop3A_545 : i32 to vector<16xi32>
          %parallel_loop3A_547 = arith.muli %parallel_loop3A_543, %parallel_loop3A_546 : vector<16xi32>
          %parallel_loop3A_548 = arith.addi %parallel_loop3A_547, %parallel_loop3A_532 : vector<16xi32>
          tpu.vector_store_idx %arg15[%parallel_loop3A_548], %parallel_loop3A_544 : memref<8192xf32, #tpu.memory_space<vmem>>[vector<16xi32>], vector<16xf32>,
          %parallel_loop3A_549 = arith.constant 32 : i32
          %parallel_loop3A_550 = vector.broadcast %parallel_loop3A_549 : i32 to vector<16xi32>
          %parallel_loop3A_551 = arith.addi %iota3A_333, %parallel_loop3A_550 : vector<16xi32>
          %parallel_loop3A_552 = tpu.vector_load_idx %arg13[%parallel_loop3A_532, %parallel_loop3A_551] : memref<128x64xf32, #tpu.memory_space<vmem>>[vector<16xi32>, vector<16xi32>], vector<16xf32>,
          %parallel_loop3A_553 = arith.constant 128 : i32
          %parallel_loop3A_554 = vector.broadcast %parallel_loop3A_553 : i32 to vector<16xi32>
          %parallel_loop3A_555 = arith.muli %parallel_loop3A_551, %parallel_loop3A_554 : vector<16xi32>
          %parallel_loop3A_556 = arith.addi %parallel_loop3A_555, %parallel_loop3A_532 : vector<16xi32>
          tpu.vector_store_idx %arg15[%parallel_loop3A_556], %parallel_loop3A_552 : memref<8192xf32, #tpu.memory_space<vmem>>[vector<16xi32>], vector<16xf32>,
          %parallel_loop3A_557 = arith.constant 48 : i32
          %parallel_loop3A_558 = vector.broadcast %parallel_loop3A_557 : i32 to vector<16xi32>
          %parallel_loop3A_559 = arith.addi %iota3A_333, %parallel_loop3A_558 : vector<16xi32>
          %parallel_loop3A_560 = tpu.vector_load_idx %arg13[%parallel_loop3A_532, %parallel_loop3A_559] : memref<128x64xf32, #tpu.memory_space<vmem>>[vector<16xi32>, vector<16xi32>], vector<16xf32>,
          %parallel_loop3A_561 = arith.constant 128 : i32
          %parallel_loop3A_562 = vector.broadcast %parallel_loop3A_561 : i32 to vector<16xi32>
          %parallel_loop3A_563 = arith.muli %parallel_loop3A_559, %parallel_loop3A_562 : vector<16xi32>
          %parallel_loop3A_564 = arith.addi %parallel_loop3A_563, %parallel_loop3A_532 : vector<16xi32>
          tpu.vector_store_idx %arg15[%parallel_loop3A_564], %parallel_loop3A_560 : memref<8192xf32, #tpu.memory_space<vmem>>[vector<16xi32>], vector<16xf32>,
        } {sc.loop_unroll_factor = 2 : i64, sc.parallel_access}
        %dma_start3A = arith.constant 0 : i32
        %dma_start3A_432 = arith.constant 0 : i32
        %dma_start3A_433 = tpu.memref_slice %arg15[%dma_start3A_432] : memref<8192xf32, #tpu.memory_space<vmem>> -> memref<1024xf32, #tpu.memory_space<vmem>>
        %dma_start3A_434 = arith.constant 0 : i32
        %dma_start3A_435 = tpu.memref_slice %arg4[%sub3A_297, %dma_start3A, %add3A, %dma_start3A_434] : memref<200x8x32x1024xf32, #tpu.memory_space<hbm>> -> memref<1x1x1x1024xf32, #tpu.memory_space<hbm>>
        %dma_start3A_436 = tpu.memref_squeeze %dma_start3A_435 : memref<1x1x1x1024xf32, #tpu.memory_space<hbm>> -> memref<1024xf32, #tpu.memory_space<hbm>>
        %dma_start3A_437 = arith.constant 0 : i32
        %dma_start3A_438 = tpu.memref_slice %arg4[%sub3A_297, %dma_start3A, %add3A, %dma_start3A_437] : memref<200x8x32x1024xf32, #tpu.memory_space<hbm>> -> memref<1x1x1x1024xf32, #tpu.memory_space<hbm>>
        %dma_start3A_439 = tpu.memref_squeeze %dma_start3A_438 : memref<1x1x1x1024xf32, #tpu.memory_space<hbm>> -> memref<1024xf32, #tpu.memory_space<hbm>>
        %dma_start3A_440 = arith.constant 0 : i32
        %dma_start3A_441 = tpu.memref_slice %arg15[%dma_start3A_440] : memref<8192xf32, #tpu.memory_space<vmem>> -> memref<1024xf32, #tpu.memory_space<vmem>>
        tpu.enqueue_dma source(%dma_start3A_441 : memref<1024xf32, #tpu.memory_space<vmem>>) target(%dma_start3A_439 : memref<1024xf32, #tpu.memory_space<hbm>>) target_semaphore(%arg21 : memref<!tpu.dma_semaphore, #tpu.memory_space<semaphore_mem>>)
        %dma_start3A_442 = arith.constant 1 : i32
        %dma_start3A_443 = arith.constant 1024 : i32
        %dma_start3A_444 = tpu.memref_slice %arg15[%dma_start3A_443] : memref<8192xf32, #tpu.memory_space<vmem>> -> memref<1024xf32, #tpu.memory_space<vmem>>
        %dma_start3A_445 = arith.constant 0 : i32
        %dma_start3A_446 = tpu.memref_slice %arg4[%sub3A_297, %dma_start3A_442, %add3A, %dma_start3A_445] : memref<200x8x32x1024xf32, #tpu.memory_space<hbm>> -> memref<1x1x1x1024xf32, #tpu.memory_space<hbm>>
        %dma_start3A_447 = tpu.memref_squeeze %dma_start3A_446 : memref<1x1x1x1024xf32, #tpu.memory_space<hbm>> -> memref<1024xf32, #tpu.memory_space<hbm>>
        %dma_start3A_448 = arith.constant 0 : i32
        %dma_start3A_449 = tpu.memref_slice %arg4[%sub3A_297, %dma_start3A_442, %add3A, %dma_start3A_448] : memref<200x8x32x1024xf32, #tpu.memory_space<hbm>> -> memref<1x1x1x1024xf32, #tpu.memory_space<hbm>>
        %dma_start3A_450 = tpu.memref_squeeze %dma_start3A_449 : memref<1x1x1x1024xf32, #tpu.memory_space<hbm>> -> memref<1024xf32, #tpu.memory_space<hbm>>
        %dma_start3A_451 = arith.constant 1024 : i32
        %dma_start3A_452 = tpu.memref_slice %arg15[%dma_start3A_451] : memref<8192xf32, #tpu.memory_space<vmem>> -> memref<1024xf32, #tpu.memory_space<vmem>>
        tpu.enqueue_dma source(%dma_start3A_452 : memref<1024xf32, #tpu.memory_space<vmem>>) target(%dma_start3A_450 : memref<1024xf32, #tpu.memory_space<hbm>>) target_semaphore(%arg21 : memref<!tpu.dma_semaphore, #tpu.memory_space<semaphore_mem>>)
        %dma_start3A_453 = arith.constant 2 : i32
        %dma_start3A_454 = arith.constant 2048 : i32
        %dma_start3A_455 = tpu.memref_slice %arg15[%dma_start3A_454] : memref<8192xf32, #tpu.memory_space<vmem>> -> memref<1024xf32, #tpu.memory_space<vmem>>
        %dma_start3A_456 = arith.constant 0 : i32
        %dma_start3A_457 = tpu.memref_slice %arg4[%sub3A_297, %dma_start3A_453, %add3A, %dma_start3A_456] : memref<200x8x32x1024xf32, #tpu.memory_space<hbm>> -> memref<1x1x1x1024xf32, #tpu.memory_space<hbm>>
        %dma_start3A_458 = tpu.memref_squeeze %dma_start3A_457 : memref<1x1x1x1024xf32, #tpu.memory_space<hbm>> -> memref<1024xf32, #tpu.memory_space<hbm>>
        %dma_start3A_459 = arith.constant 0 : i32
        %dma_start3A_460 = tpu.memref_slice %arg4[%sub3A_297, %dma_start3A_453, %add3A, %dma_start3A_459] : memref<200x8x32x1024xf32, #tpu.memory_space<hbm>> -> memref<1x1x1x1024xf32, #tpu.memory_space<hbm>>
        %dma_start3A_461 = tpu.memref_squeeze %dma_start3A_460 : memref<1x1x1x1024xf32, #tpu.memory_space<hbm>> -> memref<1024xf32, #tpu.memory_space<hbm>>
        %dma_start3A_462 = arith.constant 2048 : i32
        %dma_start3A_463 = tpu.memref_slice %arg15[%dma_start3A_462] : memref<8192xf32, #tpu.memory_space<vmem>> -> memref<1024xf32, #tpu.memory_space<vmem>>
        tpu.enqueue_dma source(%dma_start3A_463 : memref<1024xf32, #tpu.memory_space<vmem>>) target(%dma_start3A_461 : memref<1024xf32, #tpu.memory_space<hbm>>) target_semaphore(%arg21 : memref<!tpu.dma_semaphore, #tpu.memory_space<semaphore_mem>>)
        %dma_start3A_464 = arith.constant 3 : i32
        %dma_start3A_465 = arith.constant 3072 : i32
        %dma_start3A_466 = tpu.memref_slice %arg15[%dma_start3A_465] : memref<8192xf32, #tpu.memory_space<vmem>> -> memref<1024xf32, #tpu.memory_space<vmem>>
        %dma_start3A_467 = arith.constant 0 : i32
        %dma_start3A_468 = tpu.memref_slice %arg4[%sub3A_297, %dma_start3A_464, %add3A, %dma_start3A_467] : memref<200x8x32x1024xf32, #tpu.memory_space<hbm>> -> memref<1x1x1x1024xf32, #tpu.memory_space<hbm>>
        %dma_start3A_469 = tpu.memref_squeeze %dma_start3A_468 : memref<1x1x1x1024xf32, #tpu.memory_space<hbm>> -> memref<1024xf32, #tpu.memory_space<hbm>>
        %dma_start3A_470 = arith.constant 0 : i32
        %dma_start3A_471 = tpu.memref_slice %arg4[%sub3A_297, %dma_start3A_464, %add3A, %dma_start3A_470] : memref<200x8x32x1024xf32, #tpu.memory_space<hbm>> -> memref<1x1x1x1024xf32, #tpu.memory_space<hbm>>
        %dma_start3A_472 = tpu.memref_squeeze %dma_start3A_471 : memref<1x1x1x1024xf32, #tpu.memory_space<hbm>> -> memref<1024xf32, #tpu.memory_space<hbm>>
        %dma_start3A_473 = arith.constant 3072 : i32
        %dma_start3A_474 = tpu.memref_slice %arg15[%dma_start3A_473] : memref<8192xf32, #tpu.memory_space<vmem>> -> memref<1024xf32, #tpu.memory_space<vmem>>
        tpu.enqueue_dma source(%dma_start3A_474 : memref<1024xf32, #tpu.memory_space<vmem>>) target(%dma_start3A_472 : memref<1024xf32, #tpu.memory_space<hbm>>) target_semaphore(%arg21 : memref<!tpu.dma_semaphore, #tpu.memory_space<semaphore_mem>>)
        %dma_start3A_475 = arith.constant 4 : i32
        %dma_start3A_476 = arith.constant 4096 : i32
        %dma_start3A_477 = tpu.memref_slice %arg15[%dma_start3A_476] : memref<8192xf32, #tpu.memory_space<vmem>> -> memref<1024xf32, #tpu.memory_space<vmem>>
        %dma_start3A_478 = arith.constant 0 : i32
        %dma_start3A_479 = tpu.memref_slice %arg4[%sub3A_297, %dma_start3A_475, %add3A, %dma_start3A_478] : memref<200x8x32x1024xf32, #tpu.memory_space<hbm>> -> memref<1x1x1x1024xf32, #tpu.memory_space<hbm>>
        %dma_start3A_480 = tpu.memref_squeeze %dma_start3A_479 : memref<1x1x1x1024xf32, #tpu.memory_space<hbm>> -> memref<1024xf32, #tpu.memory_space<hbm>>
        %dma_start3A_481 = arith.constant 0 : i32
        %dma_start3A_482 = tpu.memref_slice %arg4[%sub3A_297, %dma_start3A_475, %add3A, %dma_start3A_481] : memref<200x8x32x1024xf32, #tpu.memory_space<hbm>> -> memref<1x1x1x1024xf32, #tpu.memory_space<hbm>>
        %dma_start3A_483 = tpu.memref_squeeze %dma_start3A_482 : memref<1x1x1x1024xf32, #tpu.memory_space<hbm>> -> memref<1024xf32, #tpu.memory_space<hbm>>
        %dma_start3A_484 = arith.constant 4096 : i32
        %dma_start3A_485 = tpu.memref_slice %arg15[%dma_start3A_484] : memref<8192xf32, #tpu.memory_space<vmem>> -> memref<1024xf32, #tpu.memory_space<vmem>>
        tpu.enqueue_dma source(%dma_start3A_485 : memref<1024xf32, #tpu.memory_space<vmem>>) target(%dma_start3A_483 : memref<1024xf32, #tpu.memory_space<hbm>>) target_semaphore(%arg21 : memref<!tpu.dma_semaphore, #tpu.memory_space<semaphore_mem>>)
        %dma_start3A_486 = arith.constant 5 : i32
        %dma_start3A_487 = arith.constant 5120 : i32
        %dma_start3A_488 = tpu.memref_slice %arg15[%dma_start3A_487] : memref<8192xf32, #tpu.memory_space<vmem>> -> memref<1024xf32, #tpu.memory_space<vmem>>
        %dma_start3A_489 = arith.constant 0 : i32
        %dma_start3A_490 = tpu.memref_slice %arg4[%sub3A_297, %dma_start3A_486, %add3A, %dma_start3A_489] : memref<200x8x32x1024xf32, #tpu.memory_space<hbm>> -> memref<1x1x1x1024xf32, #tpu.memory_space<hbm>>
        %dma_start3A_491 = tpu.memref_squeeze %dma_start3A_490 : memref<1x1x1x1024xf32, #tpu.memory_space<hbm>> -> memref<1024xf32, #tpu.memory_space<hbm>>
        %dma_start3A_492 = arith.constant 0 : i32
        %dma_start3A_493 = tpu.memref_slice %arg4[%sub3A_297, %dma_start3A_486, %add3A, %dma_start3A_492] : memref<200x8x32x1024xf32, #tpu.memory_space<hbm>> -> memref<1x1x1x1024xf32, #tpu.memory_space<hbm>>
        %dma_start3A_494 = tpu.memref_squeeze %dma_start3A_493 : memref<1x1x1x1024xf32, #tpu.memory_space<hbm>> -> memref<1024xf32, #tpu.memory_space<hbm>>
        %dma_start3A_495 = arith.constant 5120 : i32
        %dma_start3A_496 = tpu.memref_slice %arg15[%dma_start3A_495] : memref<8192xf32, #tpu.memory_space<vmem>> -> memref<1024xf32, #tpu.memory_space<vmem>>
        tpu.enqueue_dma source(%dma_start3A_496 : memref<1024xf32, #tpu.memory_space<vmem>>) target(%dma_start3A_494 : memref<1024xf32, #tpu.memory_space<hbm>>) target_semaphore(%arg21 : memref<!tpu.dma_semaphore, #tpu.memory_space<semaphore_mem>>)
        %dma_start3A_497 = arith.constant 6 : i32
        %dma_start3A_498 = arith.constant 6144 : i32
        %dma_start3A_499 = tpu.memref_slice %arg15[%dma_start3A_498] : memref<8192xf32, #tpu.memory_space<vmem>> -> memref<1024xf32, #tpu.memory_space<vmem>>
        %dma_start3A_500 = arith.constant 0 : i32
        %dma_start3A_501 = tpu.memref_slice %arg4[%sub3A_297, %dma_start3A_497, %add3A, %dma_start3A_500] : memref<200x8x32x1024xf32, #tpu.memory_space<hbm>> -> memref<1x1x1x1024xf32, #tpu.memory_space<hbm>>
        %dma_start3A_502 = tpu.memref_squeeze %dma_start3A_501 : memref<1x1x1x1024xf32, #tpu.memory_space<hbm>> -> memref<1024xf32, #tpu.memory_space<hbm>>
        %dma_start3A_503 = arith.constant 0 : i32
        %dma_start3A_504 = tpu.memref_slice %arg4[%sub3A_297, %dma_start3A_497, %add3A, %dma_start3A_503] : memref<200x8x32x1024xf32, #tpu.memory_space<hbm>> -> memref<1x1x1x1024xf32, #tpu.memory_space<hbm>>
        %dma_start3A_505 = tpu.memref_squeeze %dma_start3A_504 : memref<1x1x1x1024xf32, #tpu.memory_space<hbm>> -> memref<1024xf32, #tpu.memory_space<hbm>>
        %dma_start3A_506 = arith.constant 6144 : i32
        %dma_start3A_507 = tpu.memref_slice %arg15[%dma_start3A_506] : memref<8192xf32, #tpu.memory_space<vmem>> -> memref<1024xf32, #tpu.memory_space<vmem>>
        tpu.enqueue_dma source(%dma_start3A_507 : memref<1024xf32, #tpu.memory_space<vmem>>) target(%dma_start3A_505 : memref<1024xf32, #tpu.memory_space<hbm>>) target_semaphore(%arg21 : memref<!tpu.dma_semaphore, #tpu.memory_space<semaphore_mem>>)
        %dma_start3A_508 = arith.constant 7 : i32
        %dma_start3A_509 = arith.constant 7168 : i32
        %dma_start3A_510 = tpu.memref_slice %arg15[%dma_start3A_509] : memref<8192xf32, #tpu.memory_space<vmem>> -> memref<1024xf32, #tpu.memory_space<vmem>>
        %dma_start3A_511 = arith.constant 0 : i32
        %dma_start3A_512 = tpu.memref_slice %arg4[%sub3A_297, %dma_start3A_508, %add3A, %dma_start3A_511] : memref<200x8x32x1024xf32, #tpu.memory_space<hbm>> -> memref<1x1x1x1024xf32, #tpu.memory_space<hbm>>
        %dma_start3A_513 = tpu.memref_squeeze %dma_start3A_512 : memref<1x1x1x1024xf32, #tpu.memory_space<hbm>> -> memref<1024xf32, #tpu.memory_space<hbm>>
        %dma_start3A_514 = arith.constant 0 : i32
        %dma_start3A_515 = tpu.memref_slice %arg4[%sub3A_297, %dma_start3A_508, %add3A, %dma_start3A_514] : memref<200x8x32x1024xf32, #tpu.memory_space<hbm>> -> memref<1x1x1x1024xf32, #tpu.memory_space<hbm>>
        %dma_start3A_516 = tpu.memref_squeeze %dma_start3A_515 : memref<1x1x1x1024xf32, #tpu.memory_space<hbm>> -> memref<1024xf32, #tpu.memory_space<hbm>>
        %dma_start3A_517 = arith.constant 7168 : i32
        %dma_start3A_518 = tpu.memref_slice %arg15[%dma_start3A_517] : memref<8192xf32, #tpu.memory_space<vmem>> -> memref<1024xf32, #tpu.memory_space<vmem>>
        tpu.enqueue_dma source(%dma_start3A_518 : memref<1024xf32, #tpu.memory_space<vmem>>) target(%dma_start3A_516 : memref<1024xf32, #tpu.memory_space<hbm>>) target_semaphore(%arg21 : memref<!tpu.dma_semaphore, #tpu.memory_space<semaphore_mem>>)
      } else {
      }
      %mul3A_306 = arith.constant 4 : i32
      %mul3A_307 = arith.muli %mul3A_306, %scan3A_254 : i32
      %add3A_308 = arith.constant 3 : i32
      %add3A_309 = arith.addi %mul3A_307, %add3A_308 : i32
      %lt3A_310 = arith.constant 200 : i32
      %lt3A_311 = arith.cmpi slt, %add3A_309, %lt3A_310 : i32
      %convert_element_type3A_312 = arith.extui %lt3A_311 : i1 to i32
      %cond3A_313 = arith.constant 0 : i32
      %cond3A_314 = arith.cmpi ne, %convert_element_type3A_312, %cond3A_313 : i32
      scf.if %cond3A_314 {
        %add3A_325 = vector.broadcast %add3A_309 : i32 to vector<16xi32>
        %add3A_326 = arith.addi %add3A_8, %add3A_325 : vector<16xi32>
        %shift_right_logical3A = arith.constant 7 : i32
        %shift_right_logical3A_327 = vector.broadcast %shift_right_logical3A : i32 to vector<16xi32>
        %shift_right_logical3A_328 = arith.shrui %add3A_326, %shift_right_logical3A_327 : vector<16xi32>
        %and3A_329 = arith.constant 127 : i32
        %and3A_330 = vector.broadcast %and3A_329 : i32 to vector<16xi32>
        %and3A_331 = arith.andi %add3A_326, %and3A_330 : vector<16xi32>
        %gather3A = tpu.vector_load_idx %arg5[%shift_right_logical3A_328, %and3A_331] : memref<200x128xi32, #tpu.memory_space<vmem>>[vector<16xi32>, vector<16xi32>], vector<16xi32>,
        %swap3A = arith.constant 0 : index
        %swap3A_332 = tpu.vector_load %arg9[%swap3A] {strides = array<i32>} : memref<128xi32, #tpu.memory_space<vmem>>, vector<16xi32>,
        tpu.vector_store %arg9[%swap3A], %gather3A {strides = array<i32>} : memref<128xi32, #tpu.memory_space<vmem>>, vector<16xi32>,
        %add3A_333 = vector.broadcast %add3A_309 : i32 to vector<16xi32>
        %add3A_334 = arith.addi %add3A_15, %add3A_333 : vector<16xi32>
        %shift_right_logical3A_335 = arith.constant 7 : i32
        %shift_right_logical3A_336 = vector.broadcast %shift_right_logical3A_335 : i32 to vector<16xi32>
        %shift_right_logical3A_337 = arith.shrui %add3A_334, %shift_right_logical3A_336 : vector<16xi32>
        %and3A_338 = arith.constant 127 : i32
        %and3A_339 = vector.broadcast %and3A_338 : i32 to vector<16xi32>
        %and3A_340 = arith.andi %add3A_334, %and3A_339 : vector<16xi32>
        %gather3A_341 = tpu.vector_load_idx %arg5[%shift_right_logical3A_337, %and3A_340] : memref<200x128xi32, #tpu.memory_space<vmem>>[vector<16xi32>, vector<16xi32>], vector<16xi32>,
        %swap3A_342 = arith.constant 16 : index
        %swap3A_343 = tpu.vector_load %arg9[%swap3A_342] {strides = array<i32>} : memref<128xi32, #tpu.memory_space<vmem>>, vector<16xi32>,
        tpu.vector_store %arg9[%swap3A_342], %gather3A_341 {strides = array<i32>} : memref<128xi32, #tpu.memory_space<vmem>>, vector<16xi32>,
        %add3A_344 = vector.broadcast %add3A_309 : i32 to vector<16xi32>
        %add3A_345 = arith.addi %add3A_22, %add3A_344 : vector<16xi32>
        %shift_right_logical3A_346 = arith.constant 7 : i32
        %shift_right_logical3A_347 = vector.broadcast %shift_right_logical3A_346 : i32 to vector<16xi32>
        %shift_right_logical3A_348 = arith.shrui %add3A_345, %shift_right_logical3A_347 : vector<16xi32>
        %and3A_349 = arith.constant 127 : i32
        %and3A_350 = vector.broadcast %and3A_349 : i32 to vector<16xi32>
        %and3A_351 = arith.andi %add3A_345, %and3A_350 : vector<16xi32>
        %gather3A_352 = tpu.vector_load_idx %arg5[%shift_right_logical3A_348, %and3A_351] : memref<200x128xi32, #tpu.memory_space<vmem>>[vector<16xi32>, vector<16xi32>], vector<16xi32>,
        %swap3A_353 = arith.constant 32 : index
        %swap3A_354 = tpu.vector_load %arg9[%swap3A_353] {strides = array<i32>} : memref<128xi32, #tpu.memory_space<vmem>>, vector<16xi32>,
        tpu.vector_store %arg9[%swap3A_353], %gather3A_352 {strides = array<i32>} : memref<128xi32, #tpu.memory_space<vmem>>, vector<16xi32>,
        %add3A_355 = vector.broadcast %add3A_309 : i32 to vector<16xi32>
        %add3A_356 = arith.addi %add3A_29, %add3A_355 : vector<16xi32>
        %shift_right_logical3A_357 = arith.constant 7 : i32
        %shift_right_logical3A_358 = vector.broadcast %shift_right_logical3A_357 : i32 to vector<16xi32>
        %shift_right_logical3A_359 = arith.shrui %add3A_356, %shift_right_logical3A_358 : vector<16xi32>
        %and3A_360 = arith.constant 127 : i32
        %and3A_361 = vector.broadcast %and3A_360 : i32 to vector<16xi32>
        %and3A_362 = arith.andi %add3A_356, %and3A_361 : vector<16xi32>
        %gather3A_363 = tpu.vector_load_idx %arg5[%shift_right_logical3A_359, %and3A_362] : memref<200x128xi32, #tpu.memory_space<vmem>>[vector<16xi32>, vector<16xi32>], vector<16xi32>,
        %swap3A_364 = arith.constant 48 : index
        %swap3A_365 = tpu.vector_load %arg9[%swap3A_364] {strides = array<i32>} : memref<128xi32, #tpu.memory_space<vmem>>, vector<16xi32>,
        tpu.vector_store %arg9[%swap3A_364], %gather3A_363 {strides = array<i32>} : memref<128xi32, #tpu.memory_space<vmem>>, vector<16xi32>,
        %add3A_366 = vector.broadcast %add3A_309 : i32 to vector<16xi32>
        %add3A_367 = arith.addi %add3A_36, %add3A_366 : vector<16xi32>
        %shift_right_logical3A_368 = arith.constant 7 : i32
        %shift_right_logical3A_369 = vector.broadcast %shift_right_logical3A_368 : i32 to vector<16xi32>
        %shift_right_logical3A_370 = arith.shrui %add3A_367, %shift_right_logical3A_369 : vector<16xi32>
        %and3A_371 = arith.constant 127 : i32
        %and3A_372 = vector.broadcast %and3A_371 : i32 to vector<16xi32>
        %and3A_373 = arith.andi %add3A_367, %and3A_372 : vector<16xi32>
        %gather3A_374 = tpu.vector_load_idx %arg5[%shift_right_logical3A_370, %and3A_373] : memref<200x128xi32, #tpu.memory_space<vmem>>[vector<16xi32>, vector<16xi32>], vector<16xi32>,
        %swap3A_375 = arith.constant 64 : index
        %swap3A_376 = tpu.vector_load %arg9[%swap3A_375] {strides = array<i32>} : memref<128xi32, #tpu.memory_space<vmem>>, vector<16xi32>,
        tpu.vector_store %arg9[%swap3A_375], %gather3A_374 {strides = array<i32>} : memref<128xi32, #tpu.memory_space<vmem>>, vector<16xi32>,
        %add3A_377 = vector.broadcast %add3A_309 : i32 to vector<16xi32>
        %add3A_378 = arith.addi %add3A_43, %add3A_377 : vector<16xi32>
        %shift_right_logical3A_379 = arith.constant 7 : i32
        %shift_right_logical3A_380 = vector.broadcast %shift_right_logical3A_379 : i32 to vector<16xi32>
        %shift_right_logical3A_381 = arith.shrui %add3A_378, %shift_right_logical3A_380 : vector<16xi32>
        %and3A_382 = arith.constant 127 : i32
        %and3A_383 = vector.broadcast %and3A_382 : i32 to vector<16xi32>
        %and3A_384 = arith.andi %add3A_378, %and3A_383 : vector<16xi32>
        %gather3A_385 = tpu.vector_load_idx %arg5[%shift_right_logical3A_381, %and3A_384] : memref<200x128xi32, #tpu.memory_space<vmem>>[vector<16xi32>, vector<16xi32>], vector<16xi32>,
        %swap3A_386 = arith.constant 80 : index
        %swap3A_387 = tpu.vector_load %arg9[%swap3A_386] {strides = array<i32>} : memref<128xi32, #tpu.memory_space<vmem>>, vector<16xi32>,
        tpu.vector_store %arg9[%swap3A_386], %gather3A_385 {strides = array<i32>} : memref<128xi32, #tpu.memory_space<vmem>>, vector<16xi32>,
        %add3A_388 = vector.broadcast %add3A_309 : i32 to vector<16xi32>
        %add3A_389 = arith.addi %add3A_50, %add3A_388 : vector<16xi32>
        %shift_right_logical3A_390 = arith.constant 7 : i32
        %shift_right_logical3A_391 = vector.broadcast %shift_right_logical3A_390 : i32 to vector<16xi32>
        %shift_right_logical3A_392 = arith.shrui %add3A_389, %shift_right_logical3A_391 : vector<16xi32>
        %and3A_393 = arith.constant 127 : i32
        %and3A_394 = vector.broadcast %and3A_393 : i32 to vector<16xi32>
        %and3A_395 = arith.andi %add3A_389, %and3A_394 : vector<16xi32>
        %gather3A_396 = tpu.vector_load_idx %arg5[%shift_right_logical3A_392, %and3A_395] : memref<200x128xi32, #tpu.memory_space<vmem>>[vector<16xi32>, vector<16xi32>], vector<16xi32>,
        %swap3A_397 = arith.constant 96 : index
        %swap3A_398 = tpu.vector_load %arg9[%swap3A_397] {strides = array<i32>} : memref<128xi32, #tpu.memory_space<vmem>>, vector<16xi32>,
        tpu.vector_store %arg9[%swap3A_397], %gather3A_396 {strides = array<i32>} : memref<128xi32, #tpu.memory_space<vmem>>, vector<16xi32>,
        %add3A_399 = vector.broadcast %add3A_309 : i32 to vector<16xi32>
        %add3A_400 = arith.addi %add3A_57, %add3A_399 : vector<16xi32>
        %shift_right_logical3A_401 = arith.constant 7 : i32
        %shift_right_logical3A_402 = vector.broadcast %shift_right_logical3A_401 : i32 to vector<16xi32>
        %shift_right_logical3A_403 = arith.shrui %add3A_400, %shift_right_logical3A_402 : vector<16xi32>
        %and3A_404 = arith.constant 127 : i32
        %and3A_405 = vector.broadcast %and3A_404 : i32 to vector<16xi32>
        %and3A_406 = arith.andi %add3A_400, %and3A_405 : vector<16xi32>
        %gather3A_407 = tpu.vector_load_idx %arg5[%shift_right_logical3A_403, %and3A_406] : memref<200x128xi32, #tpu.memory_space<vmem>>[vector<16xi32>, vector<16xi32>], vector<16xi32>,
        %swap3A_408 = arith.constant 112 : index
        %swap3A_409 = tpu.vector_load %arg9[%swap3A_408] {strides = array<i32>} : memref<128xi32, #tpu.memory_space<vmem>>, vector<16xi32>,
        tpu.vector_store %arg9[%swap3A_408], %gather3A_407 {strides = array<i32>} : memref<128xi32, #tpu.memory_space<vmem>>, vector<16xi32>,
        %dma_start3A = arith.constant 0 : i32
        %dma_start3A_410 = arith.constant 0 : i32
        %dma_start3A_411 = tpu.memref_slice %arg3[%dma_start3A, %dma_start3A_410] : memref<2000000x64xf32, #tpu.memory_space<hbm>> -> memref<2000000x64xf32, #tpu.memory_space<hbm>>
        tpu.enqueue_indirect_dma source(%dma_start3A_411 : memref<2000000x64xf32, #tpu.memory_space<hbm>>) target(%arg13 : memref<128x64xf32, #tpu.memory_space<vmem>>) offsets(%arg9 : memref<128xi32, #tpu.memory_space<vmem>>) semaphore(%arg19 : memref<!tpu.dma_semaphore, #tpu.memory_space<semaphore_mem>>)
      } else {
      }
      %sub3A_315 = arith.constant 3 : i32
      %sub3A_316 = arith.subi %add3A_309, %sub3A_315 : i32
      %ge3A_317 = arith.constant 0 : i32
      %ge3A_318 = arith.cmpi sge, %sub3A_316, %ge3A_317 : i32
      %lt3A_319 = arith.constant 200 : i32
      %lt3A_320 = arith.cmpi slt, %sub3A_316, %lt3A_319 : i32
      %and3A_321 = arith.andi %ge3A_318, %lt3A_320 : i1
      %convert_element_type3A_322 = arith.extui %and3A_321 : i1 to i32
      %cond3A_323 = arith.constant 0 : i32
      %cond3A_324 = arith.cmpi ne, %convert_element_type3A_322, %cond3A_323 : i32
      scf.if %cond3A_324 {
        %dma_wait3A_325 = arith.constant 0 : i32
        %dma_wait3A_326 = arith.constant 0 : i32
        %dma_wait3A_327 = tpu.memref_slice %arg3[%dma_wait3A_325, %dma_wait3A_326] : memref<2000000x64xf32, #tpu.memory_space<hbm>> -> memref<2000000x64xf32, #tpu.memory_space<hbm>>
        tpu.wait_indirect_dma semaphore(%arg16 : memref<!tpu.dma_semaphore, #tpu.memory_space<semaphore_mem>>) src(%dma_wait3A_327 : memref<2000000x64xf32, #tpu.memory_space<hbm>>) dst(%arg10 : memref<128x64xf32, #tpu.memory_space<vmem>>)
        %ge3A_328 = arith.constant 2 : i32
        %ge3A_329 = arith.cmpi sge, %sub3A_316, %ge3A_328 : i32
        %convert_element_type3A_330 = arith.extui %ge3A_329 : i1 to i32
        %cond3A_331 = arith.constant 0 : i32
        %cond3A_332 = arith.cmpi ne, %convert_element_type3A_330, %cond3A_331 : i32
        scf.if %cond3A_332 {
          %sub3A_519 = arith.constant 2 : i32
          %sub3A_520 = arith.subi %sub3A_316, %sub3A_519 : i32
          %dma_wait3A_521 = arith.constant 0 : i32
          %dma_wait3A_522 = arith.constant 0 : i32
          %dma_wait3A_523 = tpu.memref_slice %arg14[%dma_wait3A_522] : memref<8192xf32, #tpu.memory_space<vmem>> -> memref<1024xf32, #tpu.memory_space<vmem>>
          %dma_wait3A_524 = arith.constant 0 : i32
          %dma_wait3A_525 = tpu.memref_slice %arg4[%sub3A_520, %dma_wait3A_521, %add3A, %dma_wait3A_524] : memref<200x8x32x1024xf32, #tpu.memory_space<hbm>> -> memref<1x1x1x1024xf32, #tpu.memory_space<hbm>>
          %dma_wait3A_526 = tpu.memref_squeeze %dma_wait3A_525 : memref<1x1x1x1024xf32, #tpu.memory_space<hbm>> -> memref<1024xf32, #tpu.memory_space<hbm>>
          %dma_wait3A_527 = arith.constant 0 : i32
          %dma_wait3A_528 = tpu.memref_slice %arg4[%sub3A_520, %dma_wait3A_521, %add3A, %dma_wait3A_527] : memref<200x8x32x1024xf32, #tpu.memory_space<hbm>> -> memref<1x1x1x1024xf32, #tpu.memory_space<hbm>>
          %dma_wait3A_529 = tpu.memref_squeeze %dma_wait3A_528 : memref<1x1x1x1024xf32, #tpu.memory_space<hbm>> -> memref<1024xf32, #tpu.memory_space<hbm>>
          %dma_wait3A_530 = arith.constant 0 : i32
          %dma_wait3A_531 = tpu.memref_slice %arg14[%dma_wait3A_530] : memref<8192xf32, #tpu.memory_space<vmem>> -> memref<1024xf32, #tpu.memory_space<vmem>>
          tpu.wait_dma2 semaphore(%arg20 : memref<!tpu.dma_semaphore, #tpu.memory_space<semaphore_mem>>) src(%dma_wait3A_531 : memref<1024xf32, #tpu.memory_space<vmem>>) dst(%dma_wait3A_529 : memref<1024xf32, #tpu.memory_space<hbm>>)
          %dma_wait3A_532 = arith.constant 1 : i32
          %dma_wait3A_533 = arith.constant 1024 : i32
          %dma_wait3A_534 = tpu.memref_slice %arg14[%dma_wait3A_533] : memref<8192xf32, #tpu.memory_space<vmem>> -> memref<1024xf32, #tpu.memory_space<vmem>>
          %dma_wait3A_535 = arith.constant 0 : i32
          %dma_wait3A_536 = tpu.memref_slice %arg4[%sub3A_520, %dma_wait3A_532, %add3A, %dma_wait3A_535] : memref<200x8x32x1024xf32, #tpu.memory_space<hbm>> -> memref<1x1x1x1024xf32, #tpu.memory_space<hbm>>
          %dma_wait3A_537 = tpu.memref_squeeze %dma_wait3A_536 : memref<1x1x1x1024xf32, #tpu.memory_space<hbm>> -> memref<1024xf32, #tpu.memory_space<hbm>>
          %dma_wait3A_538 = arith.constant 0 : i32
          %dma_wait3A_539 = tpu.memref_slice %arg4[%sub3A_520, %dma_wait3A_532, %add3A, %dma_wait3A_538] : memref<200x8x32x1024xf32, #tpu.memory_space<hbm>> -> memref<1x1x1x1024xf32, #tpu.memory_space<hbm>>
          %dma_wait3A_540 = tpu.memref_squeeze %dma_wait3A_539 : memref<1x1x1x1024xf32, #tpu.memory_space<hbm>> -> memref<1024xf32, #tpu.memory_space<hbm>>
          %dma_wait3A_541 = arith.constant 1024 : i32
          %dma_wait3A_542 = tpu.memref_slice %arg14[%dma_wait3A_541] : memref<8192xf32, #tpu.memory_space<vmem>> -> memref<1024xf32, #tpu.memory_space<vmem>>
          tpu.wait_dma2 semaphore(%arg20 : memref<!tpu.dma_semaphore, #tpu.memory_space<semaphore_mem>>) src(%dma_wait3A_542 : memref<1024xf32, #tpu.memory_space<vmem>>) dst(%dma_wait3A_540 : memref<1024xf32, #tpu.memory_space<hbm>>)
          %dma_wait3A_543 = arith.constant 2 : i32
          %dma_wait3A_544 = arith.constant 2048 : i32
          %dma_wait3A_545 = tpu.memref_slice %arg14[%dma_wait3A_544] : memref<8192xf32, #tpu.memory_space<vmem>> -> memref<1024xf32, #tpu.memory_space<vmem>>
          %dma_wait3A_546 = arith.constant 0 : i32
          %dma_wait3A_547 = tpu.memref_slice %arg4[%sub3A_520, %dma_wait3A_543, %add3A, %dma_wait3A_546] : memref<200x8x32x1024xf32, #tpu.memory_space<hbm>> -> memref<1x1x1x1024xf32, #tpu.memory_space<hbm>>
          %dma_wait3A_548 = tpu.memref_squeeze %dma_wait3A_547 : memref<1x1x1x1024xf32, #tpu.memory_space<hbm>> -> memref<1024xf32, #tpu.memory_space<hbm>>
          %dma_wait3A_549 = arith.constant 0 : i32
          %dma_wait3A_550 = tpu.memref_slice %arg4[%sub3A_520, %dma_wait3A_543, %add3A, %dma_wait3A_549] : memref<200x8x32x1024xf32, #tpu.memory_space<hbm>> -> memref<1x1x1x1024xf32, #tpu.memory_space<hbm>>
          %dma_wait3A_551 = tpu.memref_squeeze %dma_wait3A_550 : memref<1x1x1x1024xf32, #tpu.memory_space<hbm>> -> memref<1024xf32, #tpu.memory_space<hbm>>
          %dma_wait3A_552 = arith.constant 2048 : i32
          %dma_wait3A_553 = tpu.memref_slice %arg14[%dma_wait3A_552] : memref<8192xf32, #tpu.memory_space<vmem>> -> memref<1024xf32, #tpu.memory_space<vmem>>
          tpu.wait_dma2 semaphore(%arg20 : memref<!tpu.dma_semaphore, #tpu.memory_space<semaphore_mem>>) src(%dma_wait3A_553 : memref<1024xf32, #tpu.memory_space<vmem>>) dst(%dma_wait3A_551 : memref<1024xf32, #tpu.memory_space<hbm>>)
          %dma_wait3A_554 = arith.constant 3 : i32
          %dma_wait3A_555 = arith.constant 3072 : i32
          %dma_wait3A_556 = tpu.memref_slice %arg14[%dma_wait3A_555] : memref<8192xf32, #tpu.memory_space<vmem>> -> memref<1024xf32, #tpu.memory_space<vmem>>
          %dma_wait3A_557 = arith.constant 0 : i32
          %dma_wait3A_558 = tpu.memref_slice %arg4[%sub3A_520, %dma_wait3A_554, %add3A, %dma_wait3A_557] : memref<200x8x32x1024xf32, #tpu.memory_space<hbm>> -> memref<1x1x1x1024xf32, #tpu.memory_space<hbm>>
          %dma_wait3A_559 = tpu.memref_squeeze %dma_wait3A_558 : memref<1x1x1x1024xf32, #tpu.memory_space<hbm>> -> memref<1024xf32, #tpu.memory_space<hbm>>
          %dma_wait3A_560 = arith.constant 0 : i32
          %dma_wait3A_561 = tpu.memref_slice %arg4[%sub3A_520, %dma_wait3A_554, %add3A, %dma_wait3A_560] : memref<200x8x32x1024xf32, #tpu.memory_space<hbm>> -> memref<1x1x1x1024xf32, #tpu.memory_space<hbm>>
          %dma_wait3A_562 = tpu.memref_squeeze %dma_wait3A_561 : memref<1x1x1x1024xf32, #tpu.memory_space<hbm>> -> memref<1024xf32, #tpu.memory_space<hbm>>
          %dma_wait3A_563 = arith.constant 3072 : i32
          %dma_wait3A_564 = tpu.memref_slice %arg14[%dma_wait3A_563] : memref<8192xf32, #tpu.memory_space<vmem>> -> memref<1024xf32, #tpu.memory_space<vmem>>
          tpu.wait_dma2 semaphore(%arg20 : memref<!tpu.dma_semaphore, #tpu.memory_space<semaphore_mem>>) src(%dma_wait3A_564 : memref<1024xf32, #tpu.memory_space<vmem>>) dst(%dma_wait3A_562 : memref<1024xf32, #tpu.memory_space<hbm>>)
          %dma_wait3A_565 = arith.constant 4 : i32
          %dma_wait3A_566 = arith.constant 4096 : i32
          %dma_wait3A_567 = tpu.memref_slice %arg14[%dma_wait3A_566] : memref<8192xf32, #tpu.memory_space<vmem>> -> memref<1024xf32, #tpu.memory_space<vmem>>
          %dma_wait3A_568 = arith.constant 0 : i32
          %dma_wait3A_569 = tpu.memref_slice %arg4[%sub3A_520, %dma_wait3A_565, %add3A, %dma_wait3A_568] : memref<200x8x32x1024xf32, #tpu.memory_space<hbm>> -> memref<1x1x1x1024xf32, #tpu.memory_space<hbm>>
          %dma_wait3A_570 = tpu.memref_squeeze %dma_wait3A_569 : memref<1x1x1x1024xf32, #tpu.memory_space<hbm>> -> memref<1024xf32, #tpu.memory_space<hbm>>
          %dma_wait3A_571 = arith.constant 0 : i32
          %dma_wait3A_572 = tpu.memref_slice %arg4[%sub3A_520, %dma_wait3A_565, %add3A, %dma_wait3A_571] : memref<200x8x32x1024xf32, #tpu.memory_space<hbm>> -> memref<1x1x1x1024xf32, #tpu.memory_space<hbm>>
          %dma_wait3A_573 = tpu.memref_squeeze %dma_wait3A_572 : memref<1x1x1x1024xf32, #tpu.memory_space<hbm>> -> memref<1024xf32, #tpu.memory_space<hbm>>
          %dma_wait3A_574 = arith.constant 4096 : i32
          %dma_wait3A_575 = tpu.memref_slice %arg14[%dma_wait3A_574] : memref<8192xf32, #tpu.memory_space<vmem>> -> memref<1024xf32, #tpu.memory_space<vmem>>
          tpu.wait_dma2 semaphore(%arg20 : memref<!tpu.dma_semaphore, #tpu.memory_space<semaphore_mem>>) src(%dma_wait3A_575 : memref<1024xf32, #tpu.memory_space<vmem>>) dst(%dma_wait3A_573 : memref<1024xf32, #tpu.memory_space<hbm>>)
          %dma_wait3A_576 = arith.constant 5 : i32
          %dma_wait3A_577 = arith.constant 5120 : i32
          %dma_wait3A_578 = tpu.memref_slice %arg14[%dma_wait3A_577] : memref<8192xf32, #tpu.memory_space<vmem>> -> memref<1024xf32, #tpu.memory_space<vmem>>
          %dma_wait3A_579 = arith.constant 0 : i32
          %dma_wait3A_580 = tpu.memref_slice %arg4[%sub3A_520, %dma_wait3A_576, %add3A, %dma_wait3A_579] : memref<200x8x32x1024xf32, #tpu.memory_space<hbm>> -> memref<1x1x1x1024xf32, #tpu.memory_space<hbm>>
          %dma_wait3A_581 = tpu.memref_squeeze %dma_wait3A_580 : memref<1x1x1x1024xf32, #tpu.memory_space<hbm>> -> memref<1024xf32, #tpu.memory_space<hbm>>
          %dma_wait3A_582 = arith.constant 0 : i32
          %dma_wait3A_583 = tpu.memref_slice %arg4[%sub3A_520, %dma_wait3A_576, %add3A, %dma_wait3A_582] : memref<200x8x32x1024xf32, #tpu.memory_space<hbm>> -> memref<1x1x1x1024xf32, #tpu.memory_space<hbm>>
          %dma_wait3A_584 = tpu.memref_squeeze %dma_wait3A_583 : memref<1x1x1x1024xf32, #tpu.memory_space<hbm>> -> memref<1024xf32, #tpu.memory_space<hbm>>
          %dma_wait3A_585 = arith.constant 5120 : i32
          %dma_wait3A_586 = tpu.memref_slice %arg14[%dma_wait3A_585] : memref<8192xf32, #tpu.memory_space<vmem>> -> memref<1024xf32, #tpu.memory_space<vmem>>
          tpu.wait_dma2 semaphore(%arg20 : memref<!tpu.dma_semaphore, #tpu.memory_space<semaphore_mem>>) src(%dma_wait3A_586 : memref<1024xf32, #tpu.memory_space<vmem>>) dst(%dma_wait3A_584 : memref<1024xf32, #tpu.memory_space<hbm>>)
          %dma_wait3A_587 = arith.constant 6 : i32
          %dma_wait3A_588 = arith.constant 6144 : i32
          %dma_wait3A_589 = tpu.memref_slice %arg14[%dma_wait3A_588] : memref<8192xf32, #tpu.memory_space<vmem>> -> memref<1024xf32, #tpu.memory_space<vmem>>
          %dma_wait3A_590 = arith.constant 0 : i32
          %dma_wait3A_591 = tpu.memref_slice %arg4[%sub3A_520, %dma_wait3A_587, %add3A, %dma_wait3A_590] : memref<200x8x32x1024xf32, #tpu.memory_space<hbm>> -> memref<1x1x1x1024xf32, #tpu.memory_space<hbm>>
          %dma_wait3A_592 = tpu.memref_squeeze %dma_wait3A_591 : memref<1x1x1x1024xf32, #tpu.memory_space<hbm>> -> memref<1024xf32, #tpu.memory_space<hbm>>
          %dma_wait3A_593 = arith.constant 0 : i32
          %dma_wait3A_594 = tpu.memref_slice %arg4[%sub3A_520, %dma_wait3A_587, %add3A, %dma_wait3A_593] : memref<200x8x32x1024xf32, #tpu.memory_space<hbm>> -> memref<1x1x1x1024xf32, #tpu.memory_space<hbm>>
          %dma_wait3A_595 = tpu.memref_squeeze %dma_wait3A_594 : memref<1x1x1x1024xf32, #tpu.memory_space<hbm>> -> memref<1024xf32, #tpu.memory_space<hbm>>
          %dma_wait3A_596 = arith.constant 6144 : i32
          %dma_wait3A_597 = tpu.memref_slice %arg14[%dma_wait3A_596] : memref<8192xf32, #tpu.memory_space<vmem>> -> memref<1024xf32, #tpu.memory_space<vmem>>
          tpu.wait_dma2 semaphore(%arg20 : memref<!tpu.dma_semaphore, #tpu.memory_space<semaphore_mem>>) src(%dma_wait3A_597 : memref<1024xf32, #tpu.memory_space<vmem>>) dst(%dma_wait3A_595 : memref<1024xf32, #tpu.memory_space<hbm>>)
          %dma_wait3A_598 = arith.constant 7 : i32
          %dma_wait3A_599 = arith.constant 7168 : i32
          %dma_wait3A_600 = tpu.memref_slice %arg14[%dma_wait3A_599] : memref<8192xf32, #tpu.memory_space<vmem>> -> memref<1024xf32, #tpu.memory_space<vmem>>
          %dma_wait3A_601 = arith.constant 0 : i32
          %dma_wait3A_602 = tpu.memref_slice %arg4[%sub3A_520, %dma_wait3A_598, %add3A, %dma_wait3A_601] : memref<200x8x32x1024xf32, #tpu.memory_space<hbm>> -> memref<1x1x1x1024xf32, #tpu.memory_space<hbm>>
          %dma_wait3A_603 = tpu.memref_squeeze %dma_wait3A_602 : memref<1x1x1x1024xf32, #tpu.memory_space<hbm>> -> memref<1024xf32, #tpu.memory_space<hbm>>
          %dma_wait3A_604 = arith.constant 0 : i32
          %dma_wait3A_605 = tpu.memref_slice %arg4[%sub3A_520, %dma_wait3A_598, %add3A, %dma_wait3A_604] : memref<200x8x32x1024xf32, #tpu.memory_space<hbm>> -> memref<1x1x1x1024xf32, #tpu.memory_space<hbm>>
          %dma_wait3A_606 = tpu.memref_squeeze %dma_wait3A_605 : memref<1x1x1x1024xf32, #tpu.memory_space<hbm>> -> memref<1024xf32, #tpu.memory_space<hbm>>
          %dma_wait3A_607 = arith.constant 7168 : i32
          %dma_wait3A_608 = tpu.memref_slice %arg14[%dma_wait3A_607] : memref<8192xf32, #tpu.memory_space<vmem>> -> memref<1024xf32, #tpu.memory_space<vmem>>
          tpu.wait_dma2 semaphore(%arg20 : memref<!tpu.dma_semaphore, #tpu.memory_space<semaphore_mem>>) src(%dma_wait3A_608 : memref<1024xf32, #tpu.memory_space<vmem>>) dst(%dma_wait3A_606 : memref<1024xf32, #tpu.memory_space<hbm>>)
        } else {
        }
        %iota3A_333 = tpu.iota {dimensions = array<i32: 0>} : vector<16xi32>
        %add3A_334 = arith.constant 0 : i32
        %add3A_335 = vector.broadcast %add3A_334 : i32 to vector<16xi32>
        %add3A_336 = arith.addi %iota3A_333, %add3A_335 : vector<16xi32>
        %and3A_337 = arith.constant 15 : i32
        %and3A_338 = vector.broadcast %and3A_337 : i32 to vector<16xi32>
        %and3A_339 = arith.andi %add3A_336, %and3A_338 : vector<16xi32>
        %add3A_340 = arith.constant 1 : i32
        %add3A_341 = vector.broadcast %add3A_340 : i32 to vector<16xi32>
        %add3A_342 = arith.addi %iota3A_333, %add3A_341 : vector<16xi32>
        %and3A_343 = arith.constant 15 : i32
        %and3A_344 = vector.broadcast %and3A_343 : i32 to vector<16xi32>
        %and3A_345 = arith.andi %add3A_342, %and3A_344 : vector<16xi32>
        %add3A_346 = arith.constant 2 : i32
        %add3A_347 = vector.broadcast %add3A_346 : i32 to vector<16xi32>
        %add3A_348 = arith.addi %iota3A_333, %add3A_347 : vector<16xi32>
        %and3A_349 = arith.constant 15 : i32
        %and3A_350 = vector.broadcast %and3A_349 : i32 to vector<16xi32>
        %and3A_351 = arith.andi %add3A_348, %and3A_350 : vector<16xi32>
        %add3A_352 = arith.constant 3 : i32
        %add3A_353 = vector.broadcast %add3A_352 : i32 to vector<16xi32>
        %add3A_354 = arith.addi %iota3A_333, %add3A_353 : vector<16xi32>
        %and3A_355 = arith.constant 15 : i32
        %and3A_356 = vector.broadcast %and3A_355 : i32 to vector<16xi32>
        %and3A_357 = arith.andi %add3A_354, %and3A_356 : vector<16xi32>
        %add3A_358 = arith.constant 4 : i32
        %add3A_359 = vector.broadcast %add3A_358 : i32 to vector<16xi32>
        %add3A_360 = arith.addi %iota3A_333, %add3A_359 : vector<16xi32>
        %and3A_361 = arith.constant 15 : i32
        %and3A_362 = vector.broadcast %and3A_361 : i32 to vector<16xi32>
        %and3A_363 = arith.andi %add3A_360, %and3A_362 : vector<16xi32>
        %add3A_364 = arith.constant 5 : i32
        %add3A_365 = vector.broadcast %add3A_364 : i32 to vector<16xi32>
        %add3A_366 = arith.addi %iota3A_333, %add3A_365 : vector<16xi32>
        %and3A_367 = arith.constant 15 : i32
        %and3A_368 = vector.broadcast %and3A_367 : i32 to vector<16xi32>
        %and3A_369 = arith.andi %add3A_366, %and3A_368 : vector<16xi32>
        %add3A_370 = arith.constant 6 : i32
        %add3A_371 = vector.broadcast %add3A_370 : i32 to vector<16xi32>
        %add3A_372 = arith.addi %iota3A_333, %add3A_371 : vector<16xi32>
        %and3A_373 = arith.constant 15 : i32
        %and3A_374 = vector.broadcast %and3A_373 : i32 to vector<16xi32>
        %and3A_375 = arith.andi %add3A_372, %and3A_374 : vector<16xi32>
        %add3A_376 = arith.constant 7 : i32
        %add3A_377 = vector.broadcast %add3A_376 : i32 to vector<16xi32>
        %add3A_378 = arith.addi %iota3A_333, %add3A_377 : vector<16xi32>
        %and3A_379 = arith.constant 15 : i32
        %and3A_380 = vector.broadcast %and3A_379 : i32 to vector<16xi32>
        %and3A_381 = arith.andi %add3A_378, %and3A_380 : vector<16xi32>
        %add3A_382 = arith.constant 8 : i32
        %add3A_383 = vector.broadcast %add3A_382 : i32 to vector<16xi32>
        %add3A_384 = arith.addi %iota3A_333, %add3A_383 : vector<16xi32>
        %and3A_385 = arith.constant 15 : i32
        %and3A_386 = vector.broadcast %and3A_385 : i32 to vector<16xi32>
        %and3A_387 = arith.andi %add3A_384, %and3A_386 : vector<16xi32>
        %add3A_388 = arith.constant 9 : i32
        %add3A_389 = vector.broadcast %add3A_388 : i32 to vector<16xi32>
        %add3A_390 = arith.addi %iota3A_333, %add3A_389 : vector<16xi32>
        %and3A_391 = arith.constant 15 : i32
        %and3A_392 = vector.broadcast %and3A_391 : i32 to vector<16xi32>
        %and3A_393 = arith.andi %add3A_390, %and3A_392 : vector<16xi32>
        %add3A_394 = arith.constant 10 : i32
        %add3A_395 = vector.broadcast %add3A_394 : i32 to vector<16xi32>
        %add3A_396 = arith.addi %iota3A_333, %add3A_395 : vector<16xi32>
        %and3A_397 = arith.constant 15 : i32
        %and3A_398 = vector.broadcast %and3A_397 : i32 to vector<16xi32>
        %and3A_399 = arith.andi %add3A_396, %and3A_398 : vector<16xi32>
        %add3A_400 = arith.constant 11 : i32
        %add3A_401 = vector.broadcast %add3A_400 : i32 to vector<16xi32>
        %add3A_402 = arith.addi %iota3A_333, %add3A_401 : vector<16xi32>
        %and3A_403 = arith.constant 15 : i32
        %and3A_404 = vector.broadcast %and3A_403 : i32 to vector<16xi32>
        %and3A_405 = arith.andi %add3A_402, %and3A_404 : vector<16xi32>
        %add3A_406 = arith.constant 12 : i32
        %add3A_407 = vector.broadcast %add3A_406 : i32 to vector<16xi32>
        %add3A_408 = arith.addi %iota3A_333, %add3A_407 : vector<16xi32>
        %and3A_409 = arith.constant 15 : i32
        %and3A_410 = vector.broadcast %and3A_409 : i32 to vector<16xi32>
        %and3A_411 = arith.andi %add3A_408, %and3A_410 : vector<16xi32>
        %add3A_412 = arith.constant 13 : i32
        %add3A_413 = vector.broadcast %add3A_412 : i32 to vector<16xi32>
        %add3A_414 = arith.addi %iota3A_333, %add3A_413 : vector<16xi32>
        %and3A_415 = arith.constant 15 : i32
        %and3A_416 = vector.broadcast %and3A_415 : i32 to vector<16xi32>
        %and3A_417 = arith.andi %add3A_414, %and3A_416 : vector<16xi32>
        %add3A_418 = arith.constant 14 : i32
        %add3A_419 = vector.broadcast %add3A_418 : i32 to vector<16xi32>
        %add3A_420 = arith.addi %iota3A_333, %add3A_419 : vector<16xi32>
        %and3A_421 = arith.constant 15 : i32
        %and3A_422 = vector.broadcast %and3A_421 : i32 to vector<16xi32>
        %and3A_423 = arith.andi %add3A_420, %and3A_422 : vector<16xi32>
        %add3A_424 = arith.constant 15 : i32
        %add3A_425 = vector.broadcast %add3A_424 : i32 to vector<16xi32>
        %add3A_426 = arith.addi %iota3A_333, %add3A_425 : vector<16xi32>
        %and3A_427 = arith.constant 15 : i32
        %and3A_428 = vector.broadcast %and3A_427 : i32 to vector<16xi32>
        %and3A_429 = arith.andi %add3A_426, %and3A_428 : vector<16xi32>
        %parallel_loop3A = arith.constant 0 : i32
        %parallel_loop3A_430 = arith.constant 128 : i32
        %parallel_loop3A_431 = arith.constant 1 : i32
        scf.for %parallel_loop3A_519 = %parallel_loop3A to %parallel_loop3A_430 step %parallel_loop3A_431  : i32 {
          %parallel_loop3A_520 = arith.constant 4 : i32
          %parallel_loop3A_521 = arith.shrui %parallel_loop3A_519, %parallel_loop3A_520 : i32
          %parallel_loop3A_522 = arith.constant 15 : i32
          %parallel_loop3A_523 = arith.andi %parallel_loop3A_519, %parallel_loop3A_522 : i32
          %parallel_loop3A_524 = vector.broadcast %parallel_loop3A_523 : i32 to vector<16xi32>
          %parallel_loop3A_525 = arith.addi %iota3A_333, %parallel_loop3A_524 : vector<16xi32>
          %parallel_loop3A_526 = arith.constant 15 : i32
          %parallel_loop3A_527 = vector.broadcast %parallel_loop3A_526 : i32 to vector<16xi32>
          %parallel_loop3A_528 = arith.andi %parallel_loop3A_525, %parallel_loop3A_527 : vector<16xi32>
          %parallel_loop3A_529 = arith.constant 16 : i32
          %parallel_loop3A_530 = arith.muli %parallel_loop3A_521, %parallel_loop3A_529 : i32
          %parallel_loop3A_531 = vector.broadcast %parallel_loop3A_530 : i32 to vector<16xi32>
          %parallel_loop3A_532 = arith.addi %parallel_loop3A_528, %parallel_loop3A_531 : vector<16xi32>
          %parallel_loop3A_533 = arith.constant 0 : i32
          %parallel_loop3A_534 = vector.broadcast %parallel_loop3A_533 : i32 to vector<16xi32>
          %parallel_loop3A_535 = arith.addi %iota3A_333, %parallel_loop3A_534 : vector<16xi32>
          %parallel_loop3A_536 = tpu.vector_load_idx %arg10[%parallel_loop3A_532, %parallel_loop3A_535] : memref<128x64xf32, #tpu.memory_space<vmem>>[vector<16xi32>, vector<16xi32>], vector<16xf32>,
          %parallel_loop3A_537 = arith.constant 128 : i32
          %parallel_loop3A_538 = vector.broadcast %parallel_loop3A_537 : i32 to vector<16xi32>
          %parallel_loop3A_539 = arith.muli %parallel_loop3A_535, %parallel_loop3A_538 : vector<16xi32>
          %parallel_loop3A_540 = arith.addi %parallel_loop3A_539, %parallel_loop3A_532 : vector<16xi32>
          tpu.vector_store_idx %arg14[%parallel_loop3A_540], %parallel_loop3A_536 : memref<8192xf32, #tpu.memory_space<vmem>>[vector<16xi32>], vector<16xf32>,
          %parallel_loop3A_541 = arith.constant 16 : i32
          %parallel_loop3A_542 = vector.broadcast %parallel_loop3A_541 : i32 to vector<16xi32>
          %parallel_loop3A_543 = arith.addi %iota3A_333, %parallel_loop3A_542 : vector<16xi32>
          %parallel_loop3A_544 = tpu.vector_load_idx %arg10[%parallel_loop3A_532, %parallel_loop3A_543] : memref<128x64xf32, #tpu.memory_space<vmem>>[vector<16xi32>, vector<16xi32>], vector<16xf32>,
          %parallel_loop3A_545 = arith.constant 128 : i32
          %parallel_loop3A_546 = vector.broadcast %parallel_loop3A_545 : i32 to vector<16xi32>
          %parallel_loop3A_547 = arith.muli %parallel_loop3A_543, %parallel_loop3A_546 : vector<16xi32>
          %parallel_loop3A_548 = arith.addi %parallel_loop3A_547, %parallel_loop3A_532 : vector<16xi32>
          tpu.vector_store_idx %arg14[%parallel_loop3A_548], %parallel_loop3A_544 : memref<8192xf32, #tpu.memory_space<vmem>>[vector<16xi32>], vector<16xf32>,
          %parallel_loop3A_549 = arith.constant 32 : i32
          %parallel_loop3A_550 = vector.broadcast %parallel_loop3A_549 : i32 to vector<16xi32>
          %parallel_loop3A_551 = arith.addi %iota3A_333, %parallel_loop3A_550 : vector<16xi32>
          %parallel_loop3A_552 = tpu.vector_load_idx %arg10[%parallel_loop3A_532, %parallel_loop3A_551] : memref<128x64xf32, #tpu.memory_space<vmem>>[vector<16xi32>, vector<16xi32>], vector<16xf32>,
          %parallel_loop3A_553 = arith.constant 128 : i32
          %parallel_loop3A_554 = vector.broadcast %parallel_loop3A_553 : i32 to vector<16xi32>
          %parallel_loop3A_555 = arith.muli %parallel_loop3A_551, %parallel_loop3A_554 : vector<16xi32>
          %parallel_loop3A_556 = arith.addi %parallel_loop3A_555, %parallel_loop3A_532 : vector<16xi32>
          tpu.vector_store_idx %arg14[%parallel_loop3A_556], %parallel_loop3A_552 : memref<8192xf32, #tpu.memory_space<vmem>>[vector<16xi32>], vector<16xf32>,
          %parallel_loop3A_557 = arith.constant 48 : i32
          %parallel_loop3A_558 = vector.broadcast %parallel_loop3A_557 : i32 to vector<16xi32>
          %parallel_loop3A_559 = arith.addi %iota3A_333, %parallel_loop3A_558 : vector<16xi32>
          %parallel_loop3A_560 = tpu.vector_load_idx %arg10[%parallel_loop3A_532, %parallel_loop3A_559] : memref<128x64xf32, #tpu.memory_space<vmem>>[vector<16xi32>, vector<16xi32>], vector<16xf32>,
          %parallel_loop3A_561 = arith.constant 128 : i32
          %parallel_loop3A_562 = vector.broadcast %parallel_loop3A_561 : i32 to vector<16xi32>
          %parallel_loop3A_563 = arith.muli %parallel_loop3A_559, %parallel_loop3A_562 : vector<16xi32>
          %parallel_loop3A_564 = arith.addi %parallel_loop3A_563, %parallel_loop3A_532 : vector<16xi32>
          tpu.vector_store_idx %arg14[%parallel_loop3A_564], %parallel_loop3A_560 : memref<8192xf32, #tpu.memory_space<vmem>>[vector<16xi32>], vector<16xf32>,
        } {sc.loop_unroll_factor = 2 : i64, sc.parallel_access}
        %dma_start3A = arith.constant 0 : i32
        %dma_start3A_432 = arith.constant 0 : i32
        %dma_start3A_433 = tpu.memref_slice %arg14[%dma_start3A_432] : memref<8192xf32, #tpu.memory_space<vmem>> -> memref<1024xf32, #tpu.memory_space<vmem>>
        %dma_start3A_434 = arith.constant 0 : i32
        %dma_start3A_435 = tpu.memref_slice %arg4[%sub3A_316, %dma_start3A, %add3A, %dma_start3A_434] : memref<200x8x32x1024xf32, #tpu.memory_space<hbm>> -> memref<1x1x1x1024xf32, #tpu.memory_space<hbm>>
        %dma_start3A_436 = tpu.memref_squeeze %dma_start3A_435 : memref<1x1x1x1024xf32, #tpu.memory_space<hbm>> -> memref<1024xf32, #tpu.memory_space<hbm>>
        %dma_start3A_437 = arith.constant 0 : i32
        %dma_start3A_438 = tpu.memref_slice %arg4[%sub3A_316, %dma_start3A, %add3A, %dma_start3A_437] : memref<200x8x32x1024xf32, #tpu.memory_space<hbm>> -> memref<1x1x1x1024xf32, #tpu.memory_space<hbm>>
        %dma_start3A_439 = tpu.memref_squeeze %dma_start3A_438 : memref<1x1x1x1024xf32, #tpu.memory_space<hbm>> -> memref<1024xf32, #tpu.memory_space<hbm>>
        %dma_start3A_440 = arith.constant 0 : i32
        %dma_start3A_441 = tpu.memref_slice %arg14[%dma_start3A_440] : memref<8192xf32, #tpu.memory_space<vmem>> -> memref<1024xf32, #tpu.memory_space<vmem>>
        tpu.enqueue_dma source(%dma_start3A_441 : memref<1024xf32, #tpu.memory_space<vmem>>) target(%dma_start3A_439 : memref<1024xf32, #tpu.memory_space<hbm>>) target_semaphore(%arg20 : memref<!tpu.dma_semaphore, #tpu.memory_space<semaphore_mem>>)
        %dma_start3A_442 = arith.constant 1 : i32
        %dma_start3A_443 = arith.constant 1024 : i32
        %dma_start3A_444 = tpu.memref_slice %arg14[%dma_start3A_443] : memref<8192xf32, #tpu.memory_space<vmem>> -> memref<1024xf32, #tpu.memory_space<vmem>>
        %dma_start3A_445 = arith.constant 0 : i32
        %dma_start3A_446 = tpu.memref_slice %arg4[%sub3A_316, %dma_start3A_442, %add3A, %dma_start3A_445] : memref<200x8x32x1024xf32, #tpu.memory_space<hbm>> -> memref<1x1x1x1024xf32, #tpu.memory_space<hbm>>
        %dma_start3A_447 = tpu.memref_squeeze %dma_start3A_446 : memref<1x1x1x1024xf32, #tpu.memory_space<hbm>> -> memref<1024xf32, #tpu.memory_space<hbm>>
        %dma_start3A_448 = arith.constant 0 : i32
        %dma_start3A_449 = tpu.memref_slice %arg4[%sub3A_316, %dma_start3A_442, %add3A, %dma_start3A_448] : memref<200x8x32x1024xf32, #tpu.memory_space<hbm>> -> memref<1x1x1x1024xf32, #tpu.memory_space<hbm>>
        %dma_start3A_450 = tpu.memref_squeeze %dma_start3A_449 : memref<1x1x1x1024xf32, #tpu.memory_space<hbm>> -> memref<1024xf32, #tpu.memory_space<hbm>>
        %dma_start3A_451 = arith.constant 1024 : i32
        %dma_start3A_452 = tpu.memref_slice %arg14[%dma_start3A_451] : memref<8192xf32, #tpu.memory_space<vmem>> -> memref<1024xf32, #tpu.memory_space<vmem>>
        tpu.enqueue_dma source(%dma_start3A_452 : memref<1024xf32, #tpu.memory_space<vmem>>) target(%dma_start3A_450 : memref<1024xf32, #tpu.memory_space<hbm>>) target_semaphore(%arg20 : memref<!tpu.dma_semaphore, #tpu.memory_space<semaphore_mem>>)
        %dma_start3A_453 = arith.constant 2 : i32
        %dma_start3A_454 = arith.constant 2048 : i32
        %dma_start3A_455 = tpu.memref_slice %arg14[%dma_start3A_454] : memref<8192xf32, #tpu.memory_space<vmem>> -> memref<1024xf32, #tpu.memory_space<vmem>>
        %dma_start3A_456 = arith.constant 0 : i32
        %dma_start3A_457 = tpu.memref_slice %arg4[%sub3A_316, %dma_start3A_453, %add3A, %dma_start3A_456] : memref<200x8x32x1024xf32, #tpu.memory_space<hbm>> -> memref<1x1x1x1024xf32, #tpu.memory_space<hbm>>
        %dma_start3A_458 = tpu.memref_squeeze %dma_start3A_457 : memref<1x1x1x1024xf32, #tpu.memory_space<hbm>> -> memref<1024xf32, #tpu.memory_space<hbm>>
        %dma_start3A_459 = arith.constant 0 : i32
        %dma_start3A_460 = tpu.memref_slice %arg4[%sub3A_316, %dma_start3A_453, %add3A, %dma_start3A_459] : memref<200x8x32x1024xf32, #tpu.memory_space<hbm>> -> memref<1x1x1x1024xf32, #tpu.memory_space<hbm>>
        %dma_start3A_461 = tpu.memref_squeeze %dma_start3A_460 : memref<1x1x1x1024xf32, #tpu.memory_space<hbm>> -> memref<1024xf32, #tpu.memory_space<hbm>>
        %dma_start3A_462 = arith.constant 2048 : i32
        %dma_start3A_463 = tpu.memref_slice %arg14[%dma_start3A_462] : memref<8192xf32, #tpu.memory_space<vmem>> -> memref<1024xf32, #tpu.memory_space<vmem>>
        tpu.enqueue_dma source(%dma_start3A_463 : memref<1024xf32, #tpu.memory_space<vmem>>) target(%dma_start3A_461 : memref<1024xf32, #tpu.memory_space<hbm>>) target_semaphore(%arg20 : memref<!tpu.dma_semaphore, #tpu.memory_space<semaphore_mem>>)
        %dma_start3A_464 = arith.constant 3 : i32
        %dma_start3A_465 = arith.constant 3072 : i32
        %dma_start3A_466 = tpu.memref_slice %arg14[%dma_start3A_465] : memref<8192xf32, #tpu.memory_space<vmem>> -> memref<1024xf32, #tpu.memory_space<vmem>>
        %dma_start3A_467 = arith.constant 0 : i32
        %dma_start3A_468 = tpu.memref_slice %arg4[%sub3A_316, %dma_start3A_464, %add3A, %dma_start3A_467] : memref<200x8x32x1024xf32, #tpu.memory_space<hbm>> -> memref<1x1x1x1024xf32, #tpu.memory_space<hbm>>
        %dma_start3A_469 = tpu.memref_squeeze %dma_start3A_468 : memref<1x1x1x1024xf32, #tpu.memory_space<hbm>> -> memref<1024xf32, #tpu.memory_space<hbm>>
        %dma_start3A_470 = arith.constant 0 : i32
        %dma_start3A_471 = tpu.memref_slice %arg4[%sub3A_316, %dma_start3A_464, %add3A, %dma_start3A_470] : memref<200x8x32x1024xf32, #tpu.memory_space<hbm>> -> memref<1x1x1x1024xf32, #tpu.memory_space<hbm>>
        %dma_start3A_472 = tpu.memref_squeeze %dma_start3A_471 : memref<1x1x1x1024xf32, #tpu.memory_space<hbm>> -> memref<1024xf32, #tpu.memory_space<hbm>>
        %dma_start3A_473 = arith.constant 3072 : i32
        %dma_start3A_474 = tpu.memref_slice %arg14[%dma_start3A_473] : memref<8192xf32, #tpu.memory_space<vmem>> -> memref<1024xf32, #tpu.memory_space<vmem>>
        tpu.enqueue_dma source(%dma_start3A_474 : memref<1024xf32, #tpu.memory_space<vmem>>) target(%dma_start3A_472 : memref<1024xf32, #tpu.memory_space<hbm>>) target_semaphore(%arg20 : memref<!tpu.dma_semaphore, #tpu.memory_space<semaphore_mem>>)
        %dma_start3A_475 = arith.constant 4 : i32
        %dma_start3A_476 = arith.constant 4096 : i32
        %dma_start3A_477 = tpu.memref_slice %arg14[%dma_start3A_476] : memref<8192xf32, #tpu.memory_space<vmem>> -> memref<1024xf32, #tpu.memory_space<vmem>>
        %dma_start3A_478 = arith.constant 0 : i32
        %dma_start3A_479 = tpu.memref_slice %arg4[%sub3A_316, %dma_start3A_475, %add3A, %dma_start3A_478] : memref<200x8x32x1024xf32, #tpu.memory_space<hbm>> -> memref<1x1x1x1024xf32, #tpu.memory_space<hbm>>
        %dma_start3A_480 = tpu.memref_squeeze %dma_start3A_479 : memref<1x1x1x1024xf32, #tpu.memory_space<hbm>> -> memref<1024xf32, #tpu.memory_space<hbm>>
        %dma_start3A_481 = arith.constant 0 : i32
        %dma_start3A_482 = tpu.memref_slice %arg4[%sub3A_316, %dma_start3A_475, %add3A, %dma_start3A_481] : memref<200x8x32x1024xf32, #tpu.memory_space<hbm>> -> memref<1x1x1x1024xf32, #tpu.memory_space<hbm>>
        %dma_start3A_483 = tpu.memref_squeeze %dma_start3A_482 : memref<1x1x1x1024xf32, #tpu.memory_space<hbm>> -> memref<1024xf32, #tpu.memory_space<hbm>>
        %dma_start3A_484 = arith.constant 4096 : i32
        %dma_start3A_485 = tpu.memref_slice %arg14[%dma_start3A_484] : memref<8192xf32, #tpu.memory_space<vmem>> -> memref<1024xf32, #tpu.memory_space<vmem>>
        tpu.enqueue_dma source(%dma_start3A_485 : memref<1024xf32, #tpu.memory_space<vmem>>) target(%dma_start3A_483 : memref<1024xf32, #tpu.memory_space<hbm>>) target_semaphore(%arg20 : memref<!tpu.dma_semaphore, #tpu.memory_space<semaphore_mem>>)
        %dma_start3A_486 = arith.constant 5 : i32
        %dma_start3A_487 = arith.constant 5120 : i32
        %dma_start3A_488 = tpu.memref_slice %arg14[%dma_start3A_487] : memref<8192xf32, #tpu.memory_space<vmem>> -> memref<1024xf32, #tpu.memory_space<vmem>>
        %dma_start3A_489 = arith.constant 0 : i32
        %dma_start3A_490 = tpu.memref_slice %arg4[%sub3A_316, %dma_start3A_486, %add3A, %dma_start3A_489] : memref<200x8x32x1024xf32, #tpu.memory_space<hbm>> -> memref<1x1x1x1024xf32, #tpu.memory_space<hbm>>
        %dma_start3A_491 = tpu.memref_squeeze %dma_start3A_490 : memref<1x1x1x1024xf32, #tpu.memory_space<hbm>> -> memref<1024xf32, #tpu.memory_space<hbm>>
        %dma_start3A_492 = arith.constant 0 : i32
        %dma_start3A_493 = tpu.memref_slice %arg4[%sub3A_316, %dma_start3A_486, %add3A, %dma_start3A_492] : memref<200x8x32x1024xf32, #tpu.memory_space<hbm>> -> memref<1x1x1x1024xf32, #tpu.memory_space<hbm>>
        %dma_start3A_494 = tpu.memref_squeeze %dma_start3A_493 : memref<1x1x1x1024xf32, #tpu.memory_space<hbm>> -> memref<1024xf32, #tpu.memory_space<hbm>>
        %dma_start3A_495 = arith.constant 5120 : i32
        %dma_start3A_496 = tpu.memref_slice %arg14[%dma_start3A_495] : memref<8192xf32, #tpu.memory_space<vmem>> -> memref<1024xf32, #tpu.memory_space<vmem>>
        tpu.enqueue_dma source(%dma_start3A_496 : memref<1024xf32, #tpu.memory_space<vmem>>) target(%dma_start3A_494 : memref<1024xf32, #tpu.memory_space<hbm>>) target_semaphore(%arg20 : memref<!tpu.dma_semaphore, #tpu.memory_space<semaphore_mem>>)
        %dma_start3A_497 = arith.constant 6 : i32
        %dma_start3A_498 = arith.constant 6144 : i32
        %dma_start3A_499 = tpu.memref_slice %arg14[%dma_start3A_498] : memref<8192xf32, #tpu.memory_space<vmem>> -> memref<1024xf32, #tpu.memory_space<vmem>>
        %dma_start3A_500 = arith.constant 0 : i32
        %dma_start3A_501 = tpu.memref_slice %arg4[%sub3A_316, %dma_start3A_497, %add3A, %dma_start3A_500] : memref<200x8x32x1024xf32, #tpu.memory_space<hbm>> -> memref<1x1x1x1024xf32, #tpu.memory_space<hbm>>
        %dma_start3A_502 = tpu.memref_squeeze %dma_start3A_501 : memref<1x1x1x1024xf32, #tpu.memory_space<hbm>> -> memref<1024xf32, #tpu.memory_space<hbm>>
        %dma_start3A_503 = arith.constant 0 : i32
        %dma_start3A_504 = tpu.memref_slice %arg4[%sub3A_316, %dma_start3A_497, %add3A, %dma_start3A_503] : memref<200x8x32x1024xf32, #tpu.memory_space<hbm>> -> memref<1x1x1x1024xf32, #tpu.memory_space<hbm>>
        %dma_start3A_505 = tpu.memref_squeeze %dma_start3A_504 : memref<1x1x1x1024xf32, #tpu.memory_space<hbm>> -> memref<1024xf32, #tpu.memory_space<hbm>>
        %dma_start3A_506 = arith.constant 6144 : i32
        %dma_start3A_507 = tpu.memref_slice %arg14[%dma_start3A_506] : memref<8192xf32, #tpu.memory_space<vmem>> -> memref<1024xf32, #tpu.memory_space<vmem>>
        tpu.enqueue_dma source(%dma_start3A_507 : memref<1024xf32, #tpu.memory_space<vmem>>) target(%dma_start3A_505 : memref<1024xf32, #tpu.memory_space<hbm>>) target_semaphore(%arg20 : memref<!tpu.dma_semaphore, #tpu.memory_space<semaphore_mem>>)
        %dma_start3A_508 = arith.constant 7 : i32
        %dma_start3A_509 = arith.constant 7168 : i32
        %dma_start3A_510 = tpu.memref_slice %arg14[%dma_start3A_509] : memref<8192xf32, #tpu.memory_space<vmem>> -> memref<1024xf32, #tpu.memory_space<vmem>>
        %dma_start3A_511 = arith.constant 0 : i32
        %dma_start3A_512 = tpu.memref_slice %arg4[%sub3A_316, %dma_start3A_508, %add3A, %dma_start3A_511] : memref<200x8x32x1024xf32, #tpu.memory_space<hbm>> -> memref<1x1x1x1024xf32, #tpu.memory_space<hbm>>
        %dma_start3A_513 = tpu.memref_squeeze %dma_start3A_512 : memref<1x1x1x1024xf32, #tpu.memory_space<hbm>> -> memref<1024xf32, #tpu.memory_space<hbm>>
        %dma_start3A_514 = arith.constant 0 : i32
        %dma_start3A_515 = tpu.memref_slice %arg4[%sub3A_316, %dma_start3A_508, %add3A, %dma_start3A_514] : memref<200x8x32x1024xf32, #tpu.memory_space<hbm>> -> memref<1x1x1x1024xf32, #tpu.memory_space<hbm>>
        %dma_start3A_516 = tpu.memref_squeeze %dma_start3A_515 : memref<1x1x1x1024xf32, #tpu.memory_space<hbm>> -> memref<1024xf32, #tpu.memory_space<hbm>>
        %dma_start3A_517 = arith.constant 7168 : i32
        %dma_start3A_518 = tpu.memref_slice %arg14[%dma_start3A_517] : memref<8192xf32, #tpu.memory_space<vmem>> -> memref<1024xf32, #tpu.memory_space<vmem>>
        tpu.enqueue_dma source(%dma_start3A_518 : memref<1024xf32, #tpu.memory_space<vmem>>) target(%dma_start3A_516 : memref<1024xf32, #tpu.memory_space<hbm>>) target_semaphore(%arg20 : memref<!tpu.dma_semaphore, #tpu.memory_space<semaphore_mem>>)
      } else {
      }
    }
    %scan3A_62 = arith.constant 51 : i32
    %dma_wait3A = arith.constant 198 : i32
    %dma_wait3A_63 = arith.constant 0 : i32
    %dma_wait3A_64 = arith.constant 0 : i32
    %dma_wait3A_65 = tpu.memref_slice %arg14[%dma_wait3A_64] : memref<8192xf32, #tpu.memory_space<vmem>> -> memref<1024xf32, #tpu.memory_space<vmem>>
    %dma_wait3A_66 = arith.constant 0 : i32
    %dma_wait3A_67 = tpu.memref_slice %arg4[%dma_wait3A, %dma_wait3A_63, %add3A, %dma_wait3A_66] : memref<200x8x32x1024xf32, #tpu.memory_space<hbm>> -> memref<1x1x1x1024xf32, #tpu.memory_space<hbm>>
    %dma_wait3A_68 = tpu.memref_squeeze %dma_wait3A_67 : memref<1x1x1x1024xf32, #tpu.memory_space<hbm>> -> memref<1024xf32, #tpu.memory_space<hbm>>
    %dma_wait3A_69 = arith.constant 0 : i32
    %dma_wait3A_70 = tpu.memref_slice %arg4[%dma_wait3A, %dma_wait3A_63, %add3A, %dma_wait3A_69] : memref<200x8x32x1024xf32, #tpu.memory_space<hbm>> -> memref<1x1x1x1024xf32, #tpu.memory_space<hbm>>
    %dma_wait3A_71 = tpu.memref_squeeze %dma_wait3A_70 : memref<1x1x1x1024xf32, #tpu.memory_space<hbm>> -> memref<1024xf32, #tpu.memory_space<hbm>>
    %dma_wait3A_72 = arith.constant 0 : i32
    %dma_wait3A_73 = tpu.memref_slice %arg14[%dma_wait3A_72] : memref<8192xf32, #tpu.memory_space<vmem>> -> memref<1024xf32, #tpu.memory_space<vmem>>
    tpu.wait_dma2 semaphore(%arg20 : memref<!tpu.dma_semaphore, #tpu.memory_space<semaphore_mem>>) src(%dma_wait3A_73 : memref<1024xf32, #tpu.memory_space<vmem>>) dst(%dma_wait3A_71 : memref<1024xf32, #tpu.memory_space<hbm>>)
    %dma_wait3A_74 = arith.constant 198 : i32
    %dma_wait3A_75 = arith.constant 1 : i32
    %dma_wait3A_76 = arith.constant 1024 : i32
    %dma_wait3A_77 = tpu.memref_slice %arg14[%dma_wait3A_76] : memref<8192xf32, #tpu.memory_space<vmem>> -> memref<1024xf32, #tpu.memory_space<vmem>>
    %dma_wait3A_78 = arith.constant 0 : i32
    %dma_wait3A_79 = tpu.memref_slice %arg4[%dma_wait3A_74, %dma_wait3A_75, %add3A, %dma_wait3A_78] : memref<200x8x32x1024xf32, #tpu.memory_space<hbm>> -> memref<1x1x1x1024xf32, #tpu.memory_space<hbm>>
    %dma_wait3A_80 = tpu.memref_squeeze %dma_wait3A_79 : memref<1x1x1x1024xf32, #tpu.memory_space<hbm>> -> memref<1024xf32, #tpu.memory_space<hbm>>
    %dma_wait3A_81 = arith.constant 0 : i32
    %dma_wait3A_82 = tpu.memref_slice %arg4[%dma_wait3A_74, %dma_wait3A_75, %add3A, %dma_wait3A_81] : memref<200x8x32x1024xf32, #tpu.memory_space<hbm>> -> memref<1x1x1x1024xf32, #tpu.memory_space<hbm>>
    %dma_wait3A_83 = tpu.memref_squeeze %dma_wait3A_82 : memref<1x1x1x1024xf32, #tpu.memory_space<hbm>> -> memref<1024xf32, #tpu.memory_space<hbm>>
    %dma_wait3A_84 = arith.constant 1024 : i32
    %dma_wait3A_85 = tpu.memref_slice %arg14[%dma_wait3A_84] : memref<8192xf32, #tpu.memory_space<vmem>> -> memref<1024xf32, #tpu.memory_space<vmem>>
    tpu.wait_dma2 semaphore(%arg20 : memref<!tpu.dma_semaphore, #tpu.memory_space<semaphore_mem>>) src(%dma_wait3A_85 : memref<1024xf32, #tpu.memory_space<vmem>>) dst(%dma_wait3A_83 : memref<1024xf32, #tpu.memory_space<hbm>>)
    %dma_wait3A_86 = arith.constant 198 : i32
    %dma_wait3A_87 = arith.constant 2 : i32
    %dma_wait3A_88 = arith.constant 2048 : i32
    %dma_wait3A_89 = tpu.memref_slice %arg14[%dma_wait3A_88] : memref<8192xf32, #tpu.memory_space<vmem>> -> memref<1024xf32, #tpu.memory_space<vmem>>
    %dma_wait3A_90 = arith.constant 0 : i32
    %dma_wait3A_91 = tpu.memref_slice %arg4[%dma_wait3A_86, %dma_wait3A_87, %add3A, %dma_wait3A_90] : memref<200x8x32x1024xf32, #tpu.memory_space<hbm>> -> memref<1x1x1x1024xf32, #tpu.memory_space<hbm>>
    %dma_wait3A_92 = tpu.memref_squeeze %dma_wait3A_91 : memref<1x1x1x1024xf32, #tpu.memory_space<hbm>> -> memref<1024xf32, #tpu.memory_space<hbm>>
    %dma_wait3A_93 = arith.constant 0 : i32
    %dma_wait3A_94 = tpu.memref_slice %arg4[%dma_wait3A_86, %dma_wait3A_87, %add3A, %dma_wait3A_93] : memref<200x8x32x1024xf32, #tpu.memory_space<hbm>> -> memref<1x1x1x1024xf32, #tpu.memory_space<hbm>>
    %dma_wait3A_95 = tpu.memref_squeeze %dma_wait3A_94 : memref<1x1x1x1024xf32, #tpu.memory_space<hbm>> -> memref<1024xf32, #tpu.memory_space<hbm>>
    %dma_wait3A_96 = arith.constant 2048 : i32
    %dma_wait3A_97 = tpu.memref_slice %arg14[%dma_wait3A_96] : memref<8192xf32, #tpu.memory_space<vmem>> -> memref<1024xf32, #tpu.memory_space<vmem>>
    tpu.wait_dma2 semaphore(%arg20 : memref<!tpu.dma_semaphore, #tpu.memory_space<semaphore_mem>>) src(%dma_wait3A_97 : memref<1024xf32, #tpu.memory_space<vmem>>) dst(%dma_wait3A_95 : memref<1024xf32, #tpu.memory_space<hbm>>)
    %dma_wait3A_98 = arith.constant 198 : i32
    %dma_wait3A_99 = arith.constant 3 : i32
    %dma_wait3A_100 = arith.constant 3072 : i32
    %dma_wait3A_101 = tpu.memref_slice %arg14[%dma_wait3A_100] : memref<8192xf32, #tpu.memory_space<vmem>> -> memref<1024xf32, #tpu.memory_space<vmem>>
    %dma_wait3A_102 = arith.constant 0 : i32
    %dma_wait3A_103 = tpu.memref_slice %arg4[%dma_wait3A_98, %dma_wait3A_99, %add3A, %dma_wait3A_102] : memref<200x8x32x1024xf32, #tpu.memory_space<hbm>> -> memref<1x1x1x1024xf32, #tpu.memory_space<hbm>>
    %dma_wait3A_104 = tpu.memref_squeeze %dma_wait3A_103 : memref<1x1x1x1024xf32, #tpu.memory_space<hbm>> -> memref<1024xf32, #tpu.memory_space<hbm>>
    %dma_wait3A_105 = arith.constant 0 : i32
    %dma_wait3A_106 = tpu.memref_slice %arg4[%dma_wait3A_98, %dma_wait3A_99, %add3A, %dma_wait3A_105] : memref<200x8x32x1024xf32, #tpu.memory_space<hbm>> -> memref<1x1x1x1024xf32, #tpu.memory_space<hbm>>
    %dma_wait3A_107 = tpu.memref_squeeze %dma_wait3A_106 : memref<1x1x1x1024xf32, #tpu.memory_space<hbm>> -> memref<1024xf32, #tpu.memory_space<hbm>>
    %dma_wait3A_108 = arith.constant 3072 : i32
    %dma_wait3A_109 = tpu.memref_slice %arg14[%dma_wait3A_108] : memref<8192xf32, #tpu.memory_space<vmem>> -> memref<1024xf32, #tpu.memory_space<vmem>>
    tpu.wait_dma2 semaphore(%arg20 : memref<!tpu.dma_semaphore, #tpu.memory_space<semaphore_mem>>) src(%dma_wait3A_109 : memref<1024xf32, #tpu.memory_space<vmem>>) dst(%dma_wait3A_107 : memref<1024xf32, #tpu.memory_space<hbm>>)
    %dma_wait3A_110 = arith.constant 198 : i32
    %dma_wait3A_111 = arith.constant 4 : i32
    %dma_wait3A_112 = arith.constant 4096 : i32
    %dma_wait3A_113 = tpu.memref_slice %arg14[%dma_wait3A_112] : memref<8192xf32, #tpu.memory_space<vmem>> -> memref<1024xf32, #tpu.memory_space<vmem>>
    %dma_wait3A_114 = arith.constant 0 : i32
    %dma_wait3A_115 = tpu.memref_slice %arg4[%dma_wait3A_110, %dma_wait3A_111, %add3A, %dma_wait3A_114] : memref<200x8x32x1024xf32, #tpu.memory_space<hbm>> -> memref<1x1x1x1024xf32, #tpu.memory_space<hbm>>
    %dma_wait3A_116 = tpu.memref_squeeze %dma_wait3A_115 : memref<1x1x1x1024xf32, #tpu.memory_space<hbm>> -> memref<1024xf32, #tpu.memory_space<hbm>>
    %dma_wait3A_117 = arith.constant 0 : i32
    %dma_wait3A_118 = tpu.memref_slice %arg4[%dma_wait3A_110, %dma_wait3A_111, %add3A, %dma_wait3A_117] : memref<200x8x32x1024xf32, #tpu.memory_space<hbm>> -> memref<1x1x1x1024xf32, #tpu.memory_space<hbm>>
    %dma_wait3A_119 = tpu.memref_squeeze %dma_wait3A_118 : memref<1x1x1x1024xf32, #tpu.memory_space<hbm>> -> memref<1024xf32, #tpu.memory_space<hbm>>
    %dma_wait3A_120 = arith.constant 4096 : i32
    %dma_wait3A_121 = tpu.memref_slice %arg14[%dma_wait3A_120] : memref<8192xf32, #tpu.memory_space<vmem>> -> memref<1024xf32, #tpu.memory_space<vmem>>
    tpu.wait_dma2 semaphore(%arg20 : memref<!tpu.dma_semaphore, #tpu.memory_space<semaphore_mem>>) src(%dma_wait3A_121 : memref<1024xf32, #tpu.memory_space<vmem>>) dst(%dma_wait3A_119 : memref<1024xf32, #tpu.memory_space<hbm>>)
    %dma_wait3A_122 = arith.constant 198 : i32
    %dma_wait3A_123 = arith.constant 5 : i32
    %dma_wait3A_124 = arith.constant 5120 : i32
    %dma_wait3A_125 = tpu.memref_slice %arg14[%dma_wait3A_124] : memref<8192xf32, #tpu.memory_space<vmem>> -> memref<1024xf32, #tpu.memory_space<vmem>>
    %dma_wait3A_126 = arith.constant 0 : i32
    %dma_wait3A_127 = tpu.memref_slice %arg4[%dma_wait3A_122, %dma_wait3A_123, %add3A, %dma_wait3A_126] : memref<200x8x32x1024xf32, #tpu.memory_space<hbm>> -> memref<1x1x1x1024xf32, #tpu.memory_space<hbm>>
    %dma_wait3A_128 = tpu.memref_squeeze %dma_wait3A_127 : memref<1x1x1x1024xf32, #tpu.memory_space<hbm>> -> memref<1024xf32, #tpu.memory_space<hbm>>
    %dma_wait3A_129 = arith.constant 0 : i32
    %dma_wait3A_130 = tpu.memref_slice %arg4[%dma_wait3A_122, %dma_wait3A_123, %add3A, %dma_wait3A_129] : memref<200x8x32x1024xf32, #tpu.memory_space<hbm>> -> memref<1x1x1x1024xf32, #tpu.memory_space<hbm>>
    %dma_wait3A_131 = tpu.memref_squeeze %dma_wait3A_130 : memref<1x1x1x1024xf32, #tpu.memory_space<hbm>> -> memref<1024xf32, #tpu.memory_space<hbm>>
    %dma_wait3A_132 = arith.constant 5120 : i32
    %dma_wait3A_133 = tpu.memref_slice %arg14[%dma_wait3A_132] : memref<8192xf32, #tpu.memory_space<vmem>> -> memref<1024xf32, #tpu.memory_space<vmem>>
    tpu.wait_dma2 semaphore(%arg20 : memref<!tpu.dma_semaphore, #tpu.memory_space<semaphore_mem>>) src(%dma_wait3A_133 : memref<1024xf32, #tpu.memory_space<vmem>>) dst(%dma_wait3A_131 : memref<1024xf32, #tpu.memory_space<hbm>>)
    %dma_wait3A_134 = arith.constant 198 : i32
    %dma_wait3A_135 = arith.constant 6 : i32
    %dma_wait3A_136 = arith.constant 6144 : i32
    %dma_wait3A_137 = tpu.memref_slice %arg14[%dma_wait3A_136] : memref<8192xf32, #tpu.memory_space<vmem>> -> memref<1024xf32, #tpu.memory_space<vmem>>
    %dma_wait3A_138 = arith.constant 0 : i32
    %dma_wait3A_139 = tpu.memref_slice %arg4[%dma_wait3A_134, %dma_wait3A_135, %add3A, %dma_wait3A_138] : memref<200x8x32x1024xf32, #tpu.memory_space<hbm>> -> memref<1x1x1x1024xf32, #tpu.memory_space<hbm>>
    %dma_wait3A_140 = tpu.memref_squeeze %dma_wait3A_139 : memref<1x1x1x1024xf32, #tpu.memory_space<hbm>> -> memref<1024xf32, #tpu.memory_space<hbm>>
    %dma_wait3A_141 = arith.constant 0 : i32
    %dma_wait3A_142 = tpu.memref_slice %arg4[%dma_wait3A_134, %dma_wait3A_135, %add3A, %dma_wait3A_141] : memref<200x8x32x1024xf32, #tpu.memory_space<hbm>> -> memref<1x1x1x1024xf32, #tpu.memory_space<hbm>>
    %dma_wait3A_143 = tpu.memref_squeeze %dma_wait3A_142 : memref<1x1x1x1024xf32, #tpu.memory_space<hbm>> -> memref<1024xf32, #tpu.memory_space<hbm>>
    %dma_wait3A_144 = arith.constant 6144 : i32
    %dma_wait3A_145 = tpu.memref_slice %arg14[%dma_wait3A_144] : memref<8192xf32, #tpu.memory_space<vmem>> -> memref<1024xf32, #tpu.memory_space<vmem>>
    tpu.wait_dma2 semaphore(%arg20 : memref<!tpu.dma_semaphore, #tpu.memory_space<semaphore_mem>>) src(%dma_wait3A_145 : memref<1024xf32, #tpu.memory_space<vmem>>) dst(%dma_wait3A_143 : memref<1024xf32, #tpu.memory_space<hbm>>)
    %dma_wait3A_146 = arith.constant 198 : i32
    %dma_wait3A_147 = arith.constant 7 : i32
    %dma_wait3A_148 = arith.constant 7168 : i32
    %dma_wait3A_149 = tpu.memref_slice %arg14[%dma_wait3A_148] : memref<8192xf32, #tpu.memory_space<vmem>> -> memref<1024xf32, #tpu.memory_space<vmem>>
    %dma_wait3A_150 = arith.constant 0 : i32
    %dma_wait3A_151 = tpu.memref_slice %arg4[%dma_wait3A_146, %dma_wait3A_147, %add3A, %dma_wait3A_150] : memref<200x8x32x1024xf32, #tpu.memory_space<hbm>> -> memref<1x1x1x1024xf32, #tpu.memory_space<hbm>>
    %dma_wait3A_152 = tpu.memref_squeeze %dma_wait3A_151 : memref<1x1x1x1024xf32, #tpu.memory_space<hbm>> -> memref<1024xf32, #tpu.memory_space<hbm>>
    %dma_wait3A_153 = arith.constant 0 : i32
    %dma_wait3A_154 = tpu.memref_slice %arg4[%dma_wait3A_146, %dma_wait3A_147, %add3A, %dma_wait3A_153] : memref<200x8x32x1024xf32, #tpu.memory_space<hbm>> -> memref<1x1x1x1024xf32, #tpu.memory_space<hbm>>
    %dma_wait3A_155 = tpu.memref_squeeze %dma_wait3A_154 : memref<1x1x1x1024xf32, #tpu.memory_space<hbm>> -> memref<1024xf32, #tpu.memory_space<hbm>>
    %dma_wait3A_156 = arith.constant 7168 : i32
    %dma_wait3A_157 = tpu.memref_slice %arg14[%dma_wait3A_156] : memref<8192xf32, #tpu.memory_space<vmem>> -> memref<1024xf32, #tpu.memory_space<vmem>>
    tpu.wait_dma2 semaphore(%arg20 : memref<!tpu.dma_semaphore, #tpu.memory_space<semaphore_mem>>) src(%dma_wait3A_157 : memref<1024xf32, #tpu.memory_space<vmem>>) dst(%dma_wait3A_155 : memref<1024xf32, #tpu.memory_space<hbm>>)
    %dma_wait3A_158 = arith.constant 199 : i32
    %dma_wait3A_159 = arith.constant 0 : i32
    %dma_wait3A_160 = arith.constant 0 : i32
    %dma_wait3A_161 = tpu.memref_slice %arg15[%dma_wait3A_160] : memref<8192xf32, #tpu.memory_space<vmem>> -> memref<1024xf32, #tpu.memory_space<vmem>>
    %dma_wait3A_162 = arith.constant 0 : i32
    %dma_wait3A_163 = tpu.memref_slice %arg4[%dma_wait3A_158, %dma_wait3A_159, %add3A, %dma_wait3A_162] : memref<200x8x32x1024xf32, #tpu.memory_space<hbm>> -> memref<1x1x1x1024xf32, #tpu.memory_space<hbm>>
    %dma_wait3A_164 = tpu.memref_squeeze %dma_wait3A_163 : memref<1x1x1x1024xf32, #tpu.memory_space<hbm>> -> memref<1024xf32, #tpu.memory_space<hbm>>
    %dma_wait3A_165 = arith.constant 0 : i32
    %dma_wait3A_166 = tpu.memref_slice %arg4[%dma_wait3A_158, %dma_wait3A_159, %add3A, %dma_wait3A_165] : memref<200x8x32x1024xf32, #tpu.memory_space<hbm>> -> memref<1x1x1x1024xf32, #tpu.memory_space<hbm>>
    %dma_wait3A_167 = tpu.memref_squeeze %dma_wait3A_166 : memref<1x1x1x1024xf32, #tpu.memory_space<hbm>> -> memref<1024xf32, #tpu.memory_space<hbm>>
    %dma_wait3A_168 = arith.constant 0 : i32
    %dma_wait3A_169 = tpu.memref_slice %arg15[%dma_wait3A_168] : memref<8192xf32, #tpu.memory_space<vmem>> -> memref<1024xf32, #tpu.memory_space<vmem>>
    tpu.wait_dma2 semaphore(%arg21 : memref<!tpu.dma_semaphore, #tpu.memory_space<semaphore_mem>>) src(%dma_wait3A_169 : memref<1024xf32, #tpu.memory_space<vmem>>) dst(%dma_wait3A_167 : memref<1024xf32, #tpu.memory_space<hbm>>)
    %dma_wait3A_170 = arith.constant 199 : i32
    %dma_wait3A_171 = arith.constant 1 : i32
    %dma_wait3A_172 = arith.constant 1024 : i32
    %dma_wait3A_173 = tpu.memref_slice %arg15[%dma_wait3A_172] : memref<8192xf32, #tpu.memory_space<vmem>> -> memref<1024xf32, #tpu.memory_space<vmem>>
    %dma_wait3A_174 = arith.constant 0 : i32
    %dma_wait3A_175 = tpu.memref_slice %arg4[%dma_wait3A_170, %dma_wait3A_171, %add3A, %dma_wait3A_174] : memref<200x8x32x1024xf32, #tpu.memory_space<hbm>> -> memref<1x1x1x1024xf32, #tpu.memory_space<hbm>>
    %dma_wait3A_176 = tpu.memref_squeeze %dma_wait3A_175 : memref<1x1x1x1024xf32, #tpu.memory_space<hbm>> -> memref<1024xf32, #tpu.memory_space<hbm>>
    %dma_wait3A_177 = arith.constant 0 : i32
    %dma_wait3A_178 = tpu.memref_slice %arg4[%dma_wait3A_170, %dma_wait3A_171, %add3A, %dma_wait3A_177] : memref<200x8x32x1024xf32, #tpu.memory_space<hbm>> -> memref<1x1x1x1024xf32, #tpu.memory_space<hbm>>
    %dma_wait3A_179 = tpu.memref_squeeze %dma_wait3A_178 : memref<1x1x1x1024xf32, #tpu.memory_space<hbm>> -> memref<1024xf32, #tpu.memory_space<hbm>>
    %dma_wait3A_180 = arith.constant 1024 : i32
    %dma_wait3A_181 = tpu.memref_slice %arg15[%dma_wait3A_180] : memref<8192xf32, #tpu.memory_space<vmem>> -> memref<1024xf32, #tpu.memory_space<vmem>>
    tpu.wait_dma2 semaphore(%arg21 : memref<!tpu.dma_semaphore, #tpu.memory_space<semaphore_mem>>) src(%dma_wait3A_181 : memref<1024xf32, #tpu.memory_space<vmem>>) dst(%dma_wait3A_179 : memref<1024xf32, #tpu.memory_space<hbm>>)
    %dma_wait3A_182 = arith.constant 199 : i32
    %dma_wait3A_183 = arith.constant 2 : i32
    %dma_wait3A_184 = arith.constant 2048 : i32
    %dma_wait3A_185 = tpu.memref_slice %arg15[%dma_wait3A_184] : memref<8192xf32, #tpu.memory_space<vmem>> -> memref<1024xf32, #tpu.memory_space<vmem>>
    %dma_wait3A_186 = arith.constant 0 : i32
    %dma_wait3A_187 = tpu.memref_slice %arg4[%dma_wait3A_182, %dma_wait3A_183, %add3A, %dma_wait3A_186] : memref<200x8x32x1024xf32, #tpu.memory_space<hbm>> -> memref<1x1x1x1024xf32, #tpu.memory_space<hbm>>
    %dma_wait3A_188 = tpu.memref_squeeze %dma_wait3A_187 : memref<1x1x1x1024xf32, #tpu.memory_space<hbm>> -> memref<1024xf32, #tpu.memory_space<hbm>>
    %dma_wait3A_189 = arith.constant 0 : i32
    %dma_wait3A_190 = tpu.memref_slice %arg4[%dma_wait3A_182, %dma_wait3A_183, %add3A, %dma_wait3A_189] : memref<200x8x32x1024xf32, #tpu.memory_space<hbm>> -> memref<1x1x1x1024xf32, #tpu.memory_space<hbm>>
    %dma_wait3A_191 = tpu.memref_squeeze %dma_wait3A_190 : memref<1x1x1x1024xf32, #tpu.memory_space<hbm>> -> memref<1024xf32, #tpu.memory_space<hbm>>
    %dma_wait3A_192 = arith.constant 2048 : i32
    %dma_wait3A_193 = tpu.memref_slice %arg15[%dma_wait3A_192] : memref<8192xf32, #tpu.memory_space<vmem>> -> memref<1024xf32, #tpu.memory_space<vmem>>
    tpu.wait_dma2 semaphore(%arg21 : memref<!tpu.dma_semaphore, #tpu.memory_space<semaphore_mem>>) src(%dma_wait3A_193 : memref<1024xf32, #tpu.memory_space<vmem>>) dst(%dma_wait3A_191 : memref<1024xf32, #tpu.memory_space<hbm>>)
    %dma_wait3A_194 = arith.constant 199 : i32
    %dma_wait3A_195 = arith.constant 3 : i32
    %dma_wait3A_196 = arith.constant 3072 : i32
    %dma_wait3A_197 = tpu.memref_slice %arg15[%dma_wait3A_196] : memref<8192xf32, #tpu.memory_space<vmem>> -> memref<1024xf32, #tpu.memory_space<vmem>>
    %dma_wait3A_198 = arith.constant 0 : i32
    %dma_wait3A_199 = tpu.memref_slice %arg4[%dma_wait3A_194, %dma_wait3A_195, %add3A, %dma_wait3A_198] : memref<200x8x32x1024xf32, #tpu.memory_space<hbm>> -> memref<1x1x1x1024xf32, #tpu.memory_space<hbm>>
    %dma_wait3A_200 = tpu.memref_squeeze %dma_wait3A_199 : memref<1x1x1x1024xf32, #tpu.memory_space<hbm>> -> memref<1024xf32, #tpu.memory_space<hbm>>
    %dma_wait3A_201 = arith.constant 0 : i32
    %dma_wait3A_202 = tpu.memref_slice %arg4[%dma_wait3A_194, %dma_wait3A_195, %add3A, %dma_wait3A_201] : memref<200x8x32x1024xf32, #tpu.memory_space<hbm>> -> memref<1x1x1x1024xf32, #tpu.memory_space<hbm>>
    %dma_wait3A_203 = tpu.memref_squeeze %dma_wait3A_202 : memref<1x1x1x1024xf32, #tpu.memory_space<hbm>> -> memref<1024xf32, #tpu.memory_space<hbm>>
    %dma_wait3A_204 = arith.constant 3072 : i32
    %dma_wait3A_205 = tpu.memref_slice %arg15[%dma_wait3A_204] : memref<8192xf32, #tpu.memory_space<vmem>> -> memref<1024xf32, #tpu.memory_space<vmem>>
    tpu.wait_dma2 semaphore(%arg21 : memref<!tpu.dma_semaphore, #tpu.memory_space<semaphore_mem>>) src(%dma_wait3A_205 : memref<1024xf32, #tpu.memory_space<vmem>>) dst(%dma_wait3A_203 : memref<1024xf32, #tpu.memory_space<hbm>>)
    %dma_wait3A_206 = arith.constant 199 : i32
    %dma_wait3A_207 = arith.constant 4 : i32
    %dma_wait3A_208 = arith.constant 4096 : i32
    %dma_wait3A_209 = tpu.memref_slice %arg15[%dma_wait3A_208] : memref<8192xf32, #tpu.memory_space<vmem>> -> memref<1024xf32, #tpu.memory_space<vmem>>
    %dma_wait3A_210 = arith.constant 0 : i32
    %dma_wait3A_211 = tpu.memref_slice %arg4[%dma_wait3A_206, %dma_wait3A_207, %add3A, %dma_wait3A_210] : memref<200x8x32x1024xf32, #tpu.memory_space<hbm>> -> memref<1x1x1x1024xf32, #tpu.memory_space<hbm>>
    %dma_wait3A_212 = tpu.memref_squeeze %dma_wait3A_211 : memref<1x1x1x1024xf32, #tpu.memory_space<hbm>> -> memref<1024xf32, #tpu.memory_space<hbm>>
    %dma_wait3A_213 = arith.constant 0 : i32
    %dma_wait3A_214 = tpu.memref_slice %arg4[%dma_wait3A_206, %dma_wait3A_207, %add3A, %dma_wait3A_213] : memref<200x8x32x1024xf32, #tpu.memory_space<hbm>> -> memref<1x1x1x1024xf32, #tpu.memory_space<hbm>>
    %dma_wait3A_215 = tpu.memref_squeeze %dma_wait3A_214 : memref<1x1x1x1024xf32, #tpu.memory_space<hbm>> -> memref<1024xf32, #tpu.memory_space<hbm>>
    %dma_wait3A_216 = arith.constant 4096 : i32
    %dma_wait3A_217 = tpu.memref_slice %arg15[%dma_wait3A_216] : memref<8192xf32, #tpu.memory_space<vmem>> -> memref<1024xf32, #tpu.memory_space<vmem>>
    tpu.wait_dma2 semaphore(%arg21 : memref<!tpu.dma_semaphore, #tpu.memory_space<semaphore_mem>>) src(%dma_wait3A_217 : memref<1024xf32, #tpu.memory_space<vmem>>) dst(%dma_wait3A_215 : memref<1024xf32, #tpu.memory_space<hbm>>)
    %dma_wait3A_218 = arith.constant 199 : i32
    %dma_wait3A_219 = arith.constant 5 : i32
    %dma_wait3A_220 = arith.constant 5120 : i32
    %dma_wait3A_221 = tpu.memref_slice %arg15[%dma_wait3A_220] : memref<8192xf32, #tpu.memory_space<vmem>> -> memref<1024xf32, #tpu.memory_space<vmem>>
    %dma_wait3A_222 = arith.constant 0 : i32
    %dma_wait3A_223 = tpu.memref_slice %arg4[%dma_wait3A_218, %dma_wait3A_219, %add3A, %dma_wait3A_222] : memref<200x8x32x1024xf32, #tpu.memory_space<hbm>> -> memref<1x1x1x1024xf32, #tpu.memory_space<hbm>>
    %dma_wait3A_224 = tpu.memref_squeeze %dma_wait3A_223 : memref<1x1x1x1024xf32, #tpu.memory_space<hbm>> -> memref<1024xf32, #tpu.memory_space<hbm>>
    %dma_wait3A_225 = arith.constant 0 : i32
    %dma_wait3A_226 = tpu.memref_slice %arg4[%dma_wait3A_218, %dma_wait3A_219, %add3A, %dma_wait3A_225] : memref<200x8x32x1024xf32, #tpu.memory_space<hbm>> -> memref<1x1x1x1024xf32, #tpu.memory_space<hbm>>
    %dma_wait3A_227 = tpu.memref_squeeze %dma_wait3A_226 : memref<1x1x1x1024xf32, #tpu.memory_space<hbm>> -> memref<1024xf32, #tpu.memory_space<hbm>>
    %dma_wait3A_228 = arith.constant 5120 : i32
    %dma_wait3A_229 = tpu.memref_slice %arg15[%dma_wait3A_228] : memref<8192xf32, #tpu.memory_space<vmem>> -> memref<1024xf32, #tpu.memory_space<vmem>>
    tpu.wait_dma2 semaphore(%arg21 : memref<!tpu.dma_semaphore, #tpu.memory_space<semaphore_mem>>) src(%dma_wait3A_229 : memref<1024xf32, #tpu.memory_space<vmem>>) dst(%dma_wait3A_227 : memref<1024xf32, #tpu.memory_space<hbm>>)
    %dma_wait3A_230 = arith.constant 199 : i32
    %dma_wait3A_231 = arith.constant 6 : i32
    %dma_wait3A_232 = arith.constant 6144 : i32
    %dma_wait3A_233 = tpu.memref_slice %arg15[%dma_wait3A_232] : memref<8192xf32, #tpu.memory_space<vmem>> -> memref<1024xf32, #tpu.memory_space<vmem>>
    %dma_wait3A_234 = arith.constant 0 : i32
    %dma_wait3A_235 = tpu.memref_slice %arg4[%dma_wait3A_230, %dma_wait3A_231, %add3A, %dma_wait3A_234] : memref<200x8x32x1024xf32, #tpu.memory_space<hbm>> -> memref<1x1x1x1024xf32, #tpu.memory_space<hbm>>
    %dma_wait3A_236 = tpu.memref_squeeze %dma_wait3A_235 : memref<1x1x1x1024xf32, #tpu.memory_space<hbm>> -> memref<1024xf32, #tpu.memory_space<hbm>>
    %dma_wait3A_237 = arith.constant 0 : i32
    %dma_wait3A_238 = tpu.memref_slice %arg4[%dma_wait3A_230, %dma_wait3A_231, %add3A, %dma_wait3A_237] : memref<200x8x32x1024xf32, #tpu.memory_space<hbm>> -> memref<1x1x1x1024xf32, #tpu.memory_space<hbm>>
    %dma_wait3A_239 = tpu.memref_squeeze %dma_wait3A_238 : memref<1x1x1x1024xf32, #tpu.memory_space<hbm>> -> memref<1024xf32, #tpu.memory_space<hbm>>
    %dma_wait3A_240 = arith.constant 6144 : i32
    %dma_wait3A_241 = tpu.memref_slice %arg15[%dma_wait3A_240] : memref<8192xf32, #tpu.memory_space<vmem>> -> memref<1024xf32, #tpu.memory_space<vmem>>
    tpu.wait_dma2 semaphore(%arg21 : memref<!tpu.dma_semaphore, #tpu.memory_space<semaphore_mem>>) src(%dma_wait3A_241 : memref<1024xf32, #tpu.memory_space<vmem>>) dst(%dma_wait3A_239 : memref<1024xf32, #tpu.memory_space<hbm>>)
    %dma_wait3A_242 = arith.constant 199 : i32
    %dma_wait3A_243 = arith.constant 7 : i32
    %dma_wait3A_244 = arith.constant 7168 : i32
    %dma_wait3A_245 = tpu.memref_slice %arg15[%dma_wait3A_244] : memref<8192xf32, #tpu.memory_space<vmem>> -> memref<1024xf32, #tpu.memory_space<vmem>>
    %dma_wait3A_246 = arith.constant 0 : i32
    %dma_wait3A_247 = tpu.memref_slice %arg4[%dma_wait3A_242, %dma_wait3A_243, %add3A, %dma_wait3A_246] : memref<200x8x32x1024xf32, #tpu.memory_space<hbm>> -> memref<1x1x1x1024xf32, #tpu.memory_space<hbm>>
    %dma_wait3A_248 = tpu.memref_squeeze %dma_wait3A_247 : memref<1x1x1x1024xf32, #tpu.memory_space<hbm>> -> memref<1024xf32, #tpu.memory_space<hbm>>
    %dma_wait3A_249 = arith.constant 0 : i32
    %dma_wait3A_250 = tpu.memref_slice %arg4[%dma_wait3A_242, %dma_wait3A_243, %add3A, %dma_wait3A_249] : memref<200x8x32x1024xf32, #tpu.memory_space<hbm>> -> memref<1x1x1x1024xf32, #tpu.memory_space<hbm>>
    %dma_wait3A_251 = tpu.memref_squeeze %dma_wait3A_250 : memref<1x1x1x1024xf32, #tpu.memory_space<hbm>> -> memref<1024xf32, #tpu.memory_space<hbm>>
    %dma_wait3A_252 = arith.constant 7168 : i32
    %dma_wait3A_253 = tpu.memref_slice %arg15[%dma_wait3A_252] : memref<8192xf32, #tpu.memory_space<vmem>> -> memref<1024xf32, #tpu.memory_space<vmem>>
    tpu.wait_dma2 semaphore(%arg21 : memref<!tpu.dma_semaphore, #tpu.memory_space<semaphore_mem>>) src(%dma_wait3A_253 : memref<1024xf32, #tpu.memory_space<vmem>>) dst(%dma_wait3A_251 : memref<1024xf32, #tpu.memory_space<hbm>>)
    return
  }
}

</mosaic_0001>

<sc_bundles>
// kernel: kernel.4.cloned.1.call-start
scs
__scs_entry_jumppad:
0x0: {  	(pc) =	sbr.rel $0x88, $3  }
0x1: {  	(tag) =	ssettag $0x0;
	lr =	simm.s32 $0x1  }
0x2: {  	[smem:$0x3F9F] =	sst lr;
	_ =	strace $0xD0000000  }
0x3: {  	_ = 	snop  }
0x4: {  	_ = 	snop  }
0x5: {  	_ = 	snop  }
0x6: {  	_ = 	snop  }
0x7: {  	_ = 	snop  }
__scs_overlays_trampoline_lowered:
0x8: {  	[smem:$0x3FAE] =	sst s0  }
0x9: {  	[smem:$0x3FAF] =	sst s1  }
0xa: {  	[smem:$0x3FB0] =	sst s2  }
0xb: {  	[smem:$0x3FB1] =	sst s3  }
0xc: {  	[smem:$0x3FB2] =	sst s4  }
0xd: {  	[smem:$0x3FB3] =	sst s5  }
0xe: {  	[smem:$0x3FB4] =	sst s6  }
0xf: {  	[smem:$0x3FB5] =	sst s7  }
0x10: {  	[smem:$0x3FB6] =	sst s8  }
0x11: {  	[smem:$0x3FB7] =	sst s9;
	s0 =	simm.s32 @!p0 $0x0  }
0x12: {  	s1 =	sld [smem:$0x3F9D];
	s0 =	simm.s32 @p0 $0x1  }
0x13: {  	[smem:$0x3FB8] =	sst s0;
	s0 =	simm.s32 @!p1 $0x0  }
0x14: {  	s2 =	sld [smem:$0x3F9C];
	s0 =	simm.s32 @p1 $0x1  }
0x15: {  	[smem:$0x3FB9] =	sst s0;
	s0 =	simm.s32 @!p2 $0x0  }
0x16: {  	s3 =	sld [smem:$0x3FDB];
	s0 =	simm.s32 @p2 $0x1  }
0x17: {  	s4 =	simm.s32 $0x1BF5;
	[smem:$0x3FBB] =	sst s0  }
0x18: {  	s0 =	sld [smem:$0x3F9E];
	_ =	swait.ge [sflag:s4], $0x0  }
0x19: {  	s7 =	sld [smem:$0x3F9F]  }
0x1a: {  	s8 =	sadd.s32 $0xFFFFE003, lr  }
0x1b: {  	s9 =	sadd.s32 $0xFFFFFEF7, lr;
	s5 =	simm.s32 $0xFFFFFFFF;
	p2 =	slt.u32 s8, $0xFFFFF086  }
0x1c: {  	p1 =	slt.u32 s9, $0xF7A;
	s5 =	simm.s32 @!p2 $0x0  }
0x1d: {  	s5 =	simm.s32 @p1 $0x1;
	p0 =	seq.s32 s7, s2  }
0x1e: {  	s7 =	smul.u32 @!p0 $0xF7A, s2;
	p2 =	seq.s32 @!p0 s5, $0x0  }
0x1f: {  	s9 =	smul.u32 $0xF7A, s1;
	s8 =	simm.s32 @!p0 $0x1BF5;
	p2 =	por !p2, p0  }
0x20: {  	[sflag:s8] =	ssyncset.s32 @!p0 $0xFFFFF086;
	s6 =	sadd.s32 @!p0 s3, s7;
	s7 =	simm.s32 @!p0 $0x108  }
0x21: {  	s3 =	sadd.s32 s3, s9;
	s6 =	sadd.s32 @!p0 $0x88, s6;
	s7 =	simm.s32 @p2 $0x1082  }
0x22: {  	[simem:s7], [sflag:s8] =	dma.local @!p0 [hbm:s6], $0xF7A  }
0x23: {  	s9 =	sor.u32 $0xD0000000, s2;
	s6 =	simm.s32 $0x108;
	_ =	swait.ge @!p0 [sflag:s8], $0x0  }
0x24: {  	s3 =	sadd.s32 $0x88, s3;
	s6 =	simm.s32 @!p1 $0x1082;
	[sflag:s4] =	ssyncset.s32 $0xFFFFF086  }
0x25: {  	[simem:s6], [sflag:s4] =	dma.local [hbm:s3], $0xF7A  }
0x26: {  	[smem:$0x3F9F] =	sst s1;
	(tag) =	ssettag s2;
	_ =	strace s9  }
0x27: {  	s1 =	sld [smem:$0x3FAF]  }
0x28: {  	s2 =	sld [smem:$0x3FB0]  }
0x29: {  	s4 =	sld [smem:$0x3FB2]  }
0x2a: {  	p0 =	seq.s32 s5, $0x0;
	s5 =	sld [smem:$0x3FB3]  }
0x2b: {  	s6 =	sld [smem:$0x3FB4]  }
0x2c: {  	s7 =	sld [smem:$0x3FB5]  }
0x2d: {  	s3 =	simm.s32 $0x108;
	s8 =	sld [smem:$0x3FB6]  }
0x2e: {  	s3 =	simm.s32 @!p0 $0x1082;
	s9 =	sld [smem:$0x3FB7]  }
0x2f: {  	lr =	sadd.s32 s0, s3;
	s0 =	sld [smem:$0x3FAE]  }
0x30: {  	s3 =	sld [smem:$0x3FB1]  }
0x31: {  	[smem:$0x3FBA] =	sst s10  }
0x32: {  	s10 =	sld [smem:$0x3FB8];
	_ =	sdelay $0x3  }
0x33: {  	p0 =	seq.s32 s10, $0x1;
	s10 =	sld [smem:$0x3FBA];
	_ =	sdelay $0x3  }
0x34: {  	[smem:$0x3FBA] =	sst s10  }
0x35: {  	s10 =	sld [smem:$0x3FB9];
	_ =	sdelay $0x3  }
0x36: {  	p1 =	seq.s32 s10, $0x1;
	s10 =	sld [smem:$0x3FBA];
	_ =	sdelay $0x3  }
0x37: {  	[smem:$0x3FBA] =	sst s10  }
0x38: {  	s10 =	sld [smem:$0x3FBB]  }
0x39: {  	_ = 	snop;
	(pc) =	sbr.ind lr, $3  }
0x3a: {  	_ = 	snop  }
0x3b: {  	_ = 	snop  }
0x3c: {  	p2 =	seq.s32 s10, $0x1;
	s10 =	sld [smem:$0x3FBA]  }
0x3d: {  	_ =	shalt  }
0x3e: {  	_ =	shalt  }
0x3f: {  	_ =	shalt  }
0x40: {  	_ =	shalt  }
0x41: {  	_ =	shalt  }
0x42: {  	_ =	shalt  }
0x43: {  	_ =	shalt  }
0x44: {  	_ =	shalt  }
0x45: {  	_ =	shalt  }
0x46: {  	_ =	shalt  }
0x47: {  	_ =	shalt  }
0x48: {  	_ =	shalt  }
0x49: {  	_ =	shalt  }
0x4a: {  	_ =	shalt  }
0x4b: {  	_ =	shalt  }
0x4c: {  	_ =	shalt  }
0x4d: {  	_ =	shalt  }
0x4e: {  	_ =	shalt  }
0x4f: {  	_ =	shalt  }
0x50: {  	_ =	shalt  }
0x51: {  	_ =	shalt  }
0x52: {  	_ =	shalt  }
0x53: {  	_ =	shalt  }
0x54: {  	_ =	shalt  }
0x55: {  	_ =	shalt  }
0x56: {  	_ =	shalt  }
0x57: {  	_ =	shalt  }
0x58: {  	_ =	shalt  }
0x59: {  	_ =	shalt  }
0x5a: {  	_ =	shalt  }
0x5b: {  	_ =	shalt  }
0x5c: {  	_ =	shalt  }
0x5d: {  	_ =	shalt  }
0x5e: {  	_ =	shalt  }
0x5f: {  	_ =	shalt  }
0x60: {  	_ =	shalt  }
0x61: {  	_ =	shalt  }
0x62: {  	_ =	shalt  }
0x63: {  	_ =	shalt  }
0x64: {  	_ =	shalt  }
0x65: {  	_ =	shalt  }
0x66: {  	_ =	shalt  }
0x67: {  	_ =	shalt  }
0x68: {  	_ =	shalt  }
0x69: {  	_ =	shalt  }
0x6a: {  	_ =	shalt  }
0x6b: {  	_ =	shalt  }
0x6c: {  	_ =	shalt  }
0x6d: {  	_ =	shalt  }
0x6e: {  	_ =	shalt  }
0x6f: {  	_ =	shalt  }
0x70: {  	_ =	shalt  }
0x71: {  	_ =	shalt  }
0x72: {  	_ =	shalt  }
0x73: {  	_ =	shalt  }
0x74: {  	_ =	shalt  }
0x75: {  	_ =	shalt  }
0x76: {  	_ =	shalt  }
0x77: {  	_ =	shalt  }
0x78: {  	_ =	shalt  }
0x79: {  	_ =	shalt  }
0x7a: {  	_ =	shalt  }
0x7b: {  	_ =	shalt  }
0x7c: {  	_ =	shalt  }
0x7d: {  	_ =	shalt  }
0x7e: {  	_ =	shalt  }
0x7f: {  	_ =	shalt  }
0x80: {  	_ =	shalt  }
0x81: {  	_ =	shalt  }
0x82: {  	_ =	shalt  }
0x83: {  	_ =	shalt  }
0x84: {  	_ =	shalt  }
0x85: {  	_ =	shalt  }
0x86: {  	_ =	shalt  }
0x87: {  	_ =	shalt  }
.Lfunc_end0:
.L_simem_size_0:
called_computation_lowered:
.L_overlay_start_0:
0x88: {  	s2 =	sld [smem:$0x3FD9]  }
0x89: {  	s3 =	sld [smem:$0x3FFE];
	_ =	sdelay $0x1  }
0x8a: {  	s1 =	srdreg.scid  }
0x8b: {  	s0 =	sand.u32 $0x1, s1  }
0x8c: {  	s17 =	sshll.u32 s0, $0xA;
	s2 =	sadd.s32 s3, s2  }
0x8d: {  	s2 =	sadd.s32 s2, s17  }
0x8e: {  	[smem:$0x3FC6] =	sst s2  }
0x8f: {  	_ = 	snop  }
0x90: {  	s2 =	sld [smem:$0x3FC8]  }
0x91: {  	s18 =	sld [smem:$0x3FD0];
	(tm) =	ssettm $0x1  }
0x92: {  	s4 =	sld [smem:$0x3FFB];
	_ =	sdelay $0x3  }
0x93: {  	_ =	strace s4  }
0x94: {  	s4 =	sld [smem:$0x3FFC];
	_ =	sdelay $0x3  }
0x95: {  	_ =	strace s4  }
0x96: {  	s4 =	sld [smem:$0x3FFD];
	_ =	sdelay $0x3  }
0x97: {  	_ =	strace s4  }
0x98: {  	_ =	strace $0x8FFFFFFF  }
0x99: {  	s19 =	sld [smem:$0x3FDB];
	_ =	sdelay $0x1  }
0x9a: {  	s5 =	simm.s32 $_scs_section_size  }
0x9b: {  	s6 =	simm.s32 $_size__tile_overlayer_lowered;
	s7 =	simm.s32 $_tile_overlayer_lowered  }
0x9c: {  	s22 =	simm.s32 $0x1BFF;
	s21 =	sshll.u32 s7, $0x1;
	s4 =	sadd.s32 s5, s19  }
0x9d: {  	s8 =	simm.s32 $0x0;
	s20 =	sshll.u32 s6, $0x1;
	s6 =	sadd.s32 s21, s4  }
0x9e: {  	[timem:s8], [sflag:s22] =	dma.local [hbm:s6], s20  }
0x9f: {  	_ =	swait.ge [sflag:s22], s20  }
0xa0: {  	s5 =	ssub.s32 $0x0, s20;
	[sflag:s22] =	ssyncset.done $0x0  }
0xa1: {  	[sflag:s22] =	ssyncadd.s32 s5;
	_ =	sdelay $0x1  }
0xa2: {  	s23 =	simm.s32 $0x1B8B  }
0xa3: {  	_ =	swait.ge [sflag:s23], $0x1  }
0xa4: {  	[sflag:s23] =	ssyncset.done $0x0  }
0xa5: {  	s25 =	simm.s32 $0x1B8E;
	s24 =	sld [smem:$0x3FFE];
	[sflag:s23] =	ssyncadd.s32 $0xFFFFFFFF  }
0xa6: {  	s26 =	simm.s32 $execute0_lowered;
	[smem:$0x3FD2] =	sst s25  }
0xa7: {  	s6 =	sshll.u32 s26, $0x1;
	_ =	strace $0x80000046;
	[dreg:$0x1] =	wrdreg $0xFFFFFFFF  }
0xa8: {  	s28 =	simm.s32 $_size_execute0_lowered;
	s4 =	sadd.s32 s4, s6;
	[dreg:$0x0] =	wrdreg $0x0  }
0xa9: {  	s6 =	sshll.u32 s28, $0x1;
	[dreg:$0x2] =	wrdreg s4  }
0xaa: {  	[dreg:$0x3] =	wrdreg s6  }
0xab: {  	[dreg:$0x4] =	wrdreg $0xC0  }
0xac: {  	_ =	task [dreg:s8], $0x5FFFF  }
0xad: {  	[dreg:$0x1] =	wrdreg $0xFFFFFFFF  }
0xae: {  	[dreg:$0x0] =	wrdreg $0x60  }
0xaf: {  	[dreg:$0x2] =	wrdreg s2  }
0xb0: {  	[dreg:$0x3] =	wrdreg s18  }
0xb1: {  	[dreg:$0x4] =	wrdreg s24  }
0xb2: {  	[dreg:$0x5] =	wrdreg $0x9  }
0xb3: {  	_ =	task.clear_ibuf [dreg:s8], $0x6FFFF;
	_ =	strace $0x90000046  }
0xb4: {  	s29 =	simm.s32 $0x9;
	_ =	strace $0x80000048  }
0xb5: {  	_ =	swait.ge [sflag:s29], $0x1  }
0xb6: {  	[sflag:s29] =	ssyncadd.s32 $0xFFFFFFFF  }
0xb7: {  	_ =	strace $0x90000048  }
0xb8: {  	_ =	sfence  }
0xb9: {  	s30 =	sld [smem:$0x0];
	_ =	sdelay $0x2  }
0xba: {  	s31 =	sshll.u32 s1, $0xD;
	s1 =	sshrl.u32 s1, $0x2  }
0xbb: {  	s3 =	sand.u32 $0x4000, s31;
	s1 =	sadd.s32 s1, s30  }
0xbc: {  	s0 =	sor.u32 s3, s0;
	s1 =	sshll.u32 s1, $0x11  }
0xbd: {  	s0 =	sor.u32 s1, s0  }
0xbe: {  	s0 =	sadd.s32 $0x8F2B, s0  }
0xbf: {  	[sflag:s0] =	ssyncadd.remote.s32 $0x1  }
0xc0: {  	_ =	sfence.sel $0xFFFF  }
0xc1: {  	[dreg:$0x0] =	wrdreg $0xFFFFFFFF;
	(pc) =	sbr.abs _section_cstart, $3  }
0xc2: {  	[dreg:$0x1] =	wrdreg $0xFFFFFFFF  }
0xc3: {  	_ =	task.clear_ibuf [dreg:s8], $0x2FFFF;
	_ =	strace $0x9FFFFFFF  }
0xc4: {  	(tm) =	ssettm $0x7FFFFFFF  }
0xc5: {  	_ =	shalt  }
tec
execute0_lowered:
.L_overlay_start_1:
0x0: {  	(tag) =	ssettag $0x1  }
0x1: {  	s1 =	rddreg [dreg:$0x0]  }
0x2: {  	s0 =	rddreg [dreg:$0x2]  }
0x3: {  	s2 =	srdreg.scid;
	s3 =	stileid.u32;
	s4 =	simm.s32 $0x0  }
0x4: {  	s11 =	simm.s32 $0x2;
	s12 =	simm.s32 $0x2000;
	s13 =	simm.s32 $0xC000  }
0x5: {  	s14 =	simm.s32 $0x3;
	s15 =	simm.s32 $0x4000;
	s16 =	simm.s32 $0x10000  }
0x6: {  	s17 =	simm.s32 $0x4;
	s18 =	simm.s32 $0x6000;
	s19 =	simm.s32 $0x14000  }
0x7: {  	s21 =	simm.s32 $0x6;
	s22 =	simm.s32 $0x7;
	s23 =	simm.s32 $0x8  }
0x8: {  	s24 =	simm.s32 $0x18000;
	s28 =	simm.s32 $0x400;
	s29 =	simm.s32 $0x7A1400  }
0x9: {  	s30 =	simm.s32 $0x1;
	s31 =	simm.s32 $0x0;
	s2 =	sand.u32 $0x1, s2  }
0xa: {  	s3 =	sshll.u32 s3, $0x1;
	[smem:$0x7FF] =	sst s4;
	s6 =	sadd.s32 $0xA00, s0  }
.Ltmp0:
0xb: {  	s0 =	sadd.s32 $0xF42A00, s0;
	s7 =	ssub.s32 $0x2, s2;
	(pc) =	sbr.rel .LBB2_1-.Ltmp0, $4  }
0xc: {  	s2 =	sor.u32 s2, s3;
	_ =	strace $0x80000047;
	s25 =	sshrl.u32 s7, $0x1  }
0xd: {  	[dreg:$0x4] =	wrdreg s0;
	s5 =	sshll.u32 s2, $0x7;
	s3 =	ssub.s32 s7, s25  }
0xe: {  	p0 =	sne.s32 s2, $0x0;
	s7 =	sor.u32 $0x1000, s5;
	s26 =	smax.u32 s3, $0x1  }
0xf: {  	v0 =	vlaneseq.u32;
	s8 =	sor.u32 $0x2000, s5;
	[dreg:$0x5] =	wrdreg s26;
	s26 =	simm.s32 $0x8000  }
.LBB2_20:
0x10: {  	s0 =	simm.s32 $0x5  }
0x11: {  	_ =	swait.ge [sflag:s0], $0x4000  }
0x12: {  	[sflag:s0] =	ssyncset.done $0x0  }
0x13: {  	[sflag:s0] =	ssyncadd.s32 $0xFFFFC000  }
0x14: {  	_ =	swait.ge [sflag:s21], $0x4000  }
0x15: {  	[sflag:s21] =	ssyncset.done $0x0  }
0x16: {  	[sflag:s21] =	ssyncadd.s32 $0xFFFFC000  }
0x17: {  	_ =	swait.ge [sflag:s22], $0x4000  }
.Ltmp1:
0x18: {  	[sflag:s22] =	ssyncset.done $0x0;
	(pc) =	sbr.rel @!p0 .LBB2_21-.Ltmp1, $4  }
0x19: {  	[sflag:s22] =	ssyncadd.s32 $0xFFFFC000  }
0x1a: {  	_ =	swait.ge [sflag:s23], $0x4000  }
0x1b: {  	[sflag:s23] =	ssyncset.done $0x0  }
0x1c: {  	[sflag:s23] =	ssyncadd.s32 $0xFFFFC000  }
.LBB2_24:
0x1d: {  	s31 =	sadd.s32 $0x1, s31;
	s0 =	rddreg [dreg:$0x5]  }
0x1e: {  	p1 =	sne.s32 s31, s0  }
.Ltmp2:
0x1f: {  	_ = 	snop;
	(pc) =	sbr.rel @!p1 .LBB2_25-.Ltmp2, $1  }
0x20: {  	_ =	sdelay $0x3  }
.LBB2_1:
0x21: {  	s0 =	simm.s32 $0x0  }
.LBB2_2:
0x22: {  	p1 =	seq.s32 s0, $0x3E  }
0x23: {  	s10 =	sshll.u32 @!p1 s0, $0xE  }
0x24: {  	s2 =	sor.u32 @!p1 s5, s10  }
0x25: {  	s9 =	simm.s32 @!p1 $0x400;
	s25 =	simm.s32 @!p1 $0x7A1400;
	s3 =	smin.u32 @!p1 s2, $0xF4180  }
0x26: {  	s20 =	simm.s32 @!p1 $0x0;
	s2 =	sshll.u32 s0, $0x2;
	s3 =	sadd.s32 @!p1 s1, s3  }
0x27: {  	[tilespmem:s20], [sflag:$0x1] =	stream.strided.gather @!p1 [hbm4b:s3+s9], $0x2000, s25, s9, $0x38;
	[tilespmem:$0x1A000] =	vst v63  }
0x28: {  	s9 =	sadd.s32 @!p1 $0xFFFFFFFD, s2  }
0x29: {  	p2 =	sgt.u32 @!p1 s9, $0xF7  }
0x2a: {  	p2 =	por p1, !p2  }
.Ltmp3:
0x2b: {  	_ = 	snop;
	(pc) =	sbr.rel @!p2 .LBB2_7-.Ltmp3, $1  }
0x2c: {  	_ =	sdelay $0x3  }
0x2d: {  	s3 =	simm.s32 $0x0  }
0x2e: {  	s10 =	sand.u32 $0x70, s3;
	s3 =	sand.u32 $0xC, s3  }
0x2f: {  	v2 =	vor.u32 s10, v0;
	s25 =	sor.u32 $0x1, s3;
	s20 =	sor.u32 $0x2, s3;
	v1 =	vadd.s32 s3, v0  }
0x30: {  	s3 =	sor.u32 $0x3, s3;
	v3 =	vadd.s32 s25, v0;
	v4 =	vadd.s32 s20, v0;
	v5 =	vand.u32 $0xF, v1  }
0x31: {  	v7 =	vadd.s32 s3, v0;
	v17 =	vshll.u32 v2, $0x7;
	v23 =	vor.u32 $0x10, v1  }
0x32: {  	v1 =	vor.u32 $0x30, v1;
	v6 =	vand.u32 $0xF, v3;
	v8 =	vshll.u32 v5, $0x7  }
0x33: {  	v9 =	vand.u32 $0xF, v4;
	v10 =	vand.u32 $0xF, v7;
	v14 =	vor.u32 $0x10, v3  }
0x34: {  	v15 =	vor.u32 $0x10, v4;
	v16 =	vor.u32 $0x10, v7;
	v20 =	vor.u32 v5, v17  }
0x35: {  	_ =	swait.ge [sflag:s11], $0x2000;
	v26 =	vshll.u32 v23, $0x7;
	v5 =	vor.u32 $0x20, v5;
	v23 =	vor.u32 v23, v17  }
0x36: {  	p2 =	slt.u32 s0, $0x2;
	[sflag:s11] =	ssyncset.done $0x0;
	v7 =	vor.u32 $0x30, v7;
	v12 =	vshll.u32 v9, $0x7;
	v8 =	vor.u32 v2, v8  }
0x37: {  	[sflag:s11] =	ssyncadd.s32 $0xFFFFE000;
	s3 =	simm.s32 @!p2 $0x6;
	v4 =	vor.u32 $0x30, v4;
	v13 =	vshll.u32 v10, $0x7;
	v12 =	vor.u32 v2, v12  }
0x38: {  	_ =	swait.ge @!p2 [sflag:s3], $0x4000;
	v11 =	vshll.u32 v6, $0x7;
	v18 =	vshll.u32 v14, $0x7;
	v13 =	vor.u32 v2, v13  }
0x39: {  	v19 =	vshll.u32 v15, $0x7;
	v21 =	vor.u32 v17, v6;
	v22 =	vor.u32 v17, v10;
	[sflag:s3] =	ssyncset.done @!p2 $0x0  }
0x3a: {  	v24 =	vor.u32 v17, v9;
	v25 =	vshll.u32 v16, $0x7;
	v26 =	vor.u32 v2, v26;
	[sflag:s3] =	ssyncadd.s32 @!p2 $0xFFFFC000  }
0x3b: {  	v9 =	vor.u32 $0x20, v9;
	v27 =	vshll.u32 v5, $0x7;
	v16 =	vor.u32 v17, v16;
	v8 =	vld.idx.msk [tilespmem:v8+s12+$0x0], $0xffff  }
0x3c: {  	v10 =	vor.u32 $0x20, v10;
	v5 =	vor.u32 v17, v5;
	v11 =	vor.u32 v2, v11;
	v12 =	vld.idx.msk [tilespmem:v12+s12+$0x0], $0xffff  }
0x3d: {  	v6 =	vor.u32 $0x20, v6;
	v15 =	vor.u32 v17, v15;
	v19 =	vor.u32 v2, v19;
	v13 =	vld.idx.msk [tilespmem:v13+s12+$0x0], $0xffff  }
0x3e: {  	v14 =	vor.u32 v17, v14;
	v18 =	vor.u32 v2, v18;
	v25 =	vor.u32 v2, v25  }
0x3f: {  	v28 =	vshll.u32 v9, $0x7;
	v27 =	vor.u32 v2, v27;
	v9 =	vor.u32 v17, v9  }
0x40: {  	v29 =	vshll.u32 v6, $0x7;
	v30 =	vor.u32 v17, v6;
	v28 =	vor.u32 v2, v28;
	[tilespmem:v20+s13+$0x0] =	vst.idx.msk $0xffff, v8  }
0x41: {  	v6 =	vor.u32 v2, v29;
	v29 =	vor.u32 v17, v7;
	v11 =	vld.idx.msk [tilespmem:v11+s12+$0x0], $0xffff;
	[tilespmem:v24+s13+$0x0] =	vst.idx.msk $0xffff, v12  }
0x42: {  	v20 =	vshll.u32 v1, $0x7;
	v12 =	vshll.u32 v10, $0x7;
	[tilespmem:v22+s13+$0x0] =	vst.idx.msk $0xffff, v13;
	v13 =	vshll.u32 v4, $0x7;
	v19 =	vld.idx.msk [tilespmem:v19+s12+$0x0], $0xffff  }
0x43: {  	s3 =	simm.s32 $0x4;
	v22 =	vor.u32 v17, v4;
	v4 =	vshll.u32 v7, $0x7;
	v8 =	vor.u32 v2, v13;
	v13 =	vld.idx.msk [tilespmem:v25+s12+$0x0], $0xffff  }
0x44: {  	s25 =	sand.u32 $0x70, s3;
	s20 =	sand.u32 $0xC, s3;
	v10 =	vor.u32 v17, v10;
	v24 =	vor.u32 v1, v17;
	v20 =	vor.u32 v2, v20;
	v25 =	vld.idx.msk [tilespmem:v26+s12+$0x0], $0xffff  }
0x45: {  	s10 =	sor.u32 $0x1, s20;
	v1 =	vor.u32 s25, v0;
	v7 =	vadd.s32 s20, v0;
	v12 =	vor.u32 v2, v12  }
0x46: {  	s25 =	sor.u32 $0x2, s20;
	s20 =	sor.u32 $0x3, s20;
	v4 =	vor.u32 v2, v4;
	v26 =	vor.u32 $0x30, v3;
	v3 =	vadd.s32 s10, v0  }
0x47: {  	[tilespmem:v21+s13+$0x0] =	vst.idx.msk $0xffff, v11;
	v21 =	vand.u32 $0xF, v7;
	v31 =	vadd.s32 s20, v0;
	v39 =	vor.u32 $0x10, v7  }
0x48: {  	v18 =	vld.idx.msk [tilespmem:v18+s12+$0x0], $0xffff;
	v11 =	vshll.u32 v26, $0x7;
	v32 =	vand.u32 $0xF, v31;
	v34 =	vor.u32 $0x10, v3;
	[tilespmem:v15+s13+$0x0] =	vst.idx.msk $0xffff, v19  }
0x49: {  	v36 =	vor.u32 $0x10, v31;
	v15 =	vor.u32 v2, v11;
	[tilespmem:v23+s13+$0x0] =	vst.idx.msk $0xffff, v25;
	v25 =	vshll.u32 v32, $0x7;
	v11 =	vld.idx.msk [tilespmem:v28+s12+$0x0], $0xffff  }
0x4a: {  	v19 =	vadd.s32 s25, v0;
	[tilespmem:v16+s13+$0x0] =	vst.idx.msk $0xffff, v13;
	v13 =	vshll.u32 v21, $0x7;
	v25 =	vor.u32 v1, v25  }
0x4b: {  	v28 =	vand.u32 $0xF, v3;
	v16 =	vand.u32 $0xF, v19;
	v27 =	vld.idx.msk [tilespmem:v27+s12+$0x0], $0xffff;
	v35 =	vor.u32 $0x10, v19  }
0x4c: {  	v12 =	vld.idx.msk [tilespmem:v12+s12+$0x0], $0xffff;
	v13 =	vor.u32 v1, v13;
	v2 =	vshll.u32 v28, $0x7;
	v23 =	vshll.u32 v16, $0x7  }
0x4d: {  	[tilespmem:v14+s13+$0x0] =	vst.idx.msk $0xffff, v18;
	v18 =	vshll.u32 v35, $0x7;
	v33 =	vor.u32 v1, v2;
	v23 =	vor.u32 v1, v23  }
0x4e: {  	v14 =	vshll.u32 v34, $0x7;
	v2 =	vshll.u32 v1, $0x7;
	v18 =	vor.u32 v1, v18;
	[tilespmem:v9+s13+$0x0] =	vst.idx.msk $0xffff, v11;
	v9 =	vld.idx.msk [tilespmem:v6+s12+$0x0], $0xffff  }
0x4f: {  	v37 =	vor.u32 v21, v2;
	v38 =	vor.u32 v2, v32;
	v40 =	vor.u32 v2, v16;
	v25 =	vld.idx.msk [tilespmem:v25+s12+$0x0], $0xffff  }
0x50: {  	v21 =	vor.u32 $0x20, v21;
	v32 =	vor.u32 $0x20, v32;
	v6 =	vor.u32 v1, v14;
	[tilespmem:v5+s13+$0x0] =	vst.idx.msk $0xffff, v27;
	v14 =	vld.idx.msk [tilespmem:v8+s12+$0x0], $0xffff  }
0x51: {  	v11 =	vshll.u32 v36, $0x7;
	[tilespmem:v10+s13+$0x0] =	vst.idx.msk $0xffff, v12;
	v10 =	vshll.u32 v39, $0x7;
	v5 =	vor.u32 $0x20, v16;
	v42 =	vld.idx.msk [tilespmem:v20+s12+$0x0], $0xffff  }
0x52: {  	v12 =	vshll.u32 v21, $0x7;
	v8 =	vor.u32 v2, v28;
	v41 =	vor.u32 v1, v11;
	v63 =	vld.idx.msk [tilespmem:v4+s12+$0x0], $0xffff  }
0x53: {  	v27 =	vor.u32 v1, v10;
	v10 =	vor.u32 v17, v26;
	v23 =	vld.idx.msk [tilespmem:v23+s12+$0x0], $0xffff;
	[tilespmem:v30+s13+$0x0] =	vst.idx.msk $0xffff, v9  }
0x54: {  	v16 =	vshll.u32 v5, $0x7;
	v11 =	vor.u32 v2, v36;
	v12 =	vor.u32 v1, v12;
	[tilespmem:v38+s13+$0x0] =	vst.idx.msk $0xffff, v25  }
0x55: {  	v4 =	vor.u32 v2, v21;
	v20 =	vor.u32 v2, v35;
	v30 =	vld.idx.msk [tilespmem:v13+s12+$0x0], $0xffff;
	[tilespmem:v22+s13+$0x0] =	vst.idx.msk $0xffff, v14  }
0x56: {  	v26 =	vor.u32 $0x30, v7;
	v16 =	vor.u32 v1, v16;
	v13 =	vor.u32 v39, v2;
	[tilespmem:v24+s13+$0x0] =	vst.idx.msk $0xffff, v42  }
0x57: {  	v7 =	vor.u32 $0x30, v19;
	v9 =	vor.u32 v2, v5;
	v17 =	vld.idx.msk [tilespmem:v15+s12+$0x0], $0xffff;
	v15 =	vor.u32 $0x20, v28;
	[tilespmem:v29+s13+$0x0] =	vst.idx.msk $0xffff, v63  }
0x58: {  	s9 =	simm.s32 @p1 $0xF5;
	v14 =	vor.u32 v2, v34;
	v22 =	vor.u32 $0x30, v31;
	v21 =	vshll.u32 v15, $0x7;
	[tilespmem:v40+s13+$0x0] =	vst.idx.msk $0xffff, v23;
	v23 =	vld.idx.msk [tilespmem:v33+s12+$0x0], $0xffff  }
0x59: {  	s9 =	sshll.u32 s9, $0xC;
	v5 =	vor.u32 v2, v15;
	v28 =	vshll.u32 v22, $0x7;
	v15 =	vor.u32 v1, v21;
	v24 =	vld.idx.msk [tilespmem:v18+s12+$0x0], $0xffff  }
0x5a: {  	s9 =	sor.u32 s5, s9;
	v25 =	vld.idx.msk [tilespmem:v41+s12+$0x0], $0xffff;
	v21 =	vshll.u32 v32, $0x7;
	v18 =	vshll.u32 v7, $0x7;
	v7 =	vor.u32 v2, v7;
	[tilespmem:v37+s13+$0x0] =	vst.idx.msk $0xffff, v30  }
0x5b: {  	s9 =	smin.u32 s9, $0xF4180;
	v21 =	vor.u32 v1, v21;
	v19 =	vor.u32 v1, v18;
	v18 =	vor.u32 v2, v32;
	v27 =	vld.idx.msk [tilespmem:v27+s12+$0x0], $0xffff  }
.LBB2_4:
0x5c: {  	s3 =	sadd.s32 $0x4, s3;
	v29 =	vshll.u32 v26, $0x7;
	v26 =	vor.u32 v26, v2;
	v28 =	vor.u32 v1, v28;
	[tilespmem:v10+s13+$0x0] =	vst.idx.msk $0xffff, v17  }
0x5d: {  	v17 =	vor.u32 $0x30, v3;
	s10 =	sand.u32 $0x70, s3;
	s20 =	sand.u32 $0xC, s3;
	p2 =	slt.u32 s3, $0x7C;
	v10 =	vor.u32 v1, v29;
	[tilespmem:v8+s13+$0x0] =	vst.idx.msk $0xffff, v23;
	v29 =	vor.u32 v2, v22  }
0x5e: {  	v22 =	vshll.u32 v17, $0x7;
	v8 =	vor.u32 s10, v0;
	v30 =	vadd.s32 s20, v0;
	s10 =	sor.u32 $0x1, s20;
	s25 =	sor.u32 $0x2, s20;
	s20 =	sor.u32 $0x3, s20;
	v6 =	vld.idx.msk [tilespmem:v6+s12+$0x0], $0xffff;
	[tilespmem:v20+s13+$0x0] =	vst.idx.msk $0xffff, v24  }
0x5f: {  	v20 =	vor.u32 v1, v22;
	v3 =	vadd.s32 s10, v0;
	v31 =	vadd.s32 s25, v0;
	v16 =	vld.idx.msk [tilespmem:v16+s12+$0x0], $0xffff;
	v1 =	vmovc v8  }
0x60: {  	v22 =	vand.u32 $0xF, v30;
	v32 =	vadd.s32 s20, v0;
	v24 =	vand.u32 $0xF, v3;
	[tilespmem:v11+s13+$0x0] =	vst.idx.msk $0xffff, v25  }
0x61: {  	v8 =	vshll.u32 v22, $0x7;
	v11 =	vand.u32 $0xF, v31;
	v23 =	vand.u32 $0xF, v32;
	[tilespmem:v13+s13+$0x0] =	vst.idx.msk $0xffff, v27;
	v13 =	vld.idx.msk [tilespmem:v21+s12+$0x0], $0xffff  }
0x62: {  	v21 =	vshll.u32 v24, $0x7;
	v25 =	vshll.u32 v11, $0x7;
	v27 =	vshll.u32 v23, $0x7;
	v12 =	vld.idx.msk [tilespmem:v12+s12+$0x0], $0xffff  }
0x63: {  	v21 =	vor.u32 v1, v21;
	v25 =	vor.u32 v1, v25;
	v27 =	vor.u32 v1, v27  }
0x64: {  	v33 =	vor.u32 $0x10, v3;
	v34 =	vor.u32 $0x10, v31;
	v35 =	vor.u32 $0x10, v32;
	[tilespmem:v14+s13+$0x0] =	vst.idx.msk $0xffff, v6  }
0x65: {  	v36 =	vshll.u32 v34, $0x7;
	v14 =	vshll.u32 v1, $0x7;
	v6 =	vshll.u32 v33, $0x7;
	v15 =	vld.idx.msk [tilespmem:v15+s12+$0x0], $0xffff;
	[tilespmem:v9+s13+$0x0] =	vst.idx.msk $0xffff, v16  }
0x66: {  	v36 =	vor.u32 v1, v36;
	v37 =	vor.u32 v22, v14;
	v6 =	vor.u32 v1, v6;
	v9 =	vld.idx.msk [tilespmem:v19+s12+$0x0], $0xffff  }
0x67: {  	v16 =	vor.u32 v1, v8;
	v8 =	vor.u32 v14, v24;
	v19 =	vor.u32 v14, v23  }
0x68: {  	v38 =	vor.u32 $0x10, v30;
	v40 =	vshll.u32 v35, $0x7;
	v39 =	vor.u32 v14, v11;
	v27 =	vld.idx.msk [tilespmem:v27+s12+$0x0], $0xffff;
	[tilespmem:v18+s13+$0x0] =	vst.idx.msk $0xffff, v13  }
0x69: {  	v13 =	vshll.u32 v38, $0x7;
	v18 =	vor.u32 $0x20, v22;
	v22 =	vld.idx.msk [tilespmem:v25+s12+$0x0], $0xffff;
	v25 =	vor.u32 v1, v40;
	[tilespmem:v4+s13+$0x0] =	vst.idx.msk $0xffff, v12  }
0x6a: {  	v41 =	vor.u32 $0x20, v11;
	v40 =	vor.u32 v1, v13;
	v42 =	vld.idx.msk [tilespmem:v10+s12+$0x0], $0xffff;
	v10 =	vor.u32 v2, v17;
	v2 =	vmovc v14  }
0x6b: {  	v4 =	vshll.u32 v18, $0x7;
	v12 =	vshll.u32 v41, $0x7;
	v11 =	vor.u32 v2, v35;
	[tilespmem:v5+s13+$0x0] =	vst.idx.msk $0xffff, v15;
	v35 =	vld.idx.msk [tilespmem:v28+s12+$0x0], $0xffff  }
0x6c: {  	v13 =	vor.u32 v38, v2;
	v38 =	vor.u32 $0x20, v23;
	v28 =	vld.idx.msk [tilespmem:v16+s12+$0x0], $0xffff;
	v16 =	vor.u32 v1, v12  }
0x6d: {  	v12 =	vor.u32 v1, v4;
	v4 =	vor.u32 v2, v18;
	v17 =	vld.idx.msk [tilespmem:v20+s12+$0x0], $0xffff;
	[tilespmem:v7+s13+$0x0] =	vst.idx.msk $0xffff, v9  }
0x6e: {  	v5 =	vor.u32 $0x20, v24;
	v20 =	vor.u32 v2, v34;
	v9 =	vor.u32 v2, v41;
	v23 =	vld.idx.msk [tilespmem:v21+s12+$0x0], $0xffff  }
.Ltmp4:
0x6f: {  	v14 =	vor.u32 v2, v33;
	v7 =	vshll.u32 v5, $0x7;
	v5 =	vor.u32 v2, v5;
	[tilespmem:v39+s13+$0x0] =	vst.idx.msk $0xffff, v22;
	(pc) =	sbr.rel @p2 .LBB2_4-.Ltmp4, $4  }
0x70: {  	v15 =	vor.u32 v1, v7;
	v7 =	vshll.u32 v38, $0x7;
	v22 =	vor.u32 $0x30, v32;
	v24 =	vld.idx.msk [tilespmem:v36+s12+$0x0], $0xffff;
	[tilespmem:v26+s13+$0x0] =	vst.idx.msk $0xffff, v42  }
0x71: {  	v18 =	vor.u32 $0x30, v31;
	v21 =	vor.u32 v1, v7;
	v26 =	vor.u32 $0x30, v30;
	[tilespmem:v19+s13+$0x0] =	vst.idx.msk $0xffff, v27  }
0x72: {  	v7 =	vor.u32 v2, v18;
	v19 =	vshll.u32 v18, $0x7;
	[tilespmem:v37+s13+$0x0] =	vst.idx.msk $0xffff, v28;
	v25 =	vld.idx.msk [tilespmem:v25+s12+$0x0], $0xffff;
	v28 =	vshll.u32 v22, $0x7  }
0x73: {  	v18 =	vor.u32 v2, v38;
	v19 =	vor.u32 v1, v19;
	v27 =	vld.idx.msk [tilespmem:v40+s12+$0x0], $0xffff;
	[tilespmem:v29+s13+$0x0] =	vst.idx.msk $0xffff, v35  }
0x74: {  	_ =	sdelay $0x3  }
0x75: {  	[tilespmem:v8+s13+$0x0] =	vst.idx.msk $0xffff, v23  }
0x76: {  	v6 =	vld.idx.msk [tilespmem:v6+s12+$0x0], $0xffff;
	_ =	sdelay $0x1  }
0x77: {  	[tilespmem:v20+s13+$0x0] =	vst.idx.msk $0xffff, v24  }
0x78: {  	v53 =	vld.idx.msk [tilespmem:v16+s12+$0x0], $0xffff;
	[tilespmem:v11+s13+$0x0] =	vst.idx.msk $0xffff, v25  }
0x79: {  	[tilespmem:v13+s13+$0x0] =	vst.idx.msk $0xffff, v27;
	v57 =	vld.idx.msk [tilespmem:v21+s12+$0x0], $0xffff  }
0x7a: {  	v54 =	vshll.u32 v26, $0x7;
	v3 =	vor.u32 $0x30, v3;
	v58 =	vor.u32 v1, v28;
	v55 =	vld.idx.msk [tilespmem:v12+s12+$0x0], $0xffff;
	[tilespmem:v14+s13+$0x0] =	vst.idx.msk $0xffff, v6  }
0x7b: {  	v56 =	vor.u32 v1, v54;
	v59 =	vshll.u32 v3, $0x7;
	v15 =	vld.idx.msk [tilespmem:v15+s12+$0x0], $0xffff  }
0x7c: {  	v1 =	vor.u32 v1, v59  }
0x7d: {  	[tilespmem:v9+s13+$0x0] =	vst.idx.msk $0xffff, v53  }
0x7e: {  	v8 =	vld.idx.msk [tilespmem:v19+s12+$0x0], $0xffff;
	[tilespmem:v18+s13+$0x0] =	vst.idx.msk $0xffff, v57  }
0x7f: {  	v62 =	vor.u32 v2, v22;
	[tilespmem:v4+s13+$0x0] =	vst.idx.msk $0xffff, v55;
	v63 =	vld.idx.msk [tilespmem:v58+s12+$0x0], $0xffff  }
0x80: {  	v60 =	vor.u32 v26, v2;
	v61 =	vld.idx.msk [tilespmem:v56+s12+$0x0], $0xffff;
	[tilespmem:v5+s13+$0x0] =	vst.idx.msk $0xffff, v15  }
0x81: {  	v2 =	vor.u32 v2, v3;
	v1 =	vld.idx.msk [tilespmem:v1+s12+$0x0], $0xffff  }
0x82: {  	[tilespmem:v10+s13+$0x0] =	vst.idx.msk $0xffff, v17  }
.Ltmp5:
0x83: {  	[tilespmem:v7+s13+$0x0] =	vst.idx.msk $0xffff, v8;
	(pc) =	sbr.rel @p1 .LBB2_8-.Ltmp5, $4  }
0x84: {  	[tilespmem:v62+s13+$0x0] =	vst.idx.msk $0xffff, v63  }
0x85: {  	s3 =	sshll.u32 s9, $0x4;
	[tilespmem:v60+s13+$0x0] =	vst.idx.msk $0xffff, v61  }
0x86: {  	s9 =	simm.s32 $0xF6;
	s3 =	sadd.s32 s6, s3;
	[tilespmem:v2+s13+$0x0] =	vst.idx.msk $0xffff, v1  }
0x87: {  	[hbm4b:s3+s4] =	stream.linear.scatter [tilespmem:s13], [sflag:$0x6], $0x4000, $0x38;
	[tilespmem:$0x1A000] =	vst v63  }
0x88: {  	s10 =	sshll.u32 s0, $0xE  }
.LBB2_7:
0x89: {  	s9 =	sadd.s32 $0xFFFFFFFE, s2  }
0x8a: {  	p2 =	sgt.u32 s9, $0xF7  }
.Ltmp6:
0x8b: {  	_ = 	snop;
	(pc) =	sbr.rel @p2 .LBB2_12-.Ltmp6, $4  }
0x8c: {  	s3 =	sor.u32 s7, s10  }
0x8d: {  	s3 =	smin.u32 s3, $0xF4180  }
0x8e: {  	s3 =	sadd.s32 s1, s3  }
0x8f: {  	[tilespmem:s12], [sflag:$0x2] =	stream.strided.gather [hbm4b:s3+s28], $0x2000, s29, s28, $0x38;
	[tilespmem:$0x1A000] =	vst v63  }
.LBB2_8:
0x90: {  	s3 =	simm.s32 $0x0  }
0x91: {  	s10 =	sand.u32 $0x70, s3;
	s3 =	sand.u32 $0xC, s3  }
0x92: {  	v2 =	vor.u32 s10, v0;
	s25 =	sor.u32 $0x1, s3;
	s20 =	sor.u32 $0x2, s3;
	v1 =	vadd.s32 s3, v0  }
0x93: {  	s3 =	sor.u32 $0x3, s3;
	v3 =	vadd.s32 s25, v0;
	v4 =	vadd.s32 s20, v0;
	v5 =	vand.u32 $0xF, v1  }
0x94: {  	v7 =	vadd.s32 s3, v0;
	v17 =	vshll.u32 v2, $0x7;
	v23 =	vor.u32 $0x10, v1  }
0x95: {  	v1 =	vor.u32 $0x30, v1;
	v6 =	vand.u32 $0xF, v3;
	v8 =	vshll.u32 v5, $0x7  }
0x96: {  	v9 =	vand.u32 $0xF, v4;
	v10 =	vand.u32 $0xF, v7;
	v14 =	vor.u32 $0x10, v3  }
0x97: {  	v15 =	vor.u32 $0x10, v4;
	v16 =	vor.u32 $0x10, v7;
	v20 =	vor.u32 v5, v17  }
0x98: {  	_ =	swait.ge [sflag:s14], $0x2000;
	v26 =	vshll.u32 v23, $0x7;
	v5 =	vor.u32 $0x20, v5;
	v23 =	vor.u32 v23, v17  }
0x99: {  	p2 =	slt.u32 s0, $0x2;
	[sflag:s14] =	ssyncset.done $0x0;
	v7 =	vor.u32 $0x30, v7;
	v12 =	vshll.u32 v9, $0x7;
	v8 =	vor.u32 v2, v8  }
0x9a: {  	[sflag:s14] =	ssyncadd.s32 $0xFFFFE000;
	s3 =	simm.s32 @!p2 $0x7;
	v4 =	vor.u32 $0x30, v4;
	v13 =	vshll.u32 v10, $0x7;
	v12 =	vor.u32 v2, v12  }
0x9b: {  	_ =	swait.ge @!p2 [sflag:s3], $0x4000;
	v11 =	vshll.u32 v6, $0x7;
	v18 =	vshll.u32 v14, $0x7;
	v13 =	vor.u32 v2, v13  }
0x9c: {  	v19 =	vshll.u32 v15, $0x7;
	v21 =	vor.u32 v17, v6;
	v22 =	vor.u32 v17, v10;
	[sflag:s3] =	ssyncset.done @!p2 $0x0  }
0x9d: {  	v24 =	vor.u32 v17, v9;
	v25 =	vshll.u32 v16, $0x7;
	v11 =	vor.u32 v2, v11;
	[sflag:s3] =	ssyncadd.s32 @!p2 $0xFFFFC000  }
0x9e: {  	v26 =	vor.u32 v2, v26;
	v9 =	vor.u32 $0x20, v9;
	v27 =	vshll.u32 v5, $0x7;
	v8 =	vld.idx.msk [tilespmem:v8+s15+$0x0], $0xffff  }
0x9f: {  	v16 =	vor.u32 v17, v16;
	v10 =	vor.u32 $0x20, v10;
	v5 =	vor.u32 v17, v5;
	v12 =	vld.idx.msk [tilespmem:v12+s15+$0x0], $0xffff  }
0xa0: {  	v6 =	vor.u32 $0x20, v6;
	v15 =	vor.u32 v17, v15;
	v19 =	vor.u32 v2, v19;
	v13 =	vld.idx.msk [tilespmem:v13+s15+$0x0], $0xffff  }
0xa1: {  	v14 =	vor.u32 v17, v14;
	v18 =	vor.u32 v2, v18;
	v25 =	vor.u32 v2, v25  }
0xa2: {  	v28 =	vshll.u32 v9, $0x7;
	v27 =	vor.u32 v2, v27;
	v9 =	vor.u32 v17, v9;
	v11 =	vld.idx.msk [tilespmem:v11+s15+$0x0], $0xffff  }
0xa3: {  	v29 =	vshll.u32 v6, $0x7;
	v30 =	vor.u32 v17, v6;
	v28 =	vor.u32 v2, v28;
	[tilespmem:v20+s16+$0x0] =	vst.idx.msk $0xffff, v8  }
0xa4: {  	v6 =	vor.u32 v2, v29;
	v29 =	vor.u32 v17, v7;
	v20 =	vshll.u32 v1, $0x7;
	[tilespmem:v24+s16+$0x0] =	vst.idx.msk $0xffff, v12  }
0xa5: {  	v12 =	vshll.u32 v10, $0x7;
	[tilespmem:v22+s16+$0x0] =	vst.idx.msk $0xffff, v13;
	v13 =	vshll.u32 v4, $0x7;
	v22 =	vor.u32 v17, v4;
	v19 =	vld.idx.msk [tilespmem:v19+s15+$0x0], $0xffff  }
0xa6: {  	s3 =	simm.s32 $0x4;
	v4 =	vshll.u32 v7, $0x7;
	v10 =	vor.u32 v17, v10;
	v8 =	vor.u32 v2, v13;
	v13 =	vld.idx.msk [tilespmem:v25+s15+$0x0], $0xffff  }
0xa7: {  	s25 =	sand.u32 $0x70, s3;
	s20 =	sand.u32 $0xC, s3;
	v24 =	vor.u32 v1, v17;
	v20 =	vor.u32 v2, v20;
	[tilespmem:v21+s16+$0x0] =	vst.idx.msk $0xffff, v11;
	v25 =	vld.idx.msk [tilespmem:v26+s15+$0x0], $0xffff  }
0xa8: {  	s10 =	sor.u32 $0x1, s20;
	v1 =	vor.u32 s25, v0;
	v7 =	vadd.s32 s20, v0;
	v12 =	vor.u32 v2, v12;
	v18 =	vld.idx.msk [tilespmem:v18+s15+$0x0], $0xffff  }
0xa9: {  	s25 =	sor.u32 $0x2, s20;
	s20 =	sor.u32 $0x3, s20;
	v4 =	vor.u32 v2, v4;
	v26 =	vor.u32 $0x30, v3;
	v3 =	vadd.s32 s10, v0  }
0xaa: {  	v21 =	vand.u32 $0xF, v7;
	v31 =	vadd.s32 s20, v0;
	v11 =	vshll.u32 v26, $0x7;
	[tilespmem:v15+s16+$0x0] =	vst.idx.msk $0xffff, v19  }
0xab: {  	v32 =	vand.u32 $0xF, v31;
	v34 =	vor.u32 $0x10, v3;
	v36 =	vor.u32 $0x10, v31;
	[tilespmem:v16+s16+$0x0] =	vst.idx.msk $0xffff, v13  }
0xac: {  	v19 =	vadd.s32 s25, v0;
	v15 =	vor.u32 v2, v11;
	[tilespmem:v23+s16+$0x0] =	vst.idx.msk $0xffff, v25;
	v25 =	vshll.u32 v32, $0x7;
	v11 =	vld.idx.msk [tilespmem:v28+s15+$0x0], $0xffff  }
0xad: {  	v13 =	vshll.u32 v21, $0x7;
	[tilespmem:v14+s16+$0x0] =	vst.idx.msk $0xffff, v18;
	v14 =	vshll.u32 v34, $0x7;
	v25 =	vor.u32 v1, v25  }
0xae: {  	v28 =	vand.u32 $0xF, v3;
	v16 =	vand.u32 $0xF, v19;
	v27 =	vld.idx.msk [tilespmem:v27+s15+$0x0], $0xffff;
	v35 =	vor.u32 $0x10, v19  }
0xaf: {  	v12 =	vld.idx.msk [tilespmem:v12+s15+$0x0], $0xffff;
	v13 =	vor.u32 v1, v13;
	v2 =	vshll.u32 v28, $0x7;
	v23 =	vshll.u32 v16, $0x7  }
0xb0: {  	v18 =	vshll.u32 v35, $0x7;
	v33 =	vor.u32 v1, v2;
	v23 =	vor.u32 v1, v23  }
0xb1: {  	v2 =	vshll.u32 v1, $0x7;
	v38 =	vor.u32 v1, v18;
	v18 =	vor.u32 $0x10, v7;
	[tilespmem:v9+s16+$0x0] =	vst.idx.msk $0xffff, v11;
	v9 =	vld.idx.msk [tilespmem:v6+s15+$0x0], $0xffff  }
0xb2: {  	v37 =	vor.u32 v21, v2;
	v39 =	vor.u32 v2, v32;
	v40 =	vor.u32 v2, v16;
	v25 =	vld.idx.msk [tilespmem:v25+s15+$0x0], $0xffff  }
0xb3: {  	v21 =	vor.u32 $0x20, v21;
	v6 =	vor.u32 v1, v14;
	v11 =	vshll.u32 v36, $0x7;
	[tilespmem:v5+s16+$0x0] =	vst.idx.msk $0xffff, v27;
	v14 =	vld.idx.msk [tilespmem:v8+s15+$0x0], $0xffff  }
0xb4: {  	[tilespmem:v10+s16+$0x0] =	vst.idx.msk $0xffff, v12;
	v10 =	vshll.u32 v18, $0x7;
	v5 =	vor.u32 $0x20, v16;
	v12 =	vshll.u32 v21, $0x7;
	v42 =	vld.idx.msk [tilespmem:v20+s15+$0x0], $0xffff  }
0xb5: {  	v8 =	vor.u32 v2, v28;
	v27 =	vor.u32 v1, v10;
	v10 =	vor.u32 v17, v26;
	v17 =	vld.idx.msk [tilespmem:v13+s15+$0x0], $0xffff  }
0xb6: {  	v41 =	vor.u32 v1, v11;
	v11 =	vor.u32 v2, v36;
	v23 =	vld.idx.msk [tilespmem:v23+s15+$0x0], $0xffff;
	[tilespmem:v30+s16+$0x0] =	vst.idx.msk $0xffff, v9  }
0xb7: {  	v16 =	vshll.u32 v5, $0x7;
	v13 =	vor.u32 v18, v2;
	v12 =	vor.u32 v1, v12;
	[tilespmem:v39+s16+$0x0] =	vst.idx.msk $0xffff, v25  }
0xb8: {  	v63 =	vld.idx.msk [tilespmem:v4+s15+$0x0], $0xffff;
	v4 =	vor.u32 v2, v21;
	v20 =	vor.u32 v2, v35;
	[tilespmem:v22+s16+$0x0] =	vst.idx.msk $0xffff, v14  }
0xb9: {  	v26 =	vor.u32 $0x30, v7;
	v7 =	vor.u32 $0x30, v19;
	v16 =	vor.u32 v1, v16;
	[tilespmem:v24+s16+$0x0] =	vst.idx.msk $0xffff, v42  }
0xba: {  	v30 =	vor.u32 $0x20, v32;
	v9 =	vor.u32 v2, v5;
	v18 =	vld.idx.msk [tilespmem:v15+s15+$0x0], $0xffff;
	v15 =	vor.u32 $0x20, v28;
	[tilespmem:v37+s16+$0x0] =	vst.idx.msk $0xffff, v17  }
0xbb: {  	v14 =	vor.u32 v2, v34;
	v22 =	vor.u32 $0x30, v31;
	v17 =	vshll.u32 v7, $0x7;
	[tilespmem:v40+s16+$0x0] =	vst.idx.msk $0xffff, v23;
	v23 =	vld.idx.msk [tilespmem:v33+s15+$0x0], $0xffff  }
0xbc: {  	s9 =	sshll.u32 s9, $0xC;
	v7 =	vor.u32 v2, v7;
	v21 =	vshll.u32 v15, $0x7;
	v5 =	vor.u32 v2, v15;
	v24 =	vld.idx.msk [tilespmem:v38+s15+$0x0], $0xffff  }
0xbd: {  	s9 =	sor.u32 s5, s9;
	v25 =	vld.idx.msk [tilespmem:v41+s15+$0x0], $0xffff;
	[tilespmem:v29+s16+$0x0] =	vst.idx.msk $0xffff, v63;
	v28 =	vshll.u32 v22, $0x7;
	v15 =	vor.u32 v1, v21;
	v21 =	vshll.u32 v30, $0x7  }
0xbe: {  	s9 =	smin.u32 s9, $0xF4180;
	v27 =	vld.idx.msk [tilespmem:v27+s15+$0x0], $0xffff;
	v19 =	vor.u32 v1, v17;
	v17 =	vor.u32 v2, v30;
	v21 =	vor.u32 v1, v21  }
.LBB2_9:
0xbf: {  	s3 =	sadd.s32 $0x4, s3;
	v29 =	vshll.u32 v26, $0x7;
	v26 =	vor.u32 v26, v2;
	v28 =	vor.u32 v1, v28;
	[tilespmem:v10+s16+$0x0] =	vst.idx.msk $0xffff, v18  }
0xc0: {  	v18 =	vor.u32 $0x30, v3;
	s10 =	sand.u32 $0x70, s3;
	s20 =	sand.u32 $0xC, s3;
	p2 =	slt.u32 s3, $0x7C;
	v10 =	vor.u32 v1, v29;
	[tilespmem:v8+s16+$0x0] =	vst.idx.msk $0xffff, v23;
	v29 =	vor.u32 v2, v22  }
0xc1: {  	v22 =	vshll.u32 v18, $0x7;
	v8 =	vor.u32 s10, v0;
	v30 =	vadd.s32 s20, v0;
	s10 =	sor.u32 $0x1, s20;
	s25 =	sor.u32 $0x2, s20;
	s20 =	sor.u32 $0x3, s20;
	v6 =	vld.idx.msk [tilespmem:v6+s15+$0x0], $0xffff;
	[tilespmem:v20+s16+$0x0] =	vst.idx.msk $0xffff, v24  }
0xc2: {  	v20 =	vor.u32 v1, v22;
	v3 =	vadd.s32 s10, v0;
	v31 =	vadd.s32 s25, v0;
	v16 =	vld.idx.msk [tilespmem:v16+s15+$0x0], $0xffff;
	v1 =	vmovc v8  }
0xc3: {  	v22 =	vand.u32 $0xF, v30;
	v32 =	vadd.s32 s20, v0;
	v24 =	vand.u32 $0xF, v3;
	[tilespmem:v11+s16+$0x0] =	vst.idx.msk $0xffff, v25  }
0xc4: {  	v8 =	vshll.u32 v22, $0x7;
	v11 =	vand.u32 $0xF, v31;
	v23 =	vand.u32 $0xF, v32;
	[tilespmem:v13+s16+$0x0] =	vst.idx.msk $0xffff, v27;
	v13 =	vld.idx.msk [tilespmem:v21+s15+$0x0], $0xffff  }
0xc5: {  	v21 =	vshll.u32 v24, $0x7;
	v25 =	vshll.u32 v11, $0x7;
	v27 =	vshll.u32 v23, $0x7;
	v12 =	vld.idx.msk [tilespmem:v12+s15+$0x0], $0xffff  }
0xc6: {  	v21 =	vor.u32 v1, v21;
	v25 =	vor.u32 v1, v25;
	v27 =	vor.u32 v1, v27  }
0xc7: {  	v33 =	vor.u32 $0x10, v3;
	v34 =	vor.u32 $0x10, v31;
	v35 =	vor.u32 $0x10, v32;
	[tilespmem:v14+s16+$0x0] =	vst.idx.msk $0xffff, v6  }
0xc8: {  	v36 =	vshll.u32 v34, $0x7;
	v14 =	vshll.u32 v1, $0x7;
	v6 =	vshll.u32 v33, $0x7;
	v15 =	vld.idx.msk [tilespmem:v15+s15+$0x0], $0xffff;
	[tilespmem:v9+s16+$0x0] =	vst.idx.msk $0xffff, v16  }
0xc9: {  	v36 =	vor.u32 v1, v36;
	v37 =	vor.u32 v22, v14;
	v6 =	vor.u32 v1, v6;
	v9 =	vld.idx.msk [tilespmem:v19+s15+$0x0], $0xffff  }
0xca: {  	v16 =	vor.u32 v1, v8;
	v8 =	vor.u32 v14, v24;
	v19 =	vor.u32 v14, v23  }
0xcb: {  	v38 =	vor.u32 $0x10, v30;
	v40 =	vshll.u32 v35, $0x7;
	v39 =	vor.u32 v14, v11;
	v27 =	vld.idx.msk [tilespmem:v27+s15+$0x0], $0xffff;
	[tilespmem:v17+s16+$0x0] =	vst.idx.msk $0xffff, v13  }
0xcc: {  	v13 =	vshll.u32 v38, $0x7;
	v17 =	vor.u32 $0x20, v22;
	v22 =	vld.idx.msk [tilespmem:v25+s15+$0x0], $0xffff;
	v25 =	vor.u32 v1, v40;
	[tilespmem:v4+s16+$0x0] =	vst.idx.msk $0xffff, v12  }
0xcd: {  	v41 =	vor.u32 $0x20, v11;
	v40 =	vor.u32 v1, v13;
	v42 =	vld.idx.msk [tilespmem:v10+s15+$0x0], $0xffff;
	v10 =	vor.u32 v2, v18;
	v2 =	vmovc v14  }
0xce: {  	v4 =	vshll.u32 v17, $0x7;
	v12 =	vshll.u32 v41, $0x7;
	v11 =	vor.u32 v2, v35;
	[tilespmem:v5+s16+$0x0] =	vst.idx.msk $0xffff, v15;
	v35 =	vld.idx.msk [tilespmem:v28+s15+$0x0], $0xffff  }
0xcf: {  	v13 =	vor.u32 v38, v2;
	v38 =	vor.u32 $0x20, v23;
	v28 =	vld.idx.msk [tilespmem:v16+s15+$0x0], $0xffff;
	v16 =	vor.u32 v1, v12  }
0xd0: {  	v12 =	vor.u32 v1, v4;
	v4 =	vor.u32 v2, v17;
	v18 =	vld.idx.msk [tilespmem:v20+s15+$0x0], $0xffff;
	[tilespmem:v7+s16+$0x0] =	vst.idx.msk $0xffff, v9  }
0xd1: {  	v5 =	vor.u32 $0x20, v24;
	v20 =	vor.u32 v2, v34;
	v9 =	vor.u32 v2, v41;
	v23 =	vld.idx.msk [tilespmem:v21+s15+$0x0], $0xffff  }
.Ltmp7:
0xd2: {  	v14 =	vor.u32 v2, v33;
	v7 =	vshll.u32 v5, $0x7;
	v5 =	vor.u32 v2, v5;
	[tilespmem:v39+s16+$0x0] =	vst.idx.msk $0xffff, v22;
	(pc) =	sbr.rel @p2 .LBB2_9-.Ltmp7, $4  }
0xd3: {  	v15 =	vor.u32 v1, v7;
	v7 =	vshll.u32 v38, $0x7;
	v22 =	vor.u32 $0x30, v32;
	v24 =	vld.idx.msk [tilespmem:v36+s15+$0x0], $0xffff;
	[tilespmem:v26+s16+$0x0] =	vst.idx.msk $0xffff, v42  }
0xd4: {  	v17 =	vor.u32 $0x30, v31;
	v21 =	vor.u32 v1, v7;
	v26 =	vor.u32 $0x30, v30;
	[tilespmem:v19+s16+$0x0] =	vst.idx.msk $0xffff, v27  }
0xd5: {  	v7 =	vor.u32 v2, v17;
	v19 =	vshll.u32 v17, $0x7;
	[tilespmem:v37+s16+$0x0] =	vst.idx.msk $0xffff, v28;
	v25 =	vld.idx.msk [tilespmem:v25+s15+$0x0], $0xffff;
	v28 =	vshll.u32 v22, $0x7  }
0xd6: {  	v17 =	vor.u32 v2, v38;
	v19 =	vor.u32 v1, v19;
	v27 =	vld.idx.msk [tilespmem:v40+s15+$0x0], $0xffff;
	[tilespmem:v29+s16+$0x0] =	vst.idx.msk $0xffff, v35  }
0xd7: {  	_ =	sdelay $0x3  }
0xd8: {  	[tilespmem:v8+s16+$0x0] =	vst.idx.msk $0xffff, v23  }
0xd9: {  	v6 =	vld.idx.msk [tilespmem:v6+s15+$0x0], $0xffff;
	_ =	sdelay $0x1  }
0xda: {  	[tilespmem:v20+s16+$0x0] =	vst.idx.msk $0xffff, v24  }
0xdb: {  	v53 =	vld.idx.msk [tilespmem:v16+s15+$0x0], $0xffff;
	[tilespmem:v11+s16+$0x0] =	vst.idx.msk $0xffff, v25  }
0xdc: {  	[tilespmem:v13+s16+$0x0] =	vst.idx.msk $0xffff, v27;
	v57 =	vld.idx.msk [tilespmem:v21+s15+$0x0], $0xffff  }
0xdd: {  	v54 =	vshll.u32 v26, $0x7;
	v3 =	vor.u32 $0x30, v3;
	v58 =	vor.u32 v1, v28;
	v55 =	vld.idx.msk [tilespmem:v12+s15+$0x0], $0xffff;
	[tilespmem:v14+s16+$0x0] =	vst.idx.msk $0xffff, v6  }
0xde: {  	v56 =	vor.u32 v1, v54;
	v59 =	vshll.u32 v3, $0x7;
	v15 =	vld.idx.msk [tilespmem:v15+s15+$0x0], $0xffff  }
0xdf: {  	v1 =	vor.u32 v1, v59  }
0xe0: {  	[tilespmem:v9+s16+$0x0] =	vst.idx.msk $0xffff, v53  }
0xe1: {  	v8 =	vld.idx.msk [tilespmem:v19+s15+$0x0], $0xffff;
	[tilespmem:v17+s16+$0x0] =	vst.idx.msk $0xffff, v57  }
0xe2: {  	v62 =	vor.u32 v2, v22;
	[tilespmem:v4+s16+$0x0] =	vst.idx.msk $0xffff, v55;
	v63 =	vld.idx.msk [tilespmem:v58+s15+$0x0], $0xffff  }
0xe3: {  	v60 =	vor.u32 v26, v2;
	v61 =	vld.idx.msk [tilespmem:v56+s15+$0x0], $0xffff;
	[tilespmem:v5+s16+$0x0] =	vst.idx.msk $0xffff, v15  }
0xe4: {  	v2 =	vor.u32 v2, v3;
	v1 =	vld.idx.msk [tilespmem:v1+s15+$0x0], $0xffff  }
0xe5: {  	[tilespmem:v10+s16+$0x0] =	vst.idx.msk $0xffff, v18  }
0xe6: {  	[tilespmem:v7+s16+$0x0] =	vst.idx.msk $0xffff, v8  }
.Ltmp8:
0xe7: {  	[tilespmem:v62+s16+$0x0] =	vst.idx.msk $0xffff, v63;
	(pc) =	sbr.rel @p1 .LBB2_13-.Ltmp8, $4  }
0xe8: {  	s3 =	sshll.u32 s9, $0x4;
	[tilespmem:v60+s16+$0x0] =	vst.idx.msk $0xffff, v61  }
0xe9: {  	s3 =	sadd.s32 s6, s3;
	[tilespmem:v2+s16+$0x0] =	vst.idx.msk $0xffff, v1  }
0xea: {  	[hbm4b:s3+s4] =	stream.linear.scatter [tilespmem:s16], [sflag:$0x7], $0x4000, $0x38;
	[tilespmem:$0x1A000] =	vst v63  }
0xeb: {  	s3 =	simm.s32 $0xF7  }
0xec: {  	s10 =	sshll.u32 s0, $0xE  }
.LBB2_12:
0xed: {  	s3 =	sor.u32 s8, s10  }
0xee: {  	s3 =	smin.u32 s3, $0xF4180  }
0xef: {  	s3 =	sadd.s32 s1, s3  }
0xf0: {  	[tilespmem:s15], [sflag:$0x3] =	stream.strided.gather [hbm4b:s3+s28], $0x2000, s29, s28, $0x38;
	[tilespmem:$0x1A000] =	vst v63  }
0xf1: {  	s3 =	sadd.s32 $0xFFFFFFFF, s2  }
0xf2: {  	p2 =	sgt.u32 s3, $0xF7  }
.Ltmp9:
0xf3: {  	_ = 	snop;
	(pc) =	sbr.rel @p2 .LBB2_17-.Ltmp9, $1  }
0xf4: {  	_ =	sdelay $0x3  }
.LBB2_13:
0xf5: {  	s2 =	simm.s32 $0x0  }
0xf6: {  	s9 =	sand.u32 $0x70, s2;
	s2 =	sand.u32 $0xC, s2  }
0xf7: {  	v2 =	vor.u32 s9, v0;
	s25 =	sor.u32 $0x1, s2;
	s10 =	sor.u32 $0x2, s2;
	v1 =	vadd.s32 s2, v0  }
0xf8: {  	s2 =	sor.u32 $0x3, s2;
	v3 =	vadd.s32 s25, v0;
	v4 =	vadd.s32 s10, v0;
	v5 =	vand.u32 $0xF, v1  }
0xf9: {  	v7 =	vadd.s32 s2, v0;
	v17 =	vshll.u32 v2, $0x7;
	v23 =	vor.u32 $0x10, v1  }
0xfa: {  	v1 =	vor.u32 $0x30, v1;
	v6 =	vand.u32 $0xF, v3;
	v8 =	vshll.u32 v5, $0x7  }
0xfb: {  	v9 =	vand.u32 $0xF, v4;
	v10 =	vand.u32 $0xF, v7;
	v14 =	vor.u32 $0x10, v3  }
0xfc: {  	v15 =	vor.u32 $0x10, v4;
	v16 =	vor.u32 $0x10, v7;
	v20 =	vor.u32 v5, v17  }
0xfd: {  	_ =	swait.ge [sflag:s17], $0x2000;
	v26 =	vshll.u32 v23, $0x7;
	v5 =	vor.u32 $0x20, v5;
	v23 =	vor.u32 v23, v17  }
0xfe: {  	p2 =	slt.u32 s0, $0x2;
	[sflag:s17] =	ssyncset.done $0x0;
	v7 =	vor.u32 $0x30, v7;
	v12 =	vshll.u32 v9, $0x7;
	v8 =	vor.u32 v2, v8  }
0xff: {  	[sflag:s17] =	ssyncadd.s32 $0xFFFFE000;
	s2 =	simm.s32 @!p2 $0x8;
	v4 =	vor.u32 $0x30, v4;
	v13 =	vshll.u32 v10, $0x7;
	v12 =	vor.u32 v2, v12  }
0x100: {  	_ =	swait.ge @!p2 [sflag:s2], $0x4000;
	v11 =	vshll.u32 v6, $0x7;
	v18 =	vshll.u32 v14, $0x7;
	v13 =	vor.u32 v2, v13  }
0x101: {  	v19 =	vshll.u32 v15, $0x7;
	v21 =	vor.u32 v17, v6;
	v22 =	vor.u32 v17, v10;
	[sflag:s2] =	ssyncset.done @!p2 $0x0  }
0x102: {  	v24 =	vor.u32 v17, v9;
	v25 =	vshll.u32 v16, $0x7;
	v11 =	vor.u32 v2, v11;
	[sflag:s2] =	ssyncadd.s32 @!p2 $0xFFFFC000  }
0x103: {  	v26 =	vor.u32 v2, v26;
	v9 =	vor.u32 $0x20, v9;
	v27 =	vshll.u32 v5, $0x7;
	v8 =	vld.idx.msk [tilespmem:v8+s18+$0x0], $0xffff  }
0x104: {  	v16 =	vor.u32 v17, v16;
	v10 =	vor.u32 $0x20, v10;
	v5 =	vor.u32 v17, v5;
	v12 =	vld.idx.msk [tilespmem:v12+s18+$0x0], $0xffff  }
0x105: {  	v6 =	vor.u32 $0x20, v6;
	v15 =	vor.u32 v17, v15;
	v19 =	vor.u32 v2, v19;
	v13 =	vld.idx.msk [tilespmem:v13+s18+$0x0], $0xffff  }
0x106: {  	v14 =	vor.u32 v17, v14;
	v18 =	vor.u32 v2, v18;
	v25 =	vor.u32 v2, v25  }
0x107: {  	v28 =	vshll.u32 v9, $0x7;
	v27 =	vor.u32 v2, v27;
	v9 =	vor.u32 v17, v9;
	v11 =	vld.idx.msk [tilespmem:v11+s18+$0x0], $0xffff  }
0x108: {  	v29 =	vshll.u32 v6, $0x7;
	v30 =	vor.u32 v17, v6;
	v28 =	vor.u32 v2, v28;
	[tilespmem:v20+s19+$0x0] =	vst.idx.msk $0xffff, v8  }
0x109: {  	v6 =	vor.u32 v2, v29;
	v29 =	vor.u32 v17, v7;
	v20 =	vshll.u32 v1, $0x7;
	[tilespmem:v24+s19+$0x0] =	vst.idx.msk $0xffff, v12  }
0x10a: {  	v12 =	vshll.u32 v10, $0x7;
	[tilespmem:v22+s19+$0x0] =	vst.idx.msk $0xffff, v13;
	v13 =	vshll.u32 v4, $0x7;
	v22 =	vor.u32 v17, v4;
	v19 =	vld.idx.msk [tilespmem:v19+s18+$0x0], $0xffff  }
0x10b: {  	s2 =	simm.s32 $0x4;
	v4 =	vshll.u32 v7, $0x7;
	v10 =	vor.u32 v17, v10;
	v8 =	vor.u32 v2, v13;
	v13 =	vld.idx.msk [tilespmem:v25+s18+$0x0], $0xffff  }
0x10c: {  	s20 =	sand.u32 $0x70, s2;
	s10 =	sand.u32 $0xC, s2;
	v24 =	vor.u32 v1, v17;
	v20 =	vor.u32 v2, v20;
	[tilespmem:v21+s19+$0x0] =	vst.idx.msk $0xffff, v11;
	v25 =	vld.idx.msk [tilespmem:v26+s18+$0x0], $0xffff  }
0x10d: {  	s25 =	sor.u32 $0x1, s10;
	v1 =	vor.u32 s20, v0;
	v7 =	vadd.s32 s10, v0;
	v12 =	vor.u32 v2, v12;
	v18 =	vld.idx.msk [tilespmem:v18+s18+$0x0], $0xffff  }
0x10e: {  	s20 =	sor.u32 $0x2, s10;
	s10 =	sor.u32 $0x3, s10;
	v4 =	vor.u32 v2, v4;
	v26 =	vor.u32 $0x30, v3;
	v3 =	vadd.s32 s25, v0  }
0x10f: {  	v21 =	vand.u32 $0xF, v7;
	v31 =	vadd.s32 s10, v0;
	v11 =	vshll.u32 v26, $0x7;
	[tilespmem:v15+s19+$0x0] =	vst.idx.msk $0xffff, v19  }
0x110: {  	v32 =	vand.u32 $0xF, v31;
	v34 =	vor.u32 $0x10, v3;
	v36 =	vor.u32 $0x10, v31;
	[tilespmem:v16+s19+$0x0] =	vst.idx.msk $0xffff, v13  }
0x111: {  	v19 =	vadd.s32 s20, v0;
	v15 =	vor.u32 v2, v11;
	[tilespmem:v23+s19+$0x0] =	vst.idx.msk $0xffff, v25;
	v25 =	vshll.u32 v32, $0x7;
	v11 =	vld.idx.msk [tilespmem:v28+s18+$0x0], $0xffff  }
0x112: {  	v13 =	vshll.u32 v21, $0x7;
	[tilespmem:v14+s19+$0x0] =	vst.idx.msk $0xffff, v18;
	v14 =	vshll.u32 v34, $0x7;
	v25 =	vor.u32 v1, v25  }
0x113: {  	v28 =	vand.u32 $0xF, v3;
	v16 =	vand.u32 $0xF, v19;
	v27 =	vld.idx.msk [tilespmem:v27+s18+$0x0], $0xffff;
	v35 =	vor.u32 $0x10, v19  }
0x114: {  	v12 =	vld.idx.msk [tilespmem:v12+s18+$0x0], $0xffff;
	v13 =	vor.u32 v1, v13;
	v2 =	vshll.u32 v28, $0x7;
	v23 =	vshll.u32 v16, $0x7  }
0x115: {  	v18 =	vshll.u32 v35, $0x7;
	v33 =	vor.u32 v1, v2;
	v23 =	vor.u32 v1, v23  }
0x116: {  	v2 =	vshll.u32 v1, $0x7;
	v38 =	vor.u32 v1, v18;
	v18 =	vor.u32 $0x10, v7;
	[tilespmem:v9+s19+$0x0] =	vst.idx.msk $0xffff, v11;
	v9 =	vld.idx.msk [tilespmem:v6+s18+$0x0], $0xffff  }
0x117: {  	v37 =	vor.u32 v21, v2;
	v39 =	vor.u32 v2, v32;
	v40 =	vor.u32 v2, v16;
	v25 =	vld.idx.msk [tilespmem:v25+s18+$0x0], $0xffff  }
0x118: {  	v21 =	vor.u32 $0x20, v21;
	v6 =	vor.u32 v1, v14;
	v11 =	vshll.u32 v36, $0x7;
	[tilespmem:v5+s19+$0x0] =	vst.idx.msk $0xffff, v27;
	v14 =	vld.idx.msk [tilespmem:v8+s18+$0x0], $0xffff  }
0x119: {  	[tilespmem:v10+s19+$0x0] =	vst.idx.msk $0xffff, v12;
	v10 =	vshll.u32 v18, $0x7;
	v5 =	vor.u32 $0x20, v16;
	v12 =	vshll.u32 v21, $0x7;
	v42 =	vld.idx.msk [tilespmem:v20+s18+$0x0], $0xffff  }
0x11a: {  	v8 =	vor.u32 v2, v28;
	v27 =	vor.u32 v1, v10;
	v10 =	vor.u32 v17, v26;
	v17 =	vld.idx.msk [tilespmem:v13+s18+$0x0], $0xffff  }
0x11b: {  	v41 =	vor.u32 v1, v11;
	v11 =	vor.u32 v2, v36;
	v23 =	vld.idx.msk [tilespmem:v23+s18+$0x0], $0xffff;
	[tilespmem:v30+s19+$0x0] =	vst.idx.msk $0xffff, v9  }
0x11c: {  	v16 =	vshll.u32 v5, $0x7;
	v13 =	vor.u32 v18, v2;
	v12 =	vor.u32 v1, v12;
	[tilespmem:v39+s19+$0x0] =	vst.idx.msk $0xffff, v25  }
0x11d: {  	v63 =	vld.idx.msk [tilespmem:v4+s18+$0x0], $0xffff;
	v4 =	vor.u32 v2, v21;
	v20 =	vor.u32 v2, v35;
	[tilespmem:v22+s19+$0x0] =	vst.idx.msk $0xffff, v14  }
0x11e: {  	v26 =	vor.u32 $0x30, v7;
	v7 =	vor.u32 $0x30, v19;
	v16 =	vor.u32 v1, v16;
	[tilespmem:v24+s19+$0x0] =	vst.idx.msk $0xffff, v42  }
0x11f: {  	v30 =	vor.u32 $0x20, v32;
	v9 =	vor.u32 v2, v5;
	v18 =	vld.idx.msk [tilespmem:v15+s18+$0x0], $0xffff;
	v15 =	vor.u32 $0x20, v28;
	[tilespmem:v37+s19+$0x0] =	vst.idx.msk $0xffff, v17  }
0x120: {  	v14 =	vor.u32 v2, v34;
	v22 =	vor.u32 $0x30, v31;
	v17 =	vshll.u32 v7, $0x7;
	[tilespmem:v40+s19+$0x0] =	vst.idx.msk $0xffff, v23;
	v23 =	vld.idx.msk [tilespmem:v33+s18+$0x0], $0xffff  }
0x121: {  	s3 =	sshll.u32 s3, $0xC;
	v7 =	vor.u32 v2, v7;
	v21 =	vshll.u32 v15, $0x7;
	v5 =	vor.u32 v2, v15;
	v24 =	vld.idx.msk [tilespmem:v38+s18+$0x0], $0xffff  }
0x122: {  	s3 =	sor.u32 s5, s3;
	v25 =	vld.idx.msk [tilespmem:v41+s18+$0x0], $0xffff;
	[tilespmem:v29+s19+$0x0] =	vst.idx.msk $0xffff, v63;
	v28 =	vshll.u32 v22, $0x7;
	v15 =	vor.u32 v1, v21;
	v21 =	vshll.u32 v30, $0x7  }
0x123: {  	s3 =	smin.u32 s3, $0xF4180;
	v27 =	vld.idx.msk [tilespmem:v27+s18+$0x0], $0xffff;
	v19 =	vor.u32 v1, v17;
	v17 =	vor.u32 v2, v30;
	v21 =	vor.u32 v1, v21  }
.LBB2_14:
0x124: {  	s2 =	sadd.s32 $0x4, s2;
	v29 =	vshll.u32 v26, $0x7;
	v26 =	vor.u32 v26, v2;
	v28 =	vor.u32 v1, v28;
	[tilespmem:v10+s19+$0x0] =	vst.idx.msk $0xffff, v18  }
0x125: {  	v18 =	vor.u32 $0x30, v3;
	s9 =	sand.u32 $0x70, s2;
	s10 =	sand.u32 $0xC, s2;
	p2 =	slt.u32 s2, $0x7C;
	v10 =	vor.u32 v1, v29;
	[tilespmem:v8+s19+$0x0] =	vst.idx.msk $0xffff, v23;
	v29 =	vor.u32 v2, v22  }
0x126: {  	v22 =	vshll.u32 v18, $0x7;
	v8 =	vor.u32 s9, v0;
	v30 =	vadd.s32 s10, v0;
	s9 =	sor.u32 $0x1, s10;
	s20 =	sor.u32 $0x2, s10;
	s10 =	sor.u32 $0x3, s10;
	v6 =	vld.idx.msk [tilespmem:v6+s18+$0x0], $0xffff;
	[tilespmem:v20+s19+$0x0] =	vst.idx.msk $0xffff, v24  }
0x127: {  	v20 =	vor.u32 v1, v22;
	v3 =	vadd.s32 s9, v0;
	v31 =	vadd.s32 s20, v0;
	v16 =	vld.idx.msk [tilespmem:v16+s18+$0x0], $0xffff;
	v1 =	vmovc v8  }
0x128: {  	v22 =	vand.u32 $0xF, v30;
	v32 =	vadd.s32 s10, v0;
	v24 =	vand.u32 $0xF, v3;
	[tilespmem:v11+s19+$0x0] =	vst.idx.msk $0xffff, v25  }
0x129: {  	v8 =	vshll.u32 v22, $0x7;
	v11 =	vand.u32 $0xF, v31;
	v23 =	vand.u32 $0xF, v32;
	[tilespmem:v13+s19+$0x0] =	vst.idx.msk $0xffff, v27;
	v13 =	vld.idx.msk [tilespmem:v21+s18+$0x0], $0xffff  }
0x12a: {  	v21 =	vshll.u32 v24, $0x7;
	v25 =	vshll.u32 v11, $0x7;
	v27 =	vshll.u32 v23, $0x7;
	v12 =	vld.idx.msk [tilespmem:v12+s18+$0x0], $0xffff  }
0x12b: {  	v21 =	vor.u32 v1, v21;
	v25 =	vor.u32 v1, v25;
	v27 =	vor.u32 v1, v27  }
0x12c: {  	v33 =	vor.u32 $0x10, v3;
	v34 =	vor.u32 $0x10, v31;
	v35 =	vor.u32 $0x10, v32;
	[tilespmem:v14+s19+$0x0] =	vst.idx.msk $0xffff, v6  }
0x12d: {  	v36 =	vshll.u32 v34, $0x7;
	v14 =	vshll.u32 v1, $0x7;
	v6 =	vshll.u32 v33, $0x7;
	v15 =	vld.idx.msk [tilespmem:v15+s18+$0x0], $0xffff;
	[tilespmem:v9+s19+$0x0] =	vst.idx.msk $0xffff, v16  }
0x12e: {  	v36 =	vor.u32 v1, v36;
	v37 =	vor.u32 v22, v14;
	v6 =	vor.u32 v1, v6;
	v9 =	vld.idx.msk [tilespmem:v19+s18+$0x0], $0xffff  }
0x12f: {  	v16 =	vor.u32 v1, v8;
	v8 =	vor.u32 v14, v24;
	v19 =	vor.u32 v14, v23  }
0x130: {  	v38 =	vor.u32 $0x10, v30;
	v40 =	vshll.u32 v35, $0x7;
	v39 =	vor.u32 v14, v11;
	v27 =	vld.idx.msk [tilespmem:v27+s18+$0x0], $0xffff;
	[tilespmem:v17+s19+$0x0] =	vst.idx.msk $0xffff, v13  }
0x131: {  	v13 =	vshll.u32 v38, $0x7;
	v17 =	vor.u32 $0x20, v22;
	v22 =	vld.idx.msk [tilespmem:v25+s18+$0x0], $0xffff;
	v25 =	vor.u32 v1, v40;
	[tilespmem:v4+s19+$0x0] =	vst.idx.msk $0xffff, v12  }
0x132: {  	v41 =	vor.u32 $0x20, v11;
	v40 =	vor.u32 v1, v13;
	v42 =	vld.idx.msk [tilespmem:v10+s18+$0x0], $0xffff;
	v10 =	vor.u32 v2, v18;
	v2 =	vmovc v14  }
0x133: {  	v4 =	vshll.u32 v17, $0x7;
	v12 =	vshll.u32 v41, $0x7;
	v11 =	vor.u32 v2, v35;
	[tilespmem:v5+s19+$0x0] =	vst.idx.msk $0xffff, v15;
	v35 =	vld.idx.msk [tilespmem:v28+s18+$0x0], $0xffff  }
0x134: {  	v13 =	vor.u32 v38, v2;
	v38 =	vor.u32 $0x20, v23;
	v28 =	vld.idx.msk [tilespmem:v16+s18+$0x0], $0xffff;
	v16 =	vor.u32 v1, v12  }
0x135: {  	v12 =	vor.u32 v1, v4;
	v4 =	vor.u32 v2, v17;
	v18 =	vld.idx.msk [tilespmem:v20+s18+$0x0], $0xffff;
	[tilespmem:v7+s19+$0x0] =	vst.idx.msk $0xffff, v9  }
0x136: {  	v5 =	vor.u32 $0x20, v24;
	v20 =	vor.u32 v2, v34;
	v9 =	vor.u32 v2, v41;
	v23 =	vld.idx.msk [tilespmem:v21+s18+$0x0], $0xffff  }
.Ltmp10:
0x137: {  	v14 =	vor.u32 v2, v33;
	v7 =	vshll.u32 v5, $0x7;
	v5 =	vor.u32 v2, v5;
	[tilespmem:v39+s19+$0x0] =	vst.idx.msk $0xffff, v22;
	(pc) =	sbr.rel @p2 .LBB2_14-.Ltmp10, $4  }
0x138: {  	v15 =	vor.u32 v1, v7;
	v7 =	vshll.u32 v38, $0x7;
	v22 =	vor.u32 $0x30, v32;
	v24 =	vld.idx.msk [tilespmem:v36+s18+$0x0], $0xffff;
	[tilespmem:v26+s19+$0x0] =	vst.idx.msk $0xffff, v42  }
0x139: {  	v17 =	vor.u32 $0x30, v31;
	v21 =	vor.u32 v1, v7;
	v26 =	vor.u32 $0x30, v30;
	[tilespmem:v19+s19+$0x0] =	vst.idx.msk $0xffff, v27  }
0x13a: {  	v7 =	vor.u32 v2, v17;
	v19 =	vshll.u32 v17, $0x7;
	[tilespmem:v37+s19+$0x0] =	vst.idx.msk $0xffff, v28;
	v25 =	vld.idx.msk [tilespmem:v25+s18+$0x0], $0xffff;
	v28 =	vshll.u32 v22, $0x7  }
0x13b: {  	v17 =	vor.u32 v2, v38;
	v19 =	vor.u32 v1, v19;
	v27 =	vld.idx.msk [tilespmem:v40+s18+$0x0], $0xffff;
	[tilespmem:v29+s19+$0x0] =	vst.idx.msk $0xffff, v35  }
0x13c: {  	_ =	sdelay $0x3  }
0x13d: {  	[tilespmem:v8+s19+$0x0] =	vst.idx.msk $0xffff, v23  }
0x13e: {  	v6 =	vld.idx.msk [tilespmem:v6+s18+$0x0], $0xffff;
	_ =	sdelay $0x1  }
0x13f: {  	[tilespmem:v20+s19+$0x0] =	vst.idx.msk $0xffff, v24  }
0x140: {  	v53 =	vld.idx.msk [tilespmem:v16+s18+$0x0], $0xffff;
	[tilespmem:v11+s19+$0x0] =	vst.idx.msk $0xffff, v25  }
0x141: {  	[tilespmem:v13+s19+$0x0] =	vst.idx.msk $0xffff, v27;
	v57 =	vld.idx.msk [tilespmem:v21+s18+$0x0], $0xffff  }
0x142: {  	v54 =	vshll.u32 v26, $0x7;
	v3 =	vor.u32 $0x30, v3;
	v58 =	vor.u32 v1, v28;
	v55 =	vld.idx.msk [tilespmem:v12+s18+$0x0], $0xffff;
	[tilespmem:v14+s19+$0x0] =	vst.idx.msk $0xffff, v6  }
0x143: {  	v56 =	vor.u32 v1, v54;
	v59 =	vshll.u32 v3, $0x7;
	v15 =	vld.idx.msk [tilespmem:v15+s18+$0x0], $0xffff  }
0x144: {  	v1 =	vor.u32 v1, v59  }
0x145: {  	[tilespmem:v9+s19+$0x0] =	vst.idx.msk $0xffff, v53  }
0x146: {  	v8 =	vld.idx.msk [tilespmem:v19+s18+$0x0], $0xffff;
	[tilespmem:v17+s19+$0x0] =	vst.idx.msk $0xffff, v57  }
0x147: {  	v62 =	vor.u32 v2, v22;
	[tilespmem:v4+s19+$0x0] =	vst.idx.msk $0xffff, v55;
	v63 =	vld.idx.msk [tilespmem:v58+s18+$0x0], $0xffff  }
0x148: {  	v60 =	vor.u32 v26, v2;
	v61 =	vld.idx.msk [tilespmem:v56+s18+$0x0], $0xffff;
	[tilespmem:v5+s19+$0x0] =	vst.idx.msk $0xffff, v15  }
0x149: {  	v2 =	vor.u32 v2, v3;
	v1 =	vld.idx.msk [tilespmem:v1+s18+$0x0], $0xffff  }
0x14a: {  	[tilespmem:v10+s19+$0x0] =	vst.idx.msk $0xffff, v18  }
.Ltmp11:
0x14b: {  	[tilespmem:v7+s19+$0x0] =	vst.idx.msk $0xffff, v8;
	(pc) =	sbr.rel @p1 .LBB2_20-.Ltmp11, $4  }
0x14c: {  	[tilespmem:v62+s19+$0x0] =	vst.idx.msk $0xffff, v63  }
0x14d: {  	s2 =	sshll.u32 s3, $0x4;
	[tilespmem:v60+s19+$0x0] =	vst.idx.msk $0xffff, v61  }
0x14e: {  	s2 =	sadd.s32 s6, s2;
	[tilespmem:v2+s19+$0x0] =	vst.idx.msk $0xffff, v1  }
0x14f: {  	[hbm4b:s2+s4] =	stream.linear.scatter [tilespmem:s19], [sflag:$0x8], $0x4000, $0x38;
	[tilespmem:$0x1A000] =	vst v63  }
0x150: {  	s10 =	sshll.u32 s0, $0xE  }
.LBB2_17:
0x151: {  	s2 =	simm.s32 $0x0  }
0x152: {  	s3 =	sand.u32 $0x70, s2;
	s2 =	sand.u32 $0xC, s2  }
0x153: {  	v2 =	vor.u32 s3, v0;
	s9 =	sor.u32 $0x1, s2;
	s20 =	sor.u32 $0x2, s2  }
0x154: {  	s3 =	sor.u32 s5, s10;
	v1 =	vadd.s32 s2, v0;
	s2 =	sor.u32 $0x3, s2;
	v3 =	vadd.s32 s9, v0;
	v4 =	vadd.s32 s20, v0  }
0x155: {  	s10 =	sor.u32 $0x3000, s3;
	v5 =	vand.u32 $0xF, v1;
	v7 =	vadd.s32 s2, v0;
	v17 =	vshll.u32 v2, $0x7  }
0x156: {  	v23 =	vor.u32 $0x10, v1;
	v1 =	vor.u32 $0x30, v1;
	v6 =	vand.u32 $0xF, v3;
	s20 =	smin.u32 s10, $0xF4180  }
0x157: {  	v8 =	vshll.u32 v5, $0x7;
	v9 =	vand.u32 $0xF, v4;
	v10 =	vand.u32 $0xF, v7;
	s2 =	sadd.s32 s1, s20  }
0x158: {  	v14 =	vor.u32 $0x10, v3;
	v15 =	vor.u32 $0x10, v4;
	v16 =	vor.u32 $0x10, v7;
	[tilespmem:s18], [sflag:$0x4] =	stream.strided.gather [hbm4b:s2+s28], $0x2000, s29, s28, $0x38;
	[tilespmem:$0x1A000] =	vst v63  }
0x159: {  	v20 =	vor.u32 v5, v17;
	v26 =	vshll.u32 v23, $0x7;
	v12 =	vshll.u32 v9, $0x7;
	_ =	swait.ge [sflag:s30], $0x2000  }
0x15a: {  	p1 =	seq.s32 s0, $0x0;
	v5 =	vor.u32 $0x20, v5;
	v13 =	vshll.u32 v10, $0x7;
	v12 =	vor.u32 v2, v12;
	[sflag:s30] =	ssyncset.done $0x0  }
0x15b: {  	v23 =	vor.u32 v23, v17;
	v7 =	vor.u32 $0x30, v7;
	v13 =	vor.u32 v2, v13;
	s2 =	simm.s32 @!p1 $0x5;
	[sflag:s30] =	ssyncadd.s32 $0xFFFFE000  }
0x15c: {  	v4 =	vor.u32 $0x30, v4;
	v11 =	vshll.u32 v6, $0x7;
	v8 =	vor.u32 v2, v8;
	_ =	swait.ge @!p1 [sflag:s2], $0x4000  }
0x15d: {  	v18 =	vshll.u32 v14, $0x7;
	v19 =	vshll.u32 v15, $0x7;
	v21 =	vor.u32 v17, v6;
	[sflag:s2] =	ssyncset.done @!p1 $0x0  }
0x15e: {  	v22 =	vor.u32 v17, v10;
	v24 =	vor.u32 v17, v9;
	v11 =	vor.u32 v2, v11;
	[sflag:s2] =	ssyncadd.s32 @!p1 $0xFFFFC000  }
0x15f: {  	v25 =	vshll.u32 v16, $0x7;
	v26 =	vor.u32 v2, v26;
	v9 =	vor.u32 $0x20, v9;
	v12 =	vld.idx.msk [tilespmem:v12+s4+$0x0], $0xffff  }
0x160: {  	v27 =	vshll.u32 v5, $0x7;
	v16 =	vor.u32 v17, v16;
	v5 =	vor.u32 v17, v5;
	v13 =	vld.idx.msk [tilespmem:v13+s4+$0x0], $0xffff  }
0x161: {  	v6 =	vor.u32 $0x20, v6;
	v15 =	vor.u32 v17, v15;
	v19 =	vor.u32 v2, v19;
	v8 =	vld.idx.msk [tilespmem:v8+s4+$0x0], $0xffff  }
0x162: {  	v14 =	vor.u32 v17, v14;
	v18 =	vor.u32 v2, v18;
	v25 =	vor.u32 v2, v25  }
0x163: {  	v28 =	vshll.u32 v9, $0x7;
	v27 =	vor.u32 v2, v27;
	v9 =	vor.u32 v17, v9;
	v11 =	vld.idx.msk [tilespmem:v11+s4+$0x0], $0xffff  }
0x164: {  	v29 =	vshll.u32 v6, $0x7;
	v30 =	vor.u32 v17, v6;
	v28 =	vor.u32 v2, v28;
	[tilespmem:v24+s26+$0x0] =	vst.idx.msk $0xffff, v12  }
0x165: {  	v10 =	vor.u32 $0x20, v10;
	v6 =	vor.u32 v2, v29;
	v29 =	vor.u32 v17, v7;
	[tilespmem:v22+s26+$0x0] =	vst.idx.msk $0xffff, v13  }
0x166: {  	s2 =	simm.s32 $0x4;
	v12 =	vshll.u32 v10, $0x7;
	v13 =	vshll.u32 v4, $0x7;
	v22 =	vor.u32 v17, v4;
	[tilespmem:v20+s26+$0x0] =	vst.idx.msk $0xffff, v8;
	v19 =	vld.idx.msk [tilespmem:v19+s4+$0x0], $0xffff  }
0x167: {  	s25 =	sand.u32 $0x70, s2;
	v4 =	vshll.u32 v7, $0x7;
	v10 =	vor.u32 v17, v10;
	v8 =	vor.u32 v2, v13;
	v13 =	vld.idx.msk [tilespmem:v25+s4+$0x0], $0xffff  }
0x168: {  	s10 =	sand.u32 $0xC, s2;
	v20 =	vshll.u32 v1, $0x7;
	v24 =	vor.u32 v1, v17;
	[tilespmem:v21+s26+$0x0] =	vst.idx.msk $0xffff, v11;
	v1 =	vor.u32 s25, v0;
	v25 =	vld.idx.msk [tilespmem:v26+s4+$0x0], $0xffff  }
0x169: {  	s20 =	sor.u32 $0x1, s10;
	v7 =	vadd.s32 s10, v0;
	v12 =	vor.u32 v2, v12;
	v4 =	vor.u32 v2, v4;
	v18 =	vld.idx.msk [tilespmem:v18+s4+$0x0], $0xffff  }
0x16a: {  	s25 =	sor.u32 $0x2, s10;
	s10 =	sor.u32 $0x3, s10;
	v20 =	vor.u32 v2, v20;
	v26 =	vor.u32 $0x30, v3;
	v3 =	vadd.s32 s20, v0  }
0x16b: {  	v21 =	vand.u32 $0xF, v7;
	v31 =	vadd.s32 s10, v0;
	v11 =	vshll.u32 v26, $0x7;
	[tilespmem:v15+s26+$0x0] =	vst.idx.msk $0xffff, v19  }
0x16c: {  	v32 =	vand.u32 $0xF, v31;
	v34 =	vor.u32 $0x10, v3;
	v36 =	vor.u32 $0x10, v31;
	[tilespmem:v16+s26+$0x0] =	vst.idx.msk $0xffff, v13  }
0x16d: {  	v19 =	vadd.s32 s25, v0;
	v15 =	vor.u32 v2, v11;
	[tilespmem:v23+s26+$0x0] =	vst.idx.msk $0xffff, v25;
	v25 =	vshll.u32 v32, $0x7;
	v11 =	vld.idx.msk [tilespmem:v28+s4+$0x0], $0xffff  }
0x16e: {  	v13 =	vshll.u32 v21, $0x7;
	[tilespmem:v14+s26+$0x0] =	vst.idx.msk $0xffff, v18;
	v14 =	vshll.u32 v34, $0x7;
	v25 =	vor.u32 v1, v25  }
0x16f: {  	v28 =	vand.u32 $0xF, v3;
	v16 =	vand.u32 $0xF, v19;
	v27 =	vld.idx.msk [tilespmem:v27+s4+$0x0], $0xffff;
	v35 =	vor.u32 $0x10, v19  }
0x170: {  	v12 =	vld.idx.msk [tilespmem:v12+s4+$0x0], $0xffff;
	v13 =	vor.u32 v1, v13;
	v2 =	vshll.u32 v28, $0x7;
	v23 =	vshll.u32 v16, $0x7  }
0x171: {  	v18 =	vshll.u32 v35, $0x7;
	v33 =	vor.u32 v1, v2;
	v23 =	vor.u32 v1, v23  }
0x172: {  	v2 =	vshll.u32 v1, $0x7;
	v38 =	vor.u32 v1, v18;
	v18 =	vor.u32 $0x10, v7;
	[tilespmem:v9+s26+$0x0] =	vst.idx.msk $0xffff, v11;
	v9 =	vld.idx.msk [tilespmem:v6+s4+$0x0], $0xffff  }
0x173: {  	v37 =	vor.u32 v21, v2;
	v39 =	vor.u32 v2, v32;
	v40 =	vor.u32 v2, v16;
	v25 =	vld.idx.msk [tilespmem:v25+s4+$0x0], $0xffff  }
0x174: {  	v21 =	vor.u32 $0x20, v21;
	v6 =	vor.u32 v1, v14;
	v11 =	vshll.u32 v36, $0x7;
	[tilespmem:v5+s26+$0x0] =	vst.idx.msk $0xffff, v27;
	v14 =	vld.idx.msk [tilespmem:v8+s4+$0x0], $0xffff  }
0x175: {  	[tilespmem:v10+s26+$0x0] =	vst.idx.msk $0xffff, v12;
	v10 =	vshll.u32 v18, $0x7;
	v5 =	vor.u32 $0x20, v16;
	v12 =	vshll.u32 v21, $0x7;
	v42 =	vld.idx.msk [tilespmem:v20+s4+$0x0], $0xffff  }
0x176: {  	v8 =	vor.u32 v2, v28;
	v27 =	vor.u32 v1, v10;
	v10 =	vor.u32 v17, v26;
	v17 =	vld.idx.msk [tilespmem:v13+s4+$0x0], $0xffff  }
0x177: {  	v41 =	vor.u32 v1, v11;
	v11 =	vor.u32 v2, v36;
	v23 =	vld.idx.msk [tilespmem:v23+s4+$0x0], $0xffff;
	[tilespmem:v30+s26+$0x0] =	vst.idx.msk $0xffff, v9  }
0x178: {  	v16 =	vshll.u32 v5, $0x7;
	v13 =	vor.u32 v18, v2;
	v12 =	vor.u32 v1, v12;
	[tilespmem:v39+s26+$0x0] =	vst.idx.msk $0xffff, v25  }
0x179: {  	v63 =	vld.idx.msk [tilespmem:v4+s4+$0x0], $0xffff;
	v4 =	vor.u32 v2, v21;
	v20 =	vor.u32 v2, v35;
	[tilespmem:v22+s26+$0x0] =	vst.idx.msk $0xffff, v14  }
0x17a: {  	v26 =	vor.u32 $0x30, v7;
	v7 =	vor.u32 $0x30, v19;
	v16 =	vor.u32 v1, v16;
	[tilespmem:v24+s26+$0x0] =	vst.idx.msk $0xffff, v42  }
0x17b: {  	v30 =	vor.u32 $0x20, v32;
	v9 =	vor.u32 v2, v5;
	v18 =	vld.idx.msk [tilespmem:v15+s4+$0x0], $0xffff;
	v15 =	vor.u32 $0x20, v28;
	[tilespmem:v37+s26+$0x0] =	vst.idx.msk $0xffff, v17  }
0x17c: {  	v14 =	vor.u32 v2, v34;
	v22 =	vor.u32 $0x30, v31;
	v17 =	vshll.u32 v7, $0x7;
	[tilespmem:v40+s26+$0x0] =	vst.idx.msk $0xffff, v23;
	v23 =	vld.idx.msk [tilespmem:v33+s4+$0x0], $0xffff  }
0x17d: {  	v7 =	vor.u32 v2, v7;
	v21 =	vshll.u32 v15, $0x7;
	v5 =	vor.u32 v2, v15;
	v24 =	vld.idx.msk [tilespmem:v38+s4+$0x0], $0xffff  }
0x17e: {  	v25 =	vld.idx.msk [tilespmem:v41+s4+$0x0], $0xffff;
	[tilespmem:v29+s26+$0x0] =	vst.idx.msk $0xffff, v63;
	v28 =	vshll.u32 v22, $0x7;
	v15 =	vor.u32 v1, v21;
	v21 =	vshll.u32 v30, $0x7  }
0x17f: {  	s3 =	smin.u32 s3, $0xF4180;
	v27 =	vld.idx.msk [tilespmem:v27+s4+$0x0], $0xffff;
	v19 =	vor.u32 v1, v17;
	v17 =	vor.u32 v2, v30;
	v21 =	vor.u32 v1, v21  }
.LBB2_18:
0x180: {  	s2 =	sadd.s32 $0x4, s2;
	v29 =	vshll.u32 v26, $0x7;
	v26 =	vor.u32 v26, v2;
	v28 =	vor.u32 v1, v28;
	[tilespmem:v10+s26+$0x0] =	vst.idx.msk $0xffff, v18  }
0x181: {  	v18 =	vor.u32 $0x30, v3;
	s9 =	sand.u32 $0x70, s2;
	s10 =	sand.u32 $0xC, s2;
	p1 =	slt.u32 s2, $0x7C;
	v10 =	vor.u32 v1, v29;
	[tilespmem:v8+s26+$0x0] =	vst.idx.msk $0xffff, v23;
	v29 =	vor.u32 v2, v22  }
0x182: {  	v22 =	vshll.u32 v18, $0x7;
	v8 =	vor.u32 s9, v0;
	v30 =	vadd.s32 s10, v0;
	s9 =	sor.u32 $0x1, s10;
	s20 =	sor.u32 $0x2, s10;
	s10 =	sor.u32 $0x3, s10;
	v6 =	vld.idx.msk [tilespmem:v6+s4+$0x0], $0xffff;
	[tilespmem:v20+s26+$0x0] =	vst.idx.msk $0xffff, v24  }
0x183: {  	v20 =	vor.u32 v1, v22;
	v3 =	vadd.s32 s9, v0;
	v31 =	vadd.s32 s20, v0;
	v16 =	vld.idx.msk [tilespmem:v16+s4+$0x0], $0xffff;
	v1 =	vmovc v8  }
0x184: {  	v22 =	vand.u32 $0xF, v30;
	v32 =	vadd.s32 s10, v0;
	v24 =	vand.u32 $0xF, v3;
	[tilespmem:v11+s26+$0x0] =	vst.idx.msk $0xffff, v25  }
0x185: {  	v8 =	vshll.u32 v22, $0x7;
	v11 =	vand.u32 $0xF, v31;
	v23 =	vand.u32 $0xF, v32;
	[tilespmem:v13+s26+$0x0] =	vst.idx.msk $0xffff, v27;
	v13 =	vld.idx.msk [tilespmem:v21+s4+$0x0], $0xffff  }
0x186: {  	v21 =	vshll.u32 v24, $0x7;
	v25 =	vshll.u32 v11, $0x7;
	v27 =	vshll.u32 v23, $0x7;
	v12 =	vld.idx.msk [tilespmem:v12+s4+$0x0], $0xffff  }
0x187: {  	v21 =	vor.u32 v1, v21;
	v25 =	vor.u32 v1, v25;
	v27 =	vor.u32 v1, v27  }
0x188: {  	v33 =	vor.u32 $0x10, v3;
	v34 =	vor.u32 $0x10, v31;
	v35 =	vor.u32 $0x10, v32;
	[tilespmem:v14+s26+$0x0] =	vst.idx.msk $0xffff, v6  }
0x189: {  	v36 =	vshll.u32 v34, $0x7;
	v14 =	vshll.u32 v1, $0x7;
	v6 =	vshll.u32 v33, $0x7;
	v15 =	vld.idx.msk [tilespmem:v15+s4+$0x0], $0xffff;
	[tilespmem:v9+s26+$0x0] =	vst.idx.msk $0xffff, v16  }
0x18a: {  	v36 =	vor.u32 v1, v36;
	v37 =	vor.u32 v22, v14;
	v6 =	vor.u32 v1, v6;
	v9 =	vld.idx.msk [tilespmem:v19+s4+$0x0], $0xffff  }
0x18b: {  	v16 =	vor.u32 v1, v8;
	v8 =	vor.u32 v14, v24;
	v19 =	vor.u32 v14, v23  }
0x18c: {  	v38 =	vor.u32 $0x10, v30;
	v40 =	vshll.u32 v35, $0x7;
	v39 =	vor.u32 v14, v11;
	v27 =	vld.idx.msk [tilespmem:v27+s4+$0x0], $0xffff;
	[tilespmem:v17+s26+$0x0] =	vst.idx.msk $0xffff, v13  }
0x18d: {  	v13 =	vshll.u32 v38, $0x7;
	v17 =	vor.u32 $0x20, v22;
	v22 =	vld.idx.msk [tilespmem:v25+s4+$0x0], $0xffff;
	v25 =	vor.u32 v1, v40;
	[tilespmem:v4+s26+$0x0] =	vst.idx.msk $0xffff, v12  }
0x18e: {  	v41 =	vor.u32 $0x20, v11;
	v40 =	vor.u32 v1, v13;
	v42 =	vld.idx.msk [tilespmem:v10+s4+$0x0], $0xffff;
	v10 =	vor.u32 v2, v18;
	v2 =	vmovc v14  }
0x18f: {  	v4 =	vshll.u32 v17, $0x7;
	v12 =	vshll.u32 v41, $0x7;
	v11 =	vor.u32 v2, v35;
	[tilespmem:v5+s26+$0x0] =	vst.idx.msk $0xffff, v15;
	v35 =	vld.idx.msk [tilespmem:v28+s4+$0x0], $0xffff  }
0x190: {  	v13 =	vor.u32 v38, v2;
	v38 =	vor.u32 $0x20, v23;
	v28 =	vld.idx.msk [tilespmem:v16+s4+$0x0], $0xffff;
	v16 =	vor.u32 v1, v12  }
0x191: {  	v12 =	vor.u32 v1, v4;
	v4 =	vor.u32 v2, v17;
	v18 =	vld.idx.msk [tilespmem:v20+s4+$0x0], $0xffff;
	[tilespmem:v7+s26+$0x0] =	vst.idx.msk $0xffff, v9  }
0x192: {  	v5 =	vor.u32 $0x20, v24;
	v20 =	vor.u32 v2, v34;
	v9 =	vor.u32 v2, v41;
	v23 =	vld.idx.msk [tilespmem:v21+s4+$0x0], $0xffff  }
.Ltmp12:
0x193: {  	v14 =	vor.u32 v2, v33;
	v7 =	vshll.u32 v5, $0x7;
	v5 =	vor.u32 v2, v5;
	[tilespmem:v39+s26+$0x0] =	vst.idx.msk $0xffff, v22;
	(pc) =	sbr.rel @p1 .LBB2_18-.Ltmp12, $4  }
0x194: {  	v15 =	vor.u32 v1, v7;
	v7 =	vshll.u32 v38, $0x7;
	v22 =	vor.u32 $0x30, v32;
	v24 =	vld.idx.msk [tilespmem:v36+s4+$0x0], $0xffff;
	[tilespmem:v26+s26+$0x0] =	vst.idx.msk $0xffff, v42  }
0x195: {  	v17 =	vor.u32 $0x30, v31;
	v21 =	vor.u32 v1, v7;
	v26 =	vor.u32 $0x30, v30;
	[tilespmem:v19+s26+$0x0] =	vst.idx.msk $0xffff, v27  }
0x196: {  	v7 =	vor.u32 v2, v17;
	v19 =	vshll.u32 v17, $0x7;
	[tilespmem:v37+s26+$0x0] =	vst.idx.msk $0xffff, v28;
	v25 =	vld.idx.msk [tilespmem:v25+s4+$0x0], $0xffff;
	v28 =	vshll.u32 v22, $0x7  }
0x197: {  	v17 =	vor.u32 v2, v38;
	v19 =	vor.u32 v1, v19;
	v27 =	vld.idx.msk [tilespmem:v40+s4+$0x0], $0xffff;
	[tilespmem:v29+s26+$0x0] =	vst.idx.msk $0xffff, v35  }
0x198: {  	_ =	sdelay $0x3  }
0x199: {  	[tilespmem:v8+s26+$0x0] =	vst.idx.msk $0xffff, v23  }
0x19a: {  	v6 =	vld.idx.msk [tilespmem:v6+s4+$0x0], $0xffff;
	_ =	sdelay $0x1  }
0x19b: {  	[tilespmem:v20+s26+$0x0] =	vst.idx.msk $0xffff, v24  }
0x19c: {  	v53 =	vld.idx.msk [tilespmem:v16+s4+$0x0], $0xffff;
	[tilespmem:v11+s26+$0x0] =	vst.idx.msk $0xffff, v25  }
0x19d: {  	[tilespmem:v13+s26+$0x0] =	vst.idx.msk $0xffff, v27;
	v57 =	vld.idx.msk [tilespmem:v21+s4+$0x0], $0xffff  }
0x19e: {  	v54 =	vshll.u32 v26, $0x7;
	v3 =	vor.u32 $0x30, v3;
	v58 =	vor.u32 v1, v28;
	v55 =	vld.idx.msk [tilespmem:v12+s4+$0x0], $0xffff;
	[tilespmem:v14+s26+$0x0] =	vst.idx.msk $0xffff, v6  }
0x19f: {  	v56 =	vor.u32 v1, v54;
	v59 =	vshll.u32 v3, $0x7;
	v15 =	vld.idx.msk [tilespmem:v15+s4+$0x0], $0xffff  }
0x1a0: {  	v1 =	vor.u32 v1, v59  }
0x1a1: {  	[tilespmem:v9+s26+$0x0] =	vst.idx.msk $0xffff, v53  }
0x1a2: {  	v8 =	vld.idx.msk [tilespmem:v19+s4+$0x0], $0xffff;
	[tilespmem:v17+s26+$0x0] =	vst.idx.msk $0xffff, v57  }
0x1a3: {  	v62 =	vor.u32 v2, v22;
	[tilespmem:v4+s26+$0x0] =	vst.idx.msk $0xffff, v55;
	v63 =	vld.idx.msk [tilespmem:v58+s4+$0x0], $0xffff  }
0x1a4: {  	v60 =	vor.u32 v26, v2;
	v61 =	vld.idx.msk [tilespmem:v56+s4+$0x0], $0xffff;
	[tilespmem:v5+s26+$0x0] =	vst.idx.msk $0xffff, v15  }
0x1a5: {  	v2 =	vor.u32 v2, v3;
	v1 =	vld.idx.msk [tilespmem:v1+s4+$0x0], $0xffff  }
0x1a6: {  	[tilespmem:v10+s26+$0x0] =	vst.idx.msk $0xffff, v18  }
.Ltmp13:
0x1a7: {  	[tilespmem:v7+s26+$0x0] =	vst.idx.msk $0xffff, v8;
	(pc) =	sbr.rel .LBB2_2-.Ltmp13, $4  }
0x1a8: {  	[tilespmem:v62+s26+$0x0] =	vst.idx.msk $0xffff, v63  }
0x1a9: {  	s2 =	sshll.u32 s3, $0x4;
	[tilespmem:v60+s26+$0x0] =	vst.idx.msk $0xffff, v61  }
0x1aa: {  	s0 =	sadd.s32 $0x1, s0;
	s2 =	sadd.s32 s6, s2;
	[tilespmem:v2+s26+$0x0] =	vst.idx.msk $0xffff, v1  }
0x1ab: {  	[hbm4b:s2+s4] =	stream.linear.scatter [tilespmem:s26], [sflag:$0x5], $0x4000, $0x38;
	[tilespmem:$0x1A000] =	vst v63  }
.LBB2_21:
0x1ac: {  	s0 =	simm.s32 $0x0  }
0x1ad: {  	s2 =	sand.u32 $0x30, s0;
	s0 =	sand.u32 $0xC, s0  }
0x1ae: {  	v2 =	vor.u32 s2, v0;
	s25 =	sor.u32 $0x1, s0;
	s3 =	sor.u32 $0x2, s0  }
0x1af: {  	v1 =	vadd.s32 s0, v0;
	s0 =	sor.u32 $0x3, s0;
	v3 =	vadd.s32 s25, v0;
	v4 =	vadd.s32 s3, v0  }
0x1b0: {  	v5 =	vand.u32 $0xF, v1;
	v7 =	vadd.s32 s0, v0;
	v17 =	vshll.u32 v2, $0x7  }
0x1b1: {  	v23 =	vor.u32 $0x10, v1;
	v1 =	vor.u32 $0x30, v1;
	v6 =	vand.u32 $0xF, v3  }
0x1b2: {  	v8 =	vshll.u32 v5, $0x7;
	v9 =	vand.u32 $0xF, v4;
	v10 =	vand.u32 $0xF, v7  }
0x1b3: {  	v14 =	vor.u32 $0x10, v3;
	v15 =	vor.u32 $0x10, v4;
	v16 =	vor.u32 $0x10, v7  }
0x1b4: {  	v20 =	vor.u32 v5, v17;
	v26 =	vshll.u32 v23, $0x7;
	v5 =	vor.u32 $0x20, v5  }
0x1b5: {  	v23 =	vor.u32 v23, v17;
	v7 =	vor.u32 $0x30, v7;
	v12 =	vshll.u32 v9, $0x7  }
0x1b6: {  	s9 =	simm.s32 $0x9;
	s3 =	rddreg [dreg:$0x1];
	v4 =	vor.u32 $0x30, v4;
	v13 =	vshll.u32 v10, $0x7;
	v12 =	vor.u32 v2, v12  }
0x1b7: {  	[tilespmem:s24], [sflag:$0x9] =	stream.linear.gather [hbm4b:s3+s4], $0x2000, $0x38;
	v11 =	vshll.u32 v6, $0x7;
	v18 =	vshll.u32 v14, $0x7;
	v13 =	vor.u32 v2, v13;
	[tilespmem:$0x1A000] =	vst v63  }
0x1b8: {  	v19 =	vshll.u32 v15, $0x7;
	_ =	swait.ge [sflag:s9], $0x2000;
	v8 =	vor.u32 v2, v8;
	v21 =	vor.u32 v17, v6  }
0x1b9: {  	v22 =	vor.u32 v17, v10;
	v24 =	vor.u32 v17, v9;
	v11 =	vor.u32 v2, v11;
	[sflag:s9] =	ssyncset.done $0x0  }
0x1ba: {  	v25 =	vshll.u32 v16, $0x7;
	v26 =	vor.u32 v2, v26;
	v9 =	vor.u32 $0x20, v9;
	[sflag:s9] =	ssyncadd.s32 $0xFFFFE000  }
0x1bb: {  	v27 =	vshll.u32 v5, $0x7;
	v16 =	vor.u32 v17, v16;
	v10 =	vor.u32 $0x20, v10;
	v12 =	vld.idx.msk [tilespmem:v12+s24+$0x0], $0xffff  }
0x1bc: {  	v5 =	vor.u32 v17, v5;
	v6 =	vor.u32 $0x20, v6;
	v19 =	vor.u32 v2, v19;
	v13 =	vld.idx.msk [tilespmem:v13+s24+$0x0], $0xffff  }
0x1bd: {  	s0 =	simm.s32 $0x4;
	v15 =	vor.u32 v17, v15;
	v14 =	vor.u32 v17, v14;
	v25 =	vor.u32 v2, v25;
	v8 =	vld.idx.msk [tilespmem:v8+s24+$0x0], $0xffff  }
0x1be: {  	s20 =	sand.u32 $0xC, s0;
	v18 =	vor.u32 v2, v18;
	v28 =	vshll.u32 v9, $0x7;
	v27 =	vor.u32 v2, v27;
	v11 =	vld.idx.msk [tilespmem:v11+s24+$0x0], $0xffff  }
0x1bf: {  	s3 =	sor.u32 $0x3, s20;
	v9 =	vor.u32 v17, v9;
	v29 =	vshll.u32 v6, $0x7;
	v30 =	vor.u32 v17, v6  }
0x1c0: {  	v31 =	vadd.s32 s3, v0;
	v28 =	vor.u32 v2, v28;
	v6 =	vor.u32 v2, v29;
	[tilespmem:v24+s26+$0x0] =	vst.idx.msk $0xffff, v12  }
0x1c1: {  	v29 =	vor.u32 v17, v7;
	v32 =	vand.u32 $0xF, v31;
	[tilespmem:v22+s26+$0x0] =	vst.idx.msk $0xffff, v13;
	v13 =	vshll.u32 v4, $0x7;
	v19 =	vld.idx.msk [tilespmem:v19+s24+$0x0], $0xffff  }
0x1c2: {  	v36 =	vor.u32 $0x10, v31;
	[tilespmem:v20+s26+$0x0] =	vst.idx.msk $0xffff, v8;
	v20 =	vshll.u32 v1, $0x7;
	v8 =	vor.u32 v2, v13;
	v13 =	vld.idx.msk [tilespmem:v25+s24+$0x0], $0xffff  }
0x1c3: {  	v12 =	vshll.u32 v10, $0x7;
	v22 =	vor.u32 v17, v4;
	v4 =	vshll.u32 v7, $0x7;
	[tilespmem:v21+s26+$0x0] =	vst.idx.msk $0xffff, v11;
	v25 =	vld.idx.msk [tilespmem:v26+s24+$0x0], $0xffff  }
0x1c4: {  	s10 =	sand.u32 $0x30, s0;
	v10 =	vor.u32 v17, v10;
	v24 =	vor.u32 v1, v17;
	v20 =	vor.u32 v2, v20;
	v18 =	vld.idx.msk [tilespmem:v18+s24+$0x0], $0xffff  }
0x1c5: {  	s25 =	sor.u32 $0x1, s20;
	v1 =	vor.u32 s10, v0;
	v7 =	vadd.s32 s20, v0;
	v12 =	vor.u32 v2, v12  }
0x1c6: {  	v4 =	vor.u32 v2, v4;
	v26 =	vor.u32 $0x30, v3;
	v3 =	vadd.s32 s25, v0;
	[tilespmem:v15+s26+$0x0] =	vst.idx.msk $0xffff, v19  }
0x1c7: {  	s9 =	sor.u32 $0x2, s20;
	v21 =	vand.u32 $0xF, v7;
	v11 =	vshll.u32 v26, $0x7;
	v34 =	vor.u32 $0x10, v3;
	[tilespmem:v16+s26+$0x0] =	vst.idx.msk $0xffff, v13  }
0x1c8: {  	v19 =	vadd.s32 s9, v0;
	v15 =	vor.u32 v2, v11;
	[tilespmem:v23+s26+$0x0] =	vst.idx.msk $0xffff, v25;
	v25 =	vshll.u32 v32, $0x7;
	v11 =	vld.idx.msk [tilespmem:v28+s24+$0x0], $0xffff  }
0x1c9: {  	v13 =	vshll.u32 v21, $0x7;
	[tilespmem:v14+s26+$0x0] =	vst.idx.msk $0xffff, v18;
	v14 =	vshll.u32 v34, $0x7;
	v25 =	vor.u32 v1, v25  }
0x1ca: {  	v28 =	vand.u32 $0xF, v3;
	v16 =	vand.u32 $0xF, v19;
	v27 =	vld.idx.msk [tilespmem:v27+s24+$0x0], $0xffff;
	v35 =	vor.u32 $0x10, v19  }
0x1cb: {  	v12 =	vld.idx.msk [tilespmem:v12+s24+$0x0], $0xffff;
	v13 =	vor.u32 v1, v13;
	v2 =	vshll.u32 v28, $0x7;
	v23 =	vshll.u32 v16, $0x7  }
0x1cc: {  	v18 =	vshll.u32 v35, $0x7;
	v33 =	vor.u32 v1, v2;
	v23 =	vor.u32 v1, v23  }
0x1cd: {  	v2 =	vshll.u32 v1, $0x7;
	v38 =	vor.u32 v1, v18;
	v18 =	vor.u32 $0x10, v7;
	[tilespmem:v9+s26+$0x0] =	vst.idx.msk $0xffff, v11;
	v9 =	vld.idx.msk [tilespmem:v6+s24+$0x0], $0xffff  }
0x1ce: {  	v37 =	vor.u32 v21, v2;
	v39 =	vor.u32 v2, v32;
	v40 =	vor.u32 v2, v16;
	v25 =	vld.idx.msk [tilespmem:v25+s24+$0x0], $0xffff  }
0x1cf: {  	v21 =	vor.u32 $0x20, v21;
	v6 =	vor.u32 v1, v14;
	v11 =	vshll.u32 v36, $0x7;
	[tilespmem:v5+s26+$0x0] =	vst.idx.msk $0xffff, v27;
	v14 =	vld.idx.msk [tilespmem:v8+s24+$0x0], $0xffff  }
0x1d0: {  	[tilespmem:v10+s26+$0x0] =	vst.idx.msk $0xffff, v12;
	v10 =	vshll.u32 v18, $0x7;
	v5 =	vor.u32 $0x20, v16;
	v12 =	vshll.u32 v21, $0x7;
	v42 =	vld.idx.msk [tilespmem:v20+s24+$0x0], $0xffff  }
0x1d1: {  	v8 =	vor.u32 v2, v28;
	v27 =	vor.u32 v1, v10;
	v10 =	vor.u32 v17, v26;
	v17 =	vld.idx.msk [tilespmem:v13+s24+$0x0], $0xffff  }
0x1d2: {  	v41 =	vor.u32 v1, v11;
	v11 =	vor.u32 v2, v36;
	v23 =	vld.idx.msk [tilespmem:v23+s24+$0x0], $0xffff;
	[tilespmem:v30+s26+$0x0] =	vst.idx.msk $0xffff, v9  }
0x1d3: {  	v16 =	vshll.u32 v5, $0x7;
	v13 =	vor.u32 v18, v2;
	v12 =	vor.u32 v1, v12;
	[tilespmem:v39+s26+$0x0] =	vst.idx.msk $0xffff, v25  }
0x1d4: {  	v63 =	vld.idx.msk [tilespmem:v4+s24+$0x0], $0xffff;
	v4 =	vor.u32 v2, v21;
	v20 =	vor.u32 v2, v35;
	[tilespmem:v22+s26+$0x0] =	vst.idx.msk $0xffff, v14  }
0x1d5: {  	v26 =	vor.u32 $0x30, v7;
	v7 =	vor.u32 $0x30, v19;
	v16 =	vor.u32 v1, v16;
	[tilespmem:v24+s26+$0x0] =	vst.idx.msk $0xffff, v42  }
0x1d6: {  	v30 =	vor.u32 $0x20, v32;
	v9 =	vor.u32 v2, v5;
	v18 =	vld.idx.msk [tilespmem:v15+s24+$0x0], $0xffff;
	v15 =	vor.u32 $0x20, v28;
	[tilespmem:v37+s26+$0x0] =	vst.idx.msk $0xffff, v17  }
0x1d7: {  	v14 =	vor.u32 v2, v34;
	v22 =	vor.u32 $0x30, v31;
	v17 =	vshll.u32 v7, $0x7;
	[tilespmem:v40+s26+$0x0] =	vst.idx.msk $0xffff, v23;
	v23 =	vld.idx.msk [tilespmem:v33+s24+$0x0], $0xffff  }
0x1d8: {  	v7 =	vor.u32 v2, v7;
	v21 =	vshll.u32 v15, $0x7;
	v5 =	vor.u32 v2, v15;
	v24 =	vld.idx.msk [tilespmem:v38+s24+$0x0], $0xffff  }
0x1d9: {  	v25 =	vld.idx.msk [tilespmem:v41+s24+$0x0], $0xffff;
	[tilespmem:v29+s26+$0x0] =	vst.idx.msk $0xffff, v63;
	v28 =	vshll.u32 v22, $0x7;
	v15 =	vor.u32 v1, v21;
	v21 =	vshll.u32 v30, $0x7  }
0x1da: {  	v27 =	vld.idx.msk [tilespmem:v27+s24+$0x0], $0xffff;
	v19 =	vor.u32 v1, v17;
	v17 =	vor.u32 v2, v30;
	v21 =	vor.u32 v1, v21  }
.LBB2_22:
0x1db: {  	s0 =	sadd.s32 $0x4, s0;
	v29 =	vshll.u32 v26, $0x7;
	v26 =	vor.u32 v26, v2;
	v28 =	vor.u32 v1, v28;
	[tilespmem:v10+s26+$0x0] =	vst.idx.msk $0xffff, v18  }
0x1dc: {  	v18 =	vor.u32 $0x30, v3;
	s2 =	sand.u32 $0x30, s0;
	s3 =	sand.u32 $0xC, s0;
	p1 =	slt.u32 s0, $0x3C;
	v10 =	vor.u32 v1, v29;
	[tilespmem:v8+s26+$0x0] =	vst.idx.msk $0xffff, v23;
	v29 =	vor.u32 v2, v22  }
0x1dd: {  	v22 =	vshll.u32 v18, $0x7;
	v8 =	vor.u32 s2, v0;
	v30 =	vadd.s32 s3, v0;
	s2 =	sor.u32 $0x1, s3;
	s9 =	sor.u32 $0x2, s3;
	s3 =	sor.u32 $0x3, s3;
	v6 =	vld.idx.msk [tilespmem:v6+s24+$0x0], $0xffff;
	[tilespmem:v20+s26+$0x0] =	vst.idx.msk $0xffff, v24  }
0x1de: {  	v20 =	vor.u32 v1, v22;
	v3 =	vadd.s32 s2, v0;
	v31 =	vadd.s32 s9, v0;
	v16 =	vld.idx.msk [tilespmem:v16+s24+$0x0], $0xffff;
	v1 =	vmovc v8  }
0x1df: {  	v22 =	vand.u32 $0xF, v30;
	v32 =	vadd.s32 s3, v0;
	v24 =	vand.u32 $0xF, v3;
	[tilespmem:v11+s26+$0x0] =	vst.idx.msk $0xffff, v25  }
0x1e0: {  	v8 =	vshll.u32 v22, $0x7;
	v11 =	vand.u32 $0xF, v31;
	v23 =	vand.u32 $0xF, v32;
	[tilespmem:v13+s26+$0x0] =	vst.idx.msk $0xffff, v27;
	v13 =	vld.idx.msk [tilespmem:v21+s24+$0x0], $0xffff  }
0x1e1: {  	v21 =	vshll.u32 v24, $0x7;
	v25 =	vshll.u32 v11, $0x7;
	v27 =	vshll.u32 v23, $0x7;
	v12 =	vld.idx.msk [tilespmem:v12+s24+$0x0], $0xffff  }
0x1e2: {  	v21 =	vor.u32 v1, v21;
	v25 =	vor.u32 v1, v25;
	v27 =	vor.u32 v1, v27  }
0x1e3: {  	v33 =	vor.u32 $0x10, v3;
	v34 =	vor.u32 $0x10, v31;
	v35 =	vor.u32 $0x10, v32;
	[tilespmem:v14+s26+$0x0] =	vst.idx.msk $0xffff, v6  }
0x1e4: {  	v36 =	vshll.u32 v34, $0x7;
	v14 =	vshll.u32 v1, $0x7;
	v6 =	vshll.u32 v33, $0x7;
	v15 =	vld.idx.msk [tilespmem:v15+s24+$0x0], $0xffff;
	[tilespmem:v9+s26+$0x0] =	vst.idx.msk $0xffff, v16  }
0x1e5: {  	v36 =	vor.u32 v1, v36;
	v37 =	vor.u32 v22, v14;
	v6 =	vor.u32 v1, v6;
	v9 =	vld.idx.msk [tilespmem:v19+s24+$0x0], $0xffff  }
0x1e6: {  	v16 =	vor.u32 v1, v8;
	v8 =	vor.u32 v14, v24;
	v19 =	vor.u32 v14, v23  }
0x1e7: {  	v38 =	vor.u32 $0x10, v30;
	v40 =	vshll.u32 v35, $0x7;
	v39 =	vor.u32 v14, v11;
	v27 =	vld.idx.msk [tilespmem:v27+s24+$0x0], $0xffff;
	[tilespmem:v17+s26+$0x0] =	vst.idx.msk $0xffff, v13  }
0x1e8: {  	v13 =	vshll.u32 v38, $0x7;
	v17 =	vor.u32 $0x20, v22;
	v22 =	vld.idx.msk [tilespmem:v25+s24+$0x0], $0xffff;
	v25 =	vor.u32 v1, v40;
	[tilespmem:v4+s26+$0x0] =	vst.idx.msk $0xffff, v12  }
0x1e9: {  	v41 =	vor.u32 $0x20, v11;
	v40 =	vor.u32 v1, v13;
	v42 =	vld.idx.msk [tilespmem:v10+s24+$0x0], $0xffff;
	v10 =	vor.u32 v2, v18;
	v2 =	vmovc v14  }
0x1ea: {  	v4 =	vshll.u32 v17, $0x7;
	v12 =	vshll.u32 v41, $0x7;
	v11 =	vor.u32 v2, v35;
	[tilespmem:v5+s26+$0x0] =	vst.idx.msk $0xffff, v15;
	v35 =	vld.idx.msk [tilespmem:v28+s24+$0x0], $0xffff  }
0x1eb: {  	v13 =	vor.u32 v38, v2;
	v38 =	vor.u32 $0x20, v23;
	v28 =	vld.idx.msk [tilespmem:v16+s24+$0x0], $0xffff;
	v16 =	vor.u32 v1, v12  }
0x1ec: {  	v12 =	vor.u32 v1, v4;
	v4 =	vor.u32 v2, v17;
	v18 =	vld.idx.msk [tilespmem:v20+s24+$0x0], $0xffff;
	[tilespmem:v7+s26+$0x0] =	vst.idx.msk $0xffff, v9  }
0x1ed: {  	v5 =	vor.u32 $0x20, v24;
	v20 =	vor.u32 v2, v34;
	v9 =	vor.u32 v2, v41;
	v23 =	vld.idx.msk [tilespmem:v21+s24+$0x0], $0xffff  }
.Ltmp14:
0x1ee: {  	v14 =	vor.u32 v2, v33;
	v7 =	vshll.u32 v5, $0x7;
	v5 =	vor.u32 v2, v5;
	[tilespmem:v39+s26+$0x0] =	vst.idx.msk $0xffff, v22;
	(pc) =	sbr.rel @p1 .LBB2_22-.Ltmp14, $4  }
0x1ef: {  	v15 =	vor.u32 v1, v7;
	v7 =	vshll.u32 v38, $0x7;
	v22 =	vor.u32 $0x30, v32;
	v24 =	vld.idx.msk [tilespmem:v36+s24+$0x0], $0xffff;
	[tilespmem:v26+s26+$0x0] =	vst.idx.msk $0xffff, v42  }
0x1f0: {  	v17 =	vor.u32 $0x30, v31;
	v21 =	vor.u32 v1, v7;
	v26 =	vor.u32 $0x30, v30;
	[tilespmem:v19+s26+$0x0] =	vst.idx.msk $0xffff, v27  }
0x1f1: {  	v7 =	vor.u32 v2, v17;
	v19 =	vshll.u32 v17, $0x7;
	[tilespmem:v37+s26+$0x0] =	vst.idx.msk $0xffff, v28;
	v25 =	vld.idx.msk [tilespmem:v25+s24+$0x0], $0xffff;
	v28 =	vshll.u32 v22, $0x7  }
0x1f2: {  	v17 =	vor.u32 v2, v38;
	v19 =	vor.u32 v1, v19;
	v27 =	vld.idx.msk [tilespmem:v40+s24+$0x0], $0xffff;
	[tilespmem:v29+s26+$0x0] =	vst.idx.msk $0xffff, v35  }
0x1f3: {  	_ =	sdelay $0x3  }
0x1f4: {  	[tilespmem:v8+s26+$0x0] =	vst.idx.msk $0xffff, v23  }
0x1f5: {  	v6 =	vld.idx.msk [tilespmem:v6+s24+$0x0], $0xffff;
	_ =	sdelay $0x1  }
0x1f6: {  	[tilespmem:v20+s26+$0x0] =	vst.idx.msk $0xffff, v24  }
0x1f7: {  	v53 =	vld.idx.msk [tilespmem:v16+s24+$0x0], $0xffff;
	[tilespmem:v11+s26+$0x0] =	vst.idx.msk $0xffff, v25  }
0x1f8: {  	[tilespmem:v13+s26+$0x0] =	vst.idx.msk $0xffff, v27;
	v57 =	vld.idx.msk [tilespmem:v21+s24+$0x0], $0xffff  }
0x1f9: {  	v54 =	vshll.u32 v26, $0x7;
	v3 =	vor.u32 $0x30, v3;
	v58 =	vor.u32 v1, v28;
	v55 =	vld.idx.msk [tilespmem:v12+s24+$0x0], $0xffff;
	[tilespmem:v14+s26+$0x0] =	vst.idx.msk $0xffff, v6  }
0x1fa: {  	v56 =	vor.u32 v1, v54;
	v59 =	vshll.u32 v3, $0x7;
	v15 =	vld.idx.msk [tilespmem:v15+s24+$0x0], $0xffff  }
0x1fb: {  	v1 =	vor.u32 v1, v59  }
0x1fc: {  	[tilespmem:v9+s26+$0x0] =	vst.idx.msk $0xffff, v53  }
0x1fd: {  	v8 =	vld.idx.msk [tilespmem:v19+s24+$0x0], $0xffff;
	[tilespmem:v17+s26+$0x0] =	vst.idx.msk $0xffff, v57  }
0x1fe: {  	v62 =	vor.u32 v2, v22;
	[tilespmem:v4+s26+$0x0] =	vst.idx.msk $0xffff, v55;
	v63 =	vld.idx.msk [tilespmem:v58+s24+$0x0], $0xffff  }
0x1ff: {  	v60 =	vor.u32 v26, v2;
	v61 =	vld.idx.msk [tilespmem:v56+s24+$0x0], $0xffff;
	[tilespmem:v5+s26+$0x0] =	vst.idx.msk $0xffff, v15  }
0x200: {  	v2 =	vor.u32 v2, v3;
	v1 =	vld.idx.msk [tilespmem:v1+s24+$0x0], $0xffff  }
0x201: {  	[tilespmem:v10+s26+$0x0] =	vst.idx.msk $0xffff, v18  }
0x202: {  	[tilespmem:v7+s26+$0x0] =	vst.idx.msk $0xffff, v8  }
0x203: {  	[tilespmem:v62+s26+$0x0] =	vst.idx.msk $0xffff, v63  }
0x204: {  	[tilespmem:v60+s26+$0x0] =	vst.idx.msk $0xffff, v61  }
0x205: {  	[tilespmem:v2+s26+$0x0] =	vst.idx.msk $0xffff, v1  }
.Ltmp15:
0x206: {  	s25 =	simm.s32 $0x9;
	s0 =	rddreg [dreg:$0x4];
	(pc) =	sbr.rel .LBB2_24-.Ltmp15, $4  }
0x207: {  	[hbm4b:s0+s4] =	stream.linear.scatter [tilespmem:s26], [sflag:$0x9], $0x2000, $0x38;
	[tilespmem:$0x1A000] =	vst v63  }
0x208: {  	_ =	swait.ge [sflag:s25], $0x2000  }
0x209: {  	[sflag:s25] =	ssyncset.done $0x0  }
0x20a: {  	[sflag:s25] =	ssyncadd.s32 $0xFFFFE000  }
.LBB2_25:
0x20b: {  	_ =	sfence.sel $0x180000  }
0x20c: {  	[bflag:$0x0] =	sbarrier.arrive $0xFFFF  }
0x20d: {  	_ =	strace $0x90000047  }
0x20e: {  	s0 =	stileid.u32;
	[bflag:$0x2] =	sbarrier.arrive $0xFFFF  }
0x20f: {  	p0 =	sne.s32 s0, $0x0;
	s0 =	rddreg [dreg:$0x3]  }
0x210: {  	s0 =	sadd.s32 @!p0 $0x100000, s0  }
0x211: {  	[sflag:s0] =	ssyncadd.tile.s32 @!p0 $0x1;
	_ =	shalt  }
.Lfunc_end2:
_tile_overlayer_lowered:
.L_overlay_start_2:
0x212: {  	(tag) =	ssettag $0x2  }
0x213: {  	s0 =	rddreg [dreg:$0x0];
	s2 =	stileid.u32  }
0x214: {  	s1 =	rddreg [dreg:$0x1];
	p0 =	sne.s32 s2, $0x0  }
0x215: {  	s3 =	rddreg [dreg:$0x2];
	[bflag:$0x3] =	sbarrier.arrive $0xFFFF;
	s2 =	simm.s32 @!p0 $0x1C09  }
0x216: {  	[timem:s3], [sflag:s2] =	dma.local @!p0 [hbm:s0], s1  }
0x217: {  	s0 =	simm.s32 @!p0 $0x9  }
0x218: {  	_ =	swait.ge @!p0 [sflag:s0], s1  }
0x219: {  	s1 =	ssub.s32 @!p0 $0x0, s1;
	[sflag:s0] =	ssyncset.done @!p0 $0x0  }
0x21a: {  	[sflag:s0] =	ssyncadd.s32 @!p0 s1  }
0x21b: {  	[bflag:$0x3] =	sbarrier.arrive $0xFFFF  }
0x21c: {  	_ =	shalt  }

// kernel: kernel.7.cloned.1.call-start
scs
__scs_entry_jumppad:
0x0: {  	(pc) =	sbr.rel $0x88, $3  }
0x1: {  	(tag) =	ssettag $0x0;
	lr =	simm.s32 $0x1  }
0x2: {  	[smem:$0x3F9F] =	sst lr;
	_ =	strace $0xD0000000  }
0x3: {  	_ = 	snop  }
0x4: {  	_ = 	snop  }
0x5: {  	_ = 	snop  }
0x6: {  	_ = 	snop  }
0x7: {  	_ = 	snop  }
__scs_overlays_trampoline_lowered:
0x8: {  	[smem:$0x3FAE] =	sst s0  }
0x9: {  	[smem:$0x3FAF] =	sst s1  }
0xa: {  	[smem:$0x3FB0] =	sst s2  }
0xb: {  	[smem:$0x3FB1] =	sst s3  }
0xc: {  	[smem:$0x3FB2] =	sst s4  }
0xd: {  	[smem:$0x3FB3] =	sst s5  }
0xe: {  	[smem:$0x3FB4] =	sst s6  }
0xf: {  	[smem:$0x3FB5] =	sst s7  }
0x10: {  	[smem:$0x3FB6] =	sst s8  }
0x11: {  	[smem:$0x3FB7] =	sst s9;
	s0 =	simm.s32 @!p0 $0x0  }
0x12: {  	s1 =	sld [smem:$0x3F9D];
	s0 =	simm.s32 @p0 $0x1  }
0x13: {  	[smem:$0x3FB8] =	sst s0;
	s0 =	simm.s32 @!p1 $0x0  }
0x14: {  	s2 =	sld [smem:$0x3F9C];
	s0 =	simm.s32 @p1 $0x1  }
0x15: {  	[smem:$0x3FB9] =	sst s0;
	s0 =	simm.s32 @!p2 $0x0  }
0x16: {  	s3 =	sld [smem:$0x3FDB];
	s0 =	simm.s32 @p2 $0x1  }
0x17: {  	s4 =	simm.s32 $0x1BF5;
	[smem:$0x3FBB] =	sst s0  }
0x18: {  	s0 =	sld [smem:$0x3F9E];
	_ =	swait.ge [sflag:s4], $0x0  }
0x19: {  	s7 =	sld [smem:$0x3F9F]  }
0x1a: {  	s8 =	sadd.s32 $0xFFFFE003, lr  }
0x1b: {  	s9 =	sadd.s32 $0xFFFFFEF7, lr;
	s5 =	simm.s32 $0xFFFFFFFF;
	p2 =	slt.u32 s8, $0xFFFFF086  }
0x1c: {  	p1 =	slt.u32 s9, $0xF7A;
	s5 =	simm.s32 @!p2 $0x0  }
0x1d: {  	s5 =	simm.s32 @p1 $0x1;
	p0 =	seq.s32 s7, s2  }
0x1e: {  	s7 =	smul.u32 @!p0 $0xF7A, s2;
	p2 =	seq.s32 @!p0 s5, $0x0  }
0x1f: {  	s9 =	smul.u32 $0xF7A, s1;
	s8 =	simm.s32 @!p0 $0x1BF5;
	p2 =	por !p2, p0  }
0x20: {  	[sflag:s8] =	ssyncset.s32 @!p0 $0xFFFFF086;
	s6 =	sadd.s32 @!p0 s3, s7;
	s7 =	simm.s32 @!p0 $0x108  }
0x21: {  	s3 =	sadd.s32 s3, s9;
	s6 =	sadd.s32 @!p0 $0x88, s6;
	s7 =	simm.s32 @p2 $0x1082  }
0x22: {  	[simem:s7], [sflag:s8] =	dma.local @!p0 [hbm:s6], $0xF7A  }
0x23: {  	s9 =	sor.u32 $0xD0000000, s2;
	s6 =	simm.s32 $0x108;
	_ =	swait.ge @!p0 [sflag:s8], $0x0  }
0x24: {  	s3 =	sadd.s32 $0x88, s3;
	s6 =	simm.s32 @!p1 $0x1082;
	[sflag:s4] =	ssyncset.s32 $0xFFFFF086  }
0x25: {  	[simem:s6], [sflag:s4] =	dma.local [hbm:s3], $0xF7A  }
0x26: {  	[smem:$0x3F9F] =	sst s1;
	(tag) =	ssettag s2;
	_ =	strace s9  }
0x27: {  	s1 =	sld [smem:$0x3FAF]  }
0x28: {  	s2 =	sld [smem:$0x3FB0]  }
0x29: {  	s4 =	sld [smem:$0x3FB2]  }
0x2a: {  	p0 =	seq.s32 s5, $0x0;
	s5 =	sld [smem:$0x3FB3]  }
0x2b: {  	s6 =	sld [smem:$0x3FB4]  }
0x2c: {  	s7 =	sld [smem:$0x3FB5]  }
0x2d: {  	s3 =	simm.s32 $0x108;
	s8 =	sld [smem:$0x3FB6]  }
0x2e: {  	s3 =	simm.s32 @!p0 $0x1082;
	s9 =	sld [smem:$0x3FB7]  }
0x2f: {  	lr =	sadd.s32 s0, s3;
	s0 =	sld [smem:$0x3FAE]  }
0x30: {  	s3 =	sld [smem:$0x3FB1]  }
0x31: {  	[smem:$0x3FBA] =	sst s10  }
0x32: {  	s10 =	sld [smem:$0x3FB8];
	_ =	sdelay $0x3  }
0x33: {  	p0 =	seq.s32 s10, $0x1;
	s10 =	sld [smem:$0x3FBA];
	_ =	sdelay $0x3  }
0x34: {  	[smem:$0x3FBA] =	sst s10  }
0x35: {  	s10 =	sld [smem:$0x3FB9];
	_ =	sdelay $0x3  }
0x36: {  	p1 =	seq.s32 s10, $0x1;
	s10 =	sld [smem:$0x3FBA];
	_ =	sdelay $0x3  }
0x37: {  	[smem:$0x3FBA] =	sst s10  }
0x38: {  	s10 =	sld [smem:$0x3FBB]  }
0x39: {  	_ = 	snop;
	(pc) =	sbr.ind lr, $3  }
0x3a: {  	_ = 	snop  }
0x3b: {  	_ = 	snop  }
0x3c: {  	p2 =	seq.s32 s10, $0x1;
	s10 =	sld [smem:$0x3FBA]  }
0x3d: {  	_ =	shalt  }
0x3e: {  	_ =	shalt  }
0x3f: {  	_ =	shalt  }
0x40: {  	_ =	shalt  }
0x41: {  	_ =	shalt  }
0x42: {  	_ =	shalt  }
0x43: {  	_ =	shalt  }
0x44: {  	_ =	shalt  }
0x45: {  	_ =	shalt  }
0x46: {  	_ =	shalt  }
0x47: {  	_ =	shalt  }
0x48: {  	_ =	shalt  }
0x49: {  	_ =	shalt  }
0x4a: {  	_ =	shalt  }
0x4b: {  	_ =	shalt  }
0x4c: {  	_ =	shalt  }
0x4d: {  	_ =	shalt  }
0x4e: {  	_ =	shalt  }
0x4f: {  	_ =	shalt  }
0x50: {  	_ =	shalt  }
0x51: {  	_ =	shalt  }
0x52: {  	_ =	shalt  }
0x53: {  	_ =	shalt  }
0x54: {  	_ =	shalt  }
0x55: {  	_ =	shalt  }
0x56: {  	_ =	shalt  }
0x57: {  	_ =	shalt  }
0x58: {  	_ =	shalt  }
0x59: {  	_ =	shalt  }
0x5a: {  	_ =	shalt  }
0x5b: {  	_ =	shalt  }
0x5c: {  	_ =	shalt  }
0x5d: {  	_ =	shalt  }
0x5e: {  	_ =	shalt  }
0x5f: {  	_ =	shalt  }
0x60: {  	_ =	shalt  }
0x61: {  	_ =	shalt  }
0x62: {  	_ =	shalt  }
0x63: {  	_ =	shalt  }
0x64: {  	_ =	shalt  }
0x65: {  	_ =	shalt  }
0x66: {  	_ =	shalt  }
0x67: {  	_ =	shalt  }
0x68: {  	_ =	shalt  }
0x69: {  	_ =	shalt  }
0x6a: {  	_ =	shalt  }
0x6b: {  	_ =	shalt  }
0x6c: {  	_ =	shalt  }
0x6d: {  	_ =	shalt  }
0x6e: {  	_ =	shalt  }
0x6f: {  	_ =	shalt  }
0x70: {  	_ =	shalt  }
0x71: {  	_ =	shalt  }
0x72: {  	_ =	shalt  }
0x73: {  	_ =	shalt  }
0x74: {  	_ =	shalt  }
0x75: {  	_ =	shalt  }
0x76: {  	_ =	shalt  }
0x77: {  	_ =	shalt  }
0x78: {  	_ =	shalt  }
0x79: {  	_ =	shalt  }
0x7a: {  	_ =	shalt  }
0x7b: {  	_ =	shalt  }
0x7c: {  	_ =	shalt  }
0x7d: {  	_ =	shalt  }
0x7e: {  	_ =	shalt  }
0x7f: {  	_ =	shalt  }
0x80: {  	_ =	shalt  }
0x81: {  	_ =	shalt  }
0x82: {  	_ =	shalt  }
0x83: {  	_ =	shalt  }
0x84: {  	_ =	shalt  }
0x85: {  	_ =	shalt  }
0x86: {  	_ =	shalt  }
0x87: {  	_ =	shalt  }
.Lfunc_end0:
.L_simem_size_0:
called_computation.1_lowered:
.L_overlay_start_0:
0x88: {  	s2 =	sld [smem:$0x3FD9]  }
0x89: {  	s3 =	sld [smem:$0x3FFE];
	_ =	sdelay $0x1  }
0x8a: {  	s1 =	srdreg.scid  }
0x8b: {  	s0 =	sand.u32 $0x1, s1  }
0x8c: {  	s17 =	sshll.u32 s0, $0xA;
	s2 =	sadd.s32 s3, s2  }
0x8d: {  	s2 =	sadd.s32 s2, s17  }
0x8e: {  	[smem:$0x3FC6] =	sst s2  }
0x8f: {  	_ = 	snop  }
0x90: {  	s2 =	sld [smem:$0x3FD0];
	(tm) =	ssettm $0x1  }
0x91: {  	s18 =	sld [smem:$0x3FFB];
	_ =	sdelay $0x3  }
0x92: {  	_ =	strace s18  }
0x93: {  	s3 =	sld [smem:$0x3FFC];
	_ =	sdelay $0x3  }
0x94: {  	_ =	strace s3  }
0x95: {  	s3 =	sld [smem:$0x3FFD];
	_ =	sdelay $0x3  }
0x96: {  	_ =	strace s3  }
0x97: {  	_ =	strace $0x8FFFFFFF  }
0x98: {  	s19 =	sld [smem:$0x3FDB];
	_ =	sdelay $0x1  }
0x99: {  	s4 =	simm.s32 $_scs_section_size  }
0x9a: {  	s5 =	simm.s32 $_size__tile_overlayer_lowered;
	s6 =	simm.s32 $_tile_overlayer_lowered  }
0x9b: {  	s22 =	simm.s32 $0x1BFF;
	s21 =	sshll.u32 s6, $0x1;
	s3 =	sadd.s32 s4, s19  }
0x9c: {  	s7 =	simm.s32 $0x0;
	s20 =	sshll.u32 s5, $0x1;
	s5 =	sadd.s32 s21, s3  }
0x9d: {  	[timem:s7], [sflag:s22] =	dma.local [hbm:s5], s20  }
0x9e: {  	_ =	swait.ge [sflag:s22], s20  }
0x9f: {  	s4 =	ssub.s32 $0x0, s20;
	[sflag:s22] =	ssyncset.done $0x0  }
0xa0: {  	[sflag:s22] =	ssyncadd.s32 s4;
	_ =	sdelay $0x1  }
0xa1: {  	s23 =	simm.s32 $0x1B8B  }
0xa2: {  	_ =	swait.ge [sflag:s23], $0x1  }
0xa3: {  	[sflag:s23] =	ssyncset.done $0x0  }
0xa4: {  	s25 =	simm.s32 $0x1B8E;
	s24 =	sld [smem:$0x3FFE];
	[sflag:s23] =	ssyncadd.s32 $0xFFFFFFFF  }
0xa5: {  	s26 =	simm.s32 $execute0_lowered;
	[smem:$0x3FD2] =	sst s25  }
0xa6: {  	s5 =	sshll.u32 s26, $0x1;
	_ =	strace $0x80000049;
	[dreg:$0x1] =	wrdreg $0xFFFFFFFF  }
0xa7: {  	s28 =	simm.s32 $_size_execute0_lowered;
	s3 =	sadd.s32 s3, s5;
	[dreg:$0x0] =	wrdreg $0x0  }
0xa8: {  	s5 =	sshll.u32 s28, $0x1;
	[dreg:$0x2] =	wrdreg s3  }
0xa9: {  	[dreg:$0x3] =	wrdreg s5  }
0xaa: {  	[dreg:$0x4] =	wrdreg $0xC0  }
0xab: {  	_ =	task [dreg:s7], $0x5FFFF  }
0xac: {  	[dreg:$0x1] =	wrdreg $0xFFFFFFFF  }
0xad: {  	[dreg:$0x0] =	wrdreg $0x60  }
0xae: {  	[dreg:$0x2] =	wrdreg s24  }
0xaf: {  	[dreg:$0x3] =	wrdreg s2  }
0xb0: {  	[dreg:$0x4] =	wrdreg $0x9  }
0xb1: {  	_ =	task.clear_ibuf [dreg:s7], $0x5FFFF;
	_ =	strace $0x90000049  }
0xb2: {  	s29 =	simm.s32 $0x9;
	_ =	strace $0x8000004B  }
0xb3: {  	_ =	swait.ge [sflag:s29], $0x1  }
0xb4: {  	[sflag:s29] =	ssyncadd.s32 $0xFFFFFFFF  }
0xb5: {  	_ =	strace $0x9000004B  }
0xb6: {  	_ =	sfence  }
0xb7: {  	s30 =	sld [smem:$0x0];
	_ =	sdelay $0x2  }
0xb8: {  	s31 =	sshll.u32 s1, $0xD;
	s1 =	sshrl.u32 s1, $0x2  }
0xb9: {  	s3 =	sand.u32 $0x4000, s31;
	s1 =	sadd.s32 s1, s30  }
0xba: {  	s0 =	sor.u32 s3, s0;
	s1 =	sshll.u32 s1, $0x11  }
0xbb: {  	s0 =	sor.u32 s1, s0  }
0xbc: {  	s0 =	sadd.s32 $0x8F2B, s0  }
0xbd: {  	[sflag:s0] =	ssyncadd.remote.s32 $0x1  }
0xbe: {  	_ =	sfence.sel $0xFFFF  }
0xbf: {  	[dreg:$0x0] =	wrdreg $0xFFFFFFFF;
	(pc) =	sbr.abs _section_cstart, $3  }
0xc0: {  	[dreg:$0x1] =	wrdreg $0xFFFFFFFF  }
0xc1: {  	_ =	task.clear_ibuf [dreg:s7], $0x2FFFF;
	_ =	strace $0x9FFFFFFF  }
0xc2: {  	(tm) =	ssettm $0x7FFFFFFF  }
0xc3: {  	_ =	shalt  }
tec
execute0_lowered:
.L_overlay_start_1:
0x0: {  	(tag) =	ssettag $0x1  }
0x1: {  	s0 =	rddreg [dreg:$0x0];
	s1 =	srdreg.scid  }
0x2: {  	s3 =	stileid.u32;
	s2 =	rddreg [dreg:$0x1]  }
0x3: {  	s17 =	simm.s32 $0x8600;
	s18 =	simm.s32 $0x10600;
	s26 =	simm.s32 $0x3  }
0x4: {  	s28 =	simm.s32 $0xA600;
	s29 =	simm.s32 $0xE600;
	s14 =	simm.s32 $0xFE00  }
0x5: {  	s15 =	simm.s32 $0x10200;
	s19 =	simm.s32 $0x4;
	s20 =	simm.s32 $0xC600  }
0x6: {  	s21 =	simm.s32 $0x80;
	s22 =	simm.s32 $0x1;
	s23 =	simm.s32 $0x6600  }
0x7: {  	s16 =	simm.s32 $0x0;
	s1 =	sand.u32 $0x1, s1;
	s4 =	sshll.u32 s3, $0x1  }
0x8: {  	s3 =	simm.s32 $0x0;
	s8 =	sadd.s32 $0x2000, s2;
	s9 =	sadd.s32 $0x3000, s2  }
0x9: {  	v0 =	vlaneseq.u32;
	s10 =	sadd.s32 $0x4000, s2;
	s11 =	sadd.s32 $0x5000, s2;
	s5 =	sor.u32 s1, s4  }
0xa: {  	s12 =	sadd.s32 $0x6000, s2;
	v1 =	vmul.u32 $0x80, v0;
	s1 =	ssub.s32 $0x2, s1;
	s4 =	smul.u32 $0xC80, s5  }
.Ltmp0:
0xb: {  	v2 =	vor.u32 $0x10, v0;
	v3 =	vmul.u32 $0xC8, v0;
	[smem:$0x7FF] =	sst s3;
	s6 =	sshrl.u32 s1, $0x1;
	(pc) =	sbr.rel .LBB2_1-.Ltmp0, $4  }
0xc: {  	s13 =	sadd.s32 $0x7000, s2;
	v5 =	vor.u32 $0x20, v0;
	v7 =	vor.u32 $0x30, v0;
	_ =	strace $0x8000004A;
	v4 =	vor.u32 $0x800, v1;
	s30 =	ssub.s32 s1, s6  }
0xd: {  	v6 =	vor.u32 $0x1000, v1;
	v8 =	vor.u32 $0x1800, v1;
	v9 =	vadd.s32 $0xC80, v3;
	s7 =	sadd.s32 s4, s0;
	s4 =	sadd.s32 $0xA00, s0;
	s0 =	smax.u32 s30, $0x1  }
0xe: {  	v10 =	vadd.s32 $0x1900, v3;
	v11 =	vadd.s32 $0x2580, v3;
	v12 =	vadd.s32 $0x3200, v3;
	s6 =	sshll.u32 s5, $0x7;
	s31 =	sadd.s32 $0xF42E00, s7;
	[dreg:$0x4] =	wrdreg s0  }
0xf: {  	v13 =	vadd.s32 $0x3E80, v3;
	v14 =	vadd.s32 $0x4B00, v3;
	v15 =	vadd.s32 $0x5780, v3;
	s5 =	simm.s32 $0xFA00;
	s7 =	sadd.s32 $0x1000, s2;
	[dreg:$0x3] =	wrdreg s31  }
.LBB2_17:
0x10: {  	s0 =	simm.s32 $0x5  }
0x11: {  	_ =	swait.ge [sflag:s0], $0x400  }
0x12: {  	[sflag:s0] =	ssyncset.done $0x0  }
0x13: {  	[sflag:s0] =	ssyncadd.s32 $0xFFFFFC00  }
0x14: {  	_ =	swait.ge [sflag:s0], $0x400  }
0x15: {  	[sflag:s0] =	ssyncset.done $0x0  }
0x16: {  	[sflag:s0] =	ssyncadd.s32 $0xFFFFFC00  }
0x17: {  	_ =	swait.ge [sflag:s0], $0x400  }
0x18: {  	[sflag:s0] =	ssyncset.done $0x0  }
0x19: {  	[sflag:s0] =	ssyncadd.s32 $0xFFFFFC00  }
0x1a: {  	_ =	swait.ge [sflag:s0], $0x400  }
0x1b: {  	[sflag:s0] =	ssyncset.done $0x0  }
0x1c: {  	[sflag:s0] =	ssyncadd.s32 $0xFFFFFC00  }
0x1d: {  	_ =	swait.ge [sflag:s0], $0x400  }
0x1e: {  	[sflag:s0] =	ssyncset.done $0x0  }
0x1f: {  	[sflag:s0] =	ssyncadd.s32 $0xFFFFFC00  }
0x20: {  	_ =	swait.ge [sflag:s0], $0x400  }
0x21: {  	[sflag:s0] =	ssyncset.done $0x0  }
0x22: {  	[sflag:s0] =	ssyncadd.s32 $0xFFFFFC00  }
0x23: {  	_ =	swait.ge [sflag:s0], $0x400  }
0x24: {  	[sflag:s0] =	ssyncset.done $0x0  }
0x25: {  	[sflag:s0] =	ssyncadd.s32 $0xFFFFFC00  }
0x26: {  	_ =	swait.ge [sflag:s0], $0x400  }
0x27: {  	[sflag:s0] =	ssyncset.done $0x0  }
0x28: {  	s1 =	simm.s32 $0x6;
	[sflag:s0] =	ssyncadd.s32 $0xFFFFFC00  }
0x29: {  	_ =	swait.ge [sflag:s1], $0x400  }
0x2a: {  	[sflag:s1] =	ssyncset.done $0x0  }
0x2b: {  	[sflag:s1] =	ssyncadd.s32 $0xFFFFFC00  }
0x2c: {  	_ =	swait.ge [sflag:s1], $0x400  }
0x2d: {  	[sflag:s1] =	ssyncset.done $0x0  }
0x2e: {  	[sflag:s1] =	ssyncadd.s32 $0xFFFFFC00  }
0x2f: {  	_ =	swait.ge [sflag:s1], $0x400  }
0x30: {  	[sflag:s1] =	ssyncset.done $0x0  }
0x31: {  	[sflag:s1] =	ssyncadd.s32 $0xFFFFFC00  }
0x32: {  	_ =	swait.ge [sflag:s1], $0x400  }
0x33: {  	[sflag:s1] =	ssyncset.done $0x0  }
0x34: {  	[sflag:s1] =	ssyncadd.s32 $0xFFFFFC00  }
0x35: {  	_ =	swait.ge [sflag:s1], $0x400  }
0x36: {  	[sflag:s1] =	ssyncset.done $0x0  }
0x37: {  	[sflag:s1] =	ssyncadd.s32 $0xFFFFFC00  }
0x38: {  	_ =	swait.ge [sflag:s1], $0x400  }
0x39: {  	[sflag:s1] =	ssyncset.done $0x0  }
0x3a: {  	[sflag:s1] =	ssyncadd.s32 $0xFFFFFC00  }
0x3b: {  	_ =	swait.ge [sflag:s1], $0x400  }
0x3c: {  	[sflag:s1] =	ssyncset.done $0x0  }
0x3d: {  	[sflag:s1] =	ssyncadd.s32 $0xFFFFFC00  }
0x3e: {  	_ =	swait.ge [sflag:s1], $0x400  }
0x3f: {  	s16 =	rddreg [dreg:$0x5]  }
0x40: {  	s31 =	rddreg [dreg:$0x4];
	s16 =	sadd.s32 $0x1, s16  }
0x41: {  	p0 =	sne.s32 s16, s31  }
.Ltmp1:
0x42: {  	_ = 	snop;
	(pc) =	sbr.rel @!p0 .LBB2_18-.Ltmp1, $3  }
0x43: {  	_ =	sdelay $0x1  }
0x44: {  	[sflag:s1] =	ssyncset.done $0x0  }
0x45: {  	[sflag:s1] =	ssyncadd.s32 $0xFFFFFC00  }
.LBB2_1:
0x46: {  	[dreg:$0x5] =	wrdreg s16  }
0x47: {  	s0 =	rddreg [dreg:$0x3];
	s31 =	simm.s32 $0x7  }
0x48: {  	[tilespmem:s3], [sflag:$0x7] =	stream.linear.gather [hbm4b:s0+s3], $0x6400, $0x38;
	[tilespmem:$0x12600] =	vst v63  }
0x49: {  	_ =	swait.ge [sflag:s31], $0x6400  }
0x4a: {  	[sflag:s31] =	ssyncset.done $0x0  }
0x4b: {  	s24 =	simm.s32 $0x0;
	[sflag:s31] =	ssyncadd.s32 $0xFFFF9C00  }
.LBB2_2:
0x4c: {  	p0 =	seq.s32 s24, $0x32  }
0x4d: {  	v16 =	vlaneseq.u32 @!p0  }
0x4e: {  	v16 =	vmul.u32 @!p0 $0xC8, v16  }
0x4f: {  	s25 =	sshll.u32 s24, $0x2  }
0x50: {  	v17 =	vmov @!p0 s25;
	v18 =	vadd.s32 @!p0 s25, v16  }
0x51: {  	v17 =	vand.u32 @!p0 $0x4, v17;
	v18 =	vand.u32 @!p0 $0x1FF8, v18  }
0x52: {  	v18 =	vor.u32 @!p0 v17, v18;
	_ =	sdelay $0x2  }
0x53: {  	v19 =	vadd.s32 @!p0 $0xC80, v16  }
0x54: {  	s16 =	simm.s32 @!p0 $0x0;
	v19 =	vadd.s32 @!p0 s25, v19  }
0x55: {  	v19 =	vand.u32 @!p0 $0x3FF8, v19;
	v18 =	vld.idx.msk @!p0 [tilespmem:v18+s16+$0x0], $0xffff  }
0x56: {  	v19 =	vor.u32 @!p0 v17, v19;
	_ =	sdelay $0x2  }
0x57: {  	v20 =	vadd.s32 @!p0 $0x1900, v16  }
0x58: {  	[tilespmem:$0x6400] =	vst @!p0 v18;
	v18 =	vadd.s32 @!p0 s25, v20  }
0x59: {  	v19 =	vld.idx.msk @!p0 [tilespmem:v19+s16+$0x0], $0xffff;
	v18 =	vand.u32 @!p0 $0x7FF8, v18  }
0x5a: {  	v18 =	vor.u32 @!p0 v17, v18;
	_ =	sdelay $0x2  }
0x5b: {  	v20 =	vadd.s32 @!p0 $0x2580, v16  }
0x5c: {  	[tilespmem:$0x6410] =	vst @!p0 v19;
	v19 =	vadd.s32 @!p0 s25, v20  }
0x5d: {  	v18 =	vld.idx.msk @!p0 [tilespmem:v18+s16+$0x0], $0xffff;
	v19 =	vand.u32 @!p0 $0x7FF8, v19  }
0x5e: {  	v19 =	vor.u32 @!p0 v17, v19;
	_ =	sdelay $0x2  }
0x5f: {  	v20 =	vadd.s32 @!p0 $0x3200, v16  }
0x60: {  	[tilespmem:$0x6420] =	vst @!p0 v18;
	v18 =	vadd.s32 @!p0 s25, v20  }
0x61: {  	v19 =	vld.idx.msk @!p0 [tilespmem:v19+s16+$0x0], $0xffff;
	v18 =	vand.u32 @!p0 $0x7FF8, v18  }
0x62: {  	v18 =	vor.u32 @!p0 v17, v18;
	_ =	sdelay $0x2  }
0x63: {  	v20 =	vadd.s32 @!p0 $0x3E80, v16  }
0x64: {  	[tilespmem:$0x6430] =	vst @!p0 v19;
	v19 =	vadd.s32 @!p0 s25, v20  }
0x65: {  	v18 =	vld.idx.msk @!p0 [tilespmem:v18+s16+$0x0], $0xffff;
	v19 =	vand.u32 @!p0 $0xFFF8, v19  }
0x66: {  	v19 =	vor.u32 @!p0 v17, v19;
	_ =	sdelay $0x2  }
0x67: {  	v20 =	vadd.s32 @!p0 $0x4B00, v16  }
0x68: {  	[tilespmem:$0x6440] =	vst @!p0 v18;
	v18 =	vadd.s32 @!p0 s25, v20  }
0x69: {  	v19 =	vld.idx.msk @!p0 [tilespmem:v19+s16+$0x0], $0xffff;
	v18 =	vand.u32 @!p0 $0x7FF8, v18  }
0x6a: {  	v18 =	vor.u32 @!p0 v17, v18;
	_ =	sdelay $0x2  }
0x6b: {  	v16 =	vadd.s32 @!p0 $0x5780, v16  }
0x6c: {  	v16 =	vadd.s32 @!p0 s25, v16;
	[tilespmem:$0x6450] =	vst @!p0 v19  }
0x6d: {  	v16 =	vand.u32 @!p0 $0xFFF8, v16;
	v18 =	vld.idx.msk @!p0 [tilespmem:v18+s16+$0x0], $0xffff  }
0x6e: {  	v16 =	vor.u32 @!p0 v17, v16;
	_ =	sdelay $0x3  }
0x6f: {  	[tilespmem:$0x6460] =	vst @!p0 v18  }
0x70: {  	v16 =	vld.idx.msk @!p0 [tilespmem:v16+s16+$0x0], $0xffff;
	_ =	sdelay $0x4  }
0x71: {  	s30 =	simm.s32 @!p0 $0x6400;
	s31 =	simm.s32 @!p0 $0x6600;
	s16 =	simm.s32 @!p0 $0x80;
	[tilespmem:$0x6470] =	vst @!p0 v16  }
0x72: {  	[tilespmem:s31], [sflag:$0x1] =	stream.indirect.gather @!p0 [hbm4b:s4+s16], $0x40, s30, s16, $0xb8;
	[tilespmem:$0x12600] =	vst v63  }
0x73: {  	s16 =	sadd.s32 @!p0 $0xFFFFFFFD, s25  }
0x74: {  	p1 =	sgt.u32 @!p0 s16, $0xC7  }
0x75: {  	p1 =	por p0, !p1  }
.Ltmp2:
0x76: {  	_ = 	snop;
	(pc) =	sbr.rel @!p1 .LBB2_6-.Ltmp2, $1  }
0x77: {  	_ =	sdelay $0x3  }
0x78: {  	s0 =	simm.s32 $0x2  }
0x79: {  	_ =	swait.ge [sflag:s0], $0x2000  }
0x7a: {  	p1 =	slt.u32 s24, $0x2;
	[sflag:s0] =	ssyncset.done $0x0  }
0x7b: {  	s31 =	simm.s32 @!p1 $0x6;
	[sflag:s0] =	ssyncadd.s32 $0xFFFFE000  }
0x7c: {  	_ =	swait.ge @!p1 [sflag:s31], $0x400  }
0x7d: {  	[sflag:s31] =	ssyncset.done @!p1 $0x0  }
0x7e: {  	[sflag:s31] =	ssyncadd.s32 @!p1 $0xFFFFFC00  }
0x7f: {  	_ =	swait.ge @!p1 [sflag:s31], $0x400  }
0x80: {  	[sflag:s31] =	ssyncset.done @!p1 $0x0  }
0x81: {  	[sflag:s31] =	ssyncadd.s32 @!p1 $0xFFFFFC00  }
0x82: {  	_ =	swait.ge @!p1 [sflag:s31], $0x400  }
0x83: {  	[sflag:s31] =	ssyncset.done @!p1 $0x0  }
0x84: {  	[sflag:s31] =	ssyncadd.s32 @!p1 $0xFFFFFC00  }
0x85: {  	_ =	swait.ge @!p1 [sflag:s31], $0x400  }
0x86: {  	[sflag:s31] =	ssyncset.done @!p1 $0x0  }
0x87: {  	[sflag:s31] =	ssyncadd.s32 @!p1 $0xFFFFFC00  }
0x88: {  	s30 =	simm.s32 $0x0;
	_ =	swait.ge @!p1 [sflag:s31], $0x400  }
0x89: {  	s1 =	sand.u32 $0xE, s30;
	[sflag:s31] =	ssyncset.done @!p1 $0x0  }
0x8a: {  	s0 =	sor.u32 $0x1, s1;
	[sflag:s31] =	ssyncadd.s32 @!p1 $0xFFFFFC00  }
0x8b: {  	v16 =	vadd.s32 s0, v0;
	_ =	swait.ge @!p1 [sflag:s31], $0x400  }
0x8c: {  	s0 =	sand.u32 $0x70, s30;
	v17 =	vand.u32 $0xF, v16;
	[sflag:s31] =	ssyncset.done @!p1 $0x0  }
0x8d: {  	v18 =	vadd.s32 s1, v0;
	v17 =	vor.u32 s0, v17;
	[sflag:s31] =	ssyncadd.s32 @!p1 $0xFFFFFC00  }
0x8e: {  	v19 =	vand.u32 $0xF, v18;
	v25 =	vshll.u32 v17, $0x6;
	_ =	swait.ge @!p1 [sflag:s31], $0x400  }
0x8f: {  	v19 =	vor.u32 s0, v19;
	v21 =	vor.u32 v0, v25;
	[sflag:s31] =	ssyncset.done @!p1 $0x0  }
0x90: {  	v22 =	vshll.u32 v19, $0x6;
	[sflag:s31] =	ssyncadd.s32 @!p1 $0xFFFFFC00  }
0x91: {  	v20 =	vor.u32 v1, v19;
	v23 =	vor.u32 v0, v22;
	_ =	swait.ge @!p1 [sflag:s31], $0x400  }
0x92: {  	v29 =	vand.u32 $0x7, v18;
	s30 =	simm.s32 $0x2;
	v24 =	vand.u32 $0x7F8, v20;
	v20 =	vor.u32 v1, v17;
	[sflag:s31] =	ssyncset.done @!p1 $0x0  }
0x93: {  	s0 =	sand.u32 $0xE, s30;
	v28 =	vor.u32 v2, v22;
	v18 =	vand.u32 $0x7F8, v20;
	v20 =	vand.u32 $0x7, v16;
	[sflag:s31] =	ssyncadd.s32 @!p1 $0xFFFFFC00  }
0x94: {  	v40 =	vor.u32 v5, v22;
	v33 =	vadd.s32 s0, v0;
	v26 =	vor.u32 v20, v18;
	v21 =	vld.idx.msk [tilespmem:v21+s17+$0x0], $0xffff  }
0x95: {  	s1 =	sor.u32 $0x1, s0;
	v61 =	vor.u32 v6, v17;
	v16 =	vor.u32 v4, v19;
	v30 =	vor.u32 v2, v25  }
0x96: {  	v27 =	vadd.s32 s1, v0;
	v24 =	vor.u32 v29, v24;
	v16 =	vand.u32 $0xFF8, v16;
	v23 =	vld.idx.msk [tilespmem:v23+s17+$0x0], $0xffff  }
0x97: {  	v32 =	vor.u32 v29, v16;
	v16 =	vor.u32 v6, v19;
	v19 =	vor.u32 v8, v19  }
0x98: {  	v18 =	vand.u32 $0x17F8, v16;
	v31 =	vand.u32 $0x1FF8, v19;
	v19 =	vor.u32 v4, v17  }
0x99: {  	v16 =	vor.u32 v7, v22;
	v22 =	vand.u32 $0xFF8, v19;
	s31 =	sand.u32 $0x70, s30;
	[tilespmem:v26+s18+$0x0] =	vst.idx.msk $0xffff, v21;
	v21 =	vand.u32 $0xF, v27  }
0x9a: {  	v35 =	vor.u32 v20, v22;
	v26 =	vand.u32 $0xF, v33;
	v34 =	vld.idx.msk [tilespmem:v30+s17+$0x0], $0xffff;
	v19 =	vor.u32 s31, v21  }
0x9b: {  	[tilespmem:v24+s18+$0x0] =	vst.idx.msk $0xffff, v23;
	v23 =	vor.u32 v5, v25;
	v22 =	vor.u32 s31, v26;
	v26 =	vshll.u32 v19, $0x6  }
0x9c: {  	v18 =	vor.u32 v29, v18;
	v36 =	vld.idx.msk [tilespmem:v28+s17+$0x0], $0xffff;
	v28 =	vshll.u32 v22, $0x6;
	v37 =	vor.u32 v0, v26  }
0x9d: {  	v24 =	vand.u32 $0x7, v33;
	v33 =	vand.u32 $0x17F8, v61;
	v38 =	vor.u32 v0, v28  }
0x9e: {  	v33 =	vor.u32 v20, v33;
	v21 =	vor.u32 v1, v22;
	v39 =	vor.u32 v1, v19  }
0x9f: {  	v30 =	vand.u32 $0x7F8, v21;
	v21 =	vor.u32 v29, v31;
	v31 =	vor.u32 v4, v22;
	[tilespmem:v35+s18+$0x0] =	vst.idx.msk $0xffff, v34  }
0xa0: {  	v29 =	vor.u32 v2, v28;
	v63 =	vand.u32 $0x7F8, v39;
	v62 =	vand.u32 $0xFF8, v31;
	v31 =	vld.idx.msk [tilespmem:v23+s17+$0x0], $0xffff  }
0xa1: {  	v39 =	vor.u32 v6, v22;
	v30 =	vor.u32 v24, v30;
	v23 =	vand.u32 $0x7, v27;
	v35 =	vld.idx.msk [tilespmem:v37+s17+$0x0], $0xffff  }
0xa2: {  	[tilespmem:v32+s18+$0x0] =	vst.idx.msk $0xffff, v36;
	v34 =	vor.u32 v7, v25;
	v36 =	vld.idx.msk [tilespmem:v38+s17+$0x0], $0xffff;
	v38 =	vor.u32 v23, v63  }
0xa3: {  	s16 =	simm.s32 @p0 $0xC5;
	v25 =	vor.u32 v5, v28;
	v27 =	vor.u32 v24, v62;
	v32 =	vld.idx.msk [tilespmem:v40+s17+$0x0], $0xffff;
	v37 =	vor.u32 v2, v26  }
.LBB2_4:
0xa4: {  	s30 =	sadd.s32 $0x2, s30;
	v39 =	vand.u32 $0x17F8, v39;
	v28 =	vor.u32 v7, v28;
	v22 =	vor.u32 v8, v22;
	v40 =	vmovc v21;
	v41 =	vmovc v26  }
0xa5: {  	s0 =	sand.u32 $0xE, s30;
	p1 =	slt.u32 s30, $0x7E;
	v39 =	vor.u32 v24, v39;
	v21 =	vand.u32 $0x1FF8, v22  }
0xa6: {  	v17 =	vor.u32 v8, v17;
	v42 =	vadd.s32 s0, v0;
	s0 =	sor.u32 $0x1, s0;
	v21 =	vor.u32 v24, v21;
	[tilespmem:v33+s18+$0x0] =	vst.idx.msk $0xffff, v31  }
0xa7: {  	v22 =	vor.u32 v4, v19;
	v17 =	vand.u32 $0x1FF8, v17;
	v33 =	vadd.s32 s0, v0;
	[tilespmem:v38+s18+$0x0] =	vst.idx.msk $0xffff, v35;
	v31 =	vld.idx.msk [tilespmem:v34+s17+$0x0], $0xffff  }
0xa8: {  	v22 =	vand.u32 $0xFF8, v22;
	s0 =	sand.u32 $0x70, s30;
	v35 =	vor.u32 v20, v17;
	v24 =	vand.u32 $0xF, v33;
	[tilespmem:v30+s18+$0x0] =	vst.idx.msk $0xffff, v36;
	v34 =	vld.idx.msk [tilespmem:v37+s17+$0x0], $0xffff  }
0xa9: {  	v30 =	vand.u32 $0xF, v42;
	v37 =	vor.u32 v23, v22;
	v20 =	vor.u32 s0, v24;
	v36 =	vld.idx.msk [tilespmem:v29+s17+$0x0], $0xffff;
	[tilespmem:v18+s18+$0x0] =	vst.idx.msk $0xffff, v32  }
0xaa: {  	v22 =	vor.u32 s0, v30;
	v32 =	vor.u32 v5, v41;
	v18 =	vmovc v39;
	v26 =	vshll.u32 v20, $0x6;
	v38 =	vld.idx.msk [tilespmem:v16+s17+$0x0], $0xffff;
	v16 =	vmovc v28  }
0xab: {  	v17 =	vmovc v19;
	v28 =	vshll.u32 v22, $0x6;
	v24 =	vor.u32 v1, v22;
	v19 =	vmovc v20;
	v39 =	vor.u32 v0, v26  }
0xac: {  	v43 =	vor.u32 v0, v28;
	v29 =	vand.u32 $0x7F8, v24;
	v24 =	vand.u32 $0x7, v42;
	v20 =	vmovc v23  }
0xad: {  	v30 =	vor.u32 v24, v29;
	v29 =	vor.u32 v2, v28;
	[tilespmem:v35+s18+$0x0] =	vst.idx.msk $0xffff, v31  }
.Ltmp3:
0xae: {  	v23 =	vor.u32 v4, v22;
	[tilespmem:v37+s18+$0x0] =	vst.idx.msk $0xffff, v34;
	v34 =	vor.u32 v6, v17;
	(pc) =	sbr.rel @p1 .LBB2_4-.Ltmp3, $4  }
0xaf: {  	v37 =	vand.u32 $0xFF8, v23;
	v23 =	vor.u32 v1, v19;
	[tilespmem:v27+s18+$0x0] =	vst.idx.msk $0xffff, v36;
	v31 =	vld.idx.msk [tilespmem:v32+s17+$0x0], $0xffff;
	v27 =	vand.u32 $0x17F8, v34  }
0xb0: {  	v32 =	vand.u32 $0x7F8, v23;
	v23 =	vand.u32 $0x7, v33;
	v35 =	vld.idx.msk [tilespmem:v39+s17+$0x0], $0xffff;
	v33 =	vor.u32 v20, v27;
	[tilespmem:v40+s18+$0x0] =	vst.idx.msk $0xffff, v38  }
0xb1: {  	v34 =	vor.u32 v7, v41;
	v27 =	vor.u32 v24, v37;
	v38 =	vor.u32 v23, v32;
	v36 =	vld.idx.msk [tilespmem:v43+s17+$0x0], $0xffff  }
0xb2: {  	v39 =	vor.u32 v6, v22;
	v37 =	vor.u32 v2, v26;
	v32 =	vld.idx.msk [tilespmem:v25+s17+$0x0], $0xffff;
	v25 =	vor.u32 v5, v28  }
0xb3: {  	_ =	sdelay $0x2  }
0xb4: {  	v40 =	vor.u32 v4, v19  }
0xb5: {  	v50 =	vand.u32 $0xFF8, v40;
	[tilespmem:v38+s18+$0x0] =	vst.idx.msk $0xffff, v35  }
0xb6: {  	v35 =	vor.u32 v23, v50;
	[tilespmem:v30+s18+$0x0] =	vst.idx.msk $0xffff, v36;
	v51 =	vld.idx.msk [tilespmem:v37+s17+$0x0], $0xffff  }
0xb7: {  	v52 =	vor.u32 v5, v26;
	v29 =	vld.idx.msk [tilespmem:v29+s17+$0x0], $0xffff;
	_ =	sdelay $0x2  }
0xb8: {  	v53 =	vor.u32 v6, v19  }
0xb9: {  	v54 =	vand.u32 $0x17F8, v53;
	[tilespmem:v35+s18+$0x0] =	vst.idx.msk $0xffff, v51  }
0xba: {  	v55 =	vand.u32 $0x17F8, v39;
	v57 =	vor.u32 v23, v54;
	[tilespmem:v27+s18+$0x0] =	vst.idx.msk $0xffff, v29;
	v56 =	vld.idx.msk [tilespmem:v52+s17+$0x0], $0xffff  }
0xbb: {  	v59 =	vor.u32 v7, v26;
	v58 =	vor.u32 v24, v55;
	v25 =	vld.idx.msk [tilespmem:v25+s17+$0x0], $0xffff  }
0xbc: {  	v28 =	vor.u32 v7, v28;
	v17 =	vor.u32 v8, v17  }
0xbd: {  	[tilespmem:v33+s18+$0x0] =	vst.idx.msk $0xffff, v31;
	v17 =	vand.u32 $0x1FF8, v17  }
0xbe: {  	v60 =	vor.u32 v8, v19;
	v31 =	vld.idx.msk [tilespmem:v34+s17+$0x0], $0xffff;
	v17 =	vor.u32 v20, v17;
	[tilespmem:v18+s18+$0x0] =	vst.idx.msk $0xffff, v32  }
0xbf: {  	v61 =	vor.u32 v8, v22;
	v18 =	vand.u32 $0x1FF8, v60;
	v16 =	vld.idx.msk [tilespmem:v16+s17+$0x0], $0xffff;
	[tilespmem:v57+s18+$0x0] =	vst.idx.msk $0xffff, v56  }
0xc0: {  	v19 =	vand.u32 $0x1FF8, v61;
	v18 =	vor.u32 v23, v18;
	v62 =	vld.idx.msk [tilespmem:v59+s17+$0x0], $0xffff;
	[tilespmem:v58+s18+$0x0] =	vst.idx.msk $0xffff, v25  }
0xc1: {  	v19 =	vor.u32 v24, v19;
	v63 =	vld.idx.msk [tilespmem:v28+s17+$0x0], $0xffff;
	_ =	sdelay $0x1  }
0xc2: {  	[tilespmem:v17+s18+$0x0] =	vst.idx.msk $0xffff, v31  }
0xc3: {  	s0 =	sshll.u32 s16, $0xF;
	[tilespmem:v21+s18+$0x0] =	vst.idx.msk $0xffff, v16  }
0xc4: {  	s0 =	sor.u32 s6, s0;
	[tilespmem:v18+s18+$0x0] =	vst.idx.msk $0xffff, v62  }
0xc5: {  	s1 =	sadd.s32 s2, s0;
	[tilespmem:v19+s18+$0x0] =	vst.idx.msk $0xffff, v63  }
0xc6: {  	[hbm4b:s1+s3] =	stream.linear.scatter [tilespmem:s18], [sflag:$0x6], $0x400, $0x38;
	[tilespmem:$0x12600] =	vst v63  }
0xc7: {  	s31 =	simm.s32 $0x10A00;
	s30 =	sadd.s32 s0, s7  }
0xc8: {  	[hbm4b:s30+s3] =	stream.linear.scatter [tilespmem:s31], [sflag:$0x6], $0x400, $0x38;
	[tilespmem:$0x12600] =	vst v63  }
0xc9: {  	s30 =	sadd.s32 s0, s8;
	s31 =	simm.s32 $0x10E00  }
0xca: {  	[hbm4b:s30+s3] =	stream.linear.scatter [tilespmem:s31], [sflag:$0x6], $0x400, $0x38;
	[tilespmem:$0x12600] =	vst v63  }
0xcb: {  	s30 =	sadd.s32 s0, s9;
	s31 =	simm.s32 $0x11200  }
0xcc: {  	[hbm4b:s30+s3] =	stream.linear.scatter [tilespmem:s31], [sflag:$0x6], $0x400, $0x38;
	[tilespmem:$0x12600] =	vst v63  }
0xcd: {  	s30 =	sadd.s32 s0, s10;
	s31 =	simm.s32 $0x11600  }
0xce: {  	[hbm4b:s30+s3] =	stream.linear.scatter [tilespmem:s31], [sflag:$0x6], $0x400, $0x38;
	[tilespmem:$0x12600] =	vst v63  }
0xcf: {  	s30 =	sadd.s32 s0, s11;
	s31 =	simm.s32 $0x11A00  }
0xd0: {  	[hbm4b:s30+s3] =	stream.linear.scatter [tilespmem:s31], [sflag:$0x6], $0x400, $0x38;
	[tilespmem:$0x12600] =	vst v63  }
.Ltmp4:
0xd1: {  	_ = 	snop;
	(pc) =	sbr.rel @p0 .LBB2_7-.Ltmp4, $4  }
0xd2: {  	s16 =	sadd.s32 s0, s12;
	s30 =	simm.s32 $0x11E00  }
0xd3: {  	[hbm4b:s16+s3] =	stream.linear.scatter [tilespmem:s30], [sflag:$0x6], $0x400, $0x38;
	[tilespmem:$0x12600] =	vst v63  }
0xd4: {  	s0 =	sadd.s32 s0, s13;
	s31 =	simm.s32 $0x12200;
	s16 =	simm.s32 $0xC6  }
0xd5: {  	[hbm4b:s0+s3] =	stream.linear.scatter [tilespmem:s31], [sflag:$0x6], $0x400, $0x38;
	[tilespmem:$0x12600] =	vst v63  }
.LBB2_6:
0xd6: {  	s0 =	sor.u32 $0x1, s25  }
0xd7: {  	v16 =	vmov s0;
	v17 =	vadd.s32 s0, v3  }
0xd8: {  	v16 =	vand.u32 $0x5, v16;
	v17 =	vand.u32 $0x1FF8, v17  }
0xd9: {  	v17 =	vor.u32 v16, v17;
	_ =	sdelay $0x3  }
0xda: {  	v18 =	vadd.s32 s0, v9  }
0xdb: {  	v18 =	vand.u32 $0x3FF8, v18;
	v17 =	vld.idx.msk [tilespmem:v17+s3+$0x0], $0xffff  }
0xdc: {  	v18 =	vor.u32 v16, v18;
	_ =	sdelay $0x3  }
0xdd: {  	[tilespmem:$0x6480] =	vst v17;
	v17 =	vadd.s32 s0, v10  }
0xde: {  	v18 =	vld.idx.msk [tilespmem:v18+s3+$0x0], $0xffff;
	v17 =	vand.u32 $0x7FF8, v17  }
0xdf: {  	v17 =	vor.u32 v16, v17;
	_ =	sdelay $0x3  }
0xe0: {  	v61 =	vadd.s32 s0, v11;
	[tilespmem:$0x6490] =	vst v18  }
0xe1: {  	v18 =	vand.u32 $0x7FF8, v61;
	v17 =	vld.idx.msk [tilespmem:v17+s3+$0x0], $0xffff  }
0xe2: {  	v18 =	vor.u32 v16, v18;
	_ =	sdelay $0x3  }
0xe3: {  	[tilespmem:$0x64A0] =	vst v17;
	v17 =	vadd.s32 s0, v12  }
0xe4: {  	v18 =	vld.idx.msk [tilespmem:v18+s3+$0x0], $0xffff;
	v17 =	vand.u32 $0x7FF8, v17  }
0xe5: {  	v17 =	vor.u32 v16, v17;
	_ =	sdelay $0x3  }
0xe6: {  	v62 =	vadd.s32 s0, v13;
	[tilespmem:$0x64B0] =	vst v18  }
0xe7: {  	v18 =	vand.u32 $0xFFF8, v62;
	v17 =	vld.idx.msk [tilespmem:v17+s3+$0x0], $0xffff  }
0xe8: {  	v18 =	vor.u32 v16, v18;
	_ =	sdelay $0x3  }
0xe9: {  	[tilespmem:$0x64C0] =	vst v17;
	v17 =	vadd.s32 s0, v14  }
0xea: {  	v18 =	vld.idx.msk [tilespmem:v18+s3+$0x0], $0xffff;
	v17 =	vand.u32 $0x7FF8, v17  }
0xeb: {  	v17 =	vor.u32 v16, v17;
	_ =	sdelay $0x3  }
0xec: {  	v63 =	vadd.s32 s0, v15;
	[tilespmem:$0x64D0] =	vst v18  }
0xed: {  	v18 =	vand.u32 $0xFFF8, v63;
	v17 =	vld.idx.msk [tilespmem:v17+s3+$0x0], $0xffff  }
0xee: {  	v16 =	vor.u32 v16, v18;
	_ =	sdelay $0x3  }
0xef: {  	[tilespmem:$0x64E0] =	vst v17  }
0xf0: {  	s16 =	sadd.s32 $0xFFFFFFFE, s25;
	v16 =	vld.idx.msk [tilespmem:v16+s3+$0x0], $0xffff  }
0xf1: {  	p1 =	sgt.u32 s16, $0xC7  }
.Ltmp5:
0xf2: {  	_ = 	snop;
	(pc) =	sbr.rel @p1 .LBB2_10-.Ltmp5, $3  }
0xf3: {  	_ =	sdelay $0x1  }
0xf4: {  	s31 =	simm.s32 $0x6480;
	[tilespmem:$0x64F0] =	vst v16  }
0xf5: {  	[tilespmem:s17], [sflag:$0x2] =	stream.indirect.gather [hbm4b:s4+s21], $0x40, s31, s21, $0xb8;
	[tilespmem:$0x12600] =	vst v63  }
.LBB2_7:
0xf6: {  	_ =	swait.ge [sflag:s26], $0x2000  }
0xf7: {  	p1 =	seq.s32 s24, $0x0;
	[sflag:s26] =	ssyncset.done $0x0  }
0xf8: {  	s0 =	simm.s32 @!p1 $0x5;
	[sflag:s26] =	ssyncadd.s32 $0xFFFFE000  }
0xf9: {  	_ =	swait.ge @!p1 [sflag:s0], $0x400  }
0xfa: {  	[sflag:s0] =	ssyncset.done @!p1 $0x0  }
0xfb: {  	[sflag:s0] =	ssyncadd.s32 @!p1 $0xFFFFFC00  }
0xfc: {  	_ =	swait.ge @!p1 [sflag:s0], $0x400  }
0xfd: {  	[sflag:s0] =	ssyncset.done @!p1 $0x0  }
0xfe: {  	[sflag:s0] =	ssyncadd.s32 @!p1 $0xFFFFFC00  }
0xff: {  	_ =	swait.ge @!p1 [sflag:s0], $0x400  }
0x100: {  	[sflag:s0] =	ssyncset.done @!p1 $0x0  }
0x101: {  	[sflag:s0] =	ssyncadd.s32 @!p1 $0xFFFFFC00  }
0x102: {  	_ =	swait.ge @!p1 [sflag:s0], $0x400  }
0x103: {  	[sflag:s0] =	ssyncset.done @!p1 $0x0  }
0x104: {  	[sflag:s0] =	ssyncadd.s32 @!p1 $0xFFFFFC00  }
0x105: {  	s1 =	simm.s32 $0x0;
	_ =	swait.ge @!p1 [sflag:s0], $0x400  }
0x106: {  	s30 =	sand.u32 $0xE, s1;
	[sflag:s0] =	ssyncset.done @!p1 $0x0  }
0x107: {  	s31 =	sor.u32 $0x1, s30;
	[sflag:s0] =	ssyncadd.s32 @!p1 $0xFFFFFC00  }
0x108: {  	v16 =	vadd.s32 s31, v0;
	_ =	swait.ge @!p1 [sflag:s0], $0x400  }
0x109: {  	s1 =	sand.u32 $0x70, s1;
	v17 =	vand.u32 $0xF, v16;
	[sflag:s0] =	ssyncset.done @!p1 $0x0  }
0x10a: {  	v18 =	vadd.s32 s30, v0;
	v17 =	vor.u32 s1, v17;
	[sflag:s0] =	ssyncadd.s32 @!p1 $0xFFFFFC00  }
0x10b: {  	v19 =	vand.u32 $0xF, v18;
	v25 =	vshll.u32 v17, $0x6;
	_ =	swait.ge @!p1 [sflag:s0], $0x400  }
0x10c: {  	v19 =	vor.u32 s1, v19;
	v21 =	vor.u32 v0, v25;
	[sflag:s0] =	ssyncset.done @!p1 $0x0  }
0x10d: {  	v22 =	vshll.u32 v19, $0x6;
	[sflag:s0] =	ssyncadd.s32 @!p1 $0xFFFFFC00  }
0x10e: {  	v20 =	vor.u32 v1, v19;
	v23 =	vor.u32 v0, v22;
	_ =	swait.ge @!p1 [sflag:s0], $0x400  }
0x10f: {  	s30 =	simm.s32 $0x2;
	v29 =	vand.u32 $0x7, v18;
	v24 =	vand.u32 $0x7F8, v20;
	v20 =	vor.u32 v1, v17;
	[sflag:s0] =	ssyncset.done @!p1 $0x0  }
0x110: {  	s1 =	sand.u32 $0xE, s30;
	v28 =	vor.u32 v2, v22;
	v18 =	vand.u32 $0x7F8, v20;
	v20 =	vand.u32 $0x7, v16;
	[sflag:s0] =	ssyncadd.s32 @!p1 $0xFFFFFC00  }
0x111: {  	v40 =	vor.u32 v5, v22;
	v33 =	vadd.s32 s1, v0;
	v26 =	vor.u32 v20, v18;
	v21 =	vld.idx.msk [tilespmem:v21+s28+$0x0], $0xffff  }
0x112: {  	s31 =	sor.u32 $0x1, s1;
	v61 =	vor.u32 v6, v17;
	v16 =	vor.u32 v4, v19;
	v30 =	vor.u32 v2, v25  }
0x113: {  	v27 =	vadd.s32 s31, v0;
	v24 =	vor.u32 v29, v24;
	v16 =	vand.u32 $0xFF8, v16;
	v23 =	vld.idx.msk [tilespmem:v23+s28+$0x0], $0xffff  }
0x114: {  	v32 =	vor.u32 v29, v16;
	v16 =	vor.u32 v6, v19;
	v19 =	vor.u32 v8, v19  }
0x115: {  	v18 =	vand.u32 $0x17F8, v16;
	v31 =	vand.u32 $0x1FF8, v19;
	v19 =	vor.u32 v4, v17  }
0x116: {  	s31 =	sand.u32 $0x70, s30;
	v16 =	vor.u32 v7, v22;
	v22 =	vand.u32 $0xFF8, v19;
	[tilespmem:v26+s29+$0x0] =	vst.idx.msk $0xffff, v21;
	v21 =	vand.u32 $0xF, v27  }
0x117: {  	v35 =	vor.u32 v20, v22;
	v26 =	vand.u32 $0xF, v33;
	v34 =	vld.idx.msk [tilespmem:v30+s28+$0x0], $0xffff;
	v19 =	vor.u32 s31, v21  }
0x118: {  	[tilespmem:v24+s29+$0x0] =	vst.idx.msk $0xffff, v23;
	v23 =	vor.u32 v5, v25;
	v22 =	vor.u32 s31, v26;
	v26 =	vshll.u32 v19, $0x6  }
0x119: {  	v18 =	vor.u32 v29, v18;
	v36 =	vld.idx.msk [tilespmem:v28+s28+$0x0], $0xffff;
	v28 =	vshll.u32 v22, $0x6;
	v37 =	vor.u32 v0, v26  }
0x11a: {  	v24 =	vand.u32 $0x7, v33;
	v33 =	vand.u32 $0x17F8, v61;
	v38 =	vor.u32 v0, v28  }
0x11b: {  	v33 =	vor.u32 v20, v33;
	v21 =	vor.u32 v1, v22;
	v39 =	vor.u32 v1, v19  }
0x11c: {  	v30 =	vand.u32 $0x7F8, v21;
	v21 =	vor.u32 v29, v31;
	v31 =	vor.u32 v4, v22;
	[tilespmem:v35+s29+$0x0] =	vst.idx.msk $0xffff, v34  }
0x11d: {  	v29 =	vor.u32 v2, v28;
	v63 =	vand.u32 $0x7F8, v39;
	v62 =	vand.u32 $0xFF8, v31;
	v31 =	vld.idx.msk [tilespmem:v23+s28+$0x0], $0xffff  }
0x11e: {  	v39 =	vor.u32 v6, v22;
	v30 =	vor.u32 v24, v30;
	v23 =	vand.u32 $0x7, v27;
	v35 =	vld.idx.msk [tilespmem:v37+s28+$0x0], $0xffff  }
0x11f: {  	[tilespmem:v32+s29+$0x0] =	vst.idx.msk $0xffff, v36;
	v34 =	vor.u32 v7, v25;
	v36 =	vld.idx.msk [tilespmem:v38+s28+$0x0], $0xffff;
	v38 =	vor.u32 v23, v63  }
0x120: {  	v25 =	vor.u32 v5, v28;
	v27 =	vor.u32 v24, v62;
	v32 =	vld.idx.msk [tilespmem:v40+s28+$0x0], $0xffff;
	v37 =	vor.u32 v2, v26  }
.LBB2_8:
0x121: {  	s30 =	sadd.s32 $0x2, s30;
	v39 =	vand.u32 $0x17F8, v39;
	v28 =	vor.u32 v7, v28;
	v22 =	vor.u32 v8, v22;
	v40 =	vmovc v21;
	v41 =	vmovc v26  }
0x122: {  	s0 =	sand.u32 $0xE, s30;
	p1 =	slt.u32 s30, $0x7E;
	v39 =	vor.u32 v24, v39;
	v21 =	vand.u32 $0x1FF8, v22  }
0x123: {  	v17 =	vor.u32 v8, v17;
	v42 =	vadd.s32 s0, v0;
	s0 =	sor.u32 $0x1, s0;
	v21 =	vor.u32 v24, v21;
	[tilespmem:v33+s29+$0x0] =	vst.idx.msk $0xffff, v31  }
0x124: {  	v22 =	vor.u32 v4, v19;
	v17 =	vand.u32 $0x1FF8, v17;
	v33 =	vadd.s32 s0, v0;
	[tilespmem:v38+s29+$0x0] =	vst.idx.msk $0xffff, v35;
	v31 =	vld.idx.msk [tilespmem:v34+s28+$0x0], $0xffff  }
0x125: {  	v22 =	vand.u32 $0xFF8, v22;
	s0 =	sand.u32 $0x70, s30;
	v35 =	vor.u32 v20, v17;
	v24 =	vand.u32 $0xF, v33;
	[tilespmem:v30+s29+$0x0] =	vst.idx.msk $0xffff, v36;
	v34 =	vld.idx.msk [tilespmem:v37+s28+$0x0], $0xffff  }
0x126: {  	v30 =	vand.u32 $0xF, v42;
	v37 =	vor.u32 v23, v22;
	v20 =	vor.u32 s0, v24;
	v36 =	vld.idx.msk [tilespmem:v29+s28+$0x0], $0xffff;
	[tilespmem:v18+s29+$0x0] =	vst.idx.msk $0xffff, v32  }
0x127: {  	v22 =	vor.u32 s0, v30;
	v32 =	vor.u32 v5, v41;
	v18 =	vmovc v39;
	v26 =	vshll.u32 v20, $0x6;
	v38 =	vld.idx.msk [tilespmem:v16+s28+$0x0], $0xffff;
	v16 =	vmovc v28  }
0x128: {  	v17 =	vmovc v19;
	v28 =	vshll.u32 v22, $0x6;
	v24 =	vor.u32 v1, v22;
	v19 =	vmovc v20;
	v39 =	vor.u32 v0, v26  }
0x129: {  	v43 =	vor.u32 v0, v28;
	v29 =	vand.u32 $0x7F8, v24;
	v24 =	vand.u32 $0x7, v42;
	v20 =	vmovc v23  }
0x12a: {  	v30 =	vor.u32 v24, v29;
	v29 =	vor.u32 v2, v28;
	[tilespmem:v35+s29+$0x0] =	vst.idx.msk $0xffff, v31  }
.Ltmp6:
0x12b: {  	v23 =	vor.u32 v4, v22;
	[tilespmem:v37+s29+$0x0] =	vst.idx.msk $0xffff, v34;
	v34 =	vor.u32 v6, v17;
	(pc) =	sbr.rel @p1 .LBB2_8-.Ltmp6, $4  }
0x12c: {  	v37 =	vand.u32 $0xFF8, v23;
	v23 =	vor.u32 v1, v19;
	[tilespmem:v27+s29+$0x0] =	vst.idx.msk $0xffff, v36;
	v31 =	vld.idx.msk [tilespmem:v32+s28+$0x0], $0xffff;
	v27 =	vand.u32 $0x17F8, v34  }
0x12d: {  	v32 =	vand.u32 $0x7F8, v23;
	v23 =	vand.u32 $0x7, v33;
	v35 =	vld.idx.msk [tilespmem:v39+s28+$0x0], $0xffff;
	v33 =	vor.u32 v20, v27;
	[tilespmem:v40+s29+$0x0] =	vst.idx.msk $0xffff, v38  }
0x12e: {  	v34 =	vor.u32 v7, v41;
	v27 =	vor.u32 v24, v37;
	v38 =	vor.u32 v23, v32;
	v36 =	vld.idx.msk [tilespmem:v43+s28+$0x0], $0xffff  }
0x12f: {  	v39 =	vor.u32 v6, v22;
	v37 =	vor.u32 v2, v26;
	v32 =	vld.idx.msk [tilespmem:v25+s28+$0x0], $0xffff;
	v25 =	vor.u32 v5, v28  }
0x130: {  	_ =	sdelay $0x2  }
0x131: {  	v40 =	vor.u32 v4, v19  }
0x132: {  	v50 =	vand.u32 $0xFF8, v40;
	[tilespmem:v38+s29+$0x0] =	vst.idx.msk $0xffff, v35  }
0x133: {  	v35 =	vor.u32 v23, v50;
	[tilespmem:v30+s29+$0x0] =	vst.idx.msk $0xffff, v36;
	v51 =	vld.idx.msk [tilespmem:v37+s28+$0x0], $0xffff  }
0x134: {  	v52 =	vor.u32 v5, v26;
	v29 =	vld.idx.msk [tilespmem:v29+s28+$0x0], $0xffff;
	_ =	sdelay $0x2  }
0x135: {  	v53 =	vor.u32 v6, v19  }
0x136: {  	v54 =	vand.u32 $0x17F8, v53;
	[tilespmem:v35+s29+$0x0] =	vst.idx.msk $0xffff, v51  }
0x137: {  	v55 =	vand.u32 $0x17F8, v39;
	v57 =	vor.u32 v23, v54;
	[tilespmem:v27+s29+$0x0] =	vst.idx.msk $0xffff, v29;
	v56 =	vld.idx.msk [tilespmem:v52+s28+$0x0], $0xffff  }
0x138: {  	v59 =	vor.u32 v7, v26;
	v58 =	vor.u32 v24, v55;
	v25 =	vld.idx.msk [tilespmem:v25+s28+$0x0], $0xffff  }
0x139: {  	v28 =	vor.u32 v7, v28;
	v17 =	vor.u32 v8, v17  }
0x13a: {  	[tilespmem:v33+s29+$0x0] =	vst.idx.msk $0xffff, v31;
	v17 =	vand.u32 $0x1FF8, v17  }
0x13b: {  	v60 =	vor.u32 v8, v19;
	v31 =	vld.idx.msk [tilespmem:v34+s28+$0x0], $0xffff;
	v17 =	vor.u32 v20, v17;
	[tilespmem:v18+s29+$0x0] =	vst.idx.msk $0xffff, v32  }
0x13c: {  	v61 =	vor.u32 v8, v22;
	v18 =	vand.u32 $0x1FF8, v60;
	v16 =	vld.idx.msk [tilespmem:v16+s28+$0x0], $0xffff;
	[tilespmem:v57+s29+$0x0] =	vst.idx.msk $0xffff, v56  }
0x13d: {  	v19 =	vand.u32 $0x1FF8, v61;
	v18 =	vor.u32 v23, v18;
	v62 =	vld.idx.msk [tilespmem:v59+s28+$0x0], $0xffff;
	[tilespmem:v58+s29+$0x0] =	vst.idx.msk $0xffff, v25  }
0x13e: {  	v19 =	vor.u32 v24, v19;
	v63 =	vld.idx.msk [tilespmem:v28+s28+$0x0], $0xffff;
	_ =	sdelay $0x1  }
0x13f: {  	[tilespmem:v17+s29+$0x0] =	vst.idx.msk $0xffff, v31  }
0x140: {  	s0 =	sshll.u32 s16, $0xF;
	[tilespmem:v21+s29+$0x0] =	vst.idx.msk $0xffff, v16  }
0x141: {  	s0 =	sor.u32 s6, s0;
	[tilespmem:v18+s29+$0x0] =	vst.idx.msk $0xffff, v62  }
0x142: {  	s1 =	sadd.s32 s2, s0;
	[tilespmem:v19+s29+$0x0] =	vst.idx.msk $0xffff, v63  }
0x143: {  	[hbm4b:s1+s3] =	stream.linear.scatter [tilespmem:s29], [sflag:$0x5], $0x400, $0x38;
	[tilespmem:$0x12600] =	vst v63  }
0x144: {  	s31 =	simm.s32 $0xEA00;
	s30 =	sadd.s32 s0, s7  }
0x145: {  	[hbm4b:s30+s3] =	stream.linear.scatter [tilespmem:s31], [sflag:$0x5], $0x400, $0x38;
	[tilespmem:$0x12600] =	vst v63  }
0x146: {  	s30 =	sadd.s32 s0, s8;
	s31 =	simm.s32 $0xEE00  }
0x147: {  	[hbm4b:s30+s3] =	stream.linear.scatter [tilespmem:s31], [sflag:$0x5], $0x400, $0x38;
	[tilespmem:$0x12600] =	vst v63  }
0x148: {  	s30 =	sadd.s32 s0, s9;
	s31 =	simm.s32 $0xF200  }
0x149: {  	[hbm4b:s30+s3] =	stream.linear.scatter [tilespmem:s31], [sflag:$0x5], $0x400, $0x38;
	[tilespmem:$0x12600] =	vst v63  }
0x14a: {  	s30 =	sadd.s32 s0, s10;
	s31 =	simm.s32 $0xF600  }
0x14b: {  	[hbm4b:s30+s3] =	stream.linear.scatter [tilespmem:s31], [sflag:$0x5], $0x400, $0x38;
	[tilespmem:$0x12600] =	vst v63  }
0x14c: {  	s30 =	sadd.s32 s0, s11  }
0x14d: {  	[hbm4b:s30+s3] =	stream.linear.scatter [tilespmem:s5], [sflag:$0x5], $0x400, $0x38;
	[tilespmem:$0x12600] =	vst v63  }
.Ltmp7:
0x14e: {  	_ = 	snop;
	(pc) =	sbr.rel @p0 .LBB2_11-.Ltmp7, $4  }
0x14f: {  	s31 =	sadd.s32 s0, s12  }
0x150: {  	[hbm4b:s31+s3] =	stream.linear.scatter [tilespmem:s14], [sflag:$0x5], $0x400, $0x38;
	[tilespmem:$0x12600] =	vst v63  }
0x151: {  	s16 =	simm.s32 $0xC7;
	s0 =	sadd.s32 s0, s13  }
0x152: {  	[hbm4b:s0+s3] =	stream.linear.scatter [tilespmem:s15], [sflag:$0x5], $0x400, $0x38;
	[tilespmem:$0x12600] =	vst v63  }
.LBB2_10:
0x153: {  	s0 =	sor.u32 $0x2, s25  }
0x154: {  	v16 =	vmov s0;
	v17 =	vadd.s32 s0, v3  }
0x155: {  	v16 =	vand.u32 $0x6, v16;
	v17 =	vand.u32 $0x1FF8, v17  }
0x156: {  	v17 =	vor.u32 v16, v17;
	_ =	sdelay $0x3  }
0x157: {  	v18 =	vadd.s32 s0, v9  }
0x158: {  	v18 =	vand.u32 $0x3FF8, v18;
	v17 =	vld.idx.msk [tilespmem:v17+s3+$0x0], $0xffff  }
0x159: {  	v18 =	vor.u32 v16, v18;
	_ =	sdelay $0x3  }
0x15a: {  	[tilespmem:$0x6500] =	vst v17;
	v17 =	vadd.s32 s0, v10  }
0x15b: {  	v18 =	vld.idx.msk [tilespmem:v18+s3+$0x0], $0xffff;
	v17 =	vand.u32 $0x7FF8, v17  }
0x15c: {  	v17 =	vor.u32 v16, v17;
	_ =	sdelay $0x3  }
0x15d: {  	v61 =	vadd.s32 s0, v11;
	[tilespmem:$0x6510] =	vst v18  }
0x15e: {  	v18 =	vand.u32 $0x7FF8, v61;
	v17 =	vld.idx.msk [tilespmem:v17+s3+$0x0], $0xffff  }
0x15f: {  	v18 =	vor.u32 v16, v18;
	_ =	sdelay $0x3  }
0x160: {  	[tilespmem:$0x6520] =	vst v17;
	v17 =	vadd.s32 s0, v12  }
0x161: {  	v18 =	vld.idx.msk [tilespmem:v18+s3+$0x0], $0xffff;
	v17 =	vand.u32 $0x7FF8, v17  }
0x162: {  	v17 =	vor.u32 v16, v17;
	_ =	sdelay $0x3  }
0x163: {  	v62 =	vadd.s32 s0, v13;
	[tilespmem:$0x6530] =	vst v18  }
0x164: {  	v18 =	vand.u32 $0xFFF8, v62;
	v17 =	vld.idx.msk [tilespmem:v17+s3+$0x0], $0xffff  }
0x165: {  	v18 =	vor.u32 v16, v18;
	_ =	sdelay $0x3  }
0x166: {  	[tilespmem:$0x6540] =	vst v17;
	v17 =	vadd.s32 s0, v14  }
0x167: {  	v18 =	vld.idx.msk [tilespmem:v18+s3+$0x0], $0xffff;
	v17 =	vand.u32 $0x7FF8, v17  }
0x168: {  	v17 =	vor.u32 v16, v17;
	_ =	sdelay $0x3  }
0x169: {  	v63 =	vadd.s32 s0, v15;
	[tilespmem:$0x6550] =	vst v18  }
0x16a: {  	v18 =	vand.u32 $0xFFF8, v63;
	v17 =	vld.idx.msk [tilespmem:v17+s3+$0x0], $0xffff  }
0x16b: {  	v16 =	vor.u32 v16, v18;
	_ =	sdelay $0x3  }
0x16c: {  	[tilespmem:$0x6560] =	vst v17  }
0x16d: {  	s16 =	sadd.s32 $0xFFFFFFFF, s25;
	v16 =	vld.idx.msk [tilespmem:v16+s3+$0x0], $0xffff  }
0x16e: {  	p1 =	sgt.u32 s16, $0xC7  }
.Ltmp8:
0x16f: {  	_ = 	snop;
	(pc) =	sbr.rel @p1 .LBB2_14-.Ltmp8, $3  }
0x170: {  	_ =	sdelay $0x1  }
0x171: {  	s31 =	simm.s32 $0x6500;
	[tilespmem:$0x6570] =	vst v16  }
0x172: {  	[tilespmem:s28], [sflag:$0x3] =	stream.indirect.gather [hbm4b:s4+s21], $0x40, s31, s21, $0xb8;
	[tilespmem:$0x12600] =	vst v63  }
.LBB2_11:
0x173: {  	_ =	swait.ge [sflag:s19], $0x2000  }
0x174: {  	p1 =	seq.s32 s24, $0x0;
	[sflag:s19] =	ssyncset.done $0x0  }
0x175: {  	s0 =	simm.s32 @!p1 $0x6;
	[sflag:s19] =	ssyncadd.s32 $0xFFFFE000  }
0x176: {  	_ =	swait.ge @!p1 [sflag:s0], $0x400  }
0x177: {  	[sflag:s0] =	ssyncset.done @!p1 $0x0  }
0x178: {  	[sflag:s0] =	ssyncadd.s32 @!p1 $0xFFFFFC00  }
0x179: {  	_ =	swait.ge @!p1 [sflag:s0], $0x400  }
0x17a: {  	[sflag:s0] =	ssyncset.done @!p1 $0x0  }
0x17b: {  	[sflag:s0] =	ssyncadd.s32 @!p1 $0xFFFFFC00  }
0x17c: {  	_ =	swait.ge @!p1 [sflag:s0], $0x400  }
0x17d: {  	[sflag:s0] =	ssyncset.done @!p1 $0x0  }
0x17e: {  	[sflag:s0] =	ssyncadd.s32 @!p1 $0xFFFFFC00  }
0x17f: {  	_ =	swait.ge @!p1 [sflag:s0], $0x400  }
0x180: {  	[sflag:s0] =	ssyncset.done @!p1 $0x0  }
0x181: {  	[sflag:s0] =	ssyncadd.s32 @!p1 $0xFFFFFC00  }
0x182: {  	s1 =	simm.s32 $0x0;
	_ =	swait.ge @!p1 [sflag:s0], $0x400  }
0x183: {  	s30 =	sand.u32 $0xE, s1;
	[sflag:s0] =	ssyncset.done @!p1 $0x0  }
0x184: {  	s31 =	sor.u32 $0x1, s30;
	[sflag:s0] =	ssyncadd.s32 @!p1 $0xFFFFFC00  }
0x185: {  	v16 =	vadd.s32 s31, v0;
	_ =	swait.ge @!p1 [sflag:s0], $0x400  }
0x186: {  	s1 =	sand.u32 $0x70, s1;
	v17 =	vand.u32 $0xF, v16;
	[sflag:s0] =	ssyncset.done @!p1 $0x0  }
0x187: {  	v18 =	vadd.s32 s30, v0;
	v17 =	vor.u32 s1, v17;
	[sflag:s0] =	ssyncadd.s32 @!p1 $0xFFFFFC00  }
0x188: {  	v19 =	vand.u32 $0xF, v18;
	v25 =	vshll.u32 v17, $0x6;
	_ =	swait.ge @!p1 [sflag:s0], $0x400  }
0x189: {  	v19 =	vor.u32 s1, v19;
	v21 =	vor.u32 v0, v25;
	[sflag:s0] =	ssyncset.done @!p1 $0x0  }
0x18a: {  	v22 =	vshll.u32 v19, $0x6;
	[sflag:s0] =	ssyncadd.s32 @!p1 $0xFFFFFC00  }
0x18b: {  	v20 =	vor.u32 v1, v19;
	v23 =	vor.u32 v0, v22;
	_ =	swait.ge @!p1 [sflag:s0], $0x400  }
0x18c: {  	s30 =	simm.s32 $0x2;
	v29 =	vand.u32 $0x7, v18;
	v24 =	vand.u32 $0x7F8, v20;
	v20 =	vor.u32 v1, v17;
	[sflag:s0] =	ssyncset.done @!p1 $0x0  }
0x18d: {  	s1 =	sand.u32 $0xE, s30;
	v28 =	vor.u32 v2, v22;
	v18 =	vand.u32 $0x7F8, v20;
	v20 =	vand.u32 $0x7, v16;
	[sflag:s0] =	ssyncadd.s32 @!p1 $0xFFFFFC00  }
0x18e: {  	v40 =	vor.u32 v5, v22;
	v33 =	vadd.s32 s1, v0;
	v26 =	vor.u32 v20, v18;
	v21 =	vld.idx.msk [tilespmem:v21+s20+$0x0], $0xffff  }
0x18f: {  	s31 =	sor.u32 $0x1, s1;
	v61 =	vor.u32 v6, v17;
	v16 =	vor.u32 v4, v19;
	v30 =	vor.u32 v2, v25  }
0x190: {  	v27 =	vadd.s32 s31, v0;
	v24 =	vor.u32 v29, v24;
	v16 =	vand.u32 $0xFF8, v16;
	v23 =	vld.idx.msk [tilespmem:v23+s20+$0x0], $0xffff  }
0x191: {  	v32 =	vor.u32 v29, v16;
	v16 =	vor.u32 v6, v19;
	v19 =	vor.u32 v8, v19  }
0x192: {  	v18 =	vand.u32 $0x17F8, v16;
	v31 =	vand.u32 $0x1FF8, v19;
	v19 =	vor.u32 v4, v17  }
0x193: {  	s31 =	sand.u32 $0x70, s30;
	v16 =	vor.u32 v7, v22;
	v22 =	vand.u32 $0xFF8, v19;
	[tilespmem:v26+s18+$0x0] =	vst.idx.msk $0xffff, v21;
	v21 =	vand.u32 $0xF, v27  }
0x194: {  	v35 =	vor.u32 v20, v22;
	v26 =	vand.u32 $0xF, v33;
	v34 =	vld.idx.msk [tilespmem:v30+s20+$0x0], $0xffff;
	v19 =	vor.u32 s31, v21  }
0x195: {  	[tilespmem:v24+s18+$0x0] =	vst.idx.msk $0xffff, v23;
	v23 =	vor.u32 v5, v25;
	v22 =	vor.u32 s31, v26;
	v26 =	vshll.u32 v19, $0x6  }
0x196: {  	v18 =	vor.u32 v29, v18;
	v36 =	vld.idx.msk [tilespmem:v28+s20+$0x0], $0xffff;
	v28 =	vshll.u32 v22, $0x6;
	v37 =	vor.u32 v0, v26  }
0x197: {  	v24 =	vand.u32 $0x7, v33;
	v33 =	vand.u32 $0x17F8, v61;
	v38 =	vor.u32 v0, v28  }
0x198: {  	v33 =	vor.u32 v20, v33;
	v21 =	vor.u32 v1, v22;
	v39 =	vor.u32 v1, v19  }
0x199: {  	v30 =	vand.u32 $0x7F8, v21;
	v21 =	vor.u32 v29, v31;
	v31 =	vor.u32 v4, v22;
	[tilespmem:v35+s18+$0x0] =	vst.idx.msk $0xffff, v34  }
0x19a: {  	v29 =	vor.u32 v2, v28;
	v63 =	vand.u32 $0x7F8, v39;
	v62 =	vand.u32 $0xFF8, v31;
	v31 =	vld.idx.msk [tilespmem:v23+s20+$0x0], $0xffff  }
0x19b: {  	v39 =	vor.u32 v6, v22;
	v30 =	vor.u32 v24, v30;
	v23 =	vand.u32 $0x7, v27;
	v35 =	vld.idx.msk [tilespmem:v37+s20+$0x0], $0xffff  }
0x19c: {  	[tilespmem:v32+s18+$0x0] =	vst.idx.msk $0xffff, v36;
	v34 =	vor.u32 v7, v25;
	v36 =	vld.idx.msk [tilespmem:v38+s20+$0x0], $0xffff;
	v38 =	vor.u32 v23, v63  }
0x19d: {  	v25 =	vor.u32 v5, v28;
	v27 =	vor.u32 v24, v62;
	v32 =	vld.idx.msk [tilespmem:v40+s20+$0x0], $0xffff;
	v37 =	vor.u32 v2, v26  }
.LBB2_12:
0x19e: {  	s30 =	sadd.s32 $0x2, s30;
	v39 =	vand.u32 $0x17F8, v39;
	v28 =	vor.u32 v7, v28;
	v22 =	vor.u32 v8, v22;
	v40 =	vmovc v21;
	v41 =	vmovc v26  }
0x19f: {  	s0 =	sand.u32 $0xE, s30;
	p1 =	slt.u32 s30, $0x7E;
	v39 =	vor.u32 v24, v39;
	v21 =	vand.u32 $0x1FF8, v22  }
0x1a0: {  	v17 =	vor.u32 v8, v17;
	v42 =	vadd.s32 s0, v0;
	s0 =	sor.u32 $0x1, s0;
	v21 =	vor.u32 v24, v21;
	[tilespmem:v33+s18+$0x0] =	vst.idx.msk $0xffff, v31  }
0x1a1: {  	v22 =	vor.u32 v4, v19;
	v17 =	vand.u32 $0x1FF8, v17;
	v33 =	vadd.s32 s0, v0;
	[tilespmem:v38+s18+$0x0] =	vst.idx.msk $0xffff, v35;
	v31 =	vld.idx.msk [tilespmem:v34+s20+$0x0], $0xffff  }
0x1a2: {  	v22 =	vand.u32 $0xFF8, v22;
	s0 =	sand.u32 $0x70, s30;
	v35 =	vor.u32 v20, v17;
	v24 =	vand.u32 $0xF, v33;
	[tilespmem:v30+s18+$0x0] =	vst.idx.msk $0xffff, v36;
	v34 =	vld.idx.msk [tilespmem:v37+s20+$0x0], $0xffff  }
0x1a3: {  	v30 =	vand.u32 $0xF, v42;
	v37 =	vor.u32 v23, v22;
	v20 =	vor.u32 s0, v24;
	v36 =	vld.idx.msk [tilespmem:v29+s20+$0x0], $0xffff;
	[tilespmem:v18+s18+$0x0] =	vst.idx.msk $0xffff, v32  }
0x1a4: {  	v22 =	vor.u32 s0, v30;
	v32 =	vor.u32 v5, v41;
	v18 =	vmovc v39;
	v26 =	vshll.u32 v20, $0x6;
	v38 =	vld.idx.msk [tilespmem:v16+s20+$0x0], $0xffff;
	v16 =	vmovc v28  }
0x1a5: {  	v17 =	vmovc v19;
	v28 =	vshll.u32 v22, $0x6;
	v24 =	vor.u32 v1, v22;
	v19 =	vmovc v20;
	v39 =	vor.u32 v0, v26  }
0x1a6: {  	v43 =	vor.u32 v0, v28;
	v29 =	vand.u32 $0x7F8, v24;
	v24 =	vand.u32 $0x7, v42;
	v20 =	vmovc v23  }
0x1a7: {  	v30 =	vor.u32 v24, v29;
	v29 =	vor.u32 v2, v28;
	[tilespmem:v35+s18+$0x0] =	vst.idx.msk $0xffff, v31  }
.Ltmp9:
0x1a8: {  	v23 =	vor.u32 v4, v22;
	[tilespmem:v37+s18+$0x0] =	vst.idx.msk $0xffff, v34;
	v34 =	vor.u32 v6, v17;
	(pc) =	sbr.rel @p1 .LBB2_12-.Ltmp9, $4  }
0x1a9: {  	v37 =	vand.u32 $0xFF8, v23;
	v23 =	vor.u32 v1, v19;
	[tilespmem:v27+s18+$0x0] =	vst.idx.msk $0xffff, v36;
	v31 =	vld.idx.msk [tilespmem:v32+s20+$0x0], $0xffff;
	v27 =	vand.u32 $0x17F8, v34  }
0x1aa: {  	v32 =	vand.u32 $0x7F8, v23;
	v23 =	vand.u32 $0x7, v33;
	v35 =	vld.idx.msk [tilespmem:v39+s20+$0x0], $0xffff;
	v33 =	vor.u32 v20, v27;
	[tilespmem:v40+s18+$0x0] =	vst.idx.msk $0xffff, v38  }
0x1ab: {  	v34 =	vor.u32 v7, v41;
	v27 =	vor.u32 v24, v37;
	v38 =	vor.u32 v23, v32;
	v36 =	vld.idx.msk [tilespmem:v43+s20+$0x0], $0xffff  }
0x1ac: {  	v39 =	vor.u32 v6, v22;
	v37 =	vor.u32 v2, v26;
	v32 =	vld.idx.msk [tilespmem:v25+s20+$0x0], $0xffff;
	v25 =	vor.u32 v5, v28  }
0x1ad: {  	_ =	sdelay $0x2  }
0x1ae: {  	v40 =	vor.u32 v4, v19  }
0x1af: {  	v50 =	vand.u32 $0xFF8, v40;
	[tilespmem:v38+s18+$0x0] =	vst.idx.msk $0xffff, v35  }
0x1b0: {  	v35 =	vor.u32 v23, v50;
	[tilespmem:v30+s18+$0x0] =	vst.idx.msk $0xffff, v36;
	v51 =	vld.idx.msk [tilespmem:v37+s20+$0x0], $0xffff  }
0x1b1: {  	v52 =	vor.u32 v5, v26;
	v29 =	vld.idx.msk [tilespmem:v29+s20+$0x0], $0xffff;
	_ =	sdelay $0x2  }
0x1b2: {  	v53 =	vor.u32 v6, v19  }
0x1b3: {  	v54 =	vand.u32 $0x17F8, v53;
	[tilespmem:v35+s18+$0x0] =	vst.idx.msk $0xffff, v51  }
0x1b4: {  	v55 =	vand.u32 $0x17F8, v39;
	v57 =	vor.u32 v23, v54;
	[tilespmem:v27+s18+$0x0] =	vst.idx.msk $0xffff, v29;
	v56 =	vld.idx.msk [tilespmem:v52+s20+$0x0], $0xffff  }
0x1b5: {  	v59 =	vor.u32 v7, v26;
	v58 =	vor.u32 v24, v55;
	v25 =	vld.idx.msk [tilespmem:v25+s20+$0x0], $0xffff  }
0x1b6: {  	v28 =	vor.u32 v7, v28;
	v17 =	vor.u32 v8, v17  }
0x1b7: {  	[tilespmem:v33+s18+$0x0] =	vst.idx.msk $0xffff, v31;
	v17 =	vand.u32 $0x1FF8, v17  }
0x1b8: {  	v60 =	vor.u32 v8, v19;
	v31 =	vld.idx.msk [tilespmem:v34+s20+$0x0], $0xffff;
	v17 =	vor.u32 v20, v17;
	[tilespmem:v18+s18+$0x0] =	vst.idx.msk $0xffff, v32  }
0x1b9: {  	v61 =	vor.u32 v8, v22;
	v18 =	vand.u32 $0x1FF8, v60;
	v16 =	vld.idx.msk [tilespmem:v16+s20+$0x0], $0xffff;
	[tilespmem:v57+s18+$0x0] =	vst.idx.msk $0xffff, v56  }
0x1ba: {  	v19 =	vand.u32 $0x1FF8, v61;
	v18 =	vor.u32 v23, v18;
	v62 =	vld.idx.msk [tilespmem:v59+s20+$0x0], $0xffff;
	[tilespmem:v58+s18+$0x0] =	vst.idx.msk $0xffff, v25  }
0x1bb: {  	v19 =	vor.u32 v24, v19;
	v63 =	vld.idx.msk [tilespmem:v28+s20+$0x0], $0xffff;
	_ =	sdelay $0x1  }
0x1bc: {  	[tilespmem:v17+s18+$0x0] =	vst.idx.msk $0xffff, v31  }
0x1bd: {  	s0 =	sshll.u32 s16, $0xF;
	[tilespmem:v21+s18+$0x0] =	vst.idx.msk $0xffff, v16  }
0x1be: {  	s0 =	sor.u32 s6, s0;
	[tilespmem:v18+s18+$0x0] =	vst.idx.msk $0xffff, v62  }
0x1bf: {  	s1 =	sadd.s32 s2, s0;
	[tilespmem:v19+s18+$0x0] =	vst.idx.msk $0xffff, v63  }
0x1c0: {  	[hbm4b:s1+s3] =	stream.linear.scatter [tilespmem:s18], [sflag:$0x6], $0x400, $0x38;
	[tilespmem:$0x12600] =	vst v63  }
0x1c1: {  	s31 =	simm.s32 $0x10A00;
	s30 =	sadd.s32 s0, s7  }
0x1c2: {  	[hbm4b:s30+s3] =	stream.linear.scatter [tilespmem:s31], [sflag:$0x6], $0x400, $0x38;
	[tilespmem:$0x12600] =	vst v63  }
0x1c3: {  	s30 =	sadd.s32 s0, s8;
	s31 =	simm.s32 $0x10E00  }
0x1c4: {  	[hbm4b:s30+s3] =	stream.linear.scatter [tilespmem:s31], [sflag:$0x6], $0x400, $0x38;
	[tilespmem:$0x12600] =	vst v63  }
0x1c5: {  	s30 =	sadd.s32 s0, s9;
	s31 =	simm.s32 $0x11200  }
0x1c6: {  	[hbm4b:s30+s3] =	stream.linear.scatter [tilespmem:s31], [sflag:$0x6], $0x400, $0x38;
	[tilespmem:$0x12600] =	vst v63  }
0x1c7: {  	s30 =	sadd.s32 s0, s10;
	s31 =	simm.s32 $0x11600  }
0x1c8: {  	[hbm4b:s30+s3] =	stream.linear.scatter [tilespmem:s31], [sflag:$0x6], $0x400, $0x38;
	[tilespmem:$0x12600] =	vst v63  }
0x1c9: {  	s30 =	sadd.s32 s0, s11;
	s31 =	simm.s32 $0x11A00  }
0x1ca: {  	[hbm4b:s30+s3] =	stream.linear.scatter [tilespmem:s31], [sflag:$0x6], $0x400, $0x38;
	[tilespmem:$0x12600] =	vst v63  }
.Ltmp10:
0x1cb: {  	_ = 	snop;
	(pc) =	sbr.rel @p0 .LBB2_17-.Ltmp10, $4  }
0x1cc: {  	s16 =	sadd.s32 s0, s12;
	s30 =	simm.s32 $0x11E00  }
0x1cd: {  	[hbm4b:s16+s3] =	stream.linear.scatter [tilespmem:s30], [sflag:$0x6], $0x400, $0x38;
	[tilespmem:$0x12600] =	vst v63  }
0x1ce: {  	s0 =	sadd.s32 s0, s13;
	s31 =	simm.s32 $0x12200  }
0x1cf: {  	[hbm4b:s0+s3] =	stream.linear.scatter [tilespmem:s31], [sflag:$0x6], $0x400, $0x38;
	[tilespmem:$0x12600] =	vst v63  }
.LBB2_14:
0x1d0: {  	s0 =	sor.u32 $0x3, s25  }
0x1d1: {  	v16 =	vadd.s32 s0, v3;
	_ =	sdelay $0x4  }
0x1d2: {  	v16 =	vld.idx.msk [tilespmem:v16+s3+$0x0], $0xffff  }
0x1d3: {  	v17 =	vadd.s32 s0, v9;
	_ =	sdelay $0x3  }
0x1d4: {  	[tilespmem:$0x6580] =	vst v16  }
0x1d5: {  	v16 =	vld.idx.msk [tilespmem:v17+s3+$0x0], $0xffff  }
0x1d6: {  	v17 =	vadd.s32 s0, v10;
	_ =	sdelay $0x3  }
0x1d7: {  	[tilespmem:$0x6590] =	vst v16  }
0x1d8: {  	v16 =	vld.idx.msk [tilespmem:v17+s3+$0x0], $0xffff  }
0x1d9: {  	v17 =	vadd.s32 s0, v11;
	_ =	sdelay $0x3  }
0x1da: {  	[tilespmem:$0x65A0] =	vst v16  }
0x1db: {  	v16 =	vld.idx.msk [tilespmem:v17+s3+$0x0], $0xffff  }
0x1dc: {  	v17 =	vadd.s32 s0, v12;
	_ =	sdelay $0x3  }
0x1dd: {  	[tilespmem:$0x65B0] =	vst v16  }
0x1de: {  	v16 =	vld.idx.msk [tilespmem:v17+s3+$0x0], $0xffff  }
0x1df: {  	v17 =	vadd.s32 s0, v13;
	_ =	sdelay $0x3  }
0x1e0: {  	[tilespmem:$0x65C0] =	vst v16  }
0x1e1: {  	v16 =	vld.idx.msk [tilespmem:v17+s3+$0x0], $0xffff  }
0x1e2: {  	v17 =	vadd.s32 s0, v14;
	_ =	sdelay $0x3  }
0x1e3: {  	[tilespmem:$0x65D0] =	vst v16  }
0x1e4: {  	v16 =	vld.idx.msk [tilespmem:v17+s3+$0x0], $0xffff  }
0x1e5: {  	v17 =	vadd.s32 s0, v15;
	_ =	sdelay $0x3  }
0x1e6: {  	[tilespmem:$0x65E0] =	vst v16  }
0x1e7: {  	v16 =	vld.idx.msk [tilespmem:v17+s3+$0x0], $0xffff;
	_ =	sdelay $0x4  }
0x1e8: {  	s25 =	simm.s32 $0x6580;
	[tilespmem:$0x65F0] =	vst v16  }
0x1e9: {  	[tilespmem:s20], [sflag:$0x4] =	stream.indirect.gather [hbm4b:s4+s21], $0x40, s25, s21, $0xb8;
	[tilespmem:$0x12600] =	vst v63  }
0x1ea: {  	_ =	swait.ge [sflag:s22], $0x2000  }
0x1eb: {  	p0 =	seq.s32 s24, $0x0;
	[sflag:s22] =	ssyncset.done $0x0  }
0x1ec: {  	s0 =	simm.s32 @!p0 $0x5;
	[sflag:s22] =	ssyncadd.s32 $0xFFFFE000  }
0x1ed: {  	_ =	swait.ge @!p0 [sflag:s0], $0x400  }
0x1ee: {  	[sflag:s0] =	ssyncset.done @!p0 $0x0  }
0x1ef: {  	[sflag:s0] =	ssyncadd.s32 @!p0 $0xFFFFFC00  }
0x1f0: {  	_ =	swait.ge @!p0 [sflag:s0], $0x400  }
0x1f1: {  	[sflag:s0] =	ssyncset.done @!p0 $0x0  }
0x1f2: {  	[sflag:s0] =	ssyncadd.s32 @!p0 $0xFFFFFC00  }
0x1f3: {  	_ =	swait.ge @!p0 [sflag:s0], $0x400  }
0x1f4: {  	[sflag:s0] =	ssyncset.done @!p0 $0x0  }
0x1f5: {  	[sflag:s0] =	ssyncadd.s32 @!p0 $0xFFFFFC00  }
0x1f6: {  	_ =	swait.ge @!p0 [sflag:s0], $0x400  }
0x1f7: {  	[sflag:s0] =	ssyncset.done @!p0 $0x0  }
0x1f8: {  	[sflag:s0] =	ssyncadd.s32 @!p0 $0xFFFFFC00  }
0x1f9: {  	s1 =	simm.s32 $0x0;
	_ =	swait.ge @!p0 [sflag:s0], $0x400  }
0x1fa: {  	s16 =	sand.u32 $0xE, s1;
	[sflag:s0] =	ssyncset.done @!p0 $0x0  }
0x1fb: {  	s30 =	sor.u32 $0x1, s16;
	[sflag:s0] =	ssyncadd.s32 @!p0 $0xFFFFFC00  }
0x1fc: {  	v16 =	vadd.s32 s30, v0;
	_ =	swait.ge @!p0 [sflag:s0], $0x400  }
0x1fd: {  	s1 =	sand.u32 $0x70, s1;
	v17 =	vand.u32 $0xF, v16;
	[sflag:s0] =	ssyncset.done @!p0 $0x0  }
0x1fe: {  	v18 =	vadd.s32 s16, v0;
	v17 =	vor.u32 s1, v17;
	[sflag:s0] =	ssyncadd.s32 @!p0 $0xFFFFFC00  }
0x1ff: {  	v19 =	vand.u32 $0xF, v18;
	v25 =	vshll.u32 v17, $0x6;
	_ =	swait.ge @!p0 [sflag:s0], $0x400  }
0x200: {  	v19 =	vor.u32 s1, v19;
	v21 =	vor.u32 v0, v25;
	[sflag:s0] =	ssyncset.done @!p0 $0x0  }
0x201: {  	v22 =	vshll.u32 v19, $0x6;
	[sflag:s0] =	ssyncadd.s32 @!p0 $0xFFFFFC00  }
0x202: {  	s16 =	simm.s32 $0x2;
	v20 =	vor.u32 v1, v19;
	v23 =	vor.u32 v0, v22;
	_ =	swait.ge @!p0 [sflag:s0], $0x400  }
0x203: {  	s31 =	sand.u32 $0xE, s16;
	v29 =	vand.u32 $0x7, v18;
	v24 =	vand.u32 $0x7F8, v20;
	v20 =	vor.u32 v1, v17;
	[sflag:s0] =	ssyncset.done @!p0 $0x0  }
0x204: {  	v33 =	vadd.s32 s31, v0;
	v18 =	vand.u32 $0x7F8, v20;
	v20 =	vand.u32 $0x7, v16;
	[sflag:s0] =	ssyncadd.s32 @!p0 $0xFFFFFC00  }
0x205: {  	v28 =	vor.u32 v2, v22;
	v40 =	vor.u32 v5, v22;
	v26 =	vor.u32 v20, v18;
	v21 =	vld.idx.msk [tilespmem:v21+s23+$0x0], $0xffff  }
0x206: {  	v24 =	vor.u32 v29, v24;
	s30 =	sor.u32 $0x1, s31;
	v16 =	vor.u32 v4, v19;
	v30 =	vor.u32 v2, v25  }
0x207: {  	v27 =	vadd.s32 s30, v0;
	v61 =	vor.u32 v6, v17;
	v16 =	vand.u32 $0xFF8, v16;
	v23 =	vld.idx.msk [tilespmem:v23+s23+$0x0], $0xffff  }
0x208: {  	v32 =	vor.u32 v29, v16;
	v16 =	vor.u32 v6, v19;
	v19 =	vor.u32 v8, v19  }
0x209: {  	v18 =	vand.u32 $0x17F8, v16;
	v31 =	vand.u32 $0x1FF8, v19;
	v19 =	vor.u32 v4, v17  }
0x20a: {  	s31 =	sand.u32 $0x70, s16;
	v16 =	vor.u32 v7, v22;
	v22 =	vand.u32 $0xFF8, v19;
	[tilespmem:v26+s29+$0x0] =	vst.idx.msk $0xffff, v21;
	v21 =	vand.u32 $0xF, v27  }
0x20b: {  	v35 =	vor.u32 v20, v22;
	v26 =	vand.u32 $0xF, v33;
	v34 =	vld.idx.msk [tilespmem:v30+s23+$0x0], $0xffff;
	v19 =	vor.u32 s31, v21  }
0x20c: {  	[tilespmem:v24+s29+$0x0] =	vst.idx.msk $0xffff, v23;
	v23 =	vor.u32 v5, v25;
	v22 =	vor.u32 s31, v26;
	v26 =	vshll.u32 v19, $0x6  }
0x20d: {  	v18 =	vor.u32 v29, v18;
	v36 =	vld.idx.msk [tilespmem:v28+s23+$0x0], $0xffff;
	v28 =	vshll.u32 v22, $0x6;
	v37 =	vor.u32 v0, v26  }
0x20e: {  	v24 =	vand.u32 $0x7, v33;
	v33 =	vand.u32 $0x17F8, v61;
	v38 =	vor.u32 v0, v28  }
0x20f: {  	v33 =	vor.u32 v20, v33;
	v21 =	vor.u32 v1, v22;
	v39 =	vor.u32 v1, v19  }
0x210: {  	v30 =	vand.u32 $0x7F8, v21;
	v21 =	vor.u32 v29, v31;
	v31 =	vor.u32 v4, v22;
	[tilespmem:v35+s29+$0x0] =	vst.idx.msk $0xffff, v34  }
0x211: {  	v29 =	vor.u32 v2, v28;
	v63 =	vand.u32 $0x7F8, v39;
	v62 =	vand.u32 $0xFF8, v31;
	v31 =	vld.idx.msk [tilespmem:v23+s23+$0x0], $0xffff  }
0x212: {  	v39 =	vor.u32 v6, v22;
	v30 =	vor.u32 v24, v30;
	v23 =	vand.u32 $0x7, v27;
	v35 =	vld.idx.msk [tilespmem:v37+s23+$0x0], $0xffff  }
0x213: {  	[tilespmem:v32+s29+$0x0] =	vst.idx.msk $0xffff, v36;
	v34 =	vor.u32 v7, v25;
	v36 =	vld.idx.msk [tilespmem:v38+s23+$0x0], $0xffff;
	v38 =	vor.u32 v23, v63  }
0x214: {  	v25 =	vor.u32 v5, v28;
	v27 =	vor.u32 v24, v62;
	v32 =	vld.idx.msk [tilespmem:v40+s23+$0x0], $0xffff;
	v37 =	vor.u32 v2, v26  }
.LBB2_15:
0x215: {  	s16 =	sadd.s32 $0x2, s16;
	v39 =	vand.u32 $0x17F8, v39;
	v28 =	vor.u32 v7, v28;
	v22 =	vor.u32 v8, v22;
	v40 =	vmovc v21;
	v41 =	vmovc v26  }
0x216: {  	s0 =	sand.u32 $0xE, s16;
	p0 =	slt.u32 s16, $0x7E;
	v39 =	vor.u32 v24, v39;
	v21 =	vand.u32 $0x1FF8, v22  }
0x217: {  	v17 =	vor.u32 v8, v17;
	v42 =	vadd.s32 s0, v0;
	s0 =	sor.u32 $0x1, s0;
	v21 =	vor.u32 v24, v21;
	[tilespmem:v33+s29+$0x0] =	vst.idx.msk $0xffff, v31  }
0x218: {  	v22 =	vor.u32 v4, v19;
	v17 =	vand.u32 $0x1FF8, v17;
	v33 =	vadd.s32 s0, v0;
	[tilespmem:v38+s29+$0x0] =	vst.idx.msk $0xffff, v35;
	v31 =	vld.idx.msk [tilespmem:v34+s23+$0x0], $0xffff  }
0x219: {  	v22 =	vand.u32 $0xFF8, v22;
	s0 =	sand.u32 $0x70, s16;
	v35 =	vor.u32 v20, v17;
	v24 =	vand.u32 $0xF, v33;
	[tilespmem:v30+s29+$0x0] =	vst.idx.msk $0xffff, v36;
	v34 =	vld.idx.msk [tilespmem:v37+s23+$0x0], $0xffff  }
0x21a: {  	v30 =	vand.u32 $0xF, v42;
	v37 =	vor.u32 v23, v22;
	v20 =	vor.u32 s0, v24;
	v36 =	vld.idx.msk [tilespmem:v29+s23+$0x0], $0xffff;
	[tilespmem:v18+s29+$0x0] =	vst.idx.msk $0xffff, v32  }
0x21b: {  	v22 =	vor.u32 s0, v30;
	v32 =	vor.u32 v5, v41;
	v18 =	vmovc v39;
	v26 =	vshll.u32 v20, $0x6;
	v38 =	vld.idx.msk [tilespmem:v16+s23+$0x0], $0xffff;
	v16 =	vmovc v28  }
0x21c: {  	v17 =	vmovc v19;
	v28 =	vshll.u32 v22, $0x6;
	v24 =	vor.u32 v1, v22;
	v19 =	vmovc v20;
	v39 =	vor.u32 v0, v26  }
0x21d: {  	v43 =	vor.u32 v0, v28;
	v29 =	vand.u32 $0x7F8, v24;
	v24 =	vand.u32 $0x7, v42;
	v20 =	vmovc v23  }
0x21e: {  	v30 =	vor.u32 v24, v29;
	v29 =	vor.u32 v2, v28;
	[tilespmem:v35+s29+$0x0] =	vst.idx.msk $0xffff, v31  }
.Ltmp11:
0x21f: {  	v23 =	vor.u32 v4, v22;
	[tilespmem:v37+s29+$0x0] =	vst.idx.msk $0xffff, v34;
	v34 =	vor.u32 v6, v17;
	(pc) =	sbr.rel @p0 .LBB2_15-.Ltmp11, $4  }
0x220: {  	v37 =	vand.u32 $0xFF8, v23;
	v23 =	vor.u32 v1, v19;
	[tilespmem:v27+s29+$0x0] =	vst.idx.msk $0xffff, v36;
	v31 =	vld.idx.msk [tilespmem:v32+s23+$0x0], $0xffff;
	v27 =	vand.u32 $0x17F8, v34  }
0x221: {  	v32 =	vand.u32 $0x7F8, v23;
	v23 =	vand.u32 $0x7, v33;
	v35 =	vld.idx.msk [tilespmem:v39+s23+$0x0], $0xffff;
	v33 =	vor.u32 v20, v27;
	[tilespmem:v40+s29+$0x0] =	vst.idx.msk $0xffff, v38  }
0x222: {  	v34 =	vor.u32 v7, v41;
	v27 =	vor.u32 v24, v37;
	v38 =	vor.u32 v23, v32;
	v36 =	vld.idx.msk [tilespmem:v43+s23+$0x0], $0xffff  }
0x223: {  	v39 =	vor.u32 v6, v22;
	v37 =	vor.u32 v2, v26;
	v32 =	vld.idx.msk [tilespmem:v25+s23+$0x0], $0xffff;
	v25 =	vor.u32 v5, v28  }
0x224: {  	_ =	sdelay $0x2  }
0x225: {  	v40 =	vor.u32 v4, v19  }
0x226: {  	v50 =	vand.u32 $0xFF8, v40;
	[tilespmem:v38+s29+$0x0] =	vst.idx.msk $0xffff, v35  }
0x227: {  	v35 =	vor.u32 v23, v50;
	[tilespmem:v30+s29+$0x0] =	vst.idx.msk $0xffff, v36;
	v51 =	vld.idx.msk [tilespmem:v37+s23+$0x0], $0xffff  }
0x228: {  	v52 =	vor.u32 v5, v26;
	v29 =	vld.idx.msk [tilespmem:v29+s23+$0x0], $0xffff;
	_ =	sdelay $0x2  }
0x229: {  	v53 =	vor.u32 v6, v19  }
0x22a: {  	v54 =	vand.u32 $0x17F8, v53;
	[tilespmem:v35+s29+$0x0] =	vst.idx.msk $0xffff, v51  }
0x22b: {  	v55 =	vand.u32 $0x17F8, v39;
	v57 =	vor.u32 v23, v54;
	[tilespmem:v27+s29+$0x0] =	vst.idx.msk $0xffff, v29;
	v56 =	vld.idx.msk [tilespmem:v52+s23+$0x0], $0xffff  }
0x22c: {  	v59 =	vor.u32 v7, v26;
	v58 =	vor.u32 v24, v55;
	v25 =	vld.idx.msk [tilespmem:v25+s23+$0x0], $0xffff  }
0x22d: {  	v28 =	vor.u32 v7, v28;
	v17 =	vor.u32 v8, v17  }
0x22e: {  	[tilespmem:v33+s29+$0x0] =	vst.idx.msk $0xffff, v31;
	v17 =	vand.u32 $0x1FF8, v17  }
0x22f: {  	v60 =	vor.u32 v8, v19;
	v31 =	vld.idx.msk [tilespmem:v34+s23+$0x0], $0xffff;
	v17 =	vor.u32 v20, v17;
	[tilespmem:v18+s29+$0x0] =	vst.idx.msk $0xffff, v32  }
0x230: {  	v61 =	vor.u32 v8, v22;
	v18 =	vand.u32 $0x1FF8, v60;
	v16 =	vld.idx.msk [tilespmem:v16+s23+$0x0], $0xffff;
	[tilespmem:v57+s29+$0x0] =	vst.idx.msk $0xffff, v56  }
0x231: {  	v19 =	vand.u32 $0x1FF8, v61;
	v18 =	vor.u32 v23, v18;
	v62 =	vld.idx.msk [tilespmem:v59+s23+$0x0], $0xffff;
	[tilespmem:v58+s29+$0x0] =	vst.idx.msk $0xffff, v25  }
0x232: {  	v19 =	vor.u32 v24, v19;
	v63 =	vld.idx.msk [tilespmem:v28+s23+$0x0], $0xffff;
	_ =	sdelay $0x1  }
0x233: {  	[tilespmem:v17+s29+$0x0] =	vst.idx.msk $0xffff, v31  }
0x234: {  	s0 =	sshll.u32 s24, $0x11;
	[tilespmem:v21+s29+$0x0] =	vst.idx.msk $0xffff, v16  }
0x235: {  	s0 =	sor.u32 s6, s0;
	[tilespmem:v18+s29+$0x0] =	vst.idx.msk $0xffff, v62  }
0x236: {  	s1 =	sadd.s32 s2, s0;
	[tilespmem:v19+s29+$0x0] =	vst.idx.msk $0xffff, v63  }
0x237: {  	[hbm4b:s1+s3] =	stream.linear.scatter [tilespmem:s29], [sflag:$0x5], $0x400, $0x38;
	[tilespmem:$0x12600] =	vst v63  }
0x238: {  	s16 =	simm.s32 $0xEA00;
	s31 =	sadd.s32 s0, s7  }
0x239: {  	[hbm4b:s31+s3] =	stream.linear.scatter [tilespmem:s16], [sflag:$0x5], $0x400, $0x38;
	[tilespmem:$0x12600] =	vst v63  }
0x23a: {  	s25 =	simm.s32 $0xEE00;
	s16 =	sadd.s32 s0, s8  }
0x23b: {  	[hbm4b:s16+s3] =	stream.linear.scatter [tilespmem:s25], [sflag:$0x5], $0x400, $0x38;
	[tilespmem:$0x12600] =	vst v63  }
0x23c: {  	s30 =	sadd.s32 s0, s9;
	s31 =	simm.s32 $0xF200  }
0x23d: {  	[hbm4b:s30+s3] =	stream.linear.scatter [tilespmem:s31], [sflag:$0x5], $0x400, $0x38;
	[tilespmem:$0x12600] =	vst v63  }
0x23e: {  	s16 =	sadd.s32 s0, s10;
	s25 =	simm.s32 $0xF600  }
0x23f: {  	[hbm4b:s16+s3] =	stream.linear.scatter [tilespmem:s25], [sflag:$0x5], $0x400, $0x38;
	[tilespmem:$0x12600] =	vst v63  }
0x240: {  	s30 =	sadd.s32 s0, s11  }
0x241: {  	[hbm4b:s30+s3] =	stream.linear.scatter [tilespmem:s5], [sflag:$0x5], $0x400, $0x38;
	[tilespmem:$0x12600] =	vst v63  }
.Ltmp12:
0x242: {  	_ = 	snop;
	(pc) =	sbr.rel .LBB2_2-.Ltmp12, $4  }
0x243: {  	s31 =	sadd.s32 s0, s12  }
0x244: {  	[hbm4b:s31+s3] =	stream.linear.scatter [tilespmem:s14], [sflag:$0x5], $0x400, $0x38;
	[tilespmem:$0x12600] =	vst v63  }
0x245: {  	s24 =	sadd.s32 $0x1, s24;
	s0 =	sadd.s32 s0, s13  }
0x246: {  	[hbm4b:s0+s3] =	stream.linear.scatter [tilespmem:s15], [sflag:$0x5], $0x400, $0x38;
	[tilespmem:$0x12600] =	vst v63  }
.LBB2_18:
0x247: {  	_ =	sfence.sel $0x180000  }
0x248: {  	[bflag:$0x0] =	sbarrier.arrive $0xFFFF  }
0x249: {  	_ =	strace $0x9000004A  }
0x24a: {  	s0 =	stileid.u32;
	[bflag:$0x2] =	sbarrier.arrive $0xFFFF  }
0x24b: {  	p0 =	sne.s32 s0, $0x0;
	s0 =	rddreg [dreg:$0x2]  }
0x24c: {  	s0 =	sadd.s32 @!p0 $0x100000, s0  }
0x24d: {  	[sflag:s0] =	ssyncadd.tile.s32 @!p0 $0x1;
	_ =	shalt  }
.Lfunc_end2:
_tile_overlayer_lowered:
.L_overlay_start_2:
0x24e: {  	(tag) =	ssettag $0x2  }
0x24f: {  	s0 =	rddreg [dreg:$0x0];
	s2 =	stileid.u32  }
0x250: {  	s1 =	rddreg [dreg:$0x1];
	p0 =	sne.s32 s2, $0x0  }
0x251: {  	s3 =	rddreg [dreg:$0x2];
	[bflag:$0x3] =	sbarrier.arrive $0xFFFF;
	s2 =	simm.s32 @!p0 $0x1C07  }
0x252: {  	[timem:s3], [sflag:s2] =	dma.local @!p0 [hbm:s0], s1  }
0x253: {  	s0 =	simm.s32 @!p0 $0x7  }
0x254: {  	_ =	swait.ge @!p0 [sflag:s0], s1  }
0x255: {  	s1 =	ssub.s32 @!p0 $0x0, s1;
	[sflag:s0] =	ssyncset.done @!p0 $0x0  }
0x256: {  	[sflag:s0] =	ssyncadd.s32 @!p0 s1  }
0x257: {  	[bflag:$0x3] =	sbarrier.arrive $0xFFFF  }
0x258: {  	_ =	shalt  }

</sc_bundles>
